<compile_context>
chip_gen: v7x
topology: tpu7x:2x2x1
jax: 0.10.2.dev20260603
libtpu: 0.0.44.dev20260713+nightly
codegen_flags: <defaults>
</compile_context>

<pallas_src>
import functools

import jax
import jax.numpy as jnp
from jax import lax
from jax.experimental import pallas as pl
from jax.experimental.pallas import tpu as pltpu
from jax.experimental.pallas import tpu_sc as plsc


def _build_ver(put_idx, max_size):
    info = plsc.get_sparse_core_info()
    nc, ns, lanes = info.num_cores, info.num_subcores, info.num_lanes
    nw = nc * ns
    n_put = put_idx.shape[0]
    vpt = 1 << max(-(-max_size // nw) - 1, 1).bit_length()
    ver_total = vpt * nw
    chunk = 16384
    nchunk = n_put // chunk
    unroll = 4
    assert n_put % chunk == 0 and chunk % (lanes * unroll) == 0

    mesh = plsc.VectorSubcoreMesh(core_axis_name="c", subcore_axis_name="s")

    @functools.partial(
        pl.kernel,
        mesh=mesh,
        out_type=jax.ShapeDtypeStruct((ver_total,), jnp.int32),
        scratch_types=[
            pltpu.VMEM((chunk,), jnp.int32),
            pltpu.VMEM((chunk,), jnp.int32),
            pltpu.VMEM((vpt,), jnp.int32),
            pltpu.SemaphoreType.DMA,
            pltpu.SemaphoreType.DMA,
        ],
        compiler_params=pltpu.CompilerParams(needs_layout_passes=False),
    )
    def ka(put_hbm, ver_hbm, ch0, ch1, verv, sem0, sem1):
        wid = lax.axis_index("s") * nc + lax.axis_index("c")
        lo = wid * vpt
        zero16 = jnp.zeros((lanes,), jnp.int32)
        iota1 = jnp.arange(lanes, dtype=jnp.int32) + 1

        bufs = (ch0, ch1)
        sems = (sem0, sem1)
        copies = [None, None]
        copies[0] = pltpu.async_copy(put_hbm.at[pl.ds(0, chunk)], ch0, sem0)

        def zbody(i, _):
            zb = i * (lanes * 8)
            for u in range(8):
                verv[pl.ds(zb + u * lanes, lanes)] = zero16
            return 0

        lax.fori_loop(0, vpt // (lanes * 8), zbody, 0)

        for c in range(nchunk):
            if c + 1 < nchunk:
                copies[(c + 1) % 2] = pltpu.async_copy(
                    put_hbm.at[pl.ds((c + 1) * chunk, chunk)],
                    bufs[(c + 1) % 2], sems[(c + 1) % 2])
            copies[c % 2].wait()
            ch = bufs[c % 2]

            def vbody(k, _, _c=c, _ch=ch):
                vb = k * (lanes * unroll)
                for u in range(unroll):
                    off = vb + u * lanes
                    idx = _ch[pl.ds(off, lanes)]
                    loc = idx - lo
                    m = loc.astype(jnp.uint32) < jnp.uint32(vpt)
                    locc = loc & (vpt - 1)
                    jv = iota1 + (_c * chunk + off)
                    plsc.store_scatter(verv, [locc], jv, mask=m)
                return 0

            lax.fori_loop(0, chunk // (lanes * unroll), vbody, 0)

        pltpu.sync_copy(verv, ver_hbm.at[pl.ds(lo, vpt)])

    return ka(put_idx)


def _repack(mem):
    n = mem.shape[0]
    mem3d = mem.reshape(n // 16, 16, 8)
    blk = 1000
    grid = (n // 16) // blk
    assert blk * grid * 16 == n

    def body(in_ref, out_ref):
        for q in range(16):
            out_ref[:, q * 8:(q + 1) * 8] = in_ref[:, q, :]

    return pl.pallas_call(
        body,
        grid=(grid,),
        in_specs=[pl.BlockSpec((blk, 16, 8), lambda i: (i, 0, 0))],
        out_specs=pl.BlockSpec((blk, 128), lambda i: (i, 0)),
        out_shape=jax.ShapeDtypeStruct((n // 16, 128), jnp.float32),
    )(mem3d)


def _gather_mem_cols(mem128, sample_idx):
    info = plsc.get_sparse_core_info()
    nc, ns, lanes = info.num_cores, info.num_subcores, info.num_lanes
    nw = nc * ns
    n_sample = sample_idx.shape[0]
    spt = n_sample // nw
    chunk = 256
    nchunk = spt // chunk
    assert spt % chunk == 0 and chunk % lanes == 0

    mesh = plsc.VectorSubcoreMesh(core_axis_name="c", subcore_axis_name="s")

    @functools.partial(
        pl.kernel,
        mesh=mesh,
        out_type=tuple(
            jax.ShapeDtypeStruct((n_sample,), jnp.float32) for _ in range(8)),
        scratch_types=[
            pltpu.VMEM((spt,), jnp.int32),
            pltpu.VMEM((spt,), jnp.int32),
            pltpu.VMEM((chunk, 128), jnp.float32),
            pltpu.VMEM((chunk, 128), jnp.float32),
            pltpu.VMEM((8, spt), jnp.float32),
            pltpu.SemaphoreType.DMA,
            pltpu.SemaphoreType.DMA,
        ],
        compiler_params=pltpu.CompilerParams(needs_layout_passes=False),
    )
    def km(mem_hbm, sidx_hbm, o0, o1, o2, o3, o4, o5, o6, o7,
           sidxv, sg, bb0, bb1, colsv, sem0, sem1):
        wid = lax.axis_index("s") * nc + lax.axis_index("c")
        base = wid * spt
        outs = (o0, o1, o2, o3, o4, o5, o6, o7)
        pltpu.sync_copy(sidx_hbm.at[pl.ds(base, spt)], sidxv)

        def gbody(k, _):
            s = sidxv[pl.ds(k * lanes, lanes)]
            sg[pl.ds(k * lanes, lanes)] = s >> 4
            return 0

        lax.fori_loop(0, spt // lanes, gbody, 0)

        iota = jnp.arange(lanes, dtype=jnp.int32)
        bufs = (bb0, bb1)
        sems = (sem0, sem1)
        copies = [None, None]
        copies[0] = pltpu.async_copy(
            mem_hbm.at[sg.at[pl.ds(0, chunk)]], bb0, sem0)
        for c in range(nchunk):
            if c + 1 < nchunk:
                copies[(c + 1) % 2] = pltpu.async_copy(
                    mem_hbm.at[sg.at[pl.ds((c + 1) * chunk, chunk)]],
                    bufs[(c + 1) % 2], sems[(c + 1) % 2])
            copies[c % 2].wait()
            bb = bufs[c % 2]

            def ebody(k, _, _c=c, _bb=bb):
                off = _c * chunk + k * lanes
                sv = sidxv[pl.ds(off, lanes)]
                sub = (sv & 15) * 8
                rvec = iota + k * lanes
                for co in range(8):
                    val = plsc.load_gather(_bb, [rvec, sub + co])
                    colsv[co, pl.ds(off, lanes)] = val
                return 0

            lax.fori_loop(0, chunk // lanes, ebody, 0)

        for co in range(8):
            pltpu.sync_copy(colsv.at[co], outs[co].at[pl.ds(base, spt)])

    return km(mem128, sample_idx)


def _sample(mem_cols, put_val, sample_idx, ver2d):
    info = plsc.get_sparse_core_info()
    nc, ns, lanes = info.num_cores, info.num_subcores, info.num_lanes
    nw = nc * ns
    n_sample = sample_idx.shape[0]
    spt = n_sample // nw
    assert spt % lanes == 0

    mesh = plsc.VectorSubcoreMesh(core_axis_name="c", subcore_axis_name="s")

    @functools.partial(
        pl.kernel,
        mesh=mesh,
        out_type=tuple(
            jax.ShapeDtypeStruct((n_sample,), jnp.float32) for _ in range(8)),
        scratch_types=[
            pltpu.VMEM((spt,), jnp.int32),
            pltpu.VMEM((spt,), jnp.int32),
            pltpu.VMEM((spt, 8), jnp.int32),
            pltpu.VMEM((spt,), jnp.int32),
            pltpu.VMEM((spt,), jnp.int32),
            pltpu.VMEM((8, spt), jnp.float32),
            pltpu.VMEM((spt, 8), jnp.float32),
            pltpu.VMEM((8, spt), jnp.float32),
            pltpu.SemaphoreType.DMA,
            pltpu.SemaphoreType.DMA,
        ],
        compiler_params=pltpu.CompilerParams(
            needs_layout_passes=False, use_tc_tiling_on_sc=False),
    )
    def kb(m0, m1, m2, m3, m4, m5, m6, m7, pval_hbm, sidx_hbm, ver_hbm,
           o0, o1, o2, o3, o4, o5, o6, o7,
           sidxv, sg, vrows, vv, pv, mcolv, pvalv, selv, sem1, sem2):
        wid = lax.axis_index("s") * nc + lax.axis_index("c")
        base = wid * spt
        outs = (o0, o1, o2, o3, o4, o5, o6, o7)
        mins = (m0, m1, m2, m3, m4, m5, m6, m7)
        pltpu.sync_copy(sidx_hbm.at[pl.ds(base, spt)], sidxv)
        for co in range(8):
            pltpu.sync_copy(mins[co].at[pl.ds(base, spt)], mcolv.at[co])

        def gbody(k, _):
            s = sidxv[pl.ds(k * lanes, lanes)]
            sg[pl.ds(k * lanes, lanes)] = s >> 3
            return 0

        lax.fori_loop(0, spt // lanes, gbody, 0)
        cp_ver = pltpu.async_copy(ver_hbm.at[sg], vrows, sem2)
        cp_ver.wait()

        iota = jnp.arange(lanes, dtype=jnp.int32)

        def pbody(k, _):
            s = sidxv[pl.ds(k * lanes, lanes)]
            rvec = iota + k * lanes
            v = plsc.load_gather(vrows, [rvec, s & 7])
            vv[pl.ds(k * lanes, lanes)] = v
            pv[pl.ds(k * lanes, lanes)] = jnp.where(v > 0, v - 1, base + rvec)
            return 0

        lax.fori_loop(0, spt // lanes, pbody, 0)
        cp_pval = pltpu.async_copy(pval_hbm.at[pv], pvalv, sem2)
        cp_pval.wait()

        def sbody(k, _):
            vvv = vv[pl.ds(k * lanes, lanes)]
            m = vvv > 0
            rvec = iota + k * lanes
            for co in range(8):
                cosplat = jnp.full((lanes,), co, jnp.int32)
                mval = mcolv[co, pl.ds(k * lanes, lanes)]
                pval = plsc.load_gather(pvalv, [rvec, cosplat])
                sel = jnp.where(m, pval, mval)
                selv[co, pl.ds(k * lanes, lanes)] = sel
            return 0

        lax.fori_loop(0, spt // lanes, sbody, 0)

        for co in range(8):
            pltpu.sync_copy(selv.at[co], outs[co].at[pl.ds(base, spt)])

    return kb(*mem_cols, put_val, sample_idx, ver2d)


def kernel(mem, put_idx, put_val, sample_idx):
    put_idx = put_idx.astype(jnp.int32)
    sample_idx = sample_idx.astype(jnp.int32)
    ver = _build_ver(put_idx, mem.shape[0])
    ver2d = ver.reshape(-1, 8)
    mem128 = _repack(mem)
    mem_cols = _gather_mem_cols(mem128, sample_idx)
    cols = _sample(mem_cols, put_val, sample_idx, ver2d)
    state = jnp.stack(cols[0:3], axis=1)
    action = cols[3].reshape(-1, 1)
    reward = cols[4].reshape(-1, 1)
    next_state = jnp.stack(cols[5:8], axis=1)
    return (state, action, reward, next_state)

# --- scband reference (transcript-rebuilt; emitter-appended) ---
"""Pipeline reference for scband-replay-buffer-32925219291349 (READ-ONLY COPY).

The authoritative reference and input builder live on the scoring server;
editing this copy changes nothing except your own understanding.
"""

import jax, jax.numpy as jnp
import numpy as np

MAX_SIZE = 2000000
N_PUT = 65536
N_SAMPLE = 65536
ROW = 8  # 3 + 1 + 1 + 3


def setup_inputs(seed: int = 0) -> dict:
    key = jax.random.key(seed)
    k1, k2, k3, k4 = jax.random.split(key, 4)
    mem = jax.random.normal(k1, (MAX_SIZE, ROW), dtype=jnp.float32)
    put_idx = jax.random.randint(k2, (N_PUT,), 0, MAX_SIZE, dtype=jnp.int64) if jax.config.jax_enable_x64 else jax.random.randint(k2, (N_PUT,), 0, MAX_SIZE, dtype=jnp.int32)
    put_val = jax.random.normal(k3, (N_PUT, ROW), dtype=jnp.float32)
    sample_idx = jax.random.randint(k4, (N_SAMPLE,), 0, MAX_SIZE, dtype=jnp.int32)
    return {"mem": mem, "put_idx": put_idx, "put_val": put_val, "sample_idx": sample_idx}


def reference(mem, put_idx, put_val, sample_idx):
    # Batched ReplayBuffer.put: sars[index] = row  -> scatter-overwrite
    updated = mem.at[put_idx].set(put_val)
    # ReplayBuffer.sample: gather random rows, then split([3,1,1,3], dim=1)
    buf = jnp.take(updated, sample_idx, axis=0)
    state = buf[:, 0:3]
    action = buf[:, 3:4]
    reward = buf[:, 4:5]
    next_state = buf[:, 5:8]
    return (state, action, reward, next_state)

if __name__ == "__main__":
    import jax
    _d = setup_inputs()
    print(jax.jit(kernel)(*tuple(_d.values())))

</pallas_src>

<mosaic_0001>
#map = affine_map<(d0, d1) -> (0)>
module attributes {stable_mosaic.version = 14 : i64} {
  func.func @ka(%arg0: i32, %arg1: i32, %arg2: memref<65536xi32, #tpu.memory_space<hbm>>, %arg3: memref<2097152xi32, #tpu.memory_space<hbm>>, %arg4: memref<16384xi32, #tpu.memory_space<vmem>>, %arg5: memref<16384xi32, #tpu.memory_space<vmem>>, %arg6: memref<65536xi32, #tpu.memory_space<vmem>>, %arg7: memref<!tpu.dma_semaphore, #tpu.memory_space<semaphore_mem>>, %arg8: memref<!tpu.dma_semaphore, #tpu.memory_space<semaphore_mem>>) attributes {dimension_semantics = [#tpu.dimension_semantics<core_parallel>, #tpu.dimension_semantics<subcore_parallel>], iteration_bounds = array<i64: 2, 16>, scalar_prefetch = 0 : i64, scratch_operands = 5 : i64, tpu.core_type = #tpu.core_type<sc_vector_subcore>, window_params = [{transform_indices = #map}, {transform_indices = #map}]} {
    %mul3A = arith.constant 2 : i32
    %mul3A_0 = arith.muli %arg1, %mul3A : i32
    %add3A = arith.addi %mul3A_0, %arg0 : i32
    %mul3A_1 = arith.constant 65536 : i32
    %mul3A_2 = arith.muli %add3A, %mul3A_1 : i32
    %broadcast_in_dim3A = arith.constant 0 : i32
    %broadcast_in_dim3A_3 = vector.broadcast %broadcast_in_dim3A : i32 to vector<16xi32>
    %iota3A = tpu.iota {dimensions = array<i32: 0>} : vector<16xi32>
    %add3A_4 = arith.constant 1 : i32
    %add3A_5 = vector.broadcast %add3A_4 : i32 to vector<16xi32>
    %add3A_6 = arith.addi %iota3A, %add3A_5 : vector<16xi32>
    %dma_start3A = arith.constant 0 : i32
    %dma_start3A_7 = tpu.memref_slice %arg2[%dma_start3A] : memref<65536xi32, #tpu.memory_space<hbm>> -> memref<16384xi32, #tpu.memory_space<hbm>>
    %dma_start3A_8 = arith.constant 0 : i32
    %dma_start3A_9 = tpu.memref_slice %arg2[%dma_start3A_8] : memref<65536xi32, #tpu.memory_space<hbm>> -> memref<16384xi32, #tpu.memory_space<hbm>>
    tpu.enqueue_dma source(%dma_start3A_9 : memref<16384xi32, #tpu.memory_space<hbm>>) target(%arg4 : memref<16384xi32, #tpu.memory_space<vmem>>) target_semaphore(%arg7 : memref<!tpu.dma_semaphore, #tpu.memory_space<semaphore_mem>>)
    %scan3A = arith.constant 0 : i32
    %scan3A_10 = arith.constant 0 : i32
    %scan3A_11 = arith.constant 512 : i32
    %scan3A_12 = arith.addi %scan3A_10, %scan3A_11 : i32
    %scan3A_13 = arith.constant 1 : i32
    %scan3A_14 = scf.for %scan3A_71 = %scan3A_10 to %scan3A_12 step %scan3A_13 iter_args(%scan3A_72 = %scan3A) -> (i32)  : i32 {
      %mul3A_73 = arith.constant 128 : i32
      %mul3A_74 = arith.muli %scan3A_71, %mul3A_73 : i32
      %add3A_75 = arith.constant 0 : i32
      %add3A_76 = arith.addi %mul3A_74, %add3A_75 : i32
      %swap3A = arith.index_cast %add3A_76 : i32 to index
      %swap3A_77 = tpu.vector_load %arg6[%swap3A] {strides = array<i32>} : memref<65536xi32, #tpu.memory_space<vmem>>, vector<16xi32>,
      tpu.vector_store %arg6[%swap3A], %broadcast_in_dim3A_3 {strides = array<i32>} : memref<65536xi32, #tpu.memory_space<vmem>>, vector<16xi32>,
      %add3A_78 = arith.constant 16 : i32
      %add3A_79 = arith.addi %mul3A_74, %add3A_78 : i32
      %swap3A_80 = arith.index_cast %add3A_79 : i32 to index
      %swap3A_81 = tpu.vector_load %arg6[%swap3A_80] {strides = array<i32>} : memref<65536xi32, #tpu.memory_space<vmem>>, vector<16xi32>,
      tpu.vector_store %arg6[%swap3A_80], %broadcast_in_dim3A_3 {strides = array<i32>} : memref<65536xi32, #tpu.memory_space<vmem>>, vector<16xi32>,
      %add3A_82 = arith.constant 32 : i32
      %add3A_83 = arith.addi %mul3A_74, %add3A_82 : i32
      %swap3A_84 = arith.index_cast %add3A_83 : i32 to index
      %swap3A_85 = tpu.vector_load %arg6[%swap3A_84] {strides = array<i32>} : memref<65536xi32, #tpu.memory_space<vmem>>, vector<16xi32>,
      tpu.vector_store %arg6[%swap3A_84], %broadcast_in_dim3A_3 {strides = array<i32>} : memref<65536xi32, #tpu.memory_space<vmem>>, vector<16xi32>,
      %add3A_86 = arith.constant 48 : i32
      %add3A_87 = arith.addi %mul3A_74, %add3A_86 : i32
      %swap3A_88 = arith.index_cast %add3A_87 : i32 to index
      %swap3A_89 = tpu.vector_load %arg6[%swap3A_88] {strides = array<i32>} : memref<65536xi32, #tpu.memory_space<vmem>>, vector<16xi32>,
      tpu.vector_store %arg6[%swap3A_88], %broadcast_in_dim3A_3 {strides = array<i32>} : memref<65536xi32, #tpu.memory_space<vmem>>, vector<16xi32>,
      %add3A_90 = arith.constant 64 : i32
      %add3A_91 = arith.addi %mul3A_74, %add3A_90 : i32
      %swap3A_92 = arith.index_cast %add3A_91 : i32 to index
      %swap3A_93 = tpu.vector_load %arg6[%swap3A_92] {strides = array<i32>} : memref<65536xi32, #tpu.memory_space<vmem>>, vector<16xi32>,
      tpu.vector_store %arg6[%swap3A_92], %broadcast_in_dim3A_3 {strides = array<i32>} : memref<65536xi32, #tpu.memory_space<vmem>>, vector<16xi32>,
      %add3A_94 = arith.constant 80 : i32
      %add3A_95 = arith.addi %mul3A_74, %add3A_94 : i32
      %swap3A_96 = arith.index_cast %add3A_95 : i32 to index
      %swap3A_97 = tpu.vector_load %arg6[%swap3A_96] {strides = array<i32>} : memref<65536xi32, #tpu.memory_space<vmem>>, vector<16xi32>,
      tpu.vector_store %arg6[%swap3A_96], %broadcast_in_dim3A_3 {strides = array<i32>} : memref<65536xi32, #tpu.memory_space<vmem>>, vector<16xi32>,
      %add3A_98 = arith.constant 96 : i32
      %add3A_99 = arith.addi %mul3A_74, %add3A_98 : i32
      %swap3A_100 = arith.index_cast %add3A_99 : i32 to index
      %swap3A_101 = tpu.vector_load %arg6[%swap3A_100] {strides = array<i32>} : memref<65536xi32, #tpu.memory_space<vmem>>, vector<16xi32>,
      tpu.vector_store %arg6[%swap3A_100], %broadcast_in_dim3A_3 {strides = array<i32>} : memref<65536xi32, #tpu.memory_space<vmem>>, vector<16xi32>,
      %add3A_102 = arith.constant 112 : i32
      %add3A_103 = arith.addi %mul3A_74, %add3A_102 : i32
      %swap3A_104 = arith.index_cast %add3A_103 : i32 to index
      %swap3A_105 = tpu.vector_load %arg6[%swap3A_104] {strides = array<i32>} : memref<65536xi32, #tpu.memory_space<vmem>>, vector<16xi32>,
      tpu.vector_store %arg6[%swap3A_104], %broadcast_in_dim3A_3 {strides = array<i32>} : memref<65536xi32, #tpu.memory_space<vmem>>, vector<16xi32>,
      %scan3A_106 = arith.constant 0 : i32
      scf.yield %scan3A_106 : i32
    }
    %scan3A_15 = arith.constant 512 : i32
    %dma_start3A_16 = arith.constant 16384 : i32
    %dma_start3A_17 = tpu.memref_slice %arg2[%dma_start3A_16] : memref<65536xi32, #tpu.memory_space<hbm>> -> memref<16384xi32, #tpu.memory_space<hbm>>
    %dma_start3A_18 = arith.constant 16384 : i32
    %dma_start3A_19 = tpu.memref_slice %arg2[%dma_start3A_18] : memref<65536xi32, #tpu.memory_space<hbm>> -> memref<16384xi32, #tpu.memory_space<hbm>>
    tpu.enqueue_dma source(%dma_start3A_19 : memref<16384xi32, #tpu.memory_space<hbm>>) target(%arg5 : memref<16384xi32, #tpu.memory_space<vmem>>) target_semaphore(%arg8 : memref<!tpu.dma_semaphore, #tpu.memory_space<semaphore_mem>>)
    %dma_wait3A = arith.constant 0 : i32
    %dma_wait3A_20 = tpu.memref_slice %arg2[%dma_wait3A] : memref<65536xi32, #tpu.memory_space<hbm>> -> memref<16384xi32, #tpu.memory_space<hbm>>
    %dma_wait3A_21 = arith.constant 0 : i32
    %dma_wait3A_22 = tpu.memref_slice %arg2[%dma_wait3A_21] : memref<65536xi32, #tpu.memory_space<hbm>> -> memref<16384xi32, #tpu.memory_space<hbm>>
    tpu.wait_dma2 semaphore(%arg7 : memref<!tpu.dma_semaphore, #tpu.memory_space<semaphore_mem>>) src(%dma_wait3A_22 : memref<16384xi32, #tpu.memory_space<hbm>>) dst(%arg4 : memref<16384xi32, #tpu.memory_space<vmem>>)
    %scan3A_23 = arith.constant 0 : i32
    %scan3A_24 = arith.constant 0 : i32
    %scan3A_25 = arith.constant 256 : i32
    %scan3A_26 = arith.addi %scan3A_24, %scan3A_25 : i32
    %scan3A_27 = arith.constant 1 : i32
    %scan3A_28 = scf.for %scan3A_71 = %scan3A_24 to %scan3A_26 step %scan3A_27 iter_args(%scan3A_72 = %scan3A_23) -> (i32)  : i32 {
      %mul3A_73 = arith.constant 64 : i32
      %mul3A_74 = arith.muli %scan3A_71, %mul3A_73 : i32
      %add3A_75 = arith.constant 0 : i32
      %add3A_76 = arith.addi %mul3A_74, %add3A_75 : i32
      %get3A = arith.index_cast %add3A_76 : i32 to index
      %get3A_77 = tpu.vector_load %arg4[%get3A] {strides = array<i32>} : memref<16384xi32, #tpu.memory_space<vmem>>, vector<16xi32>,
      %sub3A = vector.broadcast %mul3A_2 : i32 to vector<16xi32>
      %sub3A_78 = arith.subi %get3A_77, %sub3A : vector<16xi32>
      %lt3A = arith.constant 65536 : i32
      %lt3A_79 = vector.broadcast %lt3A : i32 to vector<16xi32>
      %lt3A_80 = arith.cmpi ult, %sub3A_78, %lt3A_79 : vector<16xi32>
      %and3A = arith.constant 65535 : i32
      %and3A_81 = vector.broadcast %and3A : i32 to vector<16xi32>
      %and3A_82 = arith.andi %sub3A_78, %and3A_81 : vector<16xi32>
      %add3A_83 = arith.constant 0 : i32
      %add3A_84 = arith.addi %add3A_83, %add3A_76 : i32
      %add3A_85 = vector.broadcast %add3A_84 : i32 to vector<16xi32>
      %add3A_86 = arith.addi %add3A_6, %add3A_85 : vector<16xi32>
      tpu.vector_store_idx %arg6[%and3A_82], %add3A_86 masked %lt3A_80 : memref<65536xi32, #tpu.memory_space<vmem>>[vector<16xi32>], vector<16xi32>, vector<16xi1>
      %add3A_87 = arith.constant 16 : i32
      %add3A_88 = arith.addi %mul3A_74, %add3A_87 : i32
      %get3A_89 = arith.index_cast %add3A_88 : i32 to index
      %get3A_90 = tpu.vector_load %arg4[%get3A_89] {strides = array<i32>} : memref<16384xi32, #tpu.memory_space<vmem>>, vector<16xi32>,
      %sub3A_91 = vector.broadcast %mul3A_2 : i32 to vector<16xi32>
      %sub3A_92 = arith.subi %get3A_90, %sub3A_91 : vector<16xi32>
      %lt3A_93 = arith.constant 65536 : i32
      %lt3A_94 = vector.broadcast %lt3A_93 : i32 to vector<16xi32>
      %lt3A_95 = arith.cmpi ult, %sub3A_92, %lt3A_94 : vector<16xi32>
      %and3A_96 = arith.constant 65535 : i32
      %and3A_97 = vector.broadcast %and3A_96 : i32 to vector<16xi32>
      %and3A_98 = arith.andi %sub3A_92, %and3A_97 : vector<16xi32>
      %add3A_99 = arith.constant 0 : i32
      %add3A_100 = arith.addi %add3A_99, %add3A_88 : i32
      %add3A_101 = vector.broadcast %add3A_100 : i32 to vector<16xi32>
      %add3A_102 = arith.addi %add3A_6, %add3A_101 : vector<16xi32>
      tpu.vector_store_idx %arg6[%and3A_98], %add3A_102 masked %lt3A_95 : memref<65536xi32, #tpu.memory_space<vmem>>[vector<16xi32>], vector<16xi32>, vector<16xi1>
      %add3A_103 = arith.constant 32 : i32
      %add3A_104 = arith.addi %mul3A_74, %add3A_103 : i32
      %get3A_105 = arith.index_cast %add3A_104 : i32 to index
      %get3A_106 = tpu.vector_load %arg4[%get3A_105] {strides = array<i32>} : memref<16384xi32, #tpu.memory_space<vmem>>, vector<16xi32>,
      %sub3A_107 = vector.broadcast %mul3A_2 : i32 to vector<16xi32>
      %sub3A_108 = arith.subi %get3A_106, %sub3A_107 : vector<16xi32>
      %lt3A_109 = arith.constant 65536 : i32
      %lt3A_110 = vector.broadcast %lt3A_109 : i32 to vector<16xi32>
      %lt3A_111 = arith.cmpi ult, %sub3A_108, %lt3A_110 : vector<16xi32>
      %and3A_112 = arith.constant 65535 : i32
      %and3A_113 = vector.broadcast %and3A_112 : i32 to vector<16xi32>
      %and3A_114 = arith.andi %sub3A_108, %and3A_113 : vector<16xi32>
      %add3A_115 = arith.constant 0 : i32
      %add3A_116 = arith.addi %add3A_115, %add3A_104 : i32
      %add3A_117 = vector.broadcast %add3A_116 : i32 to vector<16xi32>
      %add3A_118 = arith.addi %add3A_6, %add3A_117 : vector<16xi32>
      tpu.vector_store_idx %arg6[%and3A_114], %add3A_118 masked %lt3A_111 : memref<65536xi32, #tpu.memory_space<vmem>>[vector<16xi32>], vector<16xi32>, vector<16xi1>
      %add3A_119 = arith.constant 48 : i32
      %add3A_120 = arith.addi %mul3A_74, %add3A_119 : i32
      %get3A_121 = arith.index_cast %add3A_120 : i32 to index
      %get3A_122 = tpu.vector_load %arg4[%get3A_121] {strides = array<i32>} : memref<16384xi32, #tpu.memory_space<vmem>>, vector<16xi32>,
      %sub3A_123 = vector.broadcast %mul3A_2 : i32 to vector<16xi32>
      %sub3A_124 = arith.subi %get3A_122, %sub3A_123 : vector<16xi32>
      %lt3A_125 = arith.constant 65536 : i32
      %lt3A_126 = vector.broadcast %lt3A_125 : i32 to vector<16xi32>
      %lt3A_127 = arith.cmpi ult, %sub3A_124, %lt3A_126 : vector<16xi32>
      %and3A_128 = arith.constant 65535 : i32
      %and3A_129 = vector.broadcast %and3A_128 : i32 to vector<16xi32>
      %and3A_130 = arith.andi %sub3A_124, %and3A_129 : vector<16xi32>
      %add3A_131 = arith.constant 0 : i32
      %add3A_132 = arith.addi %add3A_131, %add3A_120 : i32
      %add3A_133 = vector.broadcast %add3A_132 : i32 to vector<16xi32>
      %add3A_134 = arith.addi %add3A_6, %add3A_133 : vector<16xi32>
      tpu.vector_store_idx %arg6[%and3A_130], %add3A_134 masked %lt3A_127 : memref<65536xi32, #tpu.memory_space<vmem>>[vector<16xi32>], vector<16xi32>, vector<16xi1>
      %scan3A_135 = arith.constant 0 : i32
      scf.yield %scan3A_135 : i32
    }
    %scan3A_29 = arith.constant 256 : i32
    %dma_start3A_30 = arith.constant 32768 : i32
    %dma_start3A_31 = tpu.memref_slice %arg2[%dma_start3A_30] : memref<65536xi32, #tpu.memory_space<hbm>> -> memref<16384xi32, #tpu.memory_space<hbm>>
    %dma_start3A_32 = arith.constant 32768 : i32
    %dma_start3A_33 = tpu.memref_slice %arg2[%dma_start3A_32] : memref<65536xi32, #tpu.memory_space<hbm>> -> memref<16384xi32, #tpu.memory_space<hbm>>
    tpu.enqueue_dma source(%dma_start3A_33 : memref<16384xi32, #tpu.memory_space<hbm>>) target(%arg4 : memref<16384xi32, #tpu.memory_space<vmem>>) target_semaphore(%arg7 : memref<!tpu.dma_semaphore, #tpu.memory_space<semaphore_mem>>)
    %dma_wait3A_34 = arith.constant 16384 : i32
    %dma_wait3A_35 = tpu.memref_slice %arg2[%dma_wait3A_34] : memref<65536xi32, #tpu.memory_space<hbm>> -> memref<16384xi32, #tpu.memory_space<hbm>>
    %dma_wait3A_36 = arith.constant 16384 : i32
    %dma_wait3A_37 = tpu.memref_slice %arg2[%dma_wait3A_36] : memref<65536xi32, #tpu.memory_space<hbm>> -> memref<16384xi32, #tpu.memory_space<hbm>>
    tpu.wait_dma2 semaphore(%arg8 : memref<!tpu.dma_semaphore, #tpu.memory_space<semaphore_mem>>) src(%dma_wait3A_37 : memref<16384xi32, #tpu.memory_space<hbm>>) dst(%arg5 : memref<16384xi32, #tpu.memory_space<vmem>>)
    %scan3A_38 = arith.constant 0 : i32
    %scan3A_39 = arith.constant 0 : i32
    %scan3A_40 = arith.constant 256 : i32
    %scan3A_41 = arith.addi %scan3A_39, %scan3A_40 : i32
    %scan3A_42 = arith.constant 1 : i32
    %scan3A_43 = scf.for %scan3A_71 = %scan3A_39 to %scan3A_41 step %scan3A_42 iter_args(%scan3A_72 = %scan3A_38) -> (i32)  : i32 {
      %mul3A_73 = arith.constant 64 : i32
      %mul3A_74 = arith.muli %scan3A_71, %mul3A_73 : i32
      %add3A_75 = arith.constant 0 : i32
      %add3A_76 = arith.addi %mul3A_74, %add3A_75 : i32
      %get3A = arith.index_cast %add3A_76 : i32 to index
      %get3A_77 = tpu.vector_load %arg5[%get3A] {strides = array<i32>} : memref<16384xi32, #tpu.memory_space<vmem>>, vector<16xi32>,
      %sub3A = vector.broadcast %mul3A_2 : i32 to vector<16xi32>
      %sub3A_78 = arith.subi %get3A_77, %sub3A : vector<16xi32>
      %lt3A = arith.constant 65536 : i32
      %lt3A_79 = vector.broadcast %lt3A : i32 to vector<16xi32>
      %lt3A_80 = arith.cmpi ult, %sub3A_78, %lt3A_79 : vector<16xi32>
      %and3A = arith.constant 65535 : i32
      %and3A_81 = vector.broadcast %and3A : i32 to vector<16xi32>
      %and3A_82 = arith.andi %sub3A_78, %and3A_81 : vector<16xi32>
      %add3A_83 = arith.constant 16384 : i32
      %add3A_84 = arith.addi %add3A_83, %add3A_76 : i32
      %add3A_85 = vector.broadcast %add3A_84 : i32 to vector<16xi32>
      %add3A_86 = arith.addi %add3A_6, %add3A_85 : vector<16xi32>
      tpu.vector_store_idx %arg6[%and3A_82], %add3A_86 masked %lt3A_80 : memref<65536xi32, #tpu.memory_space<vmem>>[vector<16xi32>], vector<16xi32>, vector<16xi1>
      %add3A_87 = arith.constant 16 : i32
      %add3A_88 = arith.addi %mul3A_74, %add3A_87 : i32
      %get3A_89 = arith.index_cast %add3A_88 : i32 to index
      %get3A_90 = tpu.vector_load %arg5[%get3A_89] {strides = array<i32>} : memref<16384xi32, #tpu.memory_space<vmem>>, vector<16xi32>,
      %sub3A_91 = vector.broadcast %mul3A_2 : i32 to vector<16xi32>
      %sub3A_92 = arith.subi %get3A_90, %sub3A_91 : vector<16xi32>
      %lt3A_93 = arith.constant 65536 : i32
      %lt3A_94 = vector.broadcast %lt3A_93 : i32 to vector<16xi32>
      %lt3A_95 = arith.cmpi ult, %sub3A_92, %lt3A_94 : vector<16xi32>
      %and3A_96 = arith.constant 65535 : i32
      %and3A_97 = vector.broadcast %and3A_96 : i32 to vector<16xi32>
      %and3A_98 = arith.andi %sub3A_92, %and3A_97 : vector<16xi32>
      %add3A_99 = arith.constant 16384 : i32
      %add3A_100 = arith.addi %add3A_99, %add3A_88 : i32
      %add3A_101 = vector.broadcast %add3A_100 : i32 to vector<16xi32>
      %add3A_102 = arith.addi %add3A_6, %add3A_101 : vector<16xi32>
      tpu.vector_store_idx %arg6[%and3A_98], %add3A_102 masked %lt3A_95 : memref<65536xi32, #tpu.memory_space<vmem>>[vector<16xi32>], vector<16xi32>, vector<16xi1>
      %add3A_103 = arith.constant 32 : i32
      %add3A_104 = arith.addi %mul3A_74, %add3A_103 : i32
      %get3A_105 = arith.index_cast %add3A_104 : i32 to index
      %get3A_106 = tpu.vector_load %arg5[%get3A_105] {strides = array<i32>} : memref<16384xi32, #tpu.memory_space<vmem>>, vector<16xi32>,
      %sub3A_107 = vector.broadcast %mul3A_2 : i32 to vector<16xi32>
      %sub3A_108 = arith.subi %get3A_106, %sub3A_107 : vector<16xi32>
      %lt3A_109 = arith.constant 65536 : i32
      %lt3A_110 = vector.broadcast %lt3A_109 : i32 to vector<16xi32>
      %lt3A_111 = arith.cmpi ult, %sub3A_108, %lt3A_110 : vector<16xi32>
      %and3A_112 = arith.constant 65535 : i32
      %and3A_113 = vector.broadcast %and3A_112 : i32 to vector<16xi32>
      %and3A_114 = arith.andi %sub3A_108, %and3A_113 : vector<16xi32>
      %add3A_115 = arith.constant 16384 : i32
      %add3A_116 = arith.addi %add3A_115, %add3A_104 : i32
      %add3A_117 = vector.broadcast %add3A_116 : i32 to vector<16xi32>
      %add3A_118 = arith.addi %add3A_6, %add3A_117 : vector<16xi32>
      tpu.vector_store_idx %arg6[%and3A_114], %add3A_118 masked %lt3A_111 : memref<65536xi32, #tpu.memory_space<vmem>>[vector<16xi32>], vector<16xi32>, vector<16xi1>
      %add3A_119 = arith.constant 48 : i32
      %add3A_120 = arith.addi %mul3A_74, %add3A_119 : i32
      %get3A_121 = arith.index_cast %add3A_120 : i32 to index
      %get3A_122 = tpu.vector_load %arg5[%get3A_121] {strides = array<i32>} : memref<16384xi32, #tpu.memory_space<vmem>>, vector<16xi32>,
      %sub3A_123 = vector.broadcast %mul3A_2 : i32 to vector<16xi32>
      %sub3A_124 = arith.subi %get3A_122, %sub3A_123 : vector<16xi32>
      %lt3A_125 = arith.constant 65536 : i32
      %lt3A_126 = vector.broadcast %lt3A_125 : i32 to vector<16xi32>
      %lt3A_127 = arith.cmpi ult, %sub3A_124, %lt3A_126 : vector<16xi32>
      %and3A_128 = arith.constant 65535 : i32
      %and3A_129 = vector.broadcast %and3A_128 : i32 to vector<16xi32>
      %and3A_130 = arith.andi %sub3A_124, %and3A_129 : vector<16xi32>
      %add3A_131 = arith.constant 16384 : i32
      %add3A_132 = arith.addi %add3A_131, %add3A_120 : i32
      %add3A_133 = vector.broadcast %add3A_132 : i32 to vector<16xi32>
      %add3A_134 = arith.addi %add3A_6, %add3A_133 : vector<16xi32>
      tpu.vector_store_idx %arg6[%and3A_130], %add3A_134 masked %lt3A_127 : memref<65536xi32, #tpu.memory_space<vmem>>[vector<16xi32>], vector<16xi32>, vector<16xi1>
      %scan3A_135 = arith.constant 0 : i32
      scf.yield %scan3A_135 : i32
    }
    %scan3A_44 = arith.constant 256 : i32
    %dma_start3A_45 = arith.constant 49152 : i32
    %dma_start3A_46 = tpu.memref_slice %arg2[%dma_start3A_45] : memref<65536xi32, #tpu.memory_space<hbm>> -> memref<16384xi32, #tpu.memory_space<hbm>>
    %dma_start3A_47 = arith.constant 49152 : i32
    %dma_start3A_48 = tpu.memref_slice %arg2[%dma_start3A_47] : memref<65536xi32, #tpu.memory_space<hbm>> -> memref<16384xi32, #tpu.memory_space<hbm>>
    tpu.enqueue_dma source(%dma_start3A_48 : memref<16384xi32, #tpu.memory_space<hbm>>) target(%arg5 : memref<16384xi32, #tpu.memory_space<vmem>>) target_semaphore(%arg8 : memref<!tpu.dma_semaphore, #tpu.memory_space<semaphore_mem>>)
    %dma_wait3A_49 = arith.constant 32768 : i32
    %dma_wait3A_50 = tpu.memref_slice %arg2[%dma_wait3A_49] : memref<65536xi32, #tpu.memory_space<hbm>> -> memref<16384xi32, #tpu.memory_space<hbm>>
    %dma_wait3A_51 = arith.constant 32768 : i32
    %dma_wait3A_52 = tpu.memref_slice %arg2[%dma_wait3A_51] : memref<65536xi32, #tpu.memory_space<hbm>> -> memref<16384xi32, #tpu.memory_space<hbm>>
    tpu.wait_dma2 semaphore(%arg7 : memref<!tpu.dma_semaphore, #tpu.memory_space<semaphore_mem>>) src(%dma_wait3A_52 : memref<16384xi32, #tpu.memory_space<hbm>>) dst(%arg4 : memref<16384xi32, #tpu.memory_space<vmem>>)
    %scan3A_53 = arith.constant 0 : i32
    %scan3A_54 = arith.constant 0 : i32
    %scan3A_55 = arith.constant 256 : i32
    %scan3A_56 = arith.addi %scan3A_54, %scan3A_55 : i32
    %scan3A_57 = arith.constant 1 : i32
    %scan3A_58 = scf.for %scan3A_71 = %scan3A_54 to %scan3A_56 step %scan3A_57 iter_args(%scan3A_72 = %scan3A_53) -> (i32)  : i32 {
      %mul3A_73 = arith.constant 64 : i32
      %mul3A_74 = arith.muli %scan3A_71, %mul3A_73 : i32
      %add3A_75 = arith.constant 0 : i32
      %add3A_76 = arith.addi %mul3A_74, %add3A_75 : i32
      %get3A = arith.index_cast %add3A_76 : i32 to index
      %get3A_77 = tpu.vector_load %arg4[%get3A] {strides = array<i32>} : memref<16384xi32, #tpu.memory_space<vmem>>, vector<16xi32>,
      %sub3A = vector.broadcast %mul3A_2 : i32 to vector<16xi32>
      %sub3A_78 = arith.subi %get3A_77, %sub3A : vector<16xi32>
      %lt3A = arith.constant 65536 : i32
      %lt3A_79 = vector.broadcast %lt3A : i32 to vector<16xi32>
      %lt3A_80 = arith.cmpi ult, %sub3A_78, %lt3A_79 : vector<16xi32>
      %and3A = arith.constant 65535 : i32
      %and3A_81 = vector.broadcast %and3A : i32 to vector<16xi32>
      %and3A_82 = arith.andi %sub3A_78, %and3A_81 : vector<16xi32>
      %add3A_83 = arith.constant 32768 : i32
      %add3A_84 = arith.addi %add3A_83, %add3A_76 : i32
      %add3A_85 = vector.broadcast %add3A_84 : i32 to vector<16xi32>
      %add3A_86 = arith.addi %add3A_6, %add3A_85 : vector<16xi32>
      tpu.vector_store_idx %arg6[%and3A_82], %add3A_86 masked %lt3A_80 : memref<65536xi32, #tpu.memory_space<vmem>>[vector<16xi32>], vector<16xi32>, vector<16xi1>
      %add3A_87 = arith.constant 16 : i32
      %add3A_88 = arith.addi %mul3A_74, %add3A_87 : i32
      %get3A_89 = arith.index_cast %add3A_88 : i32 to index
      %get3A_90 = tpu.vector_load %arg4[%get3A_89] {strides = array<i32>} : memref<16384xi32, #tpu.memory_space<vmem>>, vector<16xi32>,
      %sub3A_91 = vector.broadcast %mul3A_2 : i32 to vector<16xi32>
      %sub3A_92 = arith.subi %get3A_90, %sub3A_91 : vector<16xi32>
      %lt3A_93 = arith.constant 65536 : i32
      %lt3A_94 = vector.broadcast %lt3A_93 : i32 to vector<16xi32>
      %lt3A_95 = arith.cmpi ult, %sub3A_92, %lt3A_94 : vector<16xi32>
      %and3A_96 = arith.constant 65535 : i32
      %and3A_97 = vector.broadcast %and3A_96 : i32 to vector<16xi32>
      %and3A_98 = arith.andi %sub3A_92, %and3A_97 : vector<16xi32>
      %add3A_99 = arith.constant 32768 : i32
      %add3A_100 = arith.addi %add3A_99, %add3A_88 : i32
      %add3A_101 = vector.broadcast %add3A_100 : i32 to vector<16xi32>
      %add3A_102 = arith.addi %add3A_6, %add3A_101 : vector<16xi32>
      tpu.vector_store_idx %arg6[%and3A_98], %add3A_102 masked %lt3A_95 : memref<65536xi32, #tpu.memory_space<vmem>>[vector<16xi32>], vector<16xi32>, vector<16xi1>
      %add3A_103 = arith.constant 32 : i32
      %add3A_104 = arith.addi %mul3A_74, %add3A_103 : i32
      %get3A_105 = arith.index_cast %add3A_104 : i32 to index
      %get3A_106 = tpu.vector_load %arg4[%get3A_105] {strides = array<i32>} : memref<16384xi32, #tpu.memory_space<vmem>>, vector<16xi32>,
      %sub3A_107 = vector.broadcast %mul3A_2 : i32 to vector<16xi32>
      %sub3A_108 = arith.subi %get3A_106, %sub3A_107 : vector<16xi32>
      %lt3A_109 = arith.constant 65536 : i32
      %lt3A_110 = vector.broadcast %lt3A_109 : i32 to vector<16xi32>
      %lt3A_111 = arith.cmpi ult, %sub3A_108, %lt3A_110 : vector<16xi32>
      %and3A_112 = arith.constant 65535 : i32
      %and3A_113 = vector.broadcast %and3A_112 : i32 to vector<16xi32>
      %and3A_114 = arith.andi %sub3A_108, %and3A_113 : vector<16xi32>
      %add3A_115 = arith.constant 32768 : i32
      %add3A_116 = arith.addi %add3A_115, %add3A_104 : i32
      %add3A_117 = vector.broadcast %add3A_116 : i32 to vector<16xi32>
      %add3A_118 = arith.addi %add3A_6, %add3A_117 : vector<16xi32>
      tpu.vector_store_idx %arg6[%and3A_114], %add3A_118 masked %lt3A_111 : memref<65536xi32, #tpu.memory_space<vmem>>[vector<16xi32>], vector<16xi32>, vector<16xi1>
      %add3A_119 = arith.constant 48 : i32
      %add3A_120 = arith.addi %mul3A_74, %add3A_119 : i32
      %get3A_121 = arith.index_cast %add3A_120 : i32 to index
      %get3A_122 = tpu.vector_load %arg4[%get3A_121] {strides = array<i32>} : memref<16384xi32, #tpu.memory_space<vmem>>, vector<16xi32>,
      %sub3A_123 = vector.broadcast %mul3A_2 : i32 to vector<16xi32>
      %sub3A_124 = arith.subi %get3A_122, %sub3A_123 : vector<16xi32>
      %lt3A_125 = arith.constant 65536 : i32
      %lt3A_126 = vector.broadcast %lt3A_125 : i32 to vector<16xi32>
      %lt3A_127 = arith.cmpi ult, %sub3A_124, %lt3A_126 : vector<16xi32>
      %and3A_128 = arith.constant 65535 : i32
      %and3A_129 = vector.broadcast %and3A_128 : i32 to vector<16xi32>
      %and3A_130 = arith.andi %sub3A_124, %and3A_129 : vector<16xi32>
      %add3A_131 = arith.constant 32768 : i32
      %add3A_132 = arith.addi %add3A_131, %add3A_120 : i32
      %add3A_133 = vector.broadcast %add3A_132 : i32 to vector<16xi32>
      %add3A_134 = arith.addi %add3A_6, %add3A_133 : vector<16xi32>
      tpu.vector_store_idx %arg6[%and3A_130], %add3A_134 masked %lt3A_127 : memref<65536xi32, #tpu.memory_space<vmem>>[vector<16xi32>], vector<16xi32>, vector<16xi1>
      %scan3A_135 = arith.constant 0 : i32
      scf.yield %scan3A_135 : i32
    }
    %scan3A_59 = arith.constant 256 : i32
    %dma_wait3A_60 = arith.constant 49152 : i32
    %dma_wait3A_61 = tpu.memref_slice %arg2[%dma_wait3A_60] : memref<65536xi32, #tpu.memory_space<hbm>> -> memref<16384xi32, #tpu.memory_space<hbm>>
    %dma_wait3A_62 = arith.constant 49152 : i32
    %dma_wait3A_63 = tpu.memref_slice %arg2[%dma_wait3A_62] : memref<65536xi32, #tpu.memory_space<hbm>> -> memref<16384xi32, #tpu.memory_space<hbm>>
    tpu.wait_dma2 semaphore(%arg8 : memref<!tpu.dma_semaphore, #tpu.memory_space<semaphore_mem>>) src(%dma_wait3A_63 : memref<16384xi32, #tpu.memory_space<hbm>>) dst(%arg5 : memref<16384xi32, #tpu.memory_space<vmem>>)
    %scan3A_64 = arith.constant 0 : i32
    %scan3A_65 = arith.constant 0 : i32
    %scan3A_66 = arith.constant 256 : i32
    %scan3A_67 = arith.addi %scan3A_65, %scan3A_66 : i32
    %scan3A_68 = arith.constant 1 : i32
    %scan3A_69 = scf.for %scan3A_71 = %scan3A_65 to %scan3A_67 step %scan3A_68 iter_args(%scan3A_72 = %scan3A_64) -> (i32)  : i32 {
      %mul3A_73 = arith.constant 64 : i32
      %mul3A_74 = arith.muli %scan3A_71, %mul3A_73 : i32
      %add3A_75 = arith.constant 0 : i32
      %add3A_76 = arith.addi %mul3A_74, %add3A_75 : i32
      %get3A = arith.index_cast %add3A_76 : i32 to index
      %get3A_77 = tpu.vector_load %arg5[%get3A] {strides = array<i32>} : memref<16384xi32, #tpu.memory_space<vmem>>, vector<16xi32>,
      %sub3A = vector.broadcast %mul3A_2 : i32 to vector<16xi32>
      %sub3A_78 = arith.subi %get3A_77, %sub3A : vector<16xi32>
      %lt3A = arith.constant 65536 : i32
      %lt3A_79 = vector.broadcast %lt3A : i32 to vector<16xi32>
      %lt3A_80 = arith.cmpi ult, %sub3A_78, %lt3A_79 : vector<16xi32>
      %and3A = arith.constant 65535 : i32
      %and3A_81 = vector.broadcast %and3A : i32 to vector<16xi32>
      %and3A_82 = arith.andi %sub3A_78, %and3A_81 : vector<16xi32>
      %add3A_83 = arith.constant 49152 : i32
      %add3A_84 = arith.addi %add3A_83, %add3A_76 : i32
      %add3A_85 = vector.broadcast %add3A_84 : i32 to vector<16xi32>
      %add3A_86 = arith.addi %add3A_6, %add3A_85 : vector<16xi32>
      tpu.vector_store_idx %arg6[%and3A_82], %add3A_86 masked %lt3A_80 : memref<65536xi32, #tpu.memory_space<vmem>>[vector<16xi32>], vector<16xi32>, vector<16xi1>
      %add3A_87 = arith.constant 16 : i32
      %add3A_88 = arith.addi %mul3A_74, %add3A_87 : i32
      %get3A_89 = arith.index_cast %add3A_88 : i32 to index
      %get3A_90 = tpu.vector_load %arg5[%get3A_89] {strides = array<i32>} : memref<16384xi32, #tpu.memory_space<vmem>>, vector<16xi32>,
      %sub3A_91 = vector.broadcast %mul3A_2 : i32 to vector<16xi32>
      %sub3A_92 = arith.subi %get3A_90, %sub3A_91 : vector<16xi32>
      %lt3A_93 = arith.constant 65536 : i32
      %lt3A_94 = vector.broadcast %lt3A_93 : i32 to vector<16xi32>
      %lt3A_95 = arith.cmpi ult, %sub3A_92, %lt3A_94 : vector<16xi32>
      %and3A_96 = arith.constant 65535 : i32
      %and3A_97 = vector.broadcast %and3A_96 : i32 to vector<16xi32>
      %and3A_98 = arith.andi %sub3A_92, %and3A_97 : vector<16xi32>
      %add3A_99 = arith.constant 49152 : i32
      %add3A_100 = arith.addi %add3A_99, %add3A_88 : i32
      %add3A_101 = vector.broadcast %add3A_100 : i32 to vector<16xi32>
      %add3A_102 = arith.addi %add3A_6, %add3A_101 : vector<16xi32>
      tpu.vector_store_idx %arg6[%and3A_98], %add3A_102 masked %lt3A_95 : memref<65536xi32, #tpu.memory_space<vmem>>[vector<16xi32>], vector<16xi32>, vector<16xi1>
      %add3A_103 = arith.constant 32 : i32
      %add3A_104 = arith.addi %mul3A_74, %add3A_103 : i32
      %get3A_105 = arith.index_cast %add3A_104 : i32 to index
      %get3A_106 = tpu.vector_load %arg5[%get3A_105] {strides = array<i32>} : memref<16384xi32, #tpu.memory_space<vmem>>, vector<16xi32>,
      %sub3A_107 = vector.broadcast %mul3A_2 : i32 to vector<16xi32>
      %sub3A_108 = arith.subi %get3A_106, %sub3A_107 : vector<16xi32>
      %lt3A_109 = arith.constant 65536 : i32
      %lt3A_110 = vector.broadcast %lt3A_109 : i32 to vector<16xi32>
      %lt3A_111 = arith.cmpi ult, %sub3A_108, %lt3A_110 : vector<16xi32>
      %and3A_112 = arith.constant 65535 : i32
      %and3A_113 = vector.broadcast %and3A_112 : i32 to vector<16xi32>
      %and3A_114 = arith.andi %sub3A_108, %and3A_113 : vector<16xi32>
      %add3A_115 = arith.constant 49152 : i32
      %add3A_116 = arith.addi %add3A_115, %add3A_104 : i32
      %add3A_117 = vector.broadcast %add3A_116 : i32 to vector<16xi32>
      %add3A_118 = arith.addi %add3A_6, %add3A_117 : vector<16xi32>
      tpu.vector_store_idx %arg6[%and3A_114], %add3A_118 masked %lt3A_111 : memref<65536xi32, #tpu.memory_space<vmem>>[vector<16xi32>], vector<16xi32>, vector<16xi1>
      %add3A_119 = arith.constant 48 : i32
      %add3A_120 = arith.addi %mul3A_74, %add3A_119 : i32
      %get3A_121 = arith.index_cast %add3A_120 : i32 to index
      %get3A_122 = tpu.vector_load %arg5[%get3A_121] {strides = array<i32>} : memref<16384xi32, #tpu.memory_space<vmem>>, vector<16xi32>,
      %sub3A_123 = vector.broadcast %mul3A_2 : i32 to vector<16xi32>
      %sub3A_124 = arith.subi %get3A_122, %sub3A_123 : vector<16xi32>
      %lt3A_125 = arith.constant 65536 : i32
      %lt3A_126 = vector.broadcast %lt3A_125 : i32 to vector<16xi32>
      %lt3A_127 = arith.cmpi ult, %sub3A_124, %lt3A_126 : vector<16xi32>
      %and3A_128 = arith.constant 65535 : i32
      %and3A_129 = vector.broadcast %and3A_128 : i32 to vector<16xi32>
      %and3A_130 = arith.andi %sub3A_124, %and3A_129 : vector<16xi32>
      %add3A_131 = arith.constant 49152 : i32
      %add3A_132 = arith.addi %add3A_131, %add3A_120 : i32
      %add3A_133 = vector.broadcast %add3A_132 : i32 to vector<16xi32>
      %add3A_134 = arith.addi %add3A_6, %add3A_133 : vector<16xi32>
      tpu.vector_store_idx %arg6[%and3A_130], %add3A_134 masked %lt3A_127 : memref<65536xi32, #tpu.memory_space<vmem>>[vector<16xi32>], vector<16xi32>, vector<16xi1>
      %scan3A_135 = arith.constant 0 : i32
      scf.yield %scan3A_135 : i32
    }
    %scan3A_70 = arith.constant 256 : i32
    "tpu.region"() ({
      %run_scoped3A = tpu.sem_alloc : memref<!tpu.dma_semaphore, #tpu.memory_space<semaphore_mem>>
      %dma_start3A_71 = tpu.memref_slice %arg3[%mul3A_2] : memref<2097152xi32, #tpu.memory_space<hbm>> -> memref<65536xi32, #tpu.memory_space<hbm>>
      %dma_start3A_72 = tpu.memref_slice %arg3[%mul3A_2] : memref<2097152xi32, #tpu.memory_space<hbm>> -> memref<65536xi32, #tpu.memory_space<hbm>>
      tpu.enqueue_dma source(%arg6 : memref<65536xi32, #tpu.memory_space<vmem>>) target(%dma_start3A_72 : memref<65536xi32, #tpu.memory_space<hbm>>) target_semaphore(%run_scoped3A : memref<!tpu.dma_semaphore, #tpu.memory_space<semaphore_mem>>)
      %dma_wait3A_73 = tpu.memref_slice %arg3[%mul3A_2] : memref<2097152xi32, #tpu.memory_space<hbm>> -> memref<65536xi32, #tpu.memory_space<hbm>>
      %dma_wait3A_74 = tpu.memref_slice %arg3[%mul3A_2] : memref<2097152xi32, #tpu.memory_space<hbm>> -> memref<65536xi32, #tpu.memory_space<hbm>>
      tpu.wait_dma2 semaphore(%run_scoped3A : memref<!tpu.dma_semaphore, #tpu.memory_space<semaphore_mem>>) src(%arg6 : memref<65536xi32, #tpu.memory_space<vmem>>) dst(%dma_wait3A_74 : memref<65536xi32, #tpu.memory_space<hbm>>)
      tpu.yield
    }) : () -> ()
    return
  }
}

#map = affine_map<(d0, d1) -> (0)>
#map1 = affine_map<(d0, d1) -> (0, 0)>
module attributes {stable_mosaic.version = 14 : i64} {
  func.func @kb(%arg0: i32, %arg1: i32, %arg2: memref<65536xf32, #tpu.memory_space<hbm>>, %arg3: memref<65536xf32, #tpu.memory_space<hbm>>, %arg4: memref<65536xf32, #tpu.memory_space<hbm>>, %arg5: memref<65536xf32, #tpu.memory_space<hbm>>, %arg6: memref<65536xf32, #tpu.memory_space<hbm>>, %arg7: memref<65536xf32, #tpu.memory_space<hbm>>, %arg8: memref<65536xf32, #tpu.memory_space<hbm>>, %arg9: memref<65536xf32, #tpu.memory_space<hbm>>, %arg10: memref<65536x8xf32, #tpu.memory_space<hbm>>, %arg11: memref<65536xi32, #tpu.memory_space<hbm>>, %arg12: memref<262144x8xi32, #tpu.memory_space<hbm>>, %arg13: memref<65536xf32, #tpu.memory_space<hbm>>, %arg14: memref<65536xf32, #tpu.memory_space<hbm>>, %arg15: memref<65536xf32, #tpu.memory_space<hbm>>, %arg16: memref<65536xf32, #tpu.memory_space<hbm>>, %arg17: memref<65536xf32, #tpu.memory_space<hbm>>, %arg18: memref<65536xf32, #tpu.memory_space<hbm>>, %arg19: memref<65536xf32, #tpu.memory_space<hbm>>, %arg20: memref<65536xf32, #tpu.memory_space<hbm>>, %arg21: memref<2048xi32, #tpu.memory_space<vmem>>, %arg22: memref<2048xi32, #tpu.memory_space<vmem>>, %arg23: memref<2048x8xi32, #tpu.memory_space<vmem>>, %arg24: memref<2048xi32, #tpu.memory_space<vmem>>, %arg25: memref<2048xi32, #tpu.memory_space<vmem>>, %arg26: memref<8x2048xf32, #tpu.memory_space<vmem>>, %arg27: memref<2048x8xf32, #tpu.memory_space<vmem>>, %arg28: memref<8x2048xf32, #tpu.memory_space<vmem>>, %arg29: memref<!tpu.dma_semaphore, #tpu.memory_space<semaphore_mem>>, %arg30: memref<!tpu.dma_semaphore, #tpu.memory_space<semaphore_mem>>) attributes {dimension_semantics = [#tpu.dimension_semantics<core_parallel>, #tpu.dimension_semantics<subcore_parallel>], iteration_bounds = array<i64: 2, 16>, scalar_prefetch = 0 : i64, scratch_operands = 10 : i64, tpu.core_type = #tpu.core_type<sc_vector_subcore>, window_params = [{transform_indices = #map}, {transform_indices = #map}, {transform_indices = #map}, {transform_indices = #map}, {transform_indices = #map}, {transform_indices = #map}, {transform_indices = #map}, {transform_indices = #map}, {transform_indices = #map1}, {transform_indices = #map}, {transform_indices = #map1}, {transform_indices = #map}, {transform_indices = #map}, {transform_indices = #map}, {transform_indices = #map}, {transform_indices = #map}, {transform_indices = #map}, {transform_indices = #map}, {transform_indices = #map}]} {
    %mul3A = arith.constant 2 : i32
    %mul3A_0 = arith.muli %arg1, %mul3A : i32
    %add3A = arith.addi %mul3A_0, %arg0 : i32
    %mul3A_1 = arith.constant 2048 : i32
    %mul3A_2 = arith.muli %add3A, %mul3A_1 : i32
    "tpu.region"() ({
      %run_scoped3A_48 = tpu.sem_alloc : memref<!tpu.dma_semaphore, #tpu.memory_space<semaphore_mem>>
      %dma_start3A_49 = tpu.memref_slice %arg11[%mul3A_2] : memref<65536xi32, #tpu.memory_space<hbm>> -> memref<2048xi32, #tpu.memory_space<hbm>>
      %dma_start3A_50 = tpu.memref_slice %arg11[%mul3A_2] : memref<65536xi32, #tpu.memory_space<hbm>> -> memref<2048xi32, #tpu.memory_space<hbm>>
      tpu.enqueue_dma source(%dma_start3A_50 : memref<2048xi32, #tpu.memory_space<hbm>>) target(%arg21 : memref<2048xi32, #tpu.memory_space<vmem>>) target_semaphore(%run_scoped3A_48 : memref<!tpu.dma_semaphore, #tpu.memory_space<semaphore_mem>>)
      %dma_wait3A_51 = tpu.memref_slice %arg11[%mul3A_2] : memref<65536xi32, #tpu.memory_space<hbm>> -> memref<2048xi32, #tpu.memory_space<hbm>>
      %dma_wait3A_52 = tpu.memref_slice %arg11[%mul3A_2] : memref<65536xi32, #tpu.memory_space<hbm>> -> memref<2048xi32, #tpu.memory_space<hbm>>
      tpu.wait_dma2 semaphore(%run_scoped3A_48 : memref<!tpu.dma_semaphore, #tpu.memory_space<semaphore_mem>>) src(%dma_wait3A_52 : memref<2048xi32, #tpu.memory_space<hbm>>) dst(%arg21 : memref<2048xi32, #tpu.memory_space<vmem>>)
      tpu.yield
    }) : () -> ()
    %run_scoped3A = arith.constant 0 : i32
    "tpu.region"() ({
      %run_scoped3A_48 = tpu.sem_alloc : memref<!tpu.dma_semaphore, #tpu.memory_space<semaphore_mem>>
      %dma_start3A_49 = arith.constant 0 : i32
      %dma_start3A_50 = tpu.memref_slice %arg26[%run_scoped3A, %dma_start3A_49] : memref<8x2048xf32, #tpu.memory_space<vmem>> -> memref<1x2048xf32, #tpu.memory_space<vmem>>
      %dma_start3A_51 = tpu.memref_squeeze %dma_start3A_50 : memref<1x2048xf32, #tpu.memory_space<vmem>> -> memref<2048xf32, #tpu.memory_space<vmem>>
      %dma_start3A_52 = tpu.memref_slice %arg2[%mul3A_2] : memref<65536xf32, #tpu.memory_space<hbm>> -> memref<2048xf32, #tpu.memory_space<hbm>>
      %dma_start3A_53 = arith.constant 0 : i32
      %dma_start3A_54 = tpu.memref_slice %arg26[%run_scoped3A, %dma_start3A_53] : memref<8x2048xf32, #tpu.memory_space<vmem>> -> memref<1x2048xf32, #tpu.memory_space<vmem>>
      %dma_start3A_55 = tpu.memref_squeeze %dma_start3A_54 : memref<1x2048xf32, #tpu.memory_space<vmem>> -> memref<2048xf32, #tpu.memory_space<vmem>>
      %dma_start3A_56 = tpu.memref_slice %arg2[%mul3A_2] : memref<65536xf32, #tpu.memory_space<hbm>> -> memref<2048xf32, #tpu.memory_space<hbm>>
      tpu.enqueue_dma source(%dma_start3A_56 : memref<2048xf32, #tpu.memory_space<hbm>>) target(%dma_start3A_55 : memref<2048xf32, #tpu.memory_space<vmem>>) target_semaphore(%run_scoped3A_48 : memref<!tpu.dma_semaphore, #tpu.memory_space<semaphore_mem>>)
      %dma_wait3A_57 = arith.constant 0 : i32
      %dma_wait3A_58 = tpu.memref_slice %arg26[%run_scoped3A, %dma_wait3A_57] : memref<8x2048xf32, #tpu.memory_space<vmem>> -> memref<1x2048xf32, #tpu.memory_space<vmem>>
      %dma_wait3A_59 = tpu.memref_squeeze %dma_wait3A_58 : memref<1x2048xf32, #tpu.memory_space<vmem>> -> memref<2048xf32, #tpu.memory_space<vmem>>
      %dma_wait3A_60 = tpu.memref_slice %arg2[%mul3A_2] : memref<65536xf32, #tpu.memory_space<hbm>> -> memref<2048xf32, #tpu.memory_space<hbm>>
      %dma_wait3A_61 = arith.constant 0 : i32
      %dma_wait3A_62 = tpu.memref_slice %arg26[%run_scoped3A, %dma_wait3A_61] : memref<8x2048xf32, #tpu.memory_space<vmem>> -> memref<1x2048xf32, #tpu.memory_space<vmem>>
      %dma_wait3A_63 = tpu.memref_squeeze %dma_wait3A_62 : memref<1x2048xf32, #tpu.memory_space<vmem>> -> memref<2048xf32, #tpu.memory_space<vmem>>
      %dma_wait3A_64 = tpu.memref_slice %arg2[%mul3A_2] : memref<65536xf32, #tpu.memory_space<hbm>> -> memref<2048xf32, #tpu.memory_space<hbm>>
      tpu.wait_dma2 semaphore(%run_scoped3A_48 : memref<!tpu.dma_semaphore, #tpu.memory_space<semaphore_mem>>) src(%dma_wait3A_64 : memref<2048xf32, #tpu.memory_space<hbm>>) dst(%dma_wait3A_63 : memref<2048xf32, #tpu.memory_space<vmem>>)
      tpu.yield
    }) : () -> ()
    %run_scoped3A_3 = arith.constant 1 : i32
    "tpu.region"() ({
      %run_scoped3A_48 = tpu.sem_alloc : memref<!tpu.dma_semaphore, #tpu.memory_space<semaphore_mem>>
      %dma_start3A_49 = arith.constant 0 : i32
      %dma_start3A_50 = tpu.memref_slice %arg26[%run_scoped3A_3, %dma_start3A_49] : memref<8x2048xf32, #tpu.memory_space<vmem>> -> memref<1x2048xf32, #tpu.memory_space<vmem>>
      %dma_start3A_51 = tpu.memref_squeeze %dma_start3A_50 : memref<1x2048xf32, #tpu.memory_space<vmem>> -> memref<2048xf32, #tpu.memory_space<vmem>>
      %dma_start3A_52 = tpu.memref_slice %arg3[%mul3A_2] : memref<65536xf32, #tpu.memory_space<hbm>> -> memref<2048xf32, #tpu.memory_space<hbm>>
      %dma_start3A_53 = arith.constant 0 : i32
      %dma_start3A_54 = tpu.memref_slice %arg26[%run_scoped3A_3, %dma_start3A_53] : memref<8x2048xf32, #tpu.memory_space<vmem>> -> memref<1x2048xf32, #tpu.memory_space<vmem>>
      %dma_start3A_55 = tpu.memref_squeeze %dma_start3A_54 : memref<1x2048xf32, #tpu.memory_space<vmem>> -> memref<2048xf32, #tpu.memory_space<vmem>>
      %dma_start3A_56 = tpu.memref_slice %arg3[%mul3A_2] : memref<65536xf32, #tpu.memory_space<hbm>> -> memref<2048xf32, #tpu.memory_space<hbm>>
      tpu.enqueue_dma source(%dma_start3A_56 : memref<2048xf32, #tpu.memory_space<hbm>>) target(%dma_start3A_55 : memref<2048xf32, #tpu.memory_space<vmem>>) target_semaphore(%run_scoped3A_48 : memref<!tpu.dma_semaphore, #tpu.memory_space<semaphore_mem>>)
      %dma_wait3A_57 = arith.constant 0 : i32
      %dma_wait3A_58 = tpu.memref_slice %arg26[%run_scoped3A_3, %dma_wait3A_57] : memref<8x2048xf32, #tpu.memory_space<vmem>> -> memref<1x2048xf32, #tpu.memory_space<vmem>>
      %dma_wait3A_59 = tpu.memref_squeeze %dma_wait3A_58 : memref<1x2048xf32, #tpu.memory_space<vmem>> -> memref<2048xf32, #tpu.memory_space<vmem>>
      %dma_wait3A_60 = tpu.memref_slice %arg3[%mul3A_2] : memref<65536xf32, #tpu.memory_space<hbm>> -> memref<2048xf32, #tpu.memory_space<hbm>>
      %dma_wait3A_61 = arith.constant 0 : i32
      %dma_wait3A_62 = tpu.memref_slice %arg26[%run_scoped3A_3, %dma_wait3A_61] : memref<8x2048xf32, #tpu.memory_space<vmem>> -> memref<1x2048xf32, #tpu.memory_space<vmem>>
      %dma_wait3A_63 = tpu.memref_squeeze %dma_wait3A_62 : memref<1x2048xf32, #tpu.memory_space<vmem>> -> memref<2048xf32, #tpu.memory_space<vmem>>
      %dma_wait3A_64 = tpu.memref_slice %arg3[%mul3A_2] : memref<65536xf32, #tpu.memory_space<hbm>> -> memref<2048xf32, #tpu.memory_space<hbm>>
      tpu.wait_dma2 semaphore(%run_scoped3A_48 : memref<!tpu.dma_semaphore, #tpu.memory_space<semaphore_mem>>) src(%dma_wait3A_64 : memref<2048xf32, #tpu.memory_space<hbm>>) dst(%dma_wait3A_63 : memref<2048xf32, #tpu.memory_space<vmem>>)
      tpu.yield
    }) : () -> ()
    %run_scoped3A_4 = arith.constant 2 : i32
    "tpu.region"() ({
      %run_scoped3A_48 = tpu.sem_alloc : memref<!tpu.dma_semaphore, #tpu.memory_space<semaphore_mem>>
      %dma_start3A_49 = arith.constant 0 : i32
      %dma_start3A_50 = tpu.memref_slice %arg26[%run_scoped3A_4, %dma_start3A_49] : memref<8x2048xf32, #tpu.memory_space<vmem>> -> memref<1x2048xf32, #tpu.memory_space<vmem>>
      %dma_start3A_51 = tpu.memref_squeeze %dma_start3A_50 : memref<1x2048xf32, #tpu.memory_space<vmem>> -> memref<2048xf32, #tpu.memory_space<vmem>>
      %dma_start3A_52 = tpu.memref_slice %arg4[%mul3A_2] : memref<65536xf32, #tpu.memory_space<hbm>> -> memref<2048xf32, #tpu.memory_space<hbm>>
      %dma_start3A_53 = arith.constant 0 : i32
      %dma_start3A_54 = tpu.memref_slice %arg26[%run_scoped3A_4, %dma_start3A_53] : memref<8x2048xf32, #tpu.memory_space<vmem>> -> memref<1x2048xf32, #tpu.memory_space<vmem>>
      %dma_start3A_55 = tpu.memref_squeeze %dma_start3A_54 : memref<1x2048xf32, #tpu.memory_space<vmem>> -> memref<2048xf32, #tpu.memory_space<vmem>>
      %dma_start3A_56 = tpu.memref_slice %arg4[%mul3A_2] : memref<65536xf32, #tpu.memory_space<hbm>> -> memref<2048xf32, #tpu.memory_space<hbm>>
      tpu.enqueue_dma source(%dma_start3A_56 : memref<2048xf32, #tpu.memory_space<hbm>>) target(%dma_start3A_55 : memref<2048xf32, #tpu.memory_space<vmem>>) target_semaphore(%run_scoped3A_48 : memref<!tpu.dma_semaphore, #tpu.memory_space<semaphore_mem>>)
      %dma_wait3A_57 = arith.constant 0 : i32
      %dma_wait3A_58 = tpu.memref_slice %arg26[%run_scoped3A_4, %dma_wait3A_57] : memref<8x2048xf32, #tpu.memory_space<vmem>> -> memref<1x2048xf32, #tpu.memory_space<vmem>>
      %dma_wait3A_59 = tpu.memref_squeeze %dma_wait3A_58 : memref<1x2048xf32, #tpu.memory_space<vmem>> -> memref<2048xf32, #tpu.memory_space<vmem>>
      %dma_wait3A_60 = tpu.memref_slice %arg4[%mul3A_2] : memref<65536xf32, #tpu.memory_space<hbm>> -> memref<2048xf32, #tpu.memory_space<hbm>>
      %dma_wait3A_61 = arith.constant 0 : i32
      %dma_wait3A_62 = tpu.memref_slice %arg26[%run_scoped3A_4, %dma_wait3A_61] : memref<8x2048xf32, #tpu.memory_space<vmem>> -> memref<1x2048xf32, #tpu.memory_space<vmem>>
      %dma_wait3A_63 = tpu.memref_squeeze %dma_wait3A_62 : memref<1x2048xf32, #tpu.memory_space<vmem>> -> memref<2048xf32, #tpu.memory_space<vmem>>
      %dma_wait3A_64 = tpu.memref_slice %arg4[%mul3A_2] : memref<65536xf32, #tpu.memory_space<hbm>> -> memref<2048xf32, #tpu.memory_space<hbm>>
      tpu.wait_dma2 semaphore(%run_scoped3A_48 : memref<!tpu.dma_semaphore, #tpu.memory_space<semaphore_mem>>) src(%dma_wait3A_64 : memref<2048xf32, #tpu.memory_space<hbm>>) dst(%dma_wait3A_63 : memref<2048xf32, #tpu.memory_space<vmem>>)
      tpu.yield
    }) : () -> ()
    %run_scoped3A_5 = arith.constant 3 : i32
    "tpu.region"() ({
      %run_scoped3A_48 = tpu.sem_alloc : memref<!tpu.dma_semaphore, #tpu.memory_space<semaphore_mem>>
      %dma_start3A_49 = arith.constant 0 : i32
      %dma_start3A_50 = tpu.memref_slice %arg26[%run_scoped3A_5, %dma_start3A_49] : memref<8x2048xf32, #tpu.memory_space<vmem>> -> memref<1x2048xf32, #tpu.memory_space<vmem>>
      %dma_start3A_51 = tpu.memref_squeeze %dma_start3A_50 : memref<1x2048xf32, #tpu.memory_space<vmem>> -> memref<2048xf32, #tpu.memory_space<vmem>>
      %dma_start3A_52 = tpu.memref_slice %arg5[%mul3A_2] : memref<65536xf32, #tpu.memory_space<hbm>> -> memref<2048xf32, #tpu.memory_space<hbm>>
      %dma_start3A_53 = arith.constant 0 : i32
      %dma_start3A_54 = tpu.memref_slice %arg26[%run_scoped3A_5, %dma_start3A_53] : memref<8x2048xf32, #tpu.memory_space<vmem>> -> memref<1x2048xf32, #tpu.memory_space<vmem>>
      %dma_start3A_55 = tpu.memref_squeeze %dma_start3A_54 : memref<1x2048xf32, #tpu.memory_space<vmem>> -> memref<2048xf32, #tpu.memory_space<vmem>>
      %dma_start3A_56 = tpu.memref_slice %arg5[%mul3A_2] : memref<65536xf32, #tpu.memory_space<hbm>> -> memref<2048xf32, #tpu.memory_space<hbm>>
      tpu.enqueue_dma source(%dma_start3A_56 : memref<2048xf32, #tpu.memory_space<hbm>>) target(%dma_start3A_55 : memref<2048xf32, #tpu.memory_space<vmem>>) target_semaphore(%run_scoped3A_48 : memref<!tpu.dma_semaphore, #tpu.memory_space<semaphore_mem>>)
      %dma_wait3A_57 = arith.constant 0 : i32
      %dma_wait3A_58 = tpu.memref_slice %arg26[%run_scoped3A_5, %dma_wait3A_57] : memref<8x2048xf32, #tpu.memory_space<vmem>> -> memref<1x2048xf32, #tpu.memory_space<vmem>>
      %dma_wait3A_59 = tpu.memref_squeeze %dma_wait3A_58 : memref<1x2048xf32, #tpu.memory_space<vmem>> -> memref<2048xf32, #tpu.memory_space<vmem>>
      %dma_wait3A_60 = tpu.memref_slice %arg5[%mul3A_2] : memref<65536xf32, #tpu.memory_space<hbm>> -> memref<2048xf32, #tpu.memory_space<hbm>>
      %dma_wait3A_61 = arith.constant 0 : i32
      %dma_wait3A_62 = tpu.memref_slice %arg26[%run_scoped3A_5, %dma_wait3A_61] : memref<8x2048xf32, #tpu.memory_space<vmem>> -> memref<1x2048xf32, #tpu.memory_space<vmem>>
      %dma_wait3A_63 = tpu.memref_squeeze %dma_wait3A_62 : memref<1x2048xf32, #tpu.memory_space<vmem>> -> memref<2048xf32, #tpu.memory_space<vmem>>
      %dma_wait3A_64 = tpu.memref_slice %arg5[%mul3A_2] : memref<65536xf32, #tpu.memory_space<hbm>> -> memref<2048xf32, #tpu.memory_space<hbm>>
      tpu.wait_dma2 semaphore(%run_scoped3A_48 : memref<!tpu.dma_semaphore, #tpu.memory_space<semaphore_mem>>) src(%dma_wait3A_64 : memref<2048xf32, #tpu.memory_space<hbm>>) dst(%dma_wait3A_63 : memref<2048xf32, #tpu.memory_space<vmem>>)
      tpu.yield
    }) : () -> ()
    %run_scoped3A_6 = arith.constant 4 : i32
    "tpu.region"() ({
      %run_scoped3A_48 = tpu.sem_alloc : memref<!tpu.dma_semaphore, #tpu.memory_space<semaphore_mem>>
      %dma_start3A_49 = arith.constant 0 : i32
      %dma_start3A_50 = tpu.memref_slice %arg26[%run_scoped3A_6, %dma_start3A_49] : memref<8x2048xf32, #tpu.memory_space<vmem>> -> memref<1x2048xf32, #tpu.memory_space<vmem>>
      %dma_start3A_51 = tpu.memref_squeeze %dma_start3A_50 : memref<1x2048xf32, #tpu.memory_space<vmem>> -> memref<2048xf32, #tpu.memory_space<vmem>>
      %dma_start3A_52 = tpu.memref_slice %arg6[%mul3A_2] : memref<65536xf32, #tpu.memory_space<hbm>> -> memref<2048xf32, #tpu.memory_space<hbm>>
      %dma_start3A_53 = arith.constant 0 : i32
      %dma_start3A_54 = tpu.memref_slice %arg26[%run_scoped3A_6, %dma_start3A_53] : memref<8x2048xf32, #tpu.memory_space<vmem>> -> memref<1x2048xf32, #tpu.memory_space<vmem>>
      %dma_start3A_55 = tpu.memref_squeeze %dma_start3A_54 : memref<1x2048xf32, #tpu.memory_space<vmem>> -> memref<2048xf32, #tpu.memory_space<vmem>>
      %dma_start3A_56 = tpu.memref_slice %arg6[%mul3A_2] : memref<65536xf32, #tpu.memory_space<hbm>> -> memref<2048xf32, #tpu.memory_space<hbm>>
      tpu.enqueue_dma source(%dma_start3A_56 : memref<2048xf32, #tpu.memory_space<hbm>>) target(%dma_start3A_55 : memref<2048xf32, #tpu.memory_space<vmem>>) target_semaphore(%run_scoped3A_48 : memref<!tpu.dma_semaphore, #tpu.memory_space<semaphore_mem>>)
      %dma_wait3A_57 = arith.constant 0 : i32
      %dma_wait3A_58 = tpu.memref_slice %arg26[%run_scoped3A_6, %dma_wait3A_57] : memref<8x2048xf32, #tpu.memory_space<vmem>> -> memref<1x2048xf32, #tpu.memory_space<vmem>>
      %dma_wait3A_59 = tpu.memref_squeeze %dma_wait3A_58 : memref<1x2048xf32, #tpu.memory_space<vmem>> -> memref<2048xf32, #tpu.memory_space<vmem>>
      %dma_wait3A_60 = tpu.memref_slice %arg6[%mul3A_2] : memref<65536xf32, #tpu.memory_space<hbm>> -> memref<2048xf32, #tpu.memory_space<hbm>>
      %dma_wait3A_61 = arith.constant 0 : i32
      %dma_wait3A_62 = tpu.memref_slice %arg26[%run_scoped3A_6, %dma_wait3A_61] : memref<8x2048xf32, #tpu.memory_space<vmem>> -> memref<1x2048xf32, #tpu.memory_space<vmem>>
      %dma_wait3A_63 = tpu.memref_squeeze %dma_wait3A_62 : memref<1x2048xf32, #tpu.memory_space<vmem>> -> memref<2048xf32, #tpu.memory_space<vmem>>
      %dma_wait3A_64 = tpu.memref_slice %arg6[%mul3A_2] : memref<65536xf32, #tpu.memory_space<hbm>> -> memref<2048xf32, #tpu.memory_space<hbm>>
      tpu.wait_dma2 semaphore(%run_scoped3A_48 : memref<!tpu.dma_semaphore, #tpu.memory_space<semaphore_mem>>) src(%dma_wait3A_64 : memref<2048xf32, #tpu.memory_space<hbm>>) dst(%dma_wait3A_63 : memref<2048xf32, #tpu.memory_space<vmem>>)
      tpu.yield
    }) : () -> ()
    %run_scoped3A_7 = arith.constant 5 : i32
    "tpu.region"() ({
      %run_scoped3A_48 = tpu.sem_alloc : memref<!tpu.dma_semaphore, #tpu.memory_space<semaphore_mem>>
      %dma_start3A_49 = arith.constant 0 : i32
      %dma_start3A_50 = tpu.memref_slice %arg26[%run_scoped3A_7, %dma_start3A_49] : memref<8x2048xf32, #tpu.memory_space<vmem>> -> memref<1x2048xf32, #tpu.memory_space<vmem>>
      %dma_start3A_51 = tpu.memref_squeeze %dma_start3A_50 : memref<1x2048xf32, #tpu.memory_space<vmem>> -> memref<2048xf32, #tpu.memory_space<vmem>>
      %dma_start3A_52 = tpu.memref_slice %arg7[%mul3A_2] : memref<65536xf32, #tpu.memory_space<hbm>> -> memref<2048xf32, #tpu.memory_space<hbm>>
      %dma_start3A_53 = arith.constant 0 : i32
      %dma_start3A_54 = tpu.memref_slice %arg26[%run_scoped3A_7, %dma_start3A_53] : memref<8x2048xf32, #tpu.memory_space<vmem>> -> memref<1x2048xf32, #tpu.memory_space<vmem>>
      %dma_start3A_55 = tpu.memref_squeeze %dma_start3A_54 : memref<1x2048xf32, #tpu.memory_space<vmem>> -> memref<2048xf32, #tpu.memory_space<vmem>>
      %dma_start3A_56 = tpu.memref_slice %arg7[%mul3A_2] : memref<65536xf32, #tpu.memory_space<hbm>> -> memref<2048xf32, #tpu.memory_space<hbm>>
      tpu.enqueue_dma source(%dma_start3A_56 : memref<2048xf32, #tpu.memory_space<hbm>>) target(%dma_start3A_55 : memref<2048xf32, #tpu.memory_space<vmem>>) target_semaphore(%run_scoped3A_48 : memref<!tpu.dma_semaphore, #tpu.memory_space<semaphore_mem>>)
      %dma_wait3A_57 = arith.constant 0 : i32
      %dma_wait3A_58 = tpu.memref_slice %arg26[%run_scoped3A_7, %dma_wait3A_57] : memref<8x2048xf32, #tpu.memory_space<vmem>> -> memref<1x2048xf32, #tpu.memory_space<vmem>>
      %dma_wait3A_59 = tpu.memref_squeeze %dma_wait3A_58 : memref<1x2048xf32, #tpu.memory_space<vmem>> -> memref<2048xf32, #tpu.memory_space<vmem>>
      %dma_wait3A_60 = tpu.memref_slice %arg7[%mul3A_2] : memref<65536xf32, #tpu.memory_space<hbm>> -> memref<2048xf32, #tpu.memory_space<hbm>>
      %dma_wait3A_61 = arith.constant 0 : i32
      %dma_wait3A_62 = tpu.memref_slice %arg26[%run_scoped3A_7, %dma_wait3A_61] : memref<8x2048xf32, #tpu.memory_space<vmem>> -> memref<1x2048xf32, #tpu.memory_space<vmem>>
      %dma_wait3A_63 = tpu.memref_squeeze %dma_wait3A_62 : memref<1x2048xf32, #tpu.memory_space<vmem>> -> memref<2048xf32, #tpu.memory_space<vmem>>
      %dma_wait3A_64 = tpu.memref_slice %arg7[%mul3A_2] : memref<65536xf32, #tpu.memory_space<hbm>> -> memref<2048xf32, #tpu.memory_space<hbm>>
      tpu.wait_dma2 semaphore(%run_scoped3A_48 : memref<!tpu.dma_semaphore, #tpu.memory_space<semaphore_mem>>) src(%dma_wait3A_64 : memref<2048xf32, #tpu.memory_space<hbm>>) dst(%dma_wait3A_63 : memref<2048xf32, #tpu.memory_space<vmem>>)
      tpu.yield
    }) : () -> ()
    %run_scoped3A_8 = arith.constant 6 : i32
    "tpu.region"() ({
      %run_scoped3A_48 = tpu.sem_alloc : memref<!tpu.dma_semaphore, #tpu.memory_space<semaphore_mem>>
      %dma_start3A_49 = arith.constant 0 : i32
      %dma_start3A_50 = tpu.memref_slice %arg26[%run_scoped3A_8, %dma_start3A_49] : memref<8x2048xf32, #tpu.memory_space<vmem>> -> memref<1x2048xf32, #tpu.memory_space<vmem>>
      %dma_start3A_51 = tpu.memref_squeeze %dma_start3A_50 : memref<1x2048xf32, #tpu.memory_space<vmem>> -> memref<2048xf32, #tpu.memory_space<vmem>>
      %dma_start3A_52 = tpu.memref_slice %arg8[%mul3A_2] : memref<65536xf32, #tpu.memory_space<hbm>> -> memref<2048xf32, #tpu.memory_space<hbm>>
      %dma_start3A_53 = arith.constant 0 : i32
      %dma_start3A_54 = tpu.memref_slice %arg26[%run_scoped3A_8, %dma_start3A_53] : memref<8x2048xf32, #tpu.memory_space<vmem>> -> memref<1x2048xf32, #tpu.memory_space<vmem>>
      %dma_start3A_55 = tpu.memref_squeeze %dma_start3A_54 : memref<1x2048xf32, #tpu.memory_space<vmem>> -> memref<2048xf32, #tpu.memory_space<vmem>>
      %dma_start3A_56 = tpu.memref_slice %arg8[%mul3A_2] : memref<65536xf32, #tpu.memory_space<hbm>> -> memref<2048xf32, #tpu.memory_space<hbm>>
      tpu.enqueue_dma source(%dma_start3A_56 : memref<2048xf32, #tpu.memory_space<hbm>>) target(%dma_start3A_55 : memref<2048xf32, #tpu.memory_space<vmem>>) target_semaphore(%run_scoped3A_48 : memref<!tpu.dma_semaphore, #tpu.memory_space<semaphore_mem>>)
      %dma_wait3A_57 = arith.constant 0 : i32
      %dma_wait3A_58 = tpu.memref_slice %arg26[%run_scoped3A_8, %dma_wait3A_57] : memref<8x2048xf32, #tpu.memory_space<vmem>> -> memref<1x2048xf32, #tpu.memory_space<vmem>>
      %dma_wait3A_59 = tpu.memref_squeeze %dma_wait3A_58 : memref<1x2048xf32, #tpu.memory_space<vmem>> -> memref<2048xf32, #tpu.memory_space<vmem>>
      %dma_wait3A_60 = tpu.memref_slice %arg8[%mul3A_2] : memref<65536xf32, #tpu.memory_space<hbm>> -> memref<2048xf32, #tpu.memory_space<hbm>>
      %dma_wait3A_61 = arith.constant 0 : i32
      %dma_wait3A_62 = tpu.memref_slice %arg26[%run_scoped3A_8, %dma_wait3A_61] : memref<8x2048xf32, #tpu.memory_space<vmem>> -> memref<1x2048xf32, #tpu.memory_space<vmem>>
      %dma_wait3A_63 = tpu.memref_squeeze %dma_wait3A_62 : memref<1x2048xf32, #tpu.memory_space<vmem>> -> memref<2048xf32, #tpu.memory_space<vmem>>
      %dma_wait3A_64 = tpu.memref_slice %arg8[%mul3A_2] : memref<65536xf32, #tpu.memory_space<hbm>> -> memref<2048xf32, #tpu.memory_space<hbm>>
      tpu.wait_dma2 semaphore(%run_scoped3A_48 : memref<!tpu.dma_semaphore, #tpu.memory_space<semaphore_mem>>) src(%dma_wait3A_64 : memref<2048xf32, #tpu.memory_space<hbm>>) dst(%dma_wait3A_63 : memref<2048xf32, #tpu.memory_space<vmem>>)
      tpu.yield
    }) : () -> ()
    %run_scoped3A_9 = arith.constant 7 : i32
    "tpu.region"() ({
      %run_scoped3A_48 = tpu.sem_alloc : memref<!tpu.dma_semaphore, #tpu.memory_space<semaphore_mem>>
      %dma_start3A_49 = arith.constant 0 : i32
      %dma_start3A_50 = tpu.memref_slice %arg26[%run_scoped3A_9, %dma_start3A_49] : memref<8x2048xf32, #tpu.memory_space<vmem>> -> memref<1x2048xf32, #tpu.memory_space<vmem>>
      %dma_start3A_51 = tpu.memref_squeeze %dma_start3A_50 : memref<1x2048xf32, #tpu.memory_space<vmem>> -> memref<2048xf32, #tpu.memory_space<vmem>>
      %dma_start3A_52 = tpu.memref_slice %arg9[%mul3A_2] : memref<65536xf32, #tpu.memory_space<hbm>> -> memref<2048xf32, #tpu.memory_space<hbm>>
      %dma_start3A_53 = arith.constant 0 : i32
      %dma_start3A_54 = tpu.memref_slice %arg26[%run_scoped3A_9, %dma_start3A_53] : memref<8x2048xf32, #tpu.memory_space<vmem>> -> memref<1x2048xf32, #tpu.memory_space<vmem>>
      %dma_start3A_55 = tpu.memref_squeeze %dma_start3A_54 : memref<1x2048xf32, #tpu.memory_space<vmem>> -> memref<2048xf32, #tpu.memory_space<vmem>>
      %dma_start3A_56 = tpu.memref_slice %arg9[%mul3A_2] : memref<65536xf32, #tpu.memory_space<hbm>> -> memref<2048xf32, #tpu.memory_space<hbm>>
      tpu.enqueue_dma source(%dma_start3A_56 : memref<2048xf32, #tpu.memory_space<hbm>>) target(%dma_start3A_55 : memref<2048xf32, #tpu.memory_space<vmem>>) target_semaphore(%run_scoped3A_48 : memref<!tpu.dma_semaphore, #tpu.memory_space<semaphore_mem>>)
      %dma_wait3A_57 = arith.constant 0 : i32
      %dma_wait3A_58 = tpu.memref_slice %arg26[%run_scoped3A_9, %dma_wait3A_57] : memref<8x2048xf32, #tpu.memory_space<vmem>> -> memref<1x2048xf32, #tpu.memory_space<vmem>>
      %dma_wait3A_59 = tpu.memref_squeeze %dma_wait3A_58 : memref<1x2048xf32, #tpu.memory_space<vmem>> -> memref<2048xf32, #tpu.memory_space<vmem>>
      %dma_wait3A_60 = tpu.memref_slice %arg9[%mul3A_2] : memref<65536xf32, #tpu.memory_space<hbm>> -> memref<2048xf32, #tpu.memory_space<hbm>>
      %dma_wait3A_61 = arith.constant 0 : i32
      %dma_wait3A_62 = tpu.memref_slice %arg26[%run_scoped3A_9, %dma_wait3A_61] : memref<8x2048xf32, #tpu.memory_space<vmem>> -> memref<1x2048xf32, #tpu.memory_space<vmem>>
      %dma_wait3A_63 = tpu.memref_squeeze %dma_wait3A_62 : memref<1x2048xf32, #tpu.memory_space<vmem>> -> memref<2048xf32, #tpu.memory_space<vmem>>
      %dma_wait3A_64 = tpu.memref_slice %arg9[%mul3A_2] : memref<65536xf32, #tpu.memory_space<hbm>> -> memref<2048xf32, #tpu.memory_space<hbm>>
      tpu.wait_dma2 semaphore(%run_scoped3A_48 : memref<!tpu.dma_semaphore, #tpu.memory_space<semaphore_mem>>) src(%dma_wait3A_64 : memref<2048xf32, #tpu.memory_space<hbm>>) dst(%dma_wait3A_63 : memref<2048xf32, #tpu.memory_space<vmem>>)
      tpu.yield
    }) : () -> ()
    %scan3A = arith.constant 0 : i32
    %scan3A_10 = arith.constant 0 : i32
    %scan3A_11 = arith.constant 128 : i32
    %scan3A_12 = arith.addi %scan3A_10, %scan3A_11 : i32
    %scan3A_13 = arith.constant 1 : i32
    %scan3A_14 = scf.for %scan3A_48 = %scan3A_10 to %scan3A_12 step %scan3A_13 iter_args(%scan3A_49 = %scan3A) -> (i32)  : i32 {
      %mul3A_50 = arith.constant 16 : i32
      %mul3A_51 = arith.muli %scan3A_48, %mul3A_50 : i32
      %get3A = arith.index_cast %mul3A_51 : i32 to index
      %get3A_52 = tpu.vector_load %arg21[%get3A] {strides = array<i32>} : memref<2048xi32, #tpu.memory_space<vmem>>, vector<16xi32>,
      %shift_right_arithmetic3A = arith.constant 3 : i32
      %shift_right_arithmetic3A_53 = vector.broadcast %shift_right_arithmetic3A : i32 to vector<16xi32>
      %shift_right_arithmetic3A_54 = arith.shrsi %get3A_52, %shift_right_arithmetic3A_53 : vector<16xi32>
      %mul3A_55 = arith.constant 16 : i32
      %mul3A_56 = arith.muli %scan3A_48, %mul3A_55 : i32
      %swap3A = arith.index_cast %mul3A_56 : i32 to index
      %swap3A_57 = tpu.vector_load %arg22[%swap3A] {strides = array<i32>} : memref<2048xi32, #tpu.memory_space<vmem>>, vector<16xi32>,
      tpu.vector_store %arg22[%swap3A], %shift_right_arithmetic3A_54 {strides = array<i32>} : memref<2048xi32, #tpu.memory_space<vmem>>, vector<16xi32>,
      %scan3A_58 = arith.constant 0 : i32
      scf.yield %scan3A_58 : i32
    }
    %scan3A_15 = arith.constant 128 : i32
    %dma_start3A = arith.constant 0 : i32
    %dma_start3A_16 = arith.constant 0 : i32
    %dma_start3A_17 = tpu.memref_slice %arg12[%dma_start3A, %dma_start3A_16] : memref<262144x8xi32, #tpu.memory_space<hbm>> -> memref<262144x8xi32, #tpu.memory_space<hbm>>
    tpu.enqueue_indirect_dma source(%dma_start3A_17 : memref<262144x8xi32, #tpu.memory_space<hbm>>) target(%arg23 : memref<2048x8xi32, #tpu.memory_space<vmem>>) offsets(%arg22 : memref<2048xi32, #tpu.memory_space<vmem>>) semaphore(%arg30 : memref<!tpu.dma_semaphore, #tpu.memory_space<semaphore_mem>>)
    %dma_wait3A = arith.constant 0 : i32
    %dma_wait3A_18 = arith.constant 0 : i32
    %dma_wait3A_19 = tpu.memref_slice %arg12[%dma_wait3A, %dma_wait3A_18] : memref<262144x8xi32, #tpu.memory_space<hbm>> -> memref<262144x8xi32, #tpu.memory_space<hbm>>
    tpu.wait_indirect_dma semaphore(%arg30 : memref<!tpu.dma_semaphore, #tpu.memory_space<semaphore_mem>>) src(%dma_wait3A_19 : memref<262144x8xi32, #tpu.memory_space<hbm>>) dst(%arg23 : memref<2048x8xi32, #tpu.memory_space<vmem>>)
    %iota3A = tpu.iota {dimensions = array<i32: 0>} : vector<16xi32>
    %scan3A_20 = arith.constant 0 : i32
    %scan3A_21 = arith.constant 0 : i32
    %scan3A_22 = arith.constant 128 : i32
    %scan3A_23 = arith.addi %scan3A_21, %scan3A_22 : i32
    %scan3A_24 = arith.constant 1 : i32
    %scan3A_25 = scf.for %scan3A_48 = %scan3A_21 to %scan3A_23 step %scan3A_24 iter_args(%scan3A_49 = %scan3A_20) -> (i32)  : i32 {
      %mul3A_50 = arith.constant 16 : i32
      %mul3A_51 = arith.muli %scan3A_48, %mul3A_50 : i32
      %get3A = arith.index_cast %mul3A_51 : i32 to index
      %get3A_52 = tpu.vector_load %arg21[%get3A] {strides = array<i32>} : memref<2048xi32, #tpu.memory_space<vmem>>, vector<16xi32>,
      %mul3A_53 = arith.constant 16 : i32
      %mul3A_54 = arith.muli %scan3A_48, %mul3A_53 : i32
      %add3A_55 = vector.broadcast %mul3A_54 : i32 to vector<16xi32>
      %add3A_56 = arith.addi %iota3A, %add3A_55 : vector<16xi32>
      %and3A = arith.constant 7 : i32
      %and3A_57 = vector.broadcast %and3A : i32 to vector<16xi32>
      %and3A_58 = arith.andi %get3A_52, %and3A_57 : vector<16xi32>
      %gather3A = tpu.vector_load_idx %arg23[%add3A_56, %and3A_58] : memref<2048x8xi32, #tpu.memory_space<vmem>>[vector<16xi32>, vector<16xi32>], vector<16xi32>,
      %mul3A_59 = arith.constant 16 : i32
      %mul3A_60 = arith.muli %scan3A_48, %mul3A_59 : i32
      %swap3A = arith.index_cast %mul3A_60 : i32 to index
      %swap3A_61 = tpu.vector_load %arg24[%swap3A] {strides = array<i32>} : memref<2048xi32, #tpu.memory_space<vmem>>, vector<16xi32>,
      tpu.vector_store %arg24[%swap3A], %gather3A {strides = array<i32>} : memref<2048xi32, #tpu.memory_space<vmem>>, vector<16xi32>,
      %gt3A = arith.constant 0 : i32
      %gt3A_62 = vector.broadcast %gt3A : i32 to vector<16xi32>
      %gt3A_63 = arith.cmpi sgt, %gather3A, %gt3A_62 : vector<16xi32>
      %sub3A = arith.constant 1 : i32
      %sub3A_64 = vector.broadcast %sub3A : i32 to vector<16xi32>
      %sub3A_65 = arith.subi %gather3A, %sub3A_64 : vector<16xi32>
      %add3A_66 = vector.broadcast %mul3A_2 : i32 to vector<16xi32>
      %add3A_67 = arith.addi %add3A_66, %add3A_56 : vector<16xi32>
      %select_n3A = arith.select %gt3A_63, %sub3A_65, %add3A_67 : vector<16xi1>, vector<16xi32>
      %mul3A_68 = arith.constant 16 : i32
      %mul3A_69 = arith.muli %scan3A_48, %mul3A_68 : i32
      %swap3A_70 = arith.index_cast %mul3A_69 : i32 to index
      %swap3A_71 = tpu.vector_load %arg25[%swap3A_70] {strides = array<i32>} : memref<2048xi32, #tpu.memory_space<vmem>>, vector<16xi32>,
      tpu.vector_store %arg25[%swap3A_70], %select_n3A {strides = array<i32>} : memref<2048xi32, #tpu.memory_space<vmem>>, vector<16xi32>,
      %scan3A_72 = arith.constant 0 : i32
      scf.yield %scan3A_72 : i32
    }
    %scan3A_26 = arith.constant 128 : i32
    %dma_start3A_27 = arith.constant 0 : i32
    %dma_start3A_28 = arith.constant 0 : i32
    %dma_start3A_29 = tpu.memref_slice %arg10[%dma_start3A_27, %dma_start3A_28] : memref<65536x8xf32, #tpu.memory_space<hbm>> -> memref<65536x8xf32, #tpu.memory_space<hbm>>
    tpu.enqueue_indirect_dma source(%dma_start3A_29 : memref<65536x8xf32, #tpu.memory_space<hbm>>) target(%arg27 : memref<2048x8xf32, #tpu.memory_space<vmem>>) offsets(%arg25 : memref<2048xi32, #tpu.memory_space<vmem>>) semaphore(%arg30 : memref<!tpu.dma_semaphore, #tpu.memory_space<semaphore_mem>>)
    %dma_wait3A_30 = arith.constant 0 : i32
    %dma_wait3A_31 = arith.constant 0 : i32
    %dma_wait3A_32 = tpu.memref_slice %arg10[%dma_wait3A_30, %dma_wait3A_31] : memref<65536x8xf32, #tpu.memory_space<hbm>> -> memref<65536x8xf32, #tpu.memory_space<hbm>>
    tpu.wait_indirect_dma semaphore(%arg30 : memref<!tpu.dma_semaphore, #tpu.memory_space<semaphore_mem>>) src(%dma_wait3A_32 : memref<65536x8xf32, #tpu.memory_space<hbm>>) dst(%arg27 : memref<2048x8xf32, #tpu.memory_space<vmem>>)
    %scan3A_33 = arith.constant 0 : i32
    %scan3A_34 = arith.constant 0 : i32
    %scan3A_35 = arith.constant 128 : i32
    %scan3A_36 = arith.addi %scan3A_34, %scan3A_35 : i32
    %scan3A_37 = arith.constant 1 : i32
    %scan3A_38 = scf.for %scan3A_48 = %scan3A_34 to %scan3A_36 step %scan3A_37 iter_args(%scan3A_49 = %scan3A_33) -> (i32)  : i32 {
      %mul3A_50 = arith.constant 16 : i32
      %mul3A_51 = arith.muli %scan3A_48, %mul3A_50 : i32
      %get3A = arith.index_cast %mul3A_51 : i32 to index
      %get3A_52 = tpu.vector_load %arg24[%get3A] {strides = array<i32>} : memref<2048xi32, #tpu.memory_space<vmem>>, vector<16xi32>,
      %gt3A = arith.constant 0 : i32
      %gt3A_53 = vector.broadcast %gt3A : i32 to vector<16xi32>
      %gt3A_54 = arith.cmpi sgt, %get3A_52, %gt3A_53 : vector<16xi32>
      %mul3A_55 = arith.constant 16 : i32
      %mul3A_56 = arith.muli %scan3A_48, %mul3A_55 : i32
      %add3A_57 = vector.broadcast %mul3A_56 : i32 to vector<16xi32>
      %add3A_58 = arith.addi %iota3A, %add3A_57 : vector<16xi32>
      %broadcast_in_dim3A = arith.constant 0 : i32
      %broadcast_in_dim3A_59 = vector.broadcast %broadcast_in_dim3A : i32 to vector<16xi32>
      %mul3A_60 = arith.constant 16 : i32
      %mul3A_61 = arith.muli %scan3A_48, %mul3A_60 : i32
      %get3A_62 = arith.constant 0 : i32
      %get3A_63 = arith.index_cast %get3A_62 : i32 to index
      %get3A_64 = arith.index_cast %mul3A_61 : i32 to index
      %get3A_65 = tpu.vector_load %arg26[%get3A_63, %get3A_64] {strides = array<i32>} : memref<8x2048xf32, #tpu.memory_space<vmem>>, vector<16xf32>,
      %gather3A = tpu.vector_load_idx %arg27[%add3A_58, %broadcast_in_dim3A_59] : memref<2048x8xf32, #tpu.memory_space<vmem>>[vector<16xi32>, vector<16xi32>], vector<16xf32>,
      %select_n3A = arith.select %gt3A_54, %gather3A, %get3A_65 : vector<16xi1>, vector<16xf32>
      %mul3A_66 = arith.constant 16 : i32
      %mul3A_67 = arith.muli %scan3A_48, %mul3A_66 : i32
      %swap3A = arith.constant 0 : i32
      %swap3A_68 = arith.index_cast %swap3A : i32 to index
      %swap3A_69 = arith.index_cast %mul3A_67 : i32 to index
      %swap3A_70 = tpu.vector_load %arg28[%swap3A_68, %swap3A_69] {strides = array<i32>} : memref<8x2048xf32, #tpu.memory_space<vmem>>, vector<16xf32>,
      tpu.vector_store %arg28[%swap3A_68, %swap3A_69], %select_n3A {strides = array<i32>} : memref<8x2048xf32, #tpu.memory_space<vmem>>, vector<16xf32>,
      %broadcast_in_dim3A_71 = arith.constant 1 : i32
      %broadcast_in_dim3A_72 = vector.broadcast %broadcast_in_dim3A_71 : i32 to vector<16xi32>
      %mul3A_73 = arith.constant 16 : i32
      %mul3A_74 = arith.muli %scan3A_48, %mul3A_73 : i32
      %get3A_75 = arith.constant 1 : i32
      %get3A_76 = arith.index_cast %get3A_75 : i32 to index
      %get3A_77 = arith.index_cast %mul3A_74 : i32 to index
      %get3A_78 = tpu.vector_load %arg26[%get3A_76, %get3A_77] {strides = array<i32>} : memref<8x2048xf32, #tpu.memory_space<vmem>>, vector<16xf32>,
      %gather3A_79 = tpu.vector_load_idx %arg27[%add3A_58, %broadcast_in_dim3A_72] : memref<2048x8xf32, #tpu.memory_space<vmem>>[vector<16xi32>, vector<16xi32>], vector<16xf32>,
      %select_n3A_80 = arith.select %gt3A_54, %gather3A_79, %get3A_78 : vector<16xi1>, vector<16xf32>
      %mul3A_81 = arith.constant 16 : i32
      %mul3A_82 = arith.muli %scan3A_48, %mul3A_81 : i32
      %swap3A_83 = arith.constant 1 : i32
      %swap3A_84 = arith.index_cast %swap3A_83 : i32 to index
      %swap3A_85 = arith.index_cast %mul3A_82 : i32 to index
      %swap3A_86 = tpu.vector_load %arg28[%swap3A_84, %swap3A_85] {strides = array<i32>} : memref<8x2048xf32, #tpu.memory_space<vmem>>, vector<16xf32>,
      tpu.vector_store %arg28[%swap3A_84, %swap3A_85], %select_n3A_80 {strides = array<i32>} : memref<8x2048xf32, #tpu.memory_space<vmem>>, vector<16xf32>,
      %broadcast_in_dim3A_87 = arith.constant 2 : i32
      %broadcast_in_dim3A_88 = vector.broadcast %broadcast_in_dim3A_87 : i32 to vector<16xi32>
      %mul3A_89 = arith.constant 16 : i32
      %mul3A_90 = arith.muli %scan3A_48, %mul3A_89 : i32
      %get3A_91 = arith.constant 2 : i32
      %get3A_92 = arith.index_cast %get3A_91 : i32 to index
      %get3A_93 = arith.index_cast %mul3A_90 : i32 to index
      %get3A_94 = tpu.vector_load %arg26[%get3A_92, %get3A_93] {strides = array<i32>} : memref<8x2048xf32, #tpu.memory_space<vmem>>, vector<16xf32>,
      %gather3A_95 = tpu.vector_load_idx %arg27[%add3A_58, %broadcast_in_dim3A_88] : memref<2048x8xf32, #tpu.memory_space<vmem>>[vector<16xi32>, vector<16xi32>], vector<16xf32>,
      %select_n3A_96 = arith.select %gt3A_54, %gather3A_95, %get3A_94 : vector<16xi1>, vector<16xf32>
      %mul3A_97 = arith.constant 16 : i32
      %mul3A_98 = arith.muli %scan3A_48, %mul3A_97 : i32
      %swap3A_99 = arith.constant 2 : i32
      %swap3A_100 = arith.index_cast %swap3A_99 : i32 to index
      %swap3A_101 = arith.index_cast %mul3A_98 : i32 to index
      %swap3A_102 = tpu.vector_load %arg28[%swap3A_100, %swap3A_101] {strides = array<i32>} : memref<8x2048xf32, #tpu.memory_space<vmem>>, vector<16xf32>,
      tpu.vector_store %arg28[%swap3A_100, %swap3A_101], %select_n3A_96 {strides = array<i32>} : memref<8x2048xf32, #tpu.memory_space<vmem>>, vector<16xf32>,
      %broadcast_in_dim3A_103 = arith.constant 3 : i32
      %broadcast_in_dim3A_104 = vector.broadcast %broadcast_in_dim3A_103 : i32 to vector<16xi32>
      %mul3A_105 = arith.constant 16 : i32
      %mul3A_106 = arith.muli %scan3A_48, %mul3A_105 : i32
      %get3A_107 = arith.constant 3 : i32
      %get3A_108 = arith.index_cast %get3A_107 : i32 to index
      %get3A_109 = arith.index_cast %mul3A_106 : i32 to index
      %get3A_110 = tpu.vector_load %arg26[%get3A_108, %get3A_109] {strides = array<i32>} : memref<8x2048xf32, #tpu.memory_space<vmem>>, vector<16xf32>,
      %gather3A_111 = tpu.vector_load_idx %arg27[%add3A_58, %broadcast_in_dim3A_104] : memref<2048x8xf32, #tpu.memory_space<vmem>>[vector<16xi32>, vector<16xi32>], vector<16xf32>,
      %select_n3A_112 = arith.select %gt3A_54, %gather3A_111, %get3A_110 : vector<16xi1>, vector<16xf32>
      %mul3A_113 = arith.constant 16 : i32
      %mul3A_114 = arith.muli %scan3A_48, %mul3A_113 : i32
      %swap3A_115 = arith.constant 3 : i32
      %swap3A_116 = arith.index_cast %swap3A_115 : i32 to index
      %swap3A_117 = arith.index_cast %mul3A_114 : i32 to index
      %swap3A_118 = tpu.vector_load %arg28[%swap3A_116, %swap3A_117] {strides = array<i32>} : memref<8x2048xf32, #tpu.memory_space<vmem>>, vector<16xf32>,
      tpu.vector_store %arg28[%swap3A_116, %swap3A_117], %select_n3A_112 {strides = array<i32>} : memref<8x2048xf32, #tpu.memory_space<vmem>>, vector<16xf32>,
      %broadcast_in_dim3A_119 = arith.constant 4 : i32
      %broadcast_in_dim3A_120 = vector.broadcast %broadcast_in_dim3A_119 : i32 to vector<16xi32>
      %mul3A_121 = arith.constant 16 : i32
      %mul3A_122 = arith.muli %scan3A_48, %mul3A_121 : i32
      %get3A_123 = arith.constant 4 : i32
      %get3A_124 = arith.index_cast %get3A_123 : i32 to index
      %get3A_125 = arith.index_cast %mul3A_122 : i32 to index
      %get3A_126 = tpu.vector_load %arg26[%get3A_124, %get3A_125] {strides = array<i32>} : memref<8x2048xf32, #tpu.memory_space<vmem>>, vector<16xf32>,
      %gather3A_127 = tpu.vector_load_idx %arg27[%add3A_58, %broadcast_in_dim3A_120] : memref<2048x8xf32, #tpu.memory_space<vmem>>[vector<16xi32>, vector<16xi32>], vector<16xf32>,
      %select_n3A_128 = arith.select %gt3A_54, %gather3A_127, %get3A_126 : vector<16xi1>, vector<16xf32>
      %mul3A_129 = arith.constant 16 : i32
      %mul3A_130 = arith.muli %scan3A_48, %mul3A_129 : i32
      %swap3A_131 = arith.constant 4 : i32
      %swap3A_132 = arith.index_cast %swap3A_131 : i32 to index
      %swap3A_133 = arith.index_cast %mul3A_130 : i32 to index
      %swap3A_134 = tpu.vector_load %arg28[%swap3A_132, %swap3A_133] {strides = array<i32>} : memref<8x2048xf32, #tpu.memory_space<vmem>>, vector<16xf32>,
      tpu.vector_store %arg28[%swap3A_132, %swap3A_133], %select_n3A_128 {strides = array<i32>} : memref<8x2048xf32, #tpu.memory_space<vmem>>, vector<16xf32>,
      %broadcast_in_dim3A_135 = arith.constant 5 : i32
      %broadcast_in_dim3A_136 = vector.broadcast %broadcast_in_dim3A_135 : i32 to vector<16xi32>
      %mul3A_137 = arith.constant 16 : i32
      %mul3A_138 = arith.muli %scan3A_48, %mul3A_137 : i32
      %get3A_139 = arith.constant 5 : i32
      %get3A_140 = arith.index_cast %get3A_139 : i32 to index
      %get3A_141 = arith.index_cast %mul3A_138 : i32 to index
      %get3A_142 = tpu.vector_load %arg26[%get3A_140, %get3A_141] {strides = array<i32>} : memref<8x2048xf32, #tpu.memory_space<vmem>>, vector<16xf32>,
      %gather3A_143 = tpu.vector_load_idx %arg27[%add3A_58, %broadcast_in_dim3A_136] : memref<2048x8xf32, #tpu.memory_space<vmem>>[vector<16xi32>, vector<16xi32>], vector<16xf32>,
      %select_n3A_144 = arith.select %gt3A_54, %gather3A_143, %get3A_142 : vector<16xi1>, vector<16xf32>
      %mul3A_145 = arith.constant 16 : i32
      %mul3A_146 = arith.muli %scan3A_48, %mul3A_145 : i32
      %swap3A_147 = arith.constant 5 : i32
      %swap3A_148 = arith.index_cast %swap3A_147 : i32 to index
      %swap3A_149 = arith.index_cast %mul3A_146 : i32 to index
      %swap3A_150 = tpu.vector_load %arg28[%swap3A_148, %swap3A_149] {strides = array<i32>} : memref<8x2048xf32, #tpu.memory_space<vmem>>, vector<16xf32>,
      tpu.vector_store %arg28[%swap3A_148, %swap3A_149], %select_n3A_144 {strides = array<i32>} : memref<8x2048xf32, #tpu.memory_space<vmem>>, vector<16xf32>,
      %broadcast_in_dim3A_151 = arith.constant 6 : i32
      %broadcast_in_dim3A_152 = vector.broadcast %broadcast_in_dim3A_151 : i32 to vector<16xi32>
      %mul3A_153 = arith.constant 16 : i32
      %mul3A_154 = arith.muli %scan3A_48, %mul3A_153 : i32
      %get3A_155 = arith.constant 6 : i32
      %get3A_156 = arith.index_cast %get3A_155 : i32 to index
      %get3A_157 = arith.index_cast %mul3A_154 : i32 to index
      %get3A_158 = tpu.vector_load %arg26[%get3A_156, %get3A_157] {strides = array<i32>} : memref<8x2048xf32, #tpu.memory_space<vmem>>, vector<16xf32>,
      %gather3A_159 = tpu.vector_load_idx %arg27[%add3A_58, %broadcast_in_dim3A_152] : memref<2048x8xf32, #tpu.memory_space<vmem>>[vector<16xi32>, vector<16xi32>], vector<16xf32>,
      %select_n3A_160 = arith.select %gt3A_54, %gather3A_159, %get3A_158 : vector<16xi1>, vector<16xf32>
      %mul3A_161 = arith.constant 16 : i32
      %mul3A_162 = arith.muli %scan3A_48, %mul3A_161 : i32
      %swap3A_163 = arith.constant 6 : i32
      %swap3A_164 = arith.index_cast %swap3A_163 : i32 to index
      %swap3A_165 = arith.index_cast %mul3A_162 : i32 to index
      %swap3A_166 = tpu.vector_load %arg28[%swap3A_164, %swap3A_165] {strides = array<i32>} : memref<8x2048xf32, #tpu.memory_space<vmem>>, vector<16xf32>,
      tpu.vector_store %arg28[%swap3A_164, %swap3A_165], %select_n3A_160 {strides = array<i32>} : memref<8x2048xf32, #tpu.memory_space<vmem>>, vector<16xf32>,
      %broadcast_in_dim3A_167 = arith.constant 7 : i32
      %broadcast_in_dim3A_168 = vector.broadcast %broadcast_in_dim3A_167 : i32 to vector<16xi32>
      %mul3A_169 = arith.constant 16 : i32
      %mul3A_170 = arith.muli %scan3A_48, %mul3A_169 : i32
      %get3A_171 = arith.constant 7 : i32
      %get3A_172 = arith.index_cast %get3A_171 : i32 to index
      %get3A_173 = arith.index_cast %mul3A_170 : i32 to index
      %get3A_174 = tpu.vector_load %arg26[%get3A_172, %get3A_173] {strides = array<i32>} : memref<8x2048xf32, #tpu.memory_space<vmem>>, vector<16xf32>,
      %gather3A_175 = tpu.vector_load_idx %arg27[%add3A_58, %broadcast_in_dim3A_168] : memref<2048x8xf32, #tpu.memory_space<vmem>>[vector<16xi32>, vector<16xi32>], vector<16xf32>,
      %select_n3A_176 = arith.select %gt3A_54, %gather3A_175, %get3A_174 : vector<16xi1>, vector<16xf32>
      %mul3A_177 = arith.constant 16 : i32
      %mul3A_178 = arith.muli %scan3A_48, %mul3A_177 : i32
      %swap3A_179 = arith.constant 7 : i32
      %swap3A_180 = arith.index_cast %swap3A_179 : i32 to index
      %swap3A_181 = arith.index_cast %mul3A_178 : i32 to index
      %swap3A_182 = tpu.vector_load %arg28[%swap3A_180, %swap3A_181] {strides = array<i32>} : memref<8x2048xf32, #tpu.memory_space<vmem>>, vector<16xf32>,
      tpu.vector_store %arg28[%swap3A_180, %swap3A_181], %select_n3A_176 {strides = array<i32>} : memref<8x2048xf32, #tpu.memory_space<vmem>>, vector<16xf32>,
      %scan3A_183 = arith.constant 0 : i32
      scf.yield %scan3A_183 : i32
    }
    %scan3A_39 = arith.constant 128 : i32
    %run_scoped3A_40 = arith.constant 0 : i32
    "tpu.region"() ({
      %run_scoped3A_48 = tpu.sem_alloc : memref<!tpu.dma_semaphore, #tpu.memory_space<semaphore_mem>>
      %dma_start3A_49 = arith.constant 0 : i32
      %dma_start3A_50 = tpu.memref_slice %arg28[%run_scoped3A_40, %dma_start3A_49] : memref<8x2048xf32, #tpu.memory_space<vmem>> -> memref<1x2048xf32, #tpu.memory_space<vmem>>
      %dma_start3A_51 = tpu.memref_squeeze %dma_start3A_50 : memref<1x2048xf32, #tpu.memory_space<vmem>> -> memref<2048xf32, #tpu.memory_space<vmem>>
      %dma_start3A_52 = tpu.memref_slice %arg13[%mul3A_2] : memref<65536xf32, #tpu.memory_space<hbm>> -> memref<2048xf32, #tpu.memory_space<hbm>>
      %dma_start3A_53 = tpu.memref_slice %arg13[%mul3A_2] : memref<65536xf32, #tpu.memory_space<hbm>> -> memref<2048xf32, #tpu.memory_space<hbm>>
      %dma_start3A_54 = arith.constant 0 : i32
      %dma_start3A_55 = tpu.memref_slice %arg28[%run_scoped3A_40, %dma_start3A_54] : memref<8x2048xf32, #tpu.memory_space<vmem>> -> memref<1x2048xf32, #tpu.memory_space<vmem>>
      %dma_start3A_56 = tpu.memref_squeeze %dma_start3A_55 : memref<1x2048xf32, #tpu.memory_space<vmem>> -> memref<2048xf32, #tpu.memory_space<vmem>>
      tpu.enqueue_dma source(%dma_start3A_56 : memref<2048xf32, #tpu.memory_space<vmem>>) target(%dma_start3A_53 : memref<2048xf32, #tpu.memory_space<hbm>>) target_semaphore(%run_scoped3A_48 : memref<!tpu.dma_semaphore, #tpu.memory_space<semaphore_mem>>)
      %dma_wait3A_57 = arith.constant 0 : i32
      %dma_wait3A_58 = tpu.memref_slice %arg28[%run_scoped3A_40, %dma_wait3A_57] : memref<8x2048xf32, #tpu.memory_space<vmem>> -> memref<1x2048xf32, #tpu.memory_space<vmem>>
      %dma_wait3A_59 = tpu.memref_squeeze %dma_wait3A_58 : memref<1x2048xf32, #tpu.memory_space<vmem>> -> memref<2048xf32, #tpu.memory_space<vmem>>
      %dma_wait3A_60 = tpu.memref_slice %arg13[%mul3A_2] : memref<65536xf32, #tpu.memory_space<hbm>> -> memref<2048xf32, #tpu.memory_space<hbm>>
      %dma_wait3A_61 = tpu.memref_slice %arg13[%mul3A_2] : memref<65536xf32, #tpu.memory_space<hbm>> -> memref<2048xf32, #tpu.memory_space<hbm>>
      %dma_wait3A_62 = arith.constant 0 : i32
      %dma_wait3A_63 = tpu.memref_slice %arg28[%run_scoped3A_40, %dma_wait3A_62] : memref<8x2048xf32, #tpu.memory_space<vmem>> -> memref<1x2048xf32, #tpu.memory_space<vmem>>
      %dma_wait3A_64 = tpu.memref_squeeze %dma_wait3A_63 : memref<1x2048xf32, #tpu.memory_space<vmem>> -> memref<2048xf32, #tpu.memory_space<vmem>>
      tpu.wait_dma2 semaphore(%run_scoped3A_48 : memref<!tpu.dma_semaphore, #tpu.memory_space<semaphore_mem>>) src(%dma_wait3A_64 : memref<2048xf32, #tpu.memory_space<vmem>>) dst(%dma_wait3A_61 : memref<2048xf32, #tpu.memory_space<hbm>>)
      tpu.yield
    }) : () -> ()
    %run_scoped3A_41 = arith.constant 1 : i32
    "tpu.region"() ({
      %run_scoped3A_48 = tpu.sem_alloc : memref<!tpu.dma_semaphore, #tpu.memory_space<semaphore_mem>>
      %dma_start3A_49 = arith.constant 0 : i32
      %dma_start3A_50 = tpu.memref_slice %arg28[%run_scoped3A_41, %dma_start3A_49] : memref<8x2048xf32, #tpu.memory_space<vmem>> -> memref<1x2048xf32, #tpu.memory_space<vmem>>
      %dma_start3A_51 = tpu.memref_squeeze %dma_start3A_50 : memref<1x2048xf32, #tpu.memory_space<vmem>> -> memref<2048xf32, #tpu.memory_space<vmem>>
      %dma_start3A_52 = tpu.memref_slice %arg14[%mul3A_2] : memref<65536xf32, #tpu.memory_space<hbm>> -> memref<2048xf32, #tpu.memory_space<hbm>>
      %dma_start3A_53 = tpu.memref_slice %arg14[%mul3A_2] : memref<65536xf32, #tpu.memory_space<hbm>> -> memref<2048xf32, #tpu.memory_space<hbm>>
      %dma_start3A_54 = arith.constant 0 : i32
      %dma_start3A_55 = tpu.memref_slice %arg28[%run_scoped3A_41, %dma_start3A_54] : memref<8x2048xf32, #tpu.memory_space<vmem>> -> memref<1x2048xf32, #tpu.memory_space<vmem>>
      %dma_start3A_56 = tpu.memref_squeeze %dma_start3A_55 : memref<1x2048xf32, #tpu.memory_space<vmem>> -> memref<2048xf32, #tpu.memory_space<vmem>>
      tpu.enqueue_dma source(%dma_start3A_56 : memref<2048xf32, #tpu.memory_space<vmem>>) target(%dma_start3A_53 : memref<2048xf32, #tpu.memory_space<hbm>>) target_semaphore(%run_scoped3A_48 : memref<!tpu.dma_semaphore, #tpu.memory_space<semaphore_mem>>)
      %dma_wait3A_57 = arith.constant 0 : i32
      %dma_wait3A_58 = tpu.memref_slice %arg28[%run_scoped3A_41, %dma_wait3A_57] : memref<8x2048xf32, #tpu.memory_space<vmem>> -> memref<1x2048xf32, #tpu.memory_space<vmem>>
      %dma_wait3A_59 = tpu.memref_squeeze %dma_wait3A_58 : memref<1x2048xf32, #tpu.memory_space<vmem>> -> memref<2048xf32, #tpu.memory_space<vmem>>
      %dma_wait3A_60 = tpu.memref_slice %arg14[%mul3A_2] : memref<65536xf32, #tpu.memory_space<hbm>> -> memref<2048xf32, #tpu.memory_space<hbm>>
      %dma_wait3A_61 = tpu.memref_slice %arg14[%mul3A_2] : memref<65536xf32, #tpu.memory_space<hbm>> -> memref<2048xf32, #tpu.memory_space<hbm>>
      %dma_wait3A_62 = arith.constant 0 : i32
      %dma_wait3A_63 = tpu.memref_slice %arg28[%run_scoped3A_41, %dma_wait3A_62] : memref<8x2048xf32, #tpu.memory_space<vmem>> -> memref<1x2048xf32, #tpu.memory_space<vmem>>
      %dma_wait3A_64 = tpu.memref_squeeze %dma_wait3A_63 : memref<1x2048xf32, #tpu.memory_space<vmem>> -> memref<2048xf32, #tpu.memory_space<vmem>>
      tpu.wait_dma2 semaphore(%run_scoped3A_48 : memref<!tpu.dma_semaphore, #tpu.memory_space<semaphore_mem>>) src(%dma_wait3A_64 : memref<2048xf32, #tpu.memory_space<vmem>>) dst(%dma_wait3A_61 : memref<2048xf32, #tpu.memory_space<hbm>>)
      tpu.yield
    }) : () -> ()
    %run_scoped3A_42 = arith.constant 2 : i32
    "tpu.region"() ({
      %run_scoped3A_48 = tpu.sem_alloc : memref<!tpu.dma_semaphore, #tpu.memory_space<semaphore_mem>>
      %dma_start3A_49 = arith.constant 0 : i32
      %dma_start3A_50 = tpu.memref_slice %arg28[%run_scoped3A_42, %dma_start3A_49] : memref<8x2048xf32, #tpu.memory_space<vmem>> -> memref<1x2048xf32, #tpu.memory_space<vmem>>
      %dma_start3A_51 = tpu.memref_squeeze %dma_start3A_50 : memref<1x2048xf32, #tpu.memory_space<vmem>> -> memref<2048xf32, #tpu.memory_space<vmem>>
      %dma_start3A_52 = tpu.memref_slice %arg15[%mul3A_2] : memref<65536xf32, #tpu.memory_space<hbm>> -> memref<2048xf32, #tpu.memory_space<hbm>>
      %dma_start3A_53 = tpu.memref_slice %arg15[%mul3A_2] : memref<65536xf32, #tpu.memory_space<hbm>> -> memref<2048xf32, #tpu.memory_space<hbm>>
      %dma_start3A_54 = arith.constant 0 : i32
      %dma_start3A_55 = tpu.memref_slice %arg28[%run_scoped3A_42, %dma_start3A_54] : memref<8x2048xf32, #tpu.memory_space<vmem>> -> memref<1x2048xf32, #tpu.memory_space<vmem>>
      %dma_start3A_56 = tpu.memref_squeeze %dma_start3A_55 : memref<1x2048xf32, #tpu.memory_space<vmem>> -> memref<2048xf32, #tpu.memory_space<vmem>>
      tpu.enqueue_dma source(%dma_start3A_56 : memref<2048xf32, #tpu.memory_space<vmem>>) target(%dma_start3A_53 : memref<2048xf32, #tpu.memory_space<hbm>>) target_semaphore(%run_scoped3A_48 : memref<!tpu.dma_semaphore, #tpu.memory_space<semaphore_mem>>)
      %dma_wait3A_57 = arith.constant 0 : i32
      %dma_wait3A_58 = tpu.memref_slice %arg28[%run_scoped3A_42, %dma_wait3A_57] : memref<8x2048xf32, #tpu.memory_space<vmem>> -> memref<1x2048xf32, #tpu.memory_space<vmem>>
      %dma_wait3A_59 = tpu.memref_squeeze %dma_wait3A_58 : memref<1x2048xf32, #tpu.memory_space<vmem>> -> memref<2048xf32, #tpu.memory_space<vmem>>
      %dma_wait3A_60 = tpu.memref_slice %arg15[%mul3A_2] : memref<65536xf32, #tpu.memory_space<hbm>> -> memref<2048xf32, #tpu.memory_space<hbm>>
      %dma_wait3A_61 = tpu.memref_slice %arg15[%mul3A_2] : memref<65536xf32, #tpu.memory_space<hbm>> -> memref<2048xf32, #tpu.memory_space<hbm>>
      %dma_wait3A_62 = arith.constant 0 : i32
      %dma_wait3A_63 = tpu.memref_slice %arg28[%run_scoped3A_42, %dma_wait3A_62] : memref<8x2048xf32, #tpu.memory_space<vmem>> -> memref<1x2048xf32, #tpu.memory_space<vmem>>
      %dma_wait3A_64 = tpu.memref_squeeze %dma_wait3A_63 : memref<1x2048xf32, #tpu.memory_space<vmem>> -> memref<2048xf32, #tpu.memory_space<vmem>>
      tpu.wait_dma2 semaphore(%run_scoped3A_48 : memref<!tpu.dma_semaphore, #tpu.memory_space<semaphore_mem>>) src(%dma_wait3A_64 : memref<2048xf32, #tpu.memory_space<vmem>>) dst(%dma_wait3A_61 : memref<2048xf32, #tpu.memory_space<hbm>>)
      tpu.yield
    }) : () -> ()
    %run_scoped3A_43 = arith.constant 3 : i32
    "tpu.region"() ({
      %run_scoped3A_48 = tpu.sem_alloc : memref<!tpu.dma_semaphore, #tpu.memory_space<semaphore_mem>>
      %dma_start3A_49 = arith.constant 0 : i32
      %dma_start3A_50 = tpu.memref_slice %arg28[%run_scoped3A_43, %dma_start3A_49] : memref<8x2048xf32, #tpu.memory_space<vmem>> -> memref<1x2048xf32, #tpu.memory_space<vmem>>
      %dma_start3A_51 = tpu.memref_squeeze %dma_start3A_50 : memref<1x2048xf32, #tpu.memory_space<vmem>> -> memref<2048xf32, #tpu.memory_space<vmem>>
      %dma_start3A_52 = tpu.memref_slice %arg16[%mul3A_2] : memref<65536xf32, #tpu.memory_space<hbm>> -> memref<2048xf32, #tpu.memory_space<hbm>>
      %dma_start3A_53 = tpu.memref_slice %arg16[%mul3A_2] : memref<65536xf32, #tpu.memory_space<hbm>> -> memref<2048xf32, #tpu.memory_space<hbm>>
      %dma_start3A_54 = arith.constant 0 : i32
      %dma_start3A_55 = tpu.memref_slice %arg28[%run_scoped3A_43, %dma_start3A_54] : memref<8x2048xf32, #tpu.memory_space<vmem>> -> memref<1x2048xf32, #tpu.memory_space<vmem>>
      %dma_start3A_56 = tpu.memref_squeeze %dma_start3A_55 : memref<1x2048xf32, #tpu.memory_space<vmem>> -> memref<2048xf32, #tpu.memory_space<vmem>>
      tpu.enqueue_dma source(%dma_start3A_56 : memref<2048xf32, #tpu.memory_space<vmem>>) target(%dma_start3A_53 : memref<2048xf32, #tpu.memory_space<hbm>>) target_semaphore(%run_scoped3A_48 : memref<!tpu.dma_semaphore, #tpu.memory_space<semaphore_mem>>)
      %dma_wait3A_57 = arith.constant 0 : i32
      %dma_wait3A_58 = tpu.memref_slice %arg28[%run_scoped3A_43, %dma_wait3A_57] : memref<8x2048xf32, #tpu.memory_space<vmem>> -> memref<1x2048xf32, #tpu.memory_space<vmem>>
      %dma_wait3A_59 = tpu.memref_squeeze %dma_wait3A_58 : memref<1x2048xf32, #tpu.memory_space<vmem>> -> memref<2048xf32, #tpu.memory_space<vmem>>
      %dma_wait3A_60 = tpu.memref_slice %arg16[%mul3A_2] : memref<65536xf32, #tpu.memory_space<hbm>> -> memref<2048xf32, #tpu.memory_space<hbm>>
      %dma_wait3A_61 = tpu.memref_slice %arg16[%mul3A_2] : memref<65536xf32, #tpu.memory_space<hbm>> -> memref<2048xf32, #tpu.memory_space<hbm>>
      %dma_wait3A_62 = arith.constant 0 : i32
      %dma_wait3A_63 = tpu.memref_slice %arg28[%run_scoped3A_43, %dma_wait3A_62] : memref<8x2048xf32, #tpu.memory_space<vmem>> -> memref<1x2048xf32, #tpu.memory_space<vmem>>
      %dma_wait3A_64 = tpu.memref_squeeze %dma_wait3A_63 : memref<1x2048xf32, #tpu.memory_space<vmem>> -> memref<2048xf32, #tpu.memory_space<vmem>>
      tpu.wait_dma2 semaphore(%run_scoped3A_48 : memref<!tpu.dma_semaphore, #tpu.memory_space<semaphore_mem>>) src(%dma_wait3A_64 : memref<2048xf32, #tpu.memory_space<vmem>>) dst(%dma_wait3A_61 : memref<2048xf32, #tpu.memory_space<hbm>>)
      tpu.yield
    }) : () -> ()
    %run_scoped3A_44 = arith.constant 4 : i32
    "tpu.region"() ({
      %run_scoped3A_48 = tpu.sem_alloc : memref<!tpu.dma_semaphore, #tpu.memory_space<semaphore_mem>>
      %dma_start3A_49 = arith.constant 0 : i32
      %dma_start3A_50 = tpu.memref_slice %arg28[%run_scoped3A_44, %dma_start3A_49] : memref<8x2048xf32, #tpu.memory_space<vmem>> -> memref<1x2048xf32, #tpu.memory_space<vmem>>
      %dma_start3A_51 = tpu.memref_squeeze %dma_start3A_50 : memref<1x2048xf32, #tpu.memory_space<vmem>> -> memref<2048xf32, #tpu.memory_space<vmem>>
      %dma_start3A_52 = tpu.memref_slice %arg17[%mul3A_2] : memref<65536xf32, #tpu.memory_space<hbm>> -> memref<2048xf32, #tpu.memory_space<hbm>>
      %dma_start3A_53 = tpu.memref_slice %arg17[%mul3A_2] : memref<65536xf32, #tpu.memory_space<hbm>> -> memref<2048xf32, #tpu.memory_space<hbm>>
      %dma_start3A_54 = arith.constant 0 : i32
      %dma_start3A_55 = tpu.memref_slice %arg28[%run_scoped3A_44, %dma_start3A_54] : memref<8x2048xf32, #tpu.memory_space<vmem>> -> memref<1x2048xf32, #tpu.memory_space<vmem>>
      %dma_start3A_56 = tpu.memref_squeeze %dma_start3A_55 : memref<1x2048xf32, #tpu.memory_space<vmem>> -> memref<2048xf32, #tpu.memory_space<vmem>>
      tpu.enqueue_dma source(%dma_start3A_56 : memref<2048xf32, #tpu.memory_space<vmem>>) target(%dma_start3A_53 : memref<2048xf32, #tpu.memory_space<hbm>>) target_semaphore(%run_scoped3A_48 : memref<!tpu.dma_semaphore, #tpu.memory_space<semaphore_mem>>)
      %dma_wait3A_57 = arith.constant 0 : i32
      %dma_wait3A_58 = tpu.memref_slice %arg28[%run_scoped3A_44, %dma_wait3A_57] : memref<8x2048xf32, #tpu.memory_space<vmem>> -> memref<1x2048xf32, #tpu.memory_space<vmem>>
      %dma_wait3A_59 = tpu.memref_squeeze %dma_wait3A_58 : memref<1x2048xf32, #tpu.memory_space<vmem>> -> memref<2048xf32, #tpu.memory_space<vmem>>
      %dma_wait3A_60 = tpu.memref_slice %arg17[%mul3A_2] : memref<65536xf32, #tpu.memory_space<hbm>> -> memref<2048xf32, #tpu.memory_space<hbm>>
      %dma_wait3A_61 = tpu.memref_slice %arg17[%mul3A_2] : memref<65536xf32, #tpu.memory_space<hbm>> -> memref<2048xf32, #tpu.memory_space<hbm>>
      %dma_wait3A_62 = arith.constant 0 : i32
      %dma_wait3A_63 = tpu.memref_slice %arg28[%run_scoped3A_44, %dma_wait3A_62] : memref<8x2048xf32, #tpu.memory_space<vmem>> -> memref<1x2048xf32, #tpu.memory_space<vmem>>
      %dma_wait3A_64 = tpu.memref_squeeze %dma_wait3A_63 : memref<1x2048xf32, #tpu.memory_space<vmem>> -> memref<2048xf32, #tpu.memory_space<vmem>>
      tpu.wait_dma2 semaphore(%run_scoped3A_48 : memref<!tpu.dma_semaphore, #tpu.memory_space<semaphore_mem>>) src(%dma_wait3A_64 : memref<2048xf32, #tpu.memory_space<vmem>>) dst(%dma_wait3A_61 : memref<2048xf32, #tpu.memory_space<hbm>>)
      tpu.yield
    }) : () -> ()
    %run_scoped3A_45 = arith.constant 5 : i32
    "tpu.region"() ({
      %run_scoped3A_48 = tpu.sem_alloc : memref<!tpu.dma_semaphore, #tpu.memory_space<semaphore_mem>>
      %dma_start3A_49 = arith.constant 0 : i32
      %dma_start3A_50 = tpu.memref_slice %arg28[%run_scoped3A_45, %dma_start3A_49] : memref<8x2048xf32, #tpu.memory_space<vmem>> -> memref<1x2048xf32, #tpu.memory_space<vmem>>
      %dma_start3A_51 = tpu.memref_squeeze %dma_start3A_50 : memref<1x2048xf32, #tpu.memory_space<vmem>> -> memref<2048xf32, #tpu.memory_space<vmem>>
      %dma_start3A_52 = tpu.memref_slice %arg18[%mul3A_2] : memref<65536xf32, #tpu.memory_space<hbm>> -> memref<2048xf32, #tpu.memory_space<hbm>>
      %dma_start3A_53 = tpu.memref_slice %arg18[%mul3A_2] : memref<65536xf32, #tpu.memory_space<hbm>> -> memref<2048xf32, #tpu.memory_space<hbm>>
      %dma_start3A_54 = arith.constant 0 : i32
      %dma_start3A_55 = tpu.memref_slice %arg28[%run_scoped3A_45, %dma_start3A_54] : memref<8x2048xf32, #tpu.memory_space<vmem>> -> memref<1x2048xf32, #tpu.memory_space<vmem>>
      %dma_start3A_56 = tpu.memref_squeeze %dma_start3A_55 : memref<1x2048xf32, #tpu.memory_space<vmem>> -> memref<2048xf32, #tpu.memory_space<vmem>>
      tpu.enqueue_dma source(%dma_start3A_56 : memref<2048xf32, #tpu.memory_space<vmem>>) target(%dma_start3A_53 : memref<2048xf32, #tpu.memory_space<hbm>>) target_semaphore(%run_scoped3A_48 : memref<!tpu.dma_semaphore, #tpu.memory_space<semaphore_mem>>)
      %dma_wait3A_57 = arith.constant 0 : i32
      %dma_wait3A_58 = tpu.memref_slice %arg28[%run_scoped3A_45, %dma_wait3A_57] : memref<8x2048xf32, #tpu.memory_space<vmem>> -> memref<1x2048xf32, #tpu.memory_space<vmem>>
      %dma_wait3A_59 = tpu.memref_squeeze %dma_wait3A_58 : memref<1x2048xf32, #tpu.memory_space<vmem>> -> memref<2048xf32, #tpu.memory_space<vmem>>
      %dma_wait3A_60 = tpu.memref_slice %arg18[%mul3A_2] : memref<65536xf32, #tpu.memory_space<hbm>> -> memref<2048xf32, #tpu.memory_space<hbm>>
      %dma_wait3A_61 = tpu.memref_slice %arg18[%mul3A_2] : memref<65536xf32, #tpu.memory_space<hbm>> -> memref<2048xf32, #tpu.memory_space<hbm>>
      %dma_wait3A_62 = arith.constant 0 : i32
      %dma_wait3A_63 = tpu.memref_slice %arg28[%run_scoped3A_45, %dma_wait3A_62] : memref<8x2048xf32, #tpu.memory_space<vmem>> -> memref<1x2048xf32, #tpu.memory_space<vmem>>
      %dma_wait3A_64 = tpu.memref_squeeze %dma_wait3A_63 : memref<1x2048xf32, #tpu.memory_space<vmem>> -> memref<2048xf32, #tpu.memory_space<vmem>>
      tpu.wait_dma2 semaphore(%run_scoped3A_48 : memref<!tpu.dma_semaphore, #tpu.memory_space<semaphore_mem>>) src(%dma_wait3A_64 : memref<2048xf32, #tpu.memory_space<vmem>>) dst(%dma_wait3A_61 : memref<2048xf32, #tpu.memory_space<hbm>>)
      tpu.yield
    }) : () -> ()
    %run_scoped3A_46 = arith.constant 6 : i32
    "tpu.region"() ({
      %run_scoped3A_48 = tpu.sem_alloc : memref<!tpu.dma_semaphore, #tpu.memory_space<semaphore_mem>>
      %dma_start3A_49 = arith.constant 0 : i32
      %dma_start3A_50 = tpu.memref_slice %arg28[%run_scoped3A_46, %dma_start3A_49] : memref<8x2048xf32, #tpu.memory_space<vmem>> -> memref<1x2048xf32, #tpu.memory_space<vmem>>
      %dma_start3A_51 = tpu.memref_squeeze %dma_start3A_50 : memref<1x2048xf32, #tpu.memory_space<vmem>> -> memref<2048xf32, #tpu.memory_space<vmem>>
      %dma_start3A_52 = tpu.memref_slice %arg19[%mul3A_2] : memref<65536xf32, #tpu.memory_space<hbm>> -> memref<2048xf32, #tpu.memory_space<hbm>>
      %dma_start3A_53 = tpu.memref_slice %arg19[%mul3A_2] : memref<65536xf32, #tpu.memory_space<hbm>> -> memref<2048xf32, #tpu.memory_space<hbm>>
      %dma_start3A_54 = arith.constant 0 : i32
      %dma_start3A_55 = tpu.memref_slice %arg28[%run_scoped3A_46, %dma_start3A_54] : memref<8x2048xf32, #tpu.memory_space<vmem>> -> memref<1x2048xf32, #tpu.memory_space<vmem>>
      %dma_start3A_56 = tpu.memref_squeeze %dma_start3A_55 : memref<1x2048xf32, #tpu.memory_space<vmem>> -> memref<2048xf32, #tpu.memory_space<vmem>>
      tpu.enqueue_dma source(%dma_start3A_56 : memref<2048xf32, #tpu.memory_space<vmem>>) target(%dma_start3A_53 : memref<2048xf32, #tpu.memory_space<hbm>>) target_semaphore(%run_scoped3A_48 : memref<!tpu.dma_semaphore, #tpu.memory_space<semaphore_mem>>)
      %dma_wait3A_57 = arith.constant 0 : i32
      %dma_wait3A_58 = tpu.memref_slice %arg28[%run_scoped3A_46, %dma_wait3A_57] : memref<8x2048xf32, #tpu.memory_space<vmem>> -> memref<1x2048xf32, #tpu.memory_space<vmem>>
      %dma_wait3A_59 = tpu.memref_squeeze %dma_wait3A_58 : memref<1x2048xf32, #tpu.memory_space<vmem>> -> memref<2048xf32, #tpu.memory_space<vmem>>
      %dma_wait3A_60 = tpu.memref_slice %arg19[%mul3A_2] : memref<65536xf32, #tpu.memory_space<hbm>> -> memref<2048xf32, #tpu.memory_space<hbm>>
      %dma_wait3A_61 = tpu.memref_slice %arg19[%mul3A_2] : memref<65536xf32, #tpu.memory_space<hbm>> -> memref<2048xf32, #tpu.memory_space<hbm>>
      %dma_wait3A_62 = arith.constant 0 : i32
      %dma_wait3A_63 = tpu.memref_slice %arg28[%run_scoped3A_46, %dma_wait3A_62] : memref<8x2048xf32, #tpu.memory_space<vmem>> -> memref<1x2048xf32, #tpu.memory_space<vmem>>
      %dma_wait3A_64 = tpu.memref_squeeze %dma_wait3A_63 : memref<1x2048xf32, #tpu.memory_space<vmem>> -> memref<2048xf32, #tpu.memory_space<vmem>>
      tpu.wait_dma2 semaphore(%run_scoped3A_48 : memref<!tpu.dma_semaphore, #tpu.memory_space<semaphore_mem>>) src(%dma_wait3A_64 : memref<2048xf32, #tpu.memory_space<vmem>>) dst(%dma_wait3A_61 : memref<2048xf32, #tpu.memory_space<hbm>>)
      tpu.yield
    }) : () -> ()
    %run_scoped3A_47 = arith.constant 7 : i32
    "tpu.region"() ({
      %run_scoped3A_48 = tpu.sem_alloc : memref<!tpu.dma_semaphore, #tpu.memory_space<semaphore_mem>>
      %dma_start3A_49 = arith.constant 0 : i32
      %dma_start3A_50 = tpu.memref_slice %arg28[%run_scoped3A_47, %dma_start3A_49] : memref<8x2048xf32, #tpu.memory_space<vmem>> -> memref<1x2048xf32, #tpu.memory_space<vmem>>
      %dma_start3A_51 = tpu.memref_squeeze %dma_start3A_50 : memref<1x2048xf32, #tpu.memory_space<vmem>> -> memref<2048xf32, #tpu.memory_space<vmem>>
      %dma_start3A_52 = tpu.memref_slice %arg20[%mul3A_2] : memref<65536xf32, #tpu.memory_space<hbm>> -> memref<2048xf32, #tpu.memory_space<hbm>>
      %dma_start3A_53 = tpu.memref_slice %arg20[%mul3A_2] : memref<65536xf32, #tpu.memory_space<hbm>> -> memref<2048xf32, #tpu.memory_space<hbm>>
      %dma_start3A_54 = arith.constant 0 : i32
      %dma_start3A_55 = tpu.memref_slice %arg28[%run_scoped3A_47, %dma_start3A_54] : memref<8x2048xf32, #tpu.memory_space<vmem>> -> memref<1x2048xf32, #tpu.memory_space<vmem>>
      %dma_start3A_56 = tpu.memref_squeeze %dma_start3A_55 : memref<1x2048xf32, #tpu.memory_space<vmem>> -> memref<2048xf32, #tpu.memory_space<vmem>>
      tpu.enqueue_dma source(%dma_start3A_56 : memref<2048xf32, #tpu.memory_space<vmem>>) target(%dma_start3A_53 : memref<2048xf32, #tpu.memory_space<hbm>>) target_semaphore(%run_scoped3A_48 : memref<!tpu.dma_semaphore, #tpu.memory_space<semaphore_mem>>)
      %dma_wait3A_57 = arith.constant 0 : i32
      %dma_wait3A_58 = tpu.memref_slice %arg28[%run_scoped3A_47, %dma_wait3A_57] : memref<8x2048xf32, #tpu.memory_space<vmem>> -> memref<1x2048xf32, #tpu.memory_space<vmem>>
      %dma_wait3A_59 = tpu.memref_squeeze %dma_wait3A_58 : memref<1x2048xf32, #tpu.memory_space<vmem>> -> memref<2048xf32, #tpu.memory_space<vmem>>
      %dma_wait3A_60 = tpu.memref_slice %arg20[%mul3A_2] : memref<65536xf32, #tpu.memory_space<hbm>> -> memref<2048xf32, #tpu.memory_space<hbm>>
      %dma_wait3A_61 = tpu.memref_slice %arg20[%mul3A_2] : memref<65536xf32, #tpu.memory_space<hbm>> -> memref<2048xf32, #tpu.memory_space<hbm>>
      %dma_wait3A_62 = arith.constant 0 : i32
      %dma_wait3A_63 = tpu.memref_slice %arg28[%run_scoped3A_47, %dma_wait3A_62] : memref<8x2048xf32, #tpu.memory_space<vmem>> -> memref<1x2048xf32, #tpu.memory_space<vmem>>
      %dma_wait3A_64 = tpu.memref_squeeze %dma_wait3A_63 : memref<1x2048xf32, #tpu.memory_space<vmem>> -> memref<2048xf32, #tpu.memory_space<vmem>>
      tpu.wait_dma2 semaphore(%run_scoped3A_48 : memref<!tpu.dma_semaphore, #tpu.memory_space<semaphore_mem>>) src(%dma_wait3A_64 : memref<2048xf32, #tpu.memory_space<vmem>>) dst(%dma_wait3A_61 : memref<2048xf32, #tpu.memory_space<hbm>>)
      tpu.yield
    }) : () -> ()
    return
  }
}

#map = affine_map<(d0, d1) -> (0, 0)>
#map1 = affine_map<(d0, d1) -> (0)>
module attributes {stable_mosaic.version = 14 : i64} {
  func.func @km(%arg0: i32, %arg1: i32, %arg2: memref<125000x128xf32, #tpu.memory_space<hbm>>, %arg3: memref<65536xi32, #tpu.memory_space<hbm>>, %arg4: memref<65536xf32, #tpu.memory_space<hbm>>, %arg5: memref<65536xf32, #tpu.memory_space<hbm>>, %arg6: memref<65536xf32, #tpu.memory_space<hbm>>, %arg7: memref<65536xf32, #tpu.memory_space<hbm>>, %arg8: memref<65536xf32, #tpu.memory_space<hbm>>, %arg9: memref<65536xf32, #tpu.memory_space<hbm>>, %arg10: memref<65536xf32, #tpu.memory_space<hbm>>, %arg11: memref<65536xf32, #tpu.memory_space<hbm>>, %arg12: memref<2048xi32, #tpu.memory_space<vmem>>, %arg13: memref<2048xi32, #tpu.memory_space<vmem>>, %arg14: memref<256x128xf32, #tpu.memory_space<vmem>>, %arg15: memref<256x128xf32, #tpu.memory_space<vmem>>, %arg16: memref<8x2048xf32, #tpu.memory_space<vmem>>, %arg17: memref<!tpu.dma_semaphore, #tpu.memory_space<semaphore_mem>>, %arg18: memref<!tpu.dma_semaphore, #tpu.memory_space<semaphore_mem>>) attributes {dimension_semantics = [#tpu.dimension_semantics<core_parallel>, #tpu.dimension_semantics<subcore_parallel>], iteration_bounds = array<i64: 2, 16>, scalar_prefetch = 0 : i64, scratch_operands = 7 : i64, tpu.core_type = #tpu.core_type<sc_vector_subcore>, window_params = [{transform_indices = #map}, {transform_indices = #map1}, {transform_indices = #map1}, {transform_indices = #map1}, {transform_indices = #map1}, {transform_indices = #map1}, {transform_indices = #map1}, {transform_indices = #map1}, {transform_indices = #map1}, {transform_indices = #map1}]} {
    %mul3A = arith.constant 2 : i32
    %mul3A_0 = arith.muli %arg1, %mul3A : i32
    %add3A = arith.addi %mul3A_0, %arg0 : i32
    %mul3A_1 = arith.constant 2048 : i32
    %mul3A_2 = arith.muli %add3A, %mul3A_1 : i32
    "tpu.region"() ({
      %run_scoped3A_150 = tpu.sem_alloc : memref<!tpu.dma_semaphore, #tpu.memory_space<semaphore_mem>>
      %dma_start3A_151 = tpu.memref_slice %arg3[%mul3A_2] : memref<65536xi32, #tpu.memory_space<hbm>> -> memref<2048xi32, #tpu.memory_space<hbm>>
      %dma_start3A_152 = tpu.memref_slice %arg3[%mul3A_2] : memref<65536xi32, #tpu.memory_space<hbm>> -> memref<2048xi32, #tpu.memory_space<hbm>>
      tpu.enqueue_dma source(%dma_start3A_152 : memref<2048xi32, #tpu.memory_space<hbm>>) target(%arg12 : memref<2048xi32, #tpu.memory_space<vmem>>) target_semaphore(%run_scoped3A_150 : memref<!tpu.dma_semaphore, #tpu.memory_space<semaphore_mem>>)
      %dma_wait3A_153 = tpu.memref_slice %arg3[%mul3A_2] : memref<65536xi32, #tpu.memory_space<hbm>> -> memref<2048xi32, #tpu.memory_space<hbm>>
      %dma_wait3A_154 = tpu.memref_slice %arg3[%mul3A_2] : memref<65536xi32, #tpu.memory_space<hbm>> -> memref<2048xi32, #tpu.memory_space<hbm>>
      tpu.wait_dma2 semaphore(%run_scoped3A_150 : memref<!tpu.dma_semaphore, #tpu.memory_space<semaphore_mem>>) src(%dma_wait3A_154 : memref<2048xi32, #tpu.memory_space<hbm>>) dst(%arg12 : memref<2048xi32, #tpu.memory_space<vmem>>)
      tpu.yield
    }) : () -> ()
    %scan3A = arith.constant 0 : i32
    %scan3A_3 = arith.constant 0 : i32
    %scan3A_4 = arith.constant 128 : i32
    %scan3A_5 = arith.addi %scan3A_3, %scan3A_4 : i32
    %scan3A_6 = arith.constant 1 : i32
    %scan3A_7 = scf.for %scan3A_150 = %scan3A_3 to %scan3A_5 step %scan3A_6 iter_args(%scan3A_151 = %scan3A) -> (i32)  : i32 {
      %mul3A_152 = arith.constant 16 : i32
      %mul3A_153 = arith.muli %scan3A_150, %mul3A_152 : i32
      %get3A = arith.index_cast %mul3A_153 : i32 to index
      %get3A_154 = tpu.vector_load %arg12[%get3A] {strides = array<i32>} : memref<2048xi32, #tpu.memory_space<vmem>>, vector<16xi32>,
      %shift_right_arithmetic3A = arith.constant 4 : i32
      %shift_right_arithmetic3A_155 = vector.broadcast %shift_right_arithmetic3A : i32 to vector<16xi32>
      %shift_right_arithmetic3A_156 = arith.shrsi %get3A_154, %shift_right_arithmetic3A_155 : vector<16xi32>
      %mul3A_157 = arith.constant 16 : i32
      %mul3A_158 = arith.muli %scan3A_150, %mul3A_157 : i32
      %swap3A = arith.index_cast %mul3A_158 : i32 to index
      %swap3A_159 = tpu.vector_load %arg13[%swap3A] {strides = array<i32>} : memref<2048xi32, #tpu.memory_space<vmem>>, vector<16xi32>,
      tpu.vector_store %arg13[%swap3A], %shift_right_arithmetic3A_156 {strides = array<i32>} : memref<2048xi32, #tpu.memory_space<vmem>>, vector<16xi32>,
      %scan3A_160 = arith.constant 0 : i32
      scf.yield %scan3A_160 : i32
    }
    %scan3A_8 = arith.constant 128 : i32
    %iota3A = tpu.iota {dimensions = array<i32: 0>} : vector<16xi32>
    %dma_start3A = arith.constant 0 : i32
    %dma_start3A_9 = tpu.memref_slice %arg13[%dma_start3A] : memref<2048xi32, #tpu.memory_space<vmem>> -> memref<256xi32, #tpu.memory_space<vmem>>
    %dma_start3A_10 = arith.constant 0 : i32
    %dma_start3A_11 = arith.constant 0 : i32
    %dma_start3A_12 = tpu.memref_slice %arg2[%dma_start3A_10, %dma_start3A_11] : memref<125000x128xf32, #tpu.memory_space<hbm>> -> memref<125000x128xf32, #tpu.memory_space<hbm>>
    tpu.enqueue_indirect_dma source(%dma_start3A_12 : memref<125000x128xf32, #tpu.memory_space<hbm>>) target(%arg14 : memref<256x128xf32, #tpu.memory_space<vmem>>) offsets(%dma_start3A_9 : memref<256xi32, #tpu.memory_space<vmem>>) semaphore(%arg17 : memref<!tpu.dma_semaphore, #tpu.memory_space<semaphore_mem>>)
    %dma_start3A_13 = arith.constant 256 : i32
    %dma_start3A_14 = tpu.memref_slice %arg13[%dma_start3A_13] : memref<2048xi32, #tpu.memory_space<vmem>> -> memref<256xi32, #tpu.memory_space<vmem>>
    %dma_start3A_15 = arith.constant 0 : i32
    %dma_start3A_16 = arith.constant 0 : i32
    %dma_start3A_17 = tpu.memref_slice %arg2[%dma_start3A_15, %dma_start3A_16] : memref<125000x128xf32, #tpu.memory_space<hbm>> -> memref<125000x128xf32, #tpu.memory_space<hbm>>
    tpu.enqueue_indirect_dma source(%dma_start3A_17 : memref<125000x128xf32, #tpu.memory_space<hbm>>) target(%arg15 : memref<256x128xf32, #tpu.memory_space<vmem>>) offsets(%dma_start3A_14 : memref<256xi32, #tpu.memory_space<vmem>>) semaphore(%arg18 : memref<!tpu.dma_semaphore, #tpu.memory_space<semaphore_mem>>)
    %dma_wait3A = arith.constant 0 : i32
    %dma_wait3A_18 = tpu.memref_slice %arg13[%dma_wait3A] : memref<2048xi32, #tpu.memory_space<vmem>> -> memref<256xi32, #tpu.memory_space<vmem>>
    %dma_wait3A_19 = arith.constant 0 : i32
    %dma_wait3A_20 = arith.constant 0 : i32
    %dma_wait3A_21 = tpu.memref_slice %arg2[%dma_wait3A_19, %dma_wait3A_20] : memref<125000x128xf32, #tpu.memory_space<hbm>> -> memref<125000x128xf32, #tpu.memory_space<hbm>>
    tpu.wait_indirect_dma semaphore(%arg17 : memref<!tpu.dma_semaphore, #tpu.memory_space<semaphore_mem>>) src(%dma_wait3A_21 : memref<125000x128xf32, #tpu.memory_space<hbm>>) dst(%arg14 : memref<256x128xf32, #tpu.memory_space<vmem>>)
    %scan3A_22 = arith.constant 0 : i32
    %scan3A_23 = arith.constant 0 : i32
    %scan3A_24 = arith.constant 16 : i32
    %scan3A_25 = arith.addi %scan3A_23, %scan3A_24 : i32
    %scan3A_26 = arith.constant 1 : i32
    %scan3A_27 = scf.for %scan3A_150 = %scan3A_23 to %scan3A_25 step %scan3A_26 iter_args(%scan3A_151 = %scan3A_22) -> (i32)  : i32 {
      %mul3A_152 = arith.constant 16 : i32
      %mul3A_153 = arith.muli %scan3A_150, %mul3A_152 : i32
      %add3A_154 = arith.constant 0 : i32
      %add3A_155 = arith.addi %add3A_154, %mul3A_153 : i32
      %get3A = arith.index_cast %add3A_155 : i32 to index
      %get3A_156 = tpu.vector_load %arg12[%get3A] {strides = array<i32>} : memref<2048xi32, #tpu.memory_space<vmem>>, vector<16xi32>,
      %and3A = arith.constant 15 : i32
      %and3A_157 = vector.broadcast %and3A : i32 to vector<16xi32>
      %and3A_158 = arith.andi %get3A_156, %and3A_157 : vector<16xi32>
      %mul3A_159 = arith.constant 8 : i32
      %mul3A_160 = vector.broadcast %mul3A_159 : i32 to vector<16xi32>
      %mul3A_161 = arith.muli %and3A_158, %mul3A_160 : vector<16xi32>
      %mul3A_162 = arith.constant 16 : i32
      %mul3A_163 = arith.muli %scan3A_150, %mul3A_162 : i32
      %add3A_164 = vector.broadcast %mul3A_163 : i32 to vector<16xi32>
      %add3A_165 = arith.addi %iota3A, %add3A_164 : vector<16xi32>
      %add3A_166 = arith.constant 0 : i32
      %add3A_167 = vector.broadcast %add3A_166 : i32 to vector<16xi32>
      %add3A_168 = arith.addi %mul3A_161, %add3A_167 : vector<16xi32>
      %gather3A = tpu.vector_load_idx %arg14[%add3A_165, %add3A_168] : memref<256x128xf32, #tpu.memory_space<vmem>>[vector<16xi32>, vector<16xi32>], vector<16xf32>,
      %swap3A = arith.constant 0 : i32
      %swap3A_169 = arith.index_cast %swap3A : i32 to index
      %swap3A_170 = arith.index_cast %add3A_155 : i32 to index
      %swap3A_171 = tpu.vector_load %arg16[%swap3A_169, %swap3A_170] {strides = array<i32>} : memref<8x2048xf32, #tpu.memory_space<vmem>>, vector<16xf32>,
      tpu.vector_store %arg16[%swap3A_169, %swap3A_170], %gather3A {strides = array<i32>} : memref<8x2048xf32, #tpu.memory_space<vmem>>, vector<16xf32>,
      %add3A_172 = arith.constant 1 : i32
      %add3A_173 = vector.broadcast %add3A_172 : i32 to vector<16xi32>
      %add3A_174 = arith.addi %mul3A_161, %add3A_173 : vector<16xi32>
      %gather3A_175 = tpu.vector_load_idx %arg14[%add3A_165, %add3A_174] : memref<256x128xf32, #tpu.memory_space<vmem>>[vector<16xi32>, vector<16xi32>], vector<16xf32>,
      %swap3A_176 = arith.constant 1 : i32
      %swap3A_177 = arith.index_cast %swap3A_176 : i32 to index
      %swap3A_178 = arith.index_cast %add3A_155 : i32 to index
      %swap3A_179 = tpu.vector_load %arg16[%swap3A_177, %swap3A_178] {strides = array<i32>} : memref<8x2048xf32, #tpu.memory_space<vmem>>, vector<16xf32>,
      tpu.vector_store %arg16[%swap3A_177, %swap3A_178], %gather3A_175 {strides = array<i32>} : memref<8x2048xf32, #tpu.memory_space<vmem>>, vector<16xf32>,
      %add3A_180 = arith.constant 2 : i32
      %add3A_181 = vector.broadcast %add3A_180 : i32 to vector<16xi32>
      %add3A_182 = arith.addi %mul3A_161, %add3A_181 : vector<16xi32>
      %gather3A_183 = tpu.vector_load_idx %arg14[%add3A_165, %add3A_182] : memref<256x128xf32, #tpu.memory_space<vmem>>[vector<16xi32>, vector<16xi32>], vector<16xf32>,
      %swap3A_184 = arith.constant 2 : i32
      %swap3A_185 = arith.index_cast %swap3A_184 : i32 to index
      %swap3A_186 = arith.index_cast %add3A_155 : i32 to index
      %swap3A_187 = tpu.vector_load %arg16[%swap3A_185, %swap3A_186] {strides = array<i32>} : memref<8x2048xf32, #tpu.memory_space<vmem>>, vector<16xf32>,
      tpu.vector_store %arg16[%swap3A_185, %swap3A_186], %gather3A_183 {strides = array<i32>} : memref<8x2048xf32, #tpu.memory_space<vmem>>, vector<16xf32>,
      %add3A_188 = arith.constant 3 : i32
      %add3A_189 = vector.broadcast %add3A_188 : i32 to vector<16xi32>
      %add3A_190 = arith.addi %mul3A_161, %add3A_189 : vector<16xi32>
      %gather3A_191 = tpu.vector_load_idx %arg14[%add3A_165, %add3A_190] : memref<256x128xf32, #tpu.memory_space<vmem>>[vector<16xi32>, vector<16xi32>], vector<16xf32>,
      %swap3A_192 = arith.constant 3 : i32
      %swap3A_193 = arith.index_cast %swap3A_192 : i32 to index
      %swap3A_194 = arith.index_cast %add3A_155 : i32 to index
      %swap3A_195 = tpu.vector_load %arg16[%swap3A_193, %swap3A_194] {strides = array<i32>} : memref<8x2048xf32, #tpu.memory_space<vmem>>, vector<16xf32>,
      tpu.vector_store %arg16[%swap3A_193, %swap3A_194], %gather3A_191 {strides = array<i32>} : memref<8x2048xf32, #tpu.memory_space<vmem>>, vector<16xf32>,
      %add3A_196 = arith.constant 4 : i32
      %add3A_197 = vector.broadcast %add3A_196 : i32 to vector<16xi32>
      %add3A_198 = arith.addi %mul3A_161, %add3A_197 : vector<16xi32>
      %gather3A_199 = tpu.vector_load_idx %arg14[%add3A_165, %add3A_198] : memref<256x128xf32, #tpu.memory_space<vmem>>[vector<16xi32>, vector<16xi32>], vector<16xf32>,
      %swap3A_200 = arith.constant 4 : i32
      %swap3A_201 = arith.index_cast %swap3A_200 : i32 to index
      %swap3A_202 = arith.index_cast %add3A_155 : i32 to index
      %swap3A_203 = tpu.vector_load %arg16[%swap3A_201, %swap3A_202] {strides = array<i32>} : memref<8x2048xf32, #tpu.memory_space<vmem>>, vector<16xf32>,
      tpu.vector_store %arg16[%swap3A_201, %swap3A_202], %gather3A_199 {strides = array<i32>} : memref<8x2048xf32, #tpu.memory_space<vmem>>, vector<16xf32>,
      %add3A_204 = arith.constant 5 : i32
      %add3A_205 = vector.broadcast %add3A_204 : i32 to vector<16xi32>
      %add3A_206 = arith.addi %mul3A_161, %add3A_205 : vector<16xi32>
      %gather3A_207 = tpu.vector_load_idx %arg14[%add3A_165, %add3A_206] : memref<256x128xf32, #tpu.memory_space<vmem>>[vector<16xi32>, vector<16xi32>], vector<16xf32>,
      %swap3A_208 = arith.constant 5 : i32
      %swap3A_209 = arith.index_cast %swap3A_208 : i32 to index
      %swap3A_210 = arith.index_cast %add3A_155 : i32 to index
      %swap3A_211 = tpu.vector_load %arg16[%swap3A_209, %swap3A_210] {strides = array<i32>} : memref<8x2048xf32, #tpu.memory_space<vmem>>, vector<16xf32>,
      tpu.vector_store %arg16[%swap3A_209, %swap3A_210], %gather3A_207 {strides = array<i32>} : memref<8x2048xf32, #tpu.memory_space<vmem>>, vector<16xf32>,
      %add3A_212 = arith.constant 6 : i32
      %add3A_213 = vector.broadcast %add3A_212 : i32 to vector<16xi32>
      %add3A_214 = arith.addi %mul3A_161, %add3A_213 : vector<16xi32>
      %gather3A_215 = tpu.vector_load_idx %arg14[%add3A_165, %add3A_214] : memref<256x128xf32, #tpu.memory_space<vmem>>[vector<16xi32>, vector<16xi32>], vector<16xf32>,
      %swap3A_216 = arith.constant 6 : i32
      %swap3A_217 = arith.index_cast %swap3A_216 : i32 to index
      %swap3A_218 = arith.index_cast %add3A_155 : i32 to index
      %swap3A_219 = tpu.vector_load %arg16[%swap3A_217, %swap3A_218] {strides = array<i32>} : memref<8x2048xf32, #tpu.memory_space<vmem>>, vector<16xf32>,
      tpu.vector_store %arg16[%swap3A_217, %swap3A_218], %gather3A_215 {strides = array<i32>} : memref<8x2048xf32, #tpu.memory_space<vmem>>, vector<16xf32>,
      %add3A_220 = arith.constant 7 : i32
      %add3A_221 = vector.broadcast %add3A_220 : i32 to vector<16xi32>
      %add3A_222 = arith.addi %mul3A_161, %add3A_221 : vector<16xi32>
      %gather3A_223 = tpu.vector_load_idx %arg14[%add3A_165, %add3A_222] : memref<256x128xf32, #tpu.memory_space<vmem>>[vector<16xi32>, vector<16xi32>], vector<16xf32>,
      %swap3A_224 = arith.constant 7 : i32
      %swap3A_225 = arith.index_cast %swap3A_224 : i32 to index
      %swap3A_226 = arith.index_cast %add3A_155 : i32 to index
      %swap3A_227 = tpu.vector_load %arg16[%swap3A_225, %swap3A_226] {strides = array<i32>} : memref<8x2048xf32, #tpu.memory_space<vmem>>, vector<16xf32>,
      tpu.vector_store %arg16[%swap3A_225, %swap3A_226], %gather3A_223 {strides = array<i32>} : memref<8x2048xf32, #tpu.memory_space<vmem>>, vector<16xf32>,
      %scan3A_228 = arith.constant 0 : i32
      scf.yield %scan3A_228 : i32
    }
    %scan3A_28 = arith.constant 16 : i32
    %dma_start3A_29 = arith.constant 512 : i32
    %dma_start3A_30 = tpu.memref_slice %arg13[%dma_start3A_29] : memref<2048xi32, #tpu.memory_space<vmem>> -> memref<256xi32, #tpu.memory_space<vmem>>
    %dma_start3A_31 = arith.constant 0 : i32
    %dma_start3A_32 = arith.constant 0 : i32
    %dma_start3A_33 = tpu.memref_slice %arg2[%dma_start3A_31, %dma_start3A_32] : memref<125000x128xf32, #tpu.memory_space<hbm>> -> memref<125000x128xf32, #tpu.memory_space<hbm>>
    tpu.enqueue_indirect_dma source(%dma_start3A_33 : memref<125000x128xf32, #tpu.memory_space<hbm>>) target(%arg14 : memref<256x128xf32, #tpu.memory_space<vmem>>) offsets(%dma_start3A_30 : memref<256xi32, #tpu.memory_space<vmem>>) semaphore(%arg17 : memref<!tpu.dma_semaphore, #tpu.memory_space<semaphore_mem>>)
    %dma_wait3A_34 = arith.constant 256 : i32
    %dma_wait3A_35 = tpu.memref_slice %arg13[%dma_wait3A_34] : memref<2048xi32, #tpu.memory_space<vmem>> -> memref<256xi32, #tpu.memory_space<vmem>>
    %dma_wait3A_36 = arith.constant 0 : i32
    %dma_wait3A_37 = arith.constant 0 : i32
    %dma_wait3A_38 = tpu.memref_slice %arg2[%dma_wait3A_36, %dma_wait3A_37] : memref<125000x128xf32, #tpu.memory_space<hbm>> -> memref<125000x128xf32, #tpu.memory_space<hbm>>
    tpu.wait_indirect_dma semaphore(%arg18 : memref<!tpu.dma_semaphore, #tpu.memory_space<semaphore_mem>>) src(%dma_wait3A_38 : memref<125000x128xf32, #tpu.memory_space<hbm>>) dst(%arg15 : memref<256x128xf32, #tpu.memory_space<vmem>>)
    %scan3A_39 = arith.constant 0 : i32
    %scan3A_40 = arith.constant 0 : i32
    %scan3A_41 = arith.constant 16 : i32
    %scan3A_42 = arith.addi %scan3A_40, %scan3A_41 : i32
    %scan3A_43 = arith.constant 1 : i32
    %scan3A_44 = scf.for %scan3A_150 = %scan3A_40 to %scan3A_42 step %scan3A_43 iter_args(%scan3A_151 = %scan3A_39) -> (i32)  : i32 {
      %mul3A_152 = arith.constant 16 : i32
      %mul3A_153 = arith.muli %scan3A_150, %mul3A_152 : i32
      %add3A_154 = arith.constant 256 : i32
      %add3A_155 = arith.addi %add3A_154, %mul3A_153 : i32
      %get3A = arith.index_cast %add3A_155 : i32 to index
      %get3A_156 = tpu.vector_load %arg12[%get3A] {strides = array<i32>} : memref<2048xi32, #tpu.memory_space<vmem>>, vector<16xi32>,
      %and3A = arith.constant 15 : i32
      %and3A_157 = vector.broadcast %and3A : i32 to vector<16xi32>
      %and3A_158 = arith.andi %get3A_156, %and3A_157 : vector<16xi32>
      %mul3A_159 = arith.constant 8 : i32
      %mul3A_160 = vector.broadcast %mul3A_159 : i32 to vector<16xi32>
      %mul3A_161 = arith.muli %and3A_158, %mul3A_160 : vector<16xi32>
      %mul3A_162 = arith.constant 16 : i32
      %mul3A_163 = arith.muli %scan3A_150, %mul3A_162 : i32
      %add3A_164 = vector.broadcast %mul3A_163 : i32 to vector<16xi32>
      %add3A_165 = arith.addi %iota3A, %add3A_164 : vector<16xi32>
      %add3A_166 = arith.constant 0 : i32
      %add3A_167 = vector.broadcast %add3A_166 : i32 to vector<16xi32>
      %add3A_168 = arith.addi %mul3A_161, %add3A_167 : vector<16xi32>
      %gather3A = tpu.vector_load_idx %arg15[%add3A_165, %add3A_168] : memref<256x128xf32, #tpu.memory_space<vmem>>[vector<16xi32>, vector<16xi32>], vector<16xf32>,
      %swap3A = arith.constant 0 : i32
      %swap3A_169 = arith.index_cast %swap3A : i32 to index
      %swap3A_170 = arith.index_cast %add3A_155 : i32 to index
      %swap3A_171 = tpu.vector_load %arg16[%swap3A_169, %swap3A_170] {strides = array<i32>} : memref<8x2048xf32, #tpu.memory_space<vmem>>, vector<16xf32>,
      tpu.vector_store %arg16[%swap3A_169, %swap3A_170], %gather3A {strides = array<i32>} : memref<8x2048xf32, #tpu.memory_space<vmem>>, vector<16xf32>,
      %add3A_172 = arith.constant 1 : i32
      %add3A_173 = vector.broadcast %add3A_172 : i32 to vector<16xi32>
      %add3A_174 = arith.addi %mul3A_161, %add3A_173 : vector<16xi32>
      %gather3A_175 = tpu.vector_load_idx %arg15[%add3A_165, %add3A_174] : memref<256x128xf32, #tpu.memory_space<vmem>>[vector<16xi32>, vector<16xi32>], vector<16xf32>,
      %swap3A_176 = arith.constant 1 : i32
      %swap3A_177 = arith.index_cast %swap3A_176 : i32 to index
      %swap3A_178 = arith.index_cast %add3A_155 : i32 to index
      %swap3A_179 = tpu.vector_load %arg16[%swap3A_177, %swap3A_178] {strides = array<i32>} : memref<8x2048xf32, #tpu.memory_space<vmem>>, vector<16xf32>,
      tpu.vector_store %arg16[%swap3A_177, %swap3A_178], %gather3A_175 {strides = array<i32>} : memref<8x2048xf32, #tpu.memory_space<vmem>>, vector<16xf32>,
      %add3A_180 = arith.constant 2 : i32
      %add3A_181 = vector.broadcast %add3A_180 : i32 to vector<16xi32>
      %add3A_182 = arith.addi %mul3A_161, %add3A_181 : vector<16xi32>
      %gather3A_183 = tpu.vector_load_idx %arg15[%add3A_165, %add3A_182] : memref<256x128xf32, #tpu.memory_space<vmem>>[vector<16xi32>, vector<16xi32>], vector<16xf32>,
      %swap3A_184 = arith.constant 2 : i32
      %swap3A_185 = arith.index_cast %swap3A_184 : i32 to index
      %swap3A_186 = arith.index_cast %add3A_155 : i32 to index
      %swap3A_187 = tpu.vector_load %arg16[%swap3A_185, %swap3A_186] {strides = array<i32>} : memref<8x2048xf32, #tpu.memory_space<vmem>>, vector<16xf32>,
      tpu.vector_store %arg16[%swap3A_185, %swap3A_186], %gather3A_183 {strides = array<i32>} : memref<8x2048xf32, #tpu.memory_space<vmem>>, vector<16xf32>,
      %add3A_188 = arith.constant 3 : i32
      %add3A_189 = vector.broadcast %add3A_188 : i32 to vector<16xi32>
      %add3A_190 = arith.addi %mul3A_161, %add3A_189 : vector<16xi32>
      %gather3A_191 = tpu.vector_load_idx %arg15[%add3A_165, %add3A_190] : memref<256x128xf32, #tpu.memory_space<vmem>>[vector<16xi32>, vector<16xi32>], vector<16xf32>,
      %swap3A_192 = arith.constant 3 : i32
      %swap3A_193 = arith.index_cast %swap3A_192 : i32 to index
      %swap3A_194 = arith.index_cast %add3A_155 : i32 to index
      %swap3A_195 = tpu.vector_load %arg16[%swap3A_193, %swap3A_194] {strides = array<i32>} : memref<8x2048xf32, #tpu.memory_space<vmem>>, vector<16xf32>,
      tpu.vector_store %arg16[%swap3A_193, %swap3A_194], %gather3A_191 {strides = array<i32>} : memref<8x2048xf32, #tpu.memory_space<vmem>>, vector<16xf32>,
      %add3A_196 = arith.constant 4 : i32
      %add3A_197 = vector.broadcast %add3A_196 : i32 to vector<16xi32>
      %add3A_198 = arith.addi %mul3A_161, %add3A_197 : vector<16xi32>
      %gather3A_199 = tpu.vector_load_idx %arg15[%add3A_165, %add3A_198] : memref<256x128xf32, #tpu.memory_space<vmem>>[vector<16xi32>, vector<16xi32>], vector<16xf32>,
      %swap3A_200 = arith.constant 4 : i32
      %swap3A_201 = arith.index_cast %swap3A_200 : i32 to index
      %swap3A_202 = arith.index_cast %add3A_155 : i32 to index
      %swap3A_203 = tpu.vector_load %arg16[%swap3A_201, %swap3A_202] {strides = array<i32>} : memref<8x2048xf32, #tpu.memory_space<vmem>>, vector<16xf32>,
      tpu.vector_store %arg16[%swap3A_201, %swap3A_202], %gather3A_199 {strides = array<i32>} : memref<8x2048xf32, #tpu.memory_space<vmem>>, vector<16xf32>,
      %add3A_204 = arith.constant 5 : i32
      %add3A_205 = vector.broadcast %add3A_204 : i32 to vector<16xi32>
      %add3A_206 = arith.addi %mul3A_161, %add3A_205 : vector<16xi32>
      %gather3A_207 = tpu.vector_load_idx %arg15[%add3A_165, %add3A_206] : memref<256x128xf32, #tpu.memory_space<vmem>>[vector<16xi32>, vector<16xi32>], vector<16xf32>,
      %swap3A_208 = arith.constant 5 : i32
      %swap3A_209 = arith.index_cast %swap3A_208 : i32 to index
      %swap3A_210 = arith.index_cast %add3A_155 : i32 to index
      %swap3A_211 = tpu.vector_load %arg16[%swap3A_209, %swap3A_210] {strides = array<i32>} : memref<8x2048xf32, #tpu.memory_space<vmem>>, vector<16xf32>,
      tpu.vector_store %arg16[%swap3A_209, %swap3A_210], %gather3A_207 {strides = array<i32>} : memref<8x2048xf32, #tpu.memory_space<vmem>>, vector<16xf32>,
      %add3A_212 = arith.constant 6 : i32
      %add3A_213 = vector.broadcast %add3A_212 : i32 to vector<16xi32>
      %add3A_214 = arith.addi %mul3A_161, %add3A_213 : vector<16xi32>
      %gather3A_215 = tpu.vector_load_idx %arg15[%add3A_165, %add3A_214] : memref<256x128xf32, #tpu.memory_space<vmem>>[vector<16xi32>, vector<16xi32>], vector<16xf32>,
      %swap3A_216 = arith.constant 6 : i32
      %swap3A_217 = arith.index_cast %swap3A_216 : i32 to index
      %swap3A_218 = arith.index_cast %add3A_155 : i32 to index
      %swap3A_219 = tpu.vector_load %arg16[%swap3A_217, %swap3A_218] {strides = array<i32>} : memref<8x2048xf32, #tpu.memory_space<vmem>>, vector<16xf32>,
      tpu.vector_store %arg16[%swap3A_217, %swap3A_218], %gather3A_215 {strides = array<i32>} : memref<8x2048xf32, #tpu.memory_space<vmem>>, vector<16xf32>,
      %add3A_220 = arith.constant 7 : i32
      %add3A_221 = vector.broadcast %add3A_220 : i32 to vector<16xi32>
      %add3A_222 = arith.addi %mul3A_161, %add3A_221 : vector<16xi32>
      %gather3A_223 = tpu.vector_load_idx %arg15[%add3A_165, %add3A_222] : memref<256x128xf32, #tpu.memory_space<vmem>>[vector<16xi32>, vector<16xi32>], vector<16xf32>,
      %swap3A_224 = arith.constant 7 : i32
      %swap3A_225 = arith.index_cast %swap3A_224 : i32 to index
      %swap3A_226 = arith.index_cast %add3A_155 : i32 to index
      %swap3A_227 = tpu.vector_load %arg16[%swap3A_225, %swap3A_226] {strides = array<i32>} : memref<8x2048xf32, #tpu.memory_space<vmem>>, vector<16xf32>,
      tpu.vector_store %arg16[%swap3A_225, %swap3A_226], %gather3A_223 {strides = array<i32>} : memref<8x2048xf32, #tpu.memory_space<vmem>>, vector<16xf32>,
      %scan3A_228 = arith.constant 0 : i32
      scf.yield %scan3A_228 : i32
    }
    %scan3A_45 = arith.constant 16 : i32
    %dma_start3A_46 = arith.constant 768 : i32
    %dma_start3A_47 = tpu.memref_slice %arg13[%dma_start3A_46] : memref<2048xi32, #tpu.memory_space<vmem>> -> memref<256xi32, #tpu.memory_space<vmem>>
    %dma_start3A_48 = arith.constant 0 : i32
    %dma_start3A_49 = arith.constant 0 : i32
    %dma_start3A_50 = tpu.memref_slice %arg2[%dma_start3A_48, %dma_start3A_49] : memref<125000x128xf32, #tpu.memory_space<hbm>> -> memref<125000x128xf32, #tpu.memory_space<hbm>>
    tpu.enqueue_indirect_dma source(%dma_start3A_50 : memref<125000x128xf32, #tpu.memory_space<hbm>>) target(%arg15 : memref<256x128xf32, #tpu.memory_space<vmem>>) offsets(%dma_start3A_47 : memref<256xi32, #tpu.memory_space<vmem>>) semaphore(%arg18 : memref<!tpu.dma_semaphore, #tpu.memory_space<semaphore_mem>>)
    %dma_wait3A_51 = arith.constant 512 : i32
    %dma_wait3A_52 = tpu.memref_slice %arg13[%dma_wait3A_51] : memref<2048xi32, #tpu.memory_space<vmem>> -> memref<256xi32, #tpu.memory_space<vmem>>
    %dma_wait3A_53 = arith.constant 0 : i32
    %dma_wait3A_54 = arith.constant 0 : i32
    %dma_wait3A_55 = tpu.memref_slice %arg2[%dma_wait3A_53, %dma_wait3A_54] : memref<125000x128xf32, #tpu.memory_space<hbm>> -> memref<125000x128xf32, #tpu.memory_space<hbm>>
    tpu.wait_indirect_dma semaphore(%arg17 : memref<!tpu.dma_semaphore, #tpu.memory_space<semaphore_mem>>) src(%dma_wait3A_55 : memref<125000x128xf32, #tpu.memory_space<hbm>>) dst(%arg14 : memref<256x128xf32, #tpu.memory_space<vmem>>)
    %scan3A_56 = arith.constant 0 : i32
    %scan3A_57 = arith.constant 0 : i32
    %scan3A_58 = arith.constant 16 : i32
    %scan3A_59 = arith.addi %scan3A_57, %scan3A_58 : i32
    %scan3A_60 = arith.constant 1 : i32
    %scan3A_61 = scf.for %scan3A_150 = %scan3A_57 to %scan3A_59 step %scan3A_60 iter_args(%scan3A_151 = %scan3A_56) -> (i32)  : i32 {
      %mul3A_152 = arith.constant 16 : i32
      %mul3A_153 = arith.muli %scan3A_150, %mul3A_152 : i32
      %add3A_154 = arith.constant 512 : i32
      %add3A_155 = arith.addi %add3A_154, %mul3A_153 : i32
      %get3A = arith.index_cast %add3A_155 : i32 to index
      %get3A_156 = tpu.vector_load %arg12[%get3A] {strides = array<i32>} : memref<2048xi32, #tpu.memory_space<vmem>>, vector<16xi32>,
      %and3A = arith.constant 15 : i32
      %and3A_157 = vector.broadcast %and3A : i32 to vector<16xi32>
      %and3A_158 = arith.andi %get3A_156, %and3A_157 : vector<16xi32>
      %mul3A_159 = arith.constant 8 : i32
      %mul3A_160 = vector.broadcast %mul3A_159 : i32 to vector<16xi32>
      %mul3A_161 = arith.muli %and3A_158, %mul3A_160 : vector<16xi32>
      %mul3A_162 = arith.constant 16 : i32
      %mul3A_163 = arith.muli %scan3A_150, %mul3A_162 : i32
      %add3A_164 = vector.broadcast %mul3A_163 : i32 to vector<16xi32>
      %add3A_165 = arith.addi %iota3A, %add3A_164 : vector<16xi32>
      %add3A_166 = arith.constant 0 : i32
      %add3A_167 = vector.broadcast %add3A_166 : i32 to vector<16xi32>
      %add3A_168 = arith.addi %mul3A_161, %add3A_167 : vector<16xi32>
      %gather3A = tpu.vector_load_idx %arg14[%add3A_165, %add3A_168] : memref<256x128xf32, #tpu.memory_space<vmem>>[vector<16xi32>, vector<16xi32>], vector<16xf32>,
      %swap3A = arith.constant 0 : i32
      %swap3A_169 = arith.index_cast %swap3A : i32 to index
      %swap3A_170 = arith.index_cast %add3A_155 : i32 to index
      %swap3A_171 = tpu.vector_load %arg16[%swap3A_169, %swap3A_170] {strides = array<i32>} : memref<8x2048xf32, #tpu.memory_space<vmem>>, vector<16xf32>,
      tpu.vector_store %arg16[%swap3A_169, %swap3A_170], %gather3A {strides = array<i32>} : memref<8x2048xf32, #tpu.memory_space<vmem>>, vector<16xf32>,
      %add3A_172 = arith.constant 1 : i32
      %add3A_173 = vector.broadcast %add3A_172 : i32 to vector<16xi32>
      %add3A_174 = arith.addi %mul3A_161, %add3A_173 : vector<16xi32>
      %gather3A_175 = tpu.vector_load_idx %arg14[%add3A_165, %add3A_174] : memref<256x128xf32, #tpu.memory_space<vmem>>[vector<16xi32>, vector<16xi32>], vector<16xf32>,
      %swap3A_176 = arith.constant 1 : i32
      %swap3A_177 = arith.index_cast %swap3A_176 : i32 to index
      %swap3A_178 = arith.index_cast %add3A_155 : i32 to index
      %swap3A_179 = tpu.vector_load %arg16[%swap3A_177, %swap3A_178] {strides = array<i32>} : memref<8x2048xf32, #tpu.memory_space<vmem>>, vector<16xf32>,
      tpu.vector_store %arg16[%swap3A_177, %swap3A_178], %gather3A_175 {strides = array<i32>} : memref<8x2048xf32, #tpu.memory_space<vmem>>, vector<16xf32>,
      %add3A_180 = arith.constant 2 : i32
      %add3A_181 = vector.broadcast %add3A_180 : i32 to vector<16xi32>
      %add3A_182 = arith.addi %mul3A_161, %add3A_181 : vector<16xi32>
      %gather3A_183 = tpu.vector_load_idx %arg14[%add3A_165, %add3A_182] : memref<256x128xf32, #tpu.memory_space<vmem>>[vector<16xi32>, vector<16xi32>], vector<16xf32>,
      %swap3A_184 = arith.constant 2 : i32
      %swap3A_185 = arith.index_cast %swap3A_184 : i32 to index
      %swap3A_186 = arith.index_cast %add3A_155 : i32 to index
      %swap3A_187 = tpu.vector_load %arg16[%swap3A_185, %swap3A_186] {strides = array<i32>} : memref<8x2048xf32, #tpu.memory_space<vmem>>, vector<16xf32>,
      tpu.vector_store %arg16[%swap3A_185, %swap3A_186], %gather3A_183 {strides = array<i32>} : memref<8x2048xf32, #tpu.memory_space<vmem>>, vector<16xf32>,
      %add3A_188 = arith.constant 3 : i32
      %add3A_189 = vector.broadcast %add3A_188 : i32 to vector<16xi32>
      %add3A_190 = arith.addi %mul3A_161, %add3A_189 : vector<16xi32>
      %gather3A_191 = tpu.vector_load_idx %arg14[%add3A_165, %add3A_190] : memref<256x128xf32, #tpu.memory_space<vmem>>[vector<16xi32>, vector<16xi32>], vector<16xf32>,
      %swap3A_192 = arith.constant 3 : i32
      %swap3A_193 = arith.index_cast %swap3A_192 : i32 to index
      %swap3A_194 = arith.index_cast %add3A_155 : i32 to index
      %swap3A_195 = tpu.vector_load %arg16[%swap3A_193, %swap3A_194] {strides = array<i32>} : memref<8x2048xf32, #tpu.memory_space<vmem>>, vector<16xf32>,
      tpu.vector_store %arg16[%swap3A_193, %swap3A_194], %gather3A_191 {strides = array<i32>} : memref<8x2048xf32, #tpu.memory_space<vmem>>, vector<16xf32>,
      %add3A_196 = arith.constant 4 : i32
      %add3A_197 = vector.broadcast %add3A_196 : i32 to vector<16xi32>
      %add3A_198 = arith.addi %mul3A_161, %add3A_197 : vector<16xi32>
      %gather3A_199 = tpu.vector_load_idx %arg14[%add3A_165, %add3A_198] : memref<256x128xf32, #tpu.memory_space<vmem>>[vector<16xi32>, vector<16xi32>], vector<16xf32>,
      %swap3A_200 = arith.constant 4 : i32
      %swap3A_201 = arith.index_cast %swap3A_200 : i32 to index
      %swap3A_202 = arith.index_cast %add3A_155 : i32 to index
      %swap3A_203 = tpu.vector_load %arg16[%swap3A_201, %swap3A_202] {strides = array<i32>} : memref<8x2048xf32, #tpu.memory_space<vmem>>, vector<16xf32>,
      tpu.vector_store %arg16[%swap3A_201, %swap3A_202], %gather3A_199 {strides = array<i32>} : memref<8x2048xf32, #tpu.memory_space<vmem>>, vector<16xf32>,
      %add3A_204 = arith.constant 5 : i32
      %add3A_205 = vector.broadcast %add3A_204 : i32 to vector<16xi32>
      %add3A_206 = arith.addi %mul3A_161, %add3A_205 : vector<16xi32>
      %gather3A_207 = tpu.vector_load_idx %arg14[%add3A_165, %add3A_206] : memref<256x128xf32, #tpu.memory_space<vmem>>[vector<16xi32>, vector<16xi32>], vector<16xf32>,
      %swap3A_208 = arith.constant 5 : i32
      %swap3A_209 = arith.index_cast %swap3A_208 : i32 to index
      %swap3A_210 = arith.index_cast %add3A_155 : i32 to index
      %swap3A_211 = tpu.vector_load %arg16[%swap3A_209, %swap3A_210] {strides = array<i32>} : memref<8x2048xf32, #tpu.memory_space<vmem>>, vector<16xf32>,
      tpu.vector_store %arg16[%swap3A_209, %swap3A_210], %gather3A_207 {strides = array<i32>} : memref<8x2048xf32, #tpu.memory_space<vmem>>, vector<16xf32>,
      %add3A_212 = arith.constant 6 : i32
      %add3A_213 = vector.broadcast %add3A_212 : i32 to vector<16xi32>
      %add3A_214 = arith.addi %mul3A_161, %add3A_213 : vector<16xi32>
      %gather3A_215 = tpu.vector_load_idx %arg14[%add3A_165, %add3A_214] : memref<256x128xf32, #tpu.memory_space<vmem>>[vector<16xi32>, vector<16xi32>], vector<16xf32>,
      %swap3A_216 = arith.constant 6 : i32
      %swap3A_217 = arith.index_cast %swap3A_216 : i32 to index
      %swap3A_218 = arith.index_cast %add3A_155 : i32 to index
      %swap3A_219 = tpu.vector_load %arg16[%swap3A_217, %swap3A_218] {strides = array<i32>} : memref<8x2048xf32, #tpu.memory_space<vmem>>, vector<16xf32>,
      tpu.vector_store %arg16[%swap3A_217, %swap3A_218], %gather3A_215 {strides = array<i32>} : memref<8x2048xf32, #tpu.memory_space<vmem>>, vector<16xf32>,
      %add3A_220 = arith.constant 7 : i32
      %add3A_221 = vector.broadcast %add3A_220 : i32 to vector<16xi32>
      %add3A_222 = arith.addi %mul3A_161, %add3A_221 : vector<16xi32>
      %gather3A_223 = tpu.vector_load_idx %arg14[%add3A_165, %add3A_222] : memref<256x128xf32, #tpu.memory_space<vmem>>[vector<16xi32>, vector<16xi32>], vector<16xf32>,
      %swap3A_224 = arith.constant 7 : i32
      %swap3A_225 = arith.index_cast %swap3A_224 : i32 to index
      %swap3A_226 = arith.index_cast %add3A_155 : i32 to index
      %swap3A_227 = tpu.vector_load %arg16[%swap3A_225, %swap3A_226] {strides = array<i32>} : memref<8x2048xf32, #tpu.memory_space<vmem>>, vector<16xf32>,
      tpu.vector_store %arg16[%swap3A_225, %swap3A_226], %gather3A_223 {strides = array<i32>} : memref<8x2048xf32, #tpu.memory_space<vmem>>, vector<16xf32>,
      %scan3A_228 = arith.constant 0 : i32
      scf.yield %scan3A_228 : i32
    }
    %scan3A_62 = arith.constant 16 : i32
    %dma_start3A_63 = arith.constant 1024 : i32
    %dma_start3A_64 = tpu.memref_slice %arg13[%dma_start3A_63] : memref<2048xi32, #tpu.memory_space<vmem>> -> memref<256xi32, #tpu.memory_space<vmem>>
    %dma_start3A_65 = arith.constant 0 : i32
    %dma_start3A_66 = arith.constant 0 : i32
    %dma_start3A_67 = tpu.memref_slice %arg2[%dma_start3A_65, %dma_start3A_66] : memref<125000x128xf32, #tpu.memory_space<hbm>> -> memref<125000x128xf32, #tpu.memory_space<hbm>>
    tpu.enqueue_indirect_dma source(%dma_start3A_67 : memref<125000x128xf32, #tpu.memory_space<hbm>>) target(%arg14 : memref<256x128xf32, #tpu.memory_space<vmem>>) offsets(%dma_start3A_64 : memref<256xi32, #tpu.memory_space<vmem>>) semaphore(%arg17 : memref<!tpu.dma_semaphore, #tpu.memory_space<semaphore_mem>>)
    %dma_wait3A_68 = arith.constant 768 : i32
    %dma_wait3A_69 = tpu.memref_slice %arg13[%dma_wait3A_68] : memref<2048xi32, #tpu.memory_space<vmem>> -> memref<256xi32, #tpu.memory_space<vmem>>
    %dma_wait3A_70 = arith.constant 0 : i32
    %dma_wait3A_71 = arith.constant 0 : i32
    %dma_wait3A_72 = tpu.memref_slice %arg2[%dma_wait3A_70, %dma_wait3A_71] : memref<125000x128xf32, #tpu.memory_space<hbm>> -> memref<125000x128xf32, #tpu.memory_space<hbm>>
    tpu.wait_indirect_dma semaphore(%arg18 : memref<!tpu.dma_semaphore, #tpu.memory_space<semaphore_mem>>) src(%dma_wait3A_72 : memref<125000x128xf32, #tpu.memory_space<hbm>>) dst(%arg15 : memref<256x128xf32, #tpu.memory_space<vmem>>)
    %scan3A_73 = arith.constant 0 : i32
    %scan3A_74 = arith.constant 0 : i32
    %scan3A_75 = arith.constant 16 : i32
    %scan3A_76 = arith.addi %scan3A_74, %scan3A_75 : i32
    %scan3A_77 = arith.constant 1 : i32
    %scan3A_78 = scf.for %scan3A_150 = %scan3A_74 to %scan3A_76 step %scan3A_77 iter_args(%scan3A_151 = %scan3A_73) -> (i32)  : i32 {
      %mul3A_152 = arith.constant 16 : i32
      %mul3A_153 = arith.muli %scan3A_150, %mul3A_152 : i32
      %add3A_154 = arith.constant 768 : i32
      %add3A_155 = arith.addi %add3A_154, %mul3A_153 : i32
      %get3A = arith.index_cast %add3A_155 : i32 to index
      %get3A_156 = tpu.vector_load %arg12[%get3A] {strides = array<i32>} : memref<2048xi32, #tpu.memory_space<vmem>>, vector<16xi32>,
      %and3A = arith.constant 15 : i32
      %and3A_157 = vector.broadcast %and3A : i32 to vector<16xi32>
      %and3A_158 = arith.andi %get3A_156, %and3A_157 : vector<16xi32>
      %mul3A_159 = arith.constant 8 : i32
      %mul3A_160 = vector.broadcast %mul3A_159 : i32 to vector<16xi32>
      %mul3A_161 = arith.muli %and3A_158, %mul3A_160 : vector<16xi32>
      %mul3A_162 = arith.constant 16 : i32
      %mul3A_163 = arith.muli %scan3A_150, %mul3A_162 : i32
      %add3A_164 = vector.broadcast %mul3A_163 : i32 to vector<16xi32>
      %add3A_165 = arith.addi %iota3A, %add3A_164 : vector<16xi32>
      %add3A_166 = arith.constant 0 : i32
      %add3A_167 = vector.broadcast %add3A_166 : i32 to vector<16xi32>
      %add3A_168 = arith.addi %mul3A_161, %add3A_167 : vector<16xi32>
      %gather3A = tpu.vector_load_idx %arg15[%add3A_165, %add3A_168] : memref<256x128xf32, #tpu.memory_space<vmem>>[vector<16xi32>, vector<16xi32>], vector<16xf32>,
      %swap3A = arith.constant 0 : i32
      %swap3A_169 = arith.index_cast %swap3A : i32 to index
      %swap3A_170 = arith.index_cast %add3A_155 : i32 to index
      %swap3A_171 = tpu.vector_load %arg16[%swap3A_169, %swap3A_170] {strides = array<i32>} : memref<8x2048xf32, #tpu.memory_space<vmem>>, vector<16xf32>,
      tpu.vector_store %arg16[%swap3A_169, %swap3A_170], %gather3A {strides = array<i32>} : memref<8x2048xf32, #tpu.memory_space<vmem>>, vector<16xf32>,
      %add3A_172 = arith.constant 1 : i32
      %add3A_173 = vector.broadcast %add3A_172 : i32 to vector<16xi32>
      %add3A_174 = arith.addi %mul3A_161, %add3A_173 : vector<16xi32>
      %gather3A_175 = tpu.vector_load_idx %arg15[%add3A_165, %add3A_174] : memref<256x128xf32, #tpu.memory_space<vmem>>[vector<16xi32>, vector<16xi32>], vector<16xf32>,
      %swap3A_176 = arith.constant 1 : i32
      %swap3A_177 = arith.index_cast %swap3A_176 : i32 to index
      %swap3A_178 = arith.index_cast %add3A_155 : i32 to index
      %swap3A_179 = tpu.vector_load %arg16[%swap3A_177, %swap3A_178] {strides = array<i32>} : memref<8x2048xf32, #tpu.memory_space<vmem>>, vector<16xf32>,
      tpu.vector_store %arg16[%swap3A_177, %swap3A_178], %gather3A_175 {strides = array<i32>} : memref<8x2048xf32, #tpu.memory_space<vmem>>, vector<16xf32>,
      %add3A_180 = arith.constant 2 : i32
      %add3A_181 = vector.broadcast %add3A_180 : i32 to vector<16xi32>
      %add3A_182 = arith.addi %mul3A_161, %add3A_181 : vector<16xi32>
      %gather3A_183 = tpu.vector_load_idx %arg15[%add3A_165, %add3A_182] : memref<256x128xf32, #tpu.memory_space<vmem>>[vector<16xi32>, vector<16xi32>], vector<16xf32>,
      %swap3A_184 = arith.constant 2 : i32
      %swap3A_185 = arith.index_cast %swap3A_184 : i32 to index
      %swap3A_186 = arith.index_cast %add3A_155 : i32 to index
      %swap3A_187 = tpu.vector_load %arg16[%swap3A_185, %swap3A_186] {strides = array<i32>} : memref<8x2048xf32, #tpu.memory_space<vmem>>, vector<16xf32>,
      tpu.vector_store %arg16[%swap3A_185, %swap3A_186], %gather3A_183 {strides = array<i32>} : memref<8x2048xf32, #tpu.memory_space<vmem>>, vector<16xf32>,
      %add3A_188 = arith.constant 3 : i32
      %add3A_189 = vector.broadcast %add3A_188 : i32 to vector<16xi32>
      %add3A_190 = arith.addi %mul3A_161, %add3A_189 : vector<16xi32>
      %gather3A_191 = tpu.vector_load_idx %arg15[%add3A_165, %add3A_190] : memref<256x128xf32, #tpu.memory_space<vmem>>[vector<16xi32>, vector<16xi32>], vector<16xf32>,
      %swap3A_192 = arith.constant 3 : i32
      %swap3A_193 = arith.index_cast %swap3A_192 : i32 to index
      %swap3A_194 = arith.index_cast %add3A_155 : i32 to index
      %swap3A_195 = tpu.vector_load %arg16[%swap3A_193, %swap3A_194] {strides = array<i32>} : memref<8x2048xf32, #tpu.memory_space<vmem>>, vector<16xf32>,
      tpu.vector_store %arg16[%swap3A_193, %swap3A_194], %gather3A_191 {strides = array<i32>} : memref<8x2048xf32, #tpu.memory_space<vmem>>, vector<16xf32>,
      %add3A_196 = arith.constant 4 : i32
      %add3A_197 = vector.broadcast %add3A_196 : i32 to vector<16xi32>
      %add3A_198 = arith.addi %mul3A_161, %add3A_197 : vector<16xi32>
      %gather3A_199 = tpu.vector_load_idx %arg15[%add3A_165, %add3A_198] : memref<256x128xf32, #tpu.memory_space<vmem>>[vector<16xi32>, vector<16xi32>], vector<16xf32>,
      %swap3A_200 = arith.constant 4 : i32
      %swap3A_201 = arith.index_cast %swap3A_200 : i32 to index
      %swap3A_202 = arith.index_cast %add3A_155 : i32 to index
      %swap3A_203 = tpu.vector_load %arg16[%swap3A_201, %swap3A_202] {strides = array<i32>} : memref<8x2048xf32, #tpu.memory_space<vmem>>, vector<16xf32>,
      tpu.vector_store %arg16[%swap3A_201, %swap3A_202], %gather3A_199 {strides = array<i32>} : memref<8x2048xf32, #tpu.memory_space<vmem>>, vector<16xf32>,
      %add3A_204 = arith.constant 5 : i32
      %add3A_205 = vector.broadcast %add3A_204 : i32 to vector<16xi32>
      %add3A_206 = arith.addi %mul3A_161, %add3A_205 : vector<16xi32>
      %gather3A_207 = tpu.vector_load_idx %arg15[%add3A_165, %add3A_206] : memref<256x128xf32, #tpu.memory_space<vmem>>[vector<16xi32>, vector<16xi32>], vector<16xf32>,
      %swap3A_208 = arith.constant 5 : i32
      %swap3A_209 = arith.index_cast %swap3A_208 : i32 to index
      %swap3A_210 = arith.index_cast %add3A_155 : i32 to index
      %swap3A_211 = tpu.vector_load %arg16[%swap3A_209, %swap3A_210] {strides = array<i32>} : memref<8x2048xf32, #tpu.memory_space<vmem>>, vector<16xf32>,
      tpu.vector_store %arg16[%swap3A_209, %swap3A_210], %gather3A_207 {strides = array<i32>} : memref<8x2048xf32, #tpu.memory_space<vmem>>, vector<16xf32>,
      %add3A_212 = arith.constant 6 : i32
      %add3A_213 = vector.broadcast %add3A_212 : i32 to vector<16xi32>
      %add3A_214 = arith.addi %mul3A_161, %add3A_213 : vector<16xi32>
      %gather3A_215 = tpu.vector_load_idx %arg15[%add3A_165, %add3A_214] : memref<256x128xf32, #tpu.memory_space<vmem>>[vector<16xi32>, vector<16xi32>], vector<16xf32>,
      %swap3A_216 = arith.constant 6 : i32
      %swap3A_217 = arith.index_cast %swap3A_216 : i32 to index
      %swap3A_218 = arith.index_cast %add3A_155 : i32 to index
      %swap3A_219 = tpu.vector_load %arg16[%swap3A_217, %swap3A_218] {strides = array<i32>} : memref<8x2048xf32, #tpu.memory_space<vmem>>, vector<16xf32>,
      tpu.vector_store %arg16[%swap3A_217, %swap3A_218], %gather3A_215 {strides = array<i32>} : memref<8x2048xf32, #tpu.memory_space<vmem>>, vector<16xf32>,
      %add3A_220 = arith.constant 7 : i32
      %add3A_221 = vector.broadcast %add3A_220 : i32 to vector<16xi32>
      %add3A_222 = arith.addi %mul3A_161, %add3A_221 : vector<16xi32>
      %gather3A_223 = tpu.vector_load_idx %arg15[%add3A_165, %add3A_222] : memref<256x128xf32, #tpu.memory_space<vmem>>[vector<16xi32>, vector<16xi32>], vector<16xf32>,
      %swap3A_224 = arith.constant 7 : i32
      %swap3A_225 = arith.index_cast %swap3A_224 : i32 to index
      %swap3A_226 = arith.index_cast %add3A_155 : i32 to index
      %swap3A_227 = tpu.vector_load %arg16[%swap3A_225, %swap3A_226] {strides = array<i32>} : memref<8x2048xf32, #tpu.memory_space<vmem>>, vector<16xf32>,
      tpu.vector_store %arg16[%swap3A_225, %swap3A_226], %gather3A_223 {strides = array<i32>} : memref<8x2048xf32, #tpu.memory_space<vmem>>, vector<16xf32>,
      %scan3A_228 = arith.constant 0 : i32
      scf.yield %scan3A_228 : i32
    }
    %scan3A_79 = arith.constant 16 : i32
    %dma_start3A_80 = arith.constant 1280 : i32
    %dma_start3A_81 = tpu.memref_slice %arg13[%dma_start3A_80] : memref<2048xi32, #tpu.memory_space<vmem>> -> memref<256xi32, #tpu.memory_space<vmem>>
    %dma_start3A_82 = arith.constant 0 : i32
    %dma_start3A_83 = arith.constant 0 : i32
    %dma_start3A_84 = tpu.memref_slice %arg2[%dma_start3A_82, %dma_start3A_83] : memref<125000x128xf32, #tpu.memory_space<hbm>> -> memref<125000x128xf32, #tpu.memory_space<hbm>>
    tpu.enqueue_indirect_dma source(%dma_start3A_84 : memref<125000x128xf32, #tpu.memory_space<hbm>>) target(%arg15 : memref<256x128xf32, #tpu.memory_space<vmem>>) offsets(%dma_start3A_81 : memref<256xi32, #tpu.memory_space<vmem>>) semaphore(%arg18 : memref<!tpu.dma_semaphore, #tpu.memory_space<semaphore_mem>>)
    %dma_wait3A_85 = arith.constant 1024 : i32
    %dma_wait3A_86 = tpu.memref_slice %arg13[%dma_wait3A_85] : memref<2048xi32, #tpu.memory_space<vmem>> -> memref<256xi32, #tpu.memory_space<vmem>>
    %dma_wait3A_87 = arith.constant 0 : i32
    %dma_wait3A_88 = arith.constant 0 : i32
    %dma_wait3A_89 = tpu.memref_slice %arg2[%dma_wait3A_87, %dma_wait3A_88] : memref<125000x128xf32, #tpu.memory_space<hbm>> -> memref<125000x128xf32, #tpu.memory_space<hbm>>
    tpu.wait_indirect_dma semaphore(%arg17 : memref<!tpu.dma_semaphore, #tpu.memory_space<semaphore_mem>>) src(%dma_wait3A_89 : memref<125000x128xf32, #tpu.memory_space<hbm>>) dst(%arg14 : memref<256x128xf32, #tpu.memory_space<vmem>>)
    %scan3A_90 = arith.constant 0 : i32
    %scan3A_91 = arith.constant 0 : i32
    %scan3A_92 = arith.constant 16 : i32
    %scan3A_93 = arith.addi %scan3A_91, %scan3A_92 : i32
    %scan3A_94 = arith.constant 1 : i32
    %scan3A_95 = scf.for %scan3A_150 = %scan3A_91 to %scan3A_93 step %scan3A_94 iter_args(%scan3A_151 = %scan3A_90) -> (i32)  : i32 {
      %mul3A_152 = arith.constant 16 : i32
      %mul3A_153 = arith.muli %scan3A_150, %mul3A_152 : i32
      %add3A_154 = arith.constant 1024 : i32
      %add3A_155 = arith.addi %add3A_154, %mul3A_153 : i32
      %get3A = arith.index_cast %add3A_155 : i32 to index
      %get3A_156 = tpu.vector_load %arg12[%get3A] {strides = array<i32>} : memref<2048xi32, #tpu.memory_space<vmem>>, vector<16xi32>,
      %and3A = arith.constant 15 : i32
      %and3A_157 = vector.broadcast %and3A : i32 to vector<16xi32>
      %and3A_158 = arith.andi %get3A_156, %and3A_157 : vector<16xi32>
      %mul3A_159 = arith.constant 8 : i32
      %mul3A_160 = vector.broadcast %mul3A_159 : i32 to vector<16xi32>
      %mul3A_161 = arith.muli %and3A_158, %mul3A_160 : vector<16xi32>
      %mul3A_162 = arith.constant 16 : i32
      %mul3A_163 = arith.muli %scan3A_150, %mul3A_162 : i32
      %add3A_164 = vector.broadcast %mul3A_163 : i32 to vector<16xi32>
      %add3A_165 = arith.addi %iota3A, %add3A_164 : vector<16xi32>
      %add3A_166 = arith.constant 0 : i32
      %add3A_167 = vector.broadcast %add3A_166 : i32 to vector<16xi32>
      %add3A_168 = arith.addi %mul3A_161, %add3A_167 : vector<16xi32>
      %gather3A = tpu.vector_load_idx %arg14[%add3A_165, %add3A_168] : memref<256x128xf32, #tpu.memory_space<vmem>>[vector<16xi32>, vector<16xi32>], vector<16xf32>,
      %swap3A = arith.constant 0 : i32
      %swap3A_169 = arith.index_cast %swap3A : i32 to index
      %swap3A_170 = arith.index_cast %add3A_155 : i32 to index
      %swap3A_171 = tpu.vector_load %arg16[%swap3A_169, %swap3A_170] {strides = array<i32>} : memref<8x2048xf32, #tpu.memory_space<vmem>>, vector<16xf32>,
      tpu.vector_store %arg16[%swap3A_169, %swap3A_170], %gather3A {strides = array<i32>} : memref<8x2048xf32, #tpu.memory_space<vmem>>, vector<16xf32>,
      %add3A_172 = arith.constant 1 : i32
      %add3A_173 = vector.broadcast %add3A_172 : i32 to vector<16xi32>
      %add3A_174 = arith.addi %mul3A_161, %add3A_173 : vector<16xi32>
      %gather3A_175 = tpu.vector_load_idx %arg14[%add3A_165, %add3A_174] : memref<256x128xf32, #tpu.memory_space<vmem>>[vector<16xi32>, vector<16xi32>], vector<16xf32>,
      %swap3A_176 = arith.constant 1 : i32
      %swap3A_177 = arith.index_cast %swap3A_176 : i32 to index
      %swap3A_178 = arith.index_cast %add3A_155 : i32 to index
      %swap3A_179 = tpu.vector_load %arg16[%swap3A_177, %swap3A_178] {strides = array<i32>} : memref<8x2048xf32, #tpu.memory_space<vmem>>, vector<16xf32>,
      tpu.vector_store %arg16[%swap3A_177, %swap3A_178], %gather3A_175 {strides = array<i32>} : memref<8x2048xf32, #tpu.memory_space<vmem>>, vector<16xf32>,
      %add3A_180 = arith.constant 2 : i32
      %add3A_181 = vector.broadcast %add3A_180 : i32 to vector<16xi32>
      %add3A_182 = arith.addi %mul3A_161, %add3A_181 : vector<16xi32>
      %gather3A_183 = tpu.vector_load_idx %arg14[%add3A_165, %add3A_182] : memref<256x128xf32, #tpu.memory_space<vmem>>[vector<16xi32>, vector<16xi32>], vector<16xf32>,
      %swap3A_184 = arith.constant 2 : i32
      %swap3A_185 = arith.index_cast %swap3A_184 : i32 to index
      %swap3A_186 = arith.index_cast %add3A_155 : i32 to index
      %swap3A_187 = tpu.vector_load %arg16[%swap3A_185, %swap3A_186] {strides = array<i32>} : memref<8x2048xf32, #tpu.memory_space<vmem>>, vector<16xf32>,
      tpu.vector_store %arg16[%swap3A_185, %swap3A_186], %gather3A_183 {strides = array<i32>} : memref<8x2048xf32, #tpu.memory_space<vmem>>, vector<16xf32>,
      %add3A_188 = arith.constant 3 : i32
      %add3A_189 = vector.broadcast %add3A_188 : i32 to vector<16xi32>
      %add3A_190 = arith.addi %mul3A_161, %add3A_189 : vector<16xi32>
      %gather3A_191 = tpu.vector_load_idx %arg14[%add3A_165, %add3A_190] : memref<256x128xf32, #tpu.memory_space<vmem>>[vector<16xi32>, vector<16xi32>], vector<16xf32>,
      %swap3A_192 = arith.constant 3 : i32
      %swap3A_193 = arith.index_cast %swap3A_192 : i32 to index
      %swap3A_194 = arith.index_cast %add3A_155 : i32 to index
      %swap3A_195 = tpu.vector_load %arg16[%swap3A_193, %swap3A_194] {strides = array<i32>} : memref<8x2048xf32, #tpu.memory_space<vmem>>, vector<16xf32>,
      tpu.vector_store %arg16[%swap3A_193, %swap3A_194], %gather3A_191 {strides = array<i32>} : memref<8x2048xf32, #tpu.memory_space<vmem>>, vector<16xf32>,
      %add3A_196 = arith.constant 4 : i32
      %add3A_197 = vector.broadcast %add3A_196 : i32 to vector<16xi32>
      %add3A_198 = arith.addi %mul3A_161, %add3A_197 : vector<16xi32>
      %gather3A_199 = tpu.vector_load_idx %arg14[%add3A_165, %add3A_198] : memref<256x128xf32, #tpu.memory_space<vmem>>[vector<16xi32>, vector<16xi32>], vector<16xf32>,
      %swap3A_200 = arith.constant 4 : i32
      %swap3A_201 = arith.index_cast %swap3A_200 : i32 to index
      %swap3A_202 = arith.index_cast %add3A_155 : i32 to index
      %swap3A_203 = tpu.vector_load %arg16[%swap3A_201, %swap3A_202] {strides = array<i32>} : memref<8x2048xf32, #tpu.memory_space<vmem>>, vector<16xf32>,
      tpu.vector_store %arg16[%swap3A_201, %swap3A_202], %gather3A_199 {strides = array<i32>} : memref<8x2048xf32, #tpu.memory_space<vmem>>, vector<16xf32>,
      %add3A_204 = arith.constant 5 : i32
      %add3A_205 = vector.broadcast %add3A_204 : i32 to vector<16xi32>
      %add3A_206 = arith.addi %mul3A_161, %add3A_205 : vector<16xi32>
      %gather3A_207 = tpu.vector_load_idx %arg14[%add3A_165, %add3A_206] : memref<256x128xf32, #tpu.memory_space<vmem>>[vector<16xi32>, vector<16xi32>], vector<16xf32>,
      %swap3A_208 = arith.constant 5 : i32
      %swap3A_209 = arith.index_cast %swap3A_208 : i32 to index
      %swap3A_210 = arith.index_cast %add3A_155 : i32 to index
      %swap3A_211 = tpu.vector_load %arg16[%swap3A_209, %swap3A_210] {strides = array<i32>} : memref<8x2048xf32, #tpu.memory_space<vmem>>, vector<16xf32>,
      tpu.vector_store %arg16[%swap3A_209, %swap3A_210], %gather3A_207 {strides = array<i32>} : memref<8x2048xf32, #tpu.memory_space<vmem>>, vector<16xf32>,
      %add3A_212 = arith.constant 6 : i32
      %add3A_213 = vector.broadcast %add3A_212 : i32 to vector<16xi32>
      %add3A_214 = arith.addi %mul3A_161, %add3A_213 : vector<16xi32>
      %gather3A_215 = tpu.vector_load_idx %arg14[%add3A_165, %add3A_214] : memref<256x128xf32, #tpu.memory_space<vmem>>[vector<16xi32>, vector<16xi32>], vector<16xf32>,
      %swap3A_216 = arith.constant 6 : i32
      %swap3A_217 = arith.index_cast %swap3A_216 : i32 to index
      %swap3A_218 = arith.index_cast %add3A_155 : i32 to index
      %swap3A_219 = tpu.vector_load %arg16[%swap3A_217, %swap3A_218] {strides = array<i32>} : memref<8x2048xf32, #tpu.memory_space<vmem>>, vector<16xf32>,
      tpu.vector_store %arg16[%swap3A_217, %swap3A_218], %gather3A_215 {strides = array<i32>} : memref<8x2048xf32, #tpu.memory_space<vmem>>, vector<16xf32>,
      %add3A_220 = arith.constant 7 : i32
      %add3A_221 = vector.broadcast %add3A_220 : i32 to vector<16xi32>
      %add3A_222 = arith.addi %mul3A_161, %add3A_221 : vector<16xi32>
      %gather3A_223 = tpu.vector_load_idx %arg14[%add3A_165, %add3A_222] : memref<256x128xf32, #tpu.memory_space<vmem>>[vector<16xi32>, vector<16xi32>], vector<16xf32>,
      %swap3A_224 = arith.constant 7 : i32
      %swap3A_225 = arith.index_cast %swap3A_224 : i32 to index
      %swap3A_226 = arith.index_cast %add3A_155 : i32 to index
      %swap3A_227 = tpu.vector_load %arg16[%swap3A_225, %swap3A_226] {strides = array<i32>} : memref<8x2048xf32, #tpu.memory_space<vmem>>, vector<16xf32>,
      tpu.vector_store %arg16[%swap3A_225, %swap3A_226], %gather3A_223 {strides = array<i32>} : memref<8x2048xf32, #tpu.memory_space<vmem>>, vector<16xf32>,
      %scan3A_228 = arith.constant 0 : i32
      scf.yield %scan3A_228 : i32
    }
    %scan3A_96 = arith.constant 16 : i32
    %dma_start3A_97 = arith.constant 1536 : i32
    %dma_start3A_98 = tpu.memref_slice %arg13[%dma_start3A_97] : memref<2048xi32, #tpu.memory_space<vmem>> -> memref<256xi32, #tpu.memory_space<vmem>>
    %dma_start3A_99 = arith.constant 0 : i32
    %dma_start3A_100 = arith.constant 0 : i32
    %dma_start3A_101 = tpu.memref_slice %arg2[%dma_start3A_99, %dma_start3A_100] : memref<125000x128xf32, #tpu.memory_space<hbm>> -> memref<125000x128xf32, #tpu.memory_space<hbm>>
    tpu.enqueue_indirect_dma source(%dma_start3A_101 : memref<125000x128xf32, #tpu.memory_space<hbm>>) target(%arg14 : memref<256x128xf32, #tpu.memory_space<vmem>>) offsets(%dma_start3A_98 : memref<256xi32, #tpu.memory_space<vmem>>) semaphore(%arg17 : memref<!tpu.dma_semaphore, #tpu.memory_space<semaphore_mem>>)
    %dma_wait3A_102 = arith.constant 1280 : i32
    %dma_wait3A_103 = tpu.memref_slice %arg13[%dma_wait3A_102] : memref<2048xi32, #tpu.memory_space<vmem>> -> memref<256xi32, #tpu.memory_space<vmem>>
    %dma_wait3A_104 = arith.constant 0 : i32
    %dma_wait3A_105 = arith.constant 0 : i32
    %dma_wait3A_106 = tpu.memref_slice %arg2[%dma_wait3A_104, %dma_wait3A_105] : memref<125000x128xf32, #tpu.memory_space<hbm>> -> memref<125000x128xf32, #tpu.memory_space<hbm>>
    tpu.wait_indirect_dma semaphore(%arg18 : memref<!tpu.dma_semaphore, #tpu.memory_space<semaphore_mem>>) src(%dma_wait3A_106 : memref<125000x128xf32, #tpu.memory_space<hbm>>) dst(%arg15 : memref<256x128xf32, #tpu.memory_space<vmem>>)
    %scan3A_107 = arith.constant 0 : i32
    %scan3A_108 = arith.constant 0 : i32
    %scan3A_109 = arith.constant 16 : i32
    %scan3A_110 = arith.addi %scan3A_108, %scan3A_109 : i32
    %scan3A_111 = arith.constant 1 : i32
    %scan3A_112 = scf.for %scan3A_150 = %scan3A_108 to %scan3A_110 step %scan3A_111 iter_args(%scan3A_151 = %scan3A_107) -> (i32)  : i32 {
      %mul3A_152 = arith.constant 16 : i32
      %mul3A_153 = arith.muli %scan3A_150, %mul3A_152 : i32
      %add3A_154 = arith.constant 1280 : i32
      %add3A_155 = arith.addi %add3A_154, %mul3A_153 : i32
      %get3A = arith.index_cast %add3A_155 : i32 to index
      %get3A_156 = tpu.vector_load %arg12[%get3A] {strides = array<i32>} : memref<2048xi32, #tpu.memory_space<vmem>>, vector<16xi32>,
      %and3A = arith.constant 15 : i32
      %and3A_157 = vector.broadcast %and3A : i32 to vector<16xi32>
      %and3A_158 = arith.andi %get3A_156, %and3A_157 : vector<16xi32>
      %mul3A_159 = arith.constant 8 : i32
      %mul3A_160 = vector.broadcast %mul3A_159 : i32 to vector<16xi32>
      %mul3A_161 = arith.muli %and3A_158, %mul3A_160 : vector<16xi32>
      %mul3A_162 = arith.constant 16 : i32
      %mul3A_163 = arith.muli %scan3A_150, %mul3A_162 : i32
      %add3A_164 = vector.broadcast %mul3A_163 : i32 to vector<16xi32>
      %add3A_165 = arith.addi %iota3A, %add3A_164 : vector<16xi32>
      %add3A_166 = arith.constant 0 : i32
      %add3A_167 = vector.broadcast %add3A_166 : i32 to vector<16xi32>
      %add3A_168 = arith.addi %mul3A_161, %add3A_167 : vector<16xi32>
      %gather3A = tpu.vector_load_idx %arg15[%add3A_165, %add3A_168] : memref<256x128xf32, #tpu.memory_space<vmem>>[vector<16xi32>, vector<16xi32>], vector<16xf32>,
      %swap3A = arith.constant 0 : i32
      %swap3A_169 = arith.index_cast %swap3A : i32 to index
      %swap3A_170 = arith.index_cast %add3A_155 : i32 to index
      %swap3A_171 = tpu.vector_load %arg16[%swap3A_169, %swap3A_170] {strides = array<i32>} : memref<8x2048xf32, #tpu.memory_space<vmem>>, vector<16xf32>,
      tpu.vector_store %arg16[%swap3A_169, %swap3A_170], %gather3A {strides = array<i32>} : memref<8x2048xf32, #tpu.memory_space<vmem>>, vector<16xf32>,
      %add3A_172 = arith.constant 1 : i32
      %add3A_173 = vector.broadcast %add3A_172 : i32 to vector<16xi32>
      %add3A_174 = arith.addi %mul3A_161, %add3A_173 : vector<16xi32>
      %gather3A_175 = tpu.vector_load_idx %arg15[%add3A_165, %add3A_174] : memref<256x128xf32, #tpu.memory_space<vmem>>[vector<16xi32>, vector<16xi32>], vector<16xf32>,
      %swap3A_176 = arith.constant 1 : i32
      %swap3A_177 = arith.index_cast %swap3A_176 : i32 to index
      %swap3A_178 = arith.index_cast %add3A_155 : i32 to index
      %swap3A_179 = tpu.vector_load %arg16[%swap3A_177, %swap3A_178] {strides = array<i32>} : memref<8x2048xf32, #tpu.memory_space<vmem>>, vector<16xf32>,
      tpu.vector_store %arg16[%swap3A_177, %swap3A_178], %gather3A_175 {strides = array<i32>} : memref<8x2048xf32, #tpu.memory_space<vmem>>, vector<16xf32>,
      %add3A_180 = arith.constant 2 : i32
      %add3A_181 = vector.broadcast %add3A_180 : i32 to vector<16xi32>
      %add3A_182 = arith.addi %mul3A_161, %add3A_181 : vector<16xi32>
      %gather3A_183 = tpu.vector_load_idx %arg15[%add3A_165, %add3A_182] : memref<256x128xf32, #tpu.memory_space<vmem>>[vector<16xi32>, vector<16xi32>], vector<16xf32>,
      %swap3A_184 = arith.constant 2 : i32
      %swap3A_185 = arith.index_cast %swap3A_184 : i32 to index
      %swap3A_186 = arith.index_cast %add3A_155 : i32 to index
      %swap3A_187 = tpu.vector_load %arg16[%swap3A_185, %swap3A_186] {strides = array<i32>} : memref<8x2048xf32, #tpu.memory_space<vmem>>, vector<16xf32>,
      tpu.vector_store %arg16[%swap3A_185, %swap3A_186], %gather3A_183 {strides = array<i32>} : memref<8x2048xf32, #tpu.memory_space<vmem>>, vector<16xf32>,
      %add3A_188 = arith.constant 3 : i32
      %add3A_189 = vector.broadcast %add3A_188 : i32 to vector<16xi32>
      %add3A_190 = arith.addi %mul3A_161, %add3A_189 : vector<16xi32>
      %gather3A_191 = tpu.vector_load_idx %arg15[%add3A_165, %add3A_190] : memref<256x128xf32, #tpu.memory_space<vmem>>[vector<16xi32>, vector<16xi32>], vector<16xf32>,
      %swap3A_192 = arith.constant 3 : i32
      %swap3A_193 = arith.index_cast %swap3A_192 : i32 to index
      %swap3A_194 = arith.index_cast %add3A_155 : i32 to index
      %swap3A_195 = tpu.vector_load %arg16[%swap3A_193, %swap3A_194] {strides = array<i32>} : memref<8x2048xf32, #tpu.memory_space<vmem>>, vector<16xf32>,
      tpu.vector_store %arg16[%swap3A_193, %swap3A_194], %gather3A_191 {strides = array<i32>} : memref<8x2048xf32, #tpu.memory_space<vmem>>, vector<16xf32>,
      %add3A_196 = arith.constant 4 : i32
      %add3A_197 = vector.broadcast %add3A_196 : i32 to vector<16xi32>
      %add3A_198 = arith.addi %mul3A_161, %add3A_197 : vector<16xi32>
      %gather3A_199 = tpu.vector_load_idx %arg15[%add3A_165, %add3A_198] : memref<256x128xf32, #tpu.memory_space<vmem>>[vector<16xi32>, vector<16xi32>], vector<16xf32>,
      %swap3A_200 = arith.constant 4 : i32
      %swap3A_201 = arith.index_cast %swap3A_200 : i32 to index
      %swap3A_202 = arith.index_cast %add3A_155 : i32 to index
      %swap3A_203 = tpu.vector_load %arg16[%swap3A_201, %swap3A_202] {strides = array<i32>} : memref<8x2048xf32, #tpu.memory_space<vmem>>, vector<16xf32>,
      tpu.vector_store %arg16[%swap3A_201, %swap3A_202], %gather3A_199 {strides = array<i32>} : memref<8x2048xf32, #tpu.memory_space<vmem>>, vector<16xf32>,
      %add3A_204 = arith.constant 5 : i32
      %add3A_205 = vector.broadcast %add3A_204 : i32 to vector<16xi32>
      %add3A_206 = arith.addi %mul3A_161, %add3A_205 : vector<16xi32>
      %gather3A_207 = tpu.vector_load_idx %arg15[%add3A_165, %add3A_206] : memref<256x128xf32, #tpu.memory_space<vmem>>[vector<16xi32>, vector<16xi32>], vector<16xf32>,
      %swap3A_208 = arith.constant 5 : i32
      %swap3A_209 = arith.index_cast %swap3A_208 : i32 to index
      %swap3A_210 = arith.index_cast %add3A_155 : i32 to index
      %swap3A_211 = tpu.vector_load %arg16[%swap3A_209, %swap3A_210] {strides = array<i32>} : memref<8x2048xf32, #tpu.memory_space<vmem>>, vector<16xf32>,
      tpu.vector_store %arg16[%swap3A_209, %swap3A_210], %gather3A_207 {strides = array<i32>} : memref<8x2048xf32, #tpu.memory_space<vmem>>, vector<16xf32>,
      %add3A_212 = arith.constant 6 : i32
      %add3A_213 = vector.broadcast %add3A_212 : i32 to vector<16xi32>
      %add3A_214 = arith.addi %mul3A_161, %add3A_213 : vector<16xi32>
      %gather3A_215 = tpu.vector_load_idx %arg15[%add3A_165, %add3A_214] : memref<256x128xf32, #tpu.memory_space<vmem>>[vector<16xi32>, vector<16xi32>], vector<16xf32>,
      %swap3A_216 = arith.constant 6 : i32
      %swap3A_217 = arith.index_cast %swap3A_216 : i32 to index
      %swap3A_218 = arith.index_cast %add3A_155 : i32 to index
      %swap3A_219 = tpu.vector_load %arg16[%swap3A_217, %swap3A_218] {strides = array<i32>} : memref<8x2048xf32, #tpu.memory_space<vmem>>, vector<16xf32>,
      tpu.vector_store %arg16[%swap3A_217, %swap3A_218], %gather3A_215 {strides = array<i32>} : memref<8x2048xf32, #tpu.memory_space<vmem>>, vector<16xf32>,
      %add3A_220 = arith.constant 7 : i32
      %add3A_221 = vector.broadcast %add3A_220 : i32 to vector<16xi32>
      %add3A_222 = arith.addi %mul3A_161, %add3A_221 : vector<16xi32>
      %gather3A_223 = tpu.vector_load_idx %arg15[%add3A_165, %add3A_222] : memref<256x128xf32, #tpu.memory_space<vmem>>[vector<16xi32>, vector<16xi32>], vector<16xf32>,
      %swap3A_224 = arith.constant 7 : i32
      %swap3A_225 = arith.index_cast %swap3A_224 : i32 to index
      %swap3A_226 = arith.index_cast %add3A_155 : i32 to index
      %swap3A_227 = tpu.vector_load %arg16[%swap3A_225, %swap3A_226] {strides = array<i32>} : memref<8x2048xf32, #tpu.memory_space<vmem>>, vector<16xf32>,
      tpu.vector_store %arg16[%swap3A_225, %swap3A_226], %gather3A_223 {strides = array<i32>} : memref<8x2048xf32, #tpu.memory_space<vmem>>, vector<16xf32>,
      %scan3A_228 = arith.constant 0 : i32
      scf.yield %scan3A_228 : i32
    }
    %scan3A_113 = arith.constant 16 : i32
    %dma_start3A_114 = arith.constant 1792 : i32
    %dma_start3A_115 = tpu.memref_slice %arg13[%dma_start3A_114] : memref<2048xi32, #tpu.memory_space<vmem>> -> memref<256xi32, #tpu.memory_space<vmem>>
    %dma_start3A_116 = arith.constant 0 : i32
    %dma_start3A_117 = arith.constant 0 : i32
    %dma_start3A_118 = tpu.memref_slice %arg2[%dma_start3A_116, %dma_start3A_117] : memref<125000x128xf32, #tpu.memory_space<hbm>> -> memref<125000x128xf32, #tpu.memory_space<hbm>>
    tpu.enqueue_indirect_dma source(%dma_start3A_118 : memref<125000x128xf32, #tpu.memory_space<hbm>>) target(%arg15 : memref<256x128xf32, #tpu.memory_space<vmem>>) offsets(%dma_start3A_115 : memref<256xi32, #tpu.memory_space<vmem>>) semaphore(%arg18 : memref<!tpu.dma_semaphore, #tpu.memory_space<semaphore_mem>>)
    %dma_wait3A_119 = arith.constant 1536 : i32
    %dma_wait3A_120 = tpu.memref_slice %arg13[%dma_wait3A_119] : memref<2048xi32, #tpu.memory_space<vmem>> -> memref<256xi32, #tpu.memory_space<vmem>>
    %dma_wait3A_121 = arith.constant 0 : i32
    %dma_wait3A_122 = arith.constant 0 : i32
    %dma_wait3A_123 = tpu.memref_slice %arg2[%dma_wait3A_121, %dma_wait3A_122] : memref<125000x128xf32, #tpu.memory_space<hbm>> -> memref<125000x128xf32, #tpu.memory_space<hbm>>
    tpu.wait_indirect_dma semaphore(%arg17 : memref<!tpu.dma_semaphore, #tpu.memory_space<semaphore_mem>>) src(%dma_wait3A_123 : memref<125000x128xf32, #tpu.memory_space<hbm>>) dst(%arg14 : memref<256x128xf32, #tpu.memory_space<vmem>>)
    %scan3A_124 = arith.constant 0 : i32
    %scan3A_125 = arith.constant 0 : i32
    %scan3A_126 = arith.constant 16 : i32
    %scan3A_127 = arith.addi %scan3A_125, %scan3A_126 : i32
    %scan3A_128 = arith.constant 1 : i32
    %scan3A_129 = scf.for %scan3A_150 = %scan3A_125 to %scan3A_127 step %scan3A_128 iter_args(%scan3A_151 = %scan3A_124) -> (i32)  : i32 {
      %mul3A_152 = arith.constant 16 : i32
      %mul3A_153 = arith.muli %scan3A_150, %mul3A_152 : i32
      %add3A_154 = arith.constant 1536 : i32
      %add3A_155 = arith.addi %add3A_154, %mul3A_153 : i32
      %get3A = arith.index_cast %add3A_155 : i32 to index
      %get3A_156 = tpu.vector_load %arg12[%get3A] {strides = array<i32>} : memref<2048xi32, #tpu.memory_space<vmem>>, vector<16xi32>,
      %and3A = arith.constant 15 : i32
      %and3A_157 = vector.broadcast %and3A : i32 to vector<16xi32>
      %and3A_158 = arith.andi %get3A_156, %and3A_157 : vector<16xi32>
      %mul3A_159 = arith.constant 8 : i32
      %mul3A_160 = vector.broadcast %mul3A_159 : i32 to vector<16xi32>
      %mul3A_161 = arith.muli %and3A_158, %mul3A_160 : vector<16xi32>
      %mul3A_162 = arith.constant 16 : i32
      %mul3A_163 = arith.muli %scan3A_150, %mul3A_162 : i32
      %add3A_164 = vector.broadcast %mul3A_163 : i32 to vector<16xi32>
      %add3A_165 = arith.addi %iota3A, %add3A_164 : vector<16xi32>
      %add3A_166 = arith.constant 0 : i32
      %add3A_167 = vector.broadcast %add3A_166 : i32 to vector<16xi32>
      %add3A_168 = arith.addi %mul3A_161, %add3A_167 : vector<16xi32>
      %gather3A = tpu.vector_load_idx %arg14[%add3A_165, %add3A_168] : memref<256x128xf32, #tpu.memory_space<vmem>>[vector<16xi32>, vector<16xi32>], vector<16xf32>,
      %swap3A = arith.constant 0 : i32
      %swap3A_169 = arith.index_cast %swap3A : i32 to index
      %swap3A_170 = arith.index_cast %add3A_155 : i32 to index
      %swap3A_171 = tpu.vector_load %arg16[%swap3A_169, %swap3A_170] {strides = array<i32>} : memref<8x2048xf32, #tpu.memory_space<vmem>>, vector<16xf32>,
      tpu.vector_store %arg16[%swap3A_169, %swap3A_170], %gather3A {strides = array<i32>} : memref<8x2048xf32, #tpu.memory_space<vmem>>, vector<16xf32>,
      %add3A_172 = arith.constant 1 : i32
      %add3A_173 = vector.broadcast %add3A_172 : i32 to vector<16xi32>
      %add3A_174 = arith.addi %mul3A_161, %add3A_173 : vector<16xi32>
      %gather3A_175 = tpu.vector_load_idx %arg14[%add3A_165, %add3A_174] : memref<256x128xf32, #tpu.memory_space<vmem>>[vector<16xi32>, vector<16xi32>], vector<16xf32>,
      %swap3A_176 = arith.constant 1 : i32
      %swap3A_177 = arith.index_cast %swap3A_176 : i32 to index
      %swap3A_178 = arith.index_cast %add3A_155 : i32 to index
      %swap3A_179 = tpu.vector_load %arg16[%swap3A_177, %swap3A_178] {strides = array<i32>} : memref<8x2048xf32, #tpu.memory_space<vmem>>, vector<16xf32>,
      tpu.vector_store %arg16[%swap3A_177, %swap3A_178], %gather3A_175 {strides = array<i32>} : memref<8x2048xf32, #tpu.memory_space<vmem>>, vector<16xf32>,
      %add3A_180 = arith.constant 2 : i32
      %add3A_181 = vector.broadcast %add3A_180 : i32 to vector<16xi32>
      %add3A_182 = arith.addi %mul3A_161, %add3A_181 : vector<16xi32>
      %gather3A_183 = tpu.vector_load_idx %arg14[%add3A_165, %add3A_182] : memref<256x128xf32, #tpu.memory_space<vmem>>[vector<16xi32>, vector<16xi32>], vector<16xf32>,
      %swap3A_184 = arith.constant 2 : i32
      %swap3A_185 = arith.index_cast %swap3A_184 : i32 to index
      %swap3A_186 = arith.index_cast %add3A_155 : i32 to index
      %swap3A_187 = tpu.vector_load %arg16[%swap3A_185, %swap3A_186] {strides = array<i32>} : memref<8x2048xf32, #tpu.memory_space<vmem>>, vector<16xf32>,
      tpu.vector_store %arg16[%swap3A_185, %swap3A_186], %gather3A_183 {strides = array<i32>} : memref<8x2048xf32, #tpu.memory_space<vmem>>, vector<16xf32>,
      %add3A_188 = arith.constant 3 : i32
      %add3A_189 = vector.broadcast %add3A_188 : i32 to vector<16xi32>
      %add3A_190 = arith.addi %mul3A_161, %add3A_189 : vector<16xi32>
      %gather3A_191 = tpu.vector_load_idx %arg14[%add3A_165, %add3A_190] : memref<256x128xf32, #tpu.memory_space<vmem>>[vector<16xi32>, vector<16xi32>], vector<16xf32>,
      %swap3A_192 = arith.constant 3 : i32
      %swap3A_193 = arith.index_cast %swap3A_192 : i32 to index
      %swap3A_194 = arith.index_cast %add3A_155 : i32 to index
      %swap3A_195 = tpu.vector_load %arg16[%swap3A_193, %swap3A_194] {strides = array<i32>} : memref<8x2048xf32, #tpu.memory_space<vmem>>, vector<16xf32>,
      tpu.vector_store %arg16[%swap3A_193, %swap3A_194], %gather3A_191 {strides = array<i32>} : memref<8x2048xf32, #tpu.memory_space<vmem>>, vector<16xf32>,
      %add3A_196 = arith.constant 4 : i32
      %add3A_197 = vector.broadcast %add3A_196 : i32 to vector<16xi32>
      %add3A_198 = arith.addi %mul3A_161, %add3A_197 : vector<16xi32>
      %gather3A_199 = tpu.vector_load_idx %arg14[%add3A_165, %add3A_198] : memref<256x128xf32, #tpu.memory_space<vmem>>[vector<16xi32>, vector<16xi32>], vector<16xf32>,
      %swap3A_200 = arith.constant 4 : i32
      %swap3A_201 = arith.index_cast %swap3A_200 : i32 to index
      %swap3A_202 = arith.index_cast %add3A_155 : i32 to index
      %swap3A_203 = tpu.vector_load %arg16[%swap3A_201, %swap3A_202] {strides = array<i32>} : memref<8x2048xf32, #tpu.memory_space<vmem>>, vector<16xf32>,
      tpu.vector_store %arg16[%swap3A_201, %swap3A_202], %gather3A_199 {strides = array<i32>} : memref<8x2048xf32, #tpu.memory_space<vmem>>, vector<16xf32>,
      %add3A_204 = arith.constant 5 : i32
      %add3A_205 = vector.broadcast %add3A_204 : i32 to vector<16xi32>
      %add3A_206 = arith.addi %mul3A_161, %add3A_205 : vector<16xi32>
      %gather3A_207 = tpu.vector_load_idx %arg14[%add3A_165, %add3A_206] : memref<256x128xf32, #tpu.memory_space<vmem>>[vector<16xi32>, vector<16xi32>], vector<16xf32>,
      %swap3A_208 = arith.constant 5 : i32
      %swap3A_209 = arith.index_cast %swap3A_208 : i32 to index
      %swap3A_210 = arith.index_cast %add3A_155 : i32 to index
      %swap3A_211 = tpu.vector_load %arg16[%swap3A_209, %swap3A_210] {strides = array<i32>} : memref<8x2048xf32, #tpu.memory_space<vmem>>, vector<16xf32>,
      tpu.vector_store %arg16[%swap3A_209, %swap3A_210], %gather3A_207 {strides = array<i32>} : memref<8x2048xf32, #tpu.memory_space<vmem>>, vector<16xf32>,
      %add3A_212 = arith.constant 6 : i32
      %add3A_213 = vector.broadcast %add3A_212 : i32 to vector<16xi32>
      %add3A_214 = arith.addi %mul3A_161, %add3A_213 : vector<16xi32>
      %gather3A_215 = tpu.vector_load_idx %arg14[%add3A_165, %add3A_214] : memref<256x128xf32, #tpu.memory_space<vmem>>[vector<16xi32>, vector<16xi32>], vector<16xf32>,
      %swap3A_216 = arith.constant 6 : i32
      %swap3A_217 = arith.index_cast %swap3A_216 : i32 to index
      %swap3A_218 = arith.index_cast %add3A_155 : i32 to index
      %swap3A_219 = tpu.vector_load %arg16[%swap3A_217, %swap3A_218] {strides = array<i32>} : memref<8x2048xf32, #tpu.memory_space<vmem>>, vector<16xf32>,
      tpu.vector_store %arg16[%swap3A_217, %swap3A_218], %gather3A_215 {strides = array<i32>} : memref<8x2048xf32, #tpu.memory_space<vmem>>, vector<16xf32>,
      %add3A_220 = arith.constant 7 : i32
      %add3A_221 = vector.broadcast %add3A_220 : i32 to vector<16xi32>
      %add3A_222 = arith.addi %mul3A_161, %add3A_221 : vector<16xi32>
      %gather3A_223 = tpu.vector_load_idx %arg14[%add3A_165, %add3A_222] : memref<256x128xf32, #tpu.memory_space<vmem>>[vector<16xi32>, vector<16xi32>], vector<16xf32>,
      %swap3A_224 = arith.constant 7 : i32
      %swap3A_225 = arith.index_cast %swap3A_224 : i32 to index
      %swap3A_226 = arith.index_cast %add3A_155 : i32 to index
      %swap3A_227 = tpu.vector_load %arg16[%swap3A_225, %swap3A_226] {strides = array<i32>} : memref<8x2048xf32, #tpu.memory_space<vmem>>, vector<16xf32>,
      tpu.vector_store %arg16[%swap3A_225, %swap3A_226], %gather3A_223 {strides = array<i32>} : memref<8x2048xf32, #tpu.memory_space<vmem>>, vector<16xf32>,
      %scan3A_228 = arith.constant 0 : i32
      scf.yield %scan3A_228 : i32
    }
    %scan3A_130 = arith.constant 16 : i32
    %dma_wait3A_131 = arith.constant 1792 : i32
    %dma_wait3A_132 = tpu.memref_slice %arg13[%dma_wait3A_131] : memref<2048xi32, #tpu.memory_space<vmem>> -> memref<256xi32, #tpu.memory_space<vmem>>
    %dma_wait3A_133 = arith.constant 0 : i32
    %dma_wait3A_134 = arith.constant 0 : i32
    %dma_wait3A_135 = tpu.memref_slice %arg2[%dma_wait3A_133, %dma_wait3A_134] : memref<125000x128xf32, #tpu.memory_space<hbm>> -> memref<125000x128xf32, #tpu.memory_space<hbm>>
    tpu.wait_indirect_dma semaphore(%arg18 : memref<!tpu.dma_semaphore, #tpu.memory_space<semaphore_mem>>) src(%dma_wait3A_135 : memref<125000x128xf32, #tpu.memory_space<hbm>>) dst(%arg15 : memref<256x128xf32, #tpu.memory_space<vmem>>)
    %scan3A_136 = arith.constant 0 : i32
    %scan3A_137 = arith.constant 0 : i32
    %scan3A_138 = arith.constant 16 : i32
    %scan3A_139 = arith.addi %scan3A_137, %scan3A_138 : i32
    %scan3A_140 = arith.constant 1 : i32
    %scan3A_141 = scf.for %scan3A_150 = %scan3A_137 to %scan3A_139 step %scan3A_140 iter_args(%scan3A_151 = %scan3A_136) -> (i32)  : i32 {
      %mul3A_152 = arith.constant 16 : i32
      %mul3A_153 = arith.muli %scan3A_150, %mul3A_152 : i32
      %add3A_154 = arith.constant 1792 : i32
      %add3A_155 = arith.addi %add3A_154, %mul3A_153 : i32
      %get3A = arith.index_cast %add3A_155 : i32 to index
      %get3A_156 = tpu.vector_load %arg12[%get3A] {strides = array<i32>} : memref<2048xi32, #tpu.memory_space<vmem>>, vector<16xi32>,
      %and3A = arith.constant 15 : i32
      %and3A_157 = vector.broadcast %and3A : i32 to vector<16xi32>
      %and3A_158 = arith.andi %get3A_156, %and3A_157 : vector<16xi32>
      %mul3A_159 = arith.constant 8 : i32
      %mul3A_160 = vector.broadcast %mul3A_159 : i32 to vector<16xi32>
      %mul3A_161 = arith.muli %and3A_158, %mul3A_160 : vector<16xi32>
      %mul3A_162 = arith.constant 16 : i32
      %mul3A_163 = arith.muli %scan3A_150, %mul3A_162 : i32
      %add3A_164 = vector.broadcast %mul3A_163 : i32 to vector<16xi32>
      %add3A_165 = arith.addi %iota3A, %add3A_164 : vector<16xi32>
      %add3A_166 = arith.constant 0 : i32
      %add3A_167 = vector.broadcast %add3A_166 : i32 to vector<16xi32>
      %add3A_168 = arith.addi %mul3A_161, %add3A_167 : vector<16xi32>
      %gather3A = tpu.vector_load_idx %arg15[%add3A_165, %add3A_168] : memref<256x128xf32, #tpu.memory_space<vmem>>[vector<16xi32>, vector<16xi32>], vector<16xf32>,
      %swap3A = arith.constant 0 : i32
      %swap3A_169 = arith.index_cast %swap3A : i32 to index
      %swap3A_170 = arith.index_cast %add3A_155 : i32 to index
      %swap3A_171 = tpu.vector_load %arg16[%swap3A_169, %swap3A_170] {strides = array<i32>} : memref<8x2048xf32, #tpu.memory_space<vmem>>, vector<16xf32>,
      tpu.vector_store %arg16[%swap3A_169, %swap3A_170], %gather3A {strides = array<i32>} : memref<8x2048xf32, #tpu.memory_space<vmem>>, vector<16xf32>,
      %add3A_172 = arith.constant 1 : i32
      %add3A_173 = vector.broadcast %add3A_172 : i32 to vector<16xi32>
      %add3A_174 = arith.addi %mul3A_161, %add3A_173 : vector<16xi32>
      %gather3A_175 = tpu.vector_load_idx %arg15[%add3A_165, %add3A_174] : memref<256x128xf32, #tpu.memory_space<vmem>>[vector<16xi32>, vector<16xi32>], vector<16xf32>,
      %swap3A_176 = arith.constant 1 : i32
      %swap3A_177 = arith.index_cast %swap3A_176 : i32 to index
      %swap3A_178 = arith.index_cast %add3A_155 : i32 to index
      %swap3A_179 = tpu.vector_load %arg16[%swap3A_177, %swap3A_178] {strides = array<i32>} : memref<8x2048xf32, #tpu.memory_space<vmem>>, vector<16xf32>,
      tpu.vector_store %arg16[%swap3A_177, %swap3A_178], %gather3A_175 {strides = array<i32>} : memref<8x2048xf32, #tpu.memory_space<vmem>>, vector<16xf32>,
      %add3A_180 = arith.constant 2 : i32
      %add3A_181 = vector.broadcast %add3A_180 : i32 to vector<16xi32>
      %add3A_182 = arith.addi %mul3A_161, %add3A_181 : vector<16xi32>
      %gather3A_183 = tpu.vector_load_idx %arg15[%add3A_165, %add3A_182] : memref<256x128xf32, #tpu.memory_space<vmem>>[vector<16xi32>, vector<16xi32>], vector<16xf32>,
      %swap3A_184 = arith.constant 2 : i32
      %swap3A_185 = arith.index_cast %swap3A_184 : i32 to index
      %swap3A_186 = arith.index_cast %add3A_155 : i32 to index
      %swap3A_187 = tpu.vector_load %arg16[%swap3A_185, %swap3A_186] {strides = array<i32>} : memref<8x2048xf32, #tpu.memory_space<vmem>>, vector<16xf32>,
      tpu.vector_store %arg16[%swap3A_185, %swap3A_186], %gather3A_183 {strides = array<i32>} : memref<8x2048xf32, #tpu.memory_space<vmem>>, vector<16xf32>,
      %add3A_188 = arith.constant 3 : i32
      %add3A_189 = vector.broadcast %add3A_188 : i32 to vector<16xi32>
      %add3A_190 = arith.addi %mul3A_161, %add3A_189 : vector<16xi32>
      %gather3A_191 = tpu.vector_load_idx %arg15[%add3A_165, %add3A_190] : memref<256x128xf32, #tpu.memory_space<vmem>>[vector<16xi32>, vector<16xi32>], vector<16xf32>,
      %swap3A_192 = arith.constant 3 : i32
      %swap3A_193 = arith.index_cast %swap3A_192 : i32 to index
      %swap3A_194 = arith.index_cast %add3A_155 : i32 to index
      %swap3A_195 = tpu.vector_load %arg16[%swap3A_193, %swap3A_194] {strides = array<i32>} : memref<8x2048xf32, #tpu.memory_space<vmem>>, vector<16xf32>,
      tpu.vector_store %arg16[%swap3A_193, %swap3A_194], %gather3A_191 {strides = array<i32>} : memref<8x2048xf32, #tpu.memory_space<vmem>>, vector<16xf32>,
      %add3A_196 = arith.constant 4 : i32
      %add3A_197 = vector.broadcast %add3A_196 : i32 to vector<16xi32>
      %add3A_198 = arith.addi %mul3A_161, %add3A_197 : vector<16xi32>
      %gather3A_199 = tpu.vector_load_idx %arg15[%add3A_165, %add3A_198] : memref<256x128xf32, #tpu.memory_space<vmem>>[vector<16xi32>, vector<16xi32>], vector<16xf32>,
      %swap3A_200 = arith.constant 4 : i32
      %swap3A_201 = arith.index_cast %swap3A_200 : i32 to index
      %swap3A_202 = arith.index_cast %add3A_155 : i32 to index
      %swap3A_203 = tpu.vector_load %arg16[%swap3A_201, %swap3A_202] {strides = array<i32>} : memref<8x2048xf32, #tpu.memory_space<vmem>>, vector<16xf32>,
      tpu.vector_store %arg16[%swap3A_201, %swap3A_202], %gather3A_199 {strides = array<i32>} : memref<8x2048xf32, #tpu.memory_space<vmem>>, vector<16xf32>,
      %add3A_204 = arith.constant 5 : i32
      %add3A_205 = vector.broadcast %add3A_204 : i32 to vector<16xi32>
      %add3A_206 = arith.addi %mul3A_161, %add3A_205 : vector<16xi32>
      %gather3A_207 = tpu.vector_load_idx %arg15[%add3A_165, %add3A_206] : memref<256x128xf32, #tpu.memory_space<vmem>>[vector<16xi32>, vector<16xi32>], vector<16xf32>,
      %swap3A_208 = arith.constant 5 : i32
      %swap3A_209 = arith.index_cast %swap3A_208 : i32 to index
      %swap3A_210 = arith.index_cast %add3A_155 : i32 to index
      %swap3A_211 = tpu.vector_load %arg16[%swap3A_209, %swap3A_210] {strides = array<i32>} : memref<8x2048xf32, #tpu.memory_space<vmem>>, vector<16xf32>,
      tpu.vector_store %arg16[%swap3A_209, %swap3A_210], %gather3A_207 {strides = array<i32>} : memref<8x2048xf32, #tpu.memory_space<vmem>>, vector<16xf32>,
      %add3A_212 = arith.constant 6 : i32
      %add3A_213 = vector.broadcast %add3A_212 : i32 to vector<16xi32>
      %add3A_214 = arith.addi %mul3A_161, %add3A_213 : vector<16xi32>
      %gather3A_215 = tpu.vector_load_idx %arg15[%add3A_165, %add3A_214] : memref<256x128xf32, #tpu.memory_space<vmem>>[vector<16xi32>, vector<16xi32>], vector<16xf32>,
      %swap3A_216 = arith.constant 6 : i32
      %swap3A_217 = arith.index_cast %swap3A_216 : i32 to index
      %swap3A_218 = arith.index_cast %add3A_155 : i32 to index
      %swap3A_219 = tpu.vector_load %arg16[%swap3A_217, %swap3A_218] {strides = array<i32>} : memref<8x2048xf32, #tpu.memory_space<vmem>>, vector<16xf32>,
      tpu.vector_store %arg16[%swap3A_217, %swap3A_218], %gather3A_215 {strides = array<i32>} : memref<8x2048xf32, #tpu.memory_space<vmem>>, vector<16xf32>,
      %add3A_220 = arith.constant 7 : i32
      %add3A_221 = vector.broadcast %add3A_220 : i32 to vector<16xi32>
      %add3A_222 = arith.addi %mul3A_161, %add3A_221 : vector<16xi32>
      %gather3A_223 = tpu.vector_load_idx %arg15[%add3A_165, %add3A_222] : memref<256x128xf32, #tpu.memory_space<vmem>>[vector<16xi32>, vector<16xi32>], vector<16xf32>,
      %swap3A_224 = arith.constant 7 : i32
      %swap3A_225 = arith.index_cast %swap3A_224 : i32 to index
      %swap3A_226 = arith.index_cast %add3A_155 : i32 to index
      %swap3A_227 = tpu.vector_load %arg16[%swap3A_225, %swap3A_226] {strides = array<i32>} : memref<8x2048xf32, #tpu.memory_space<vmem>>, vector<16xf32>,
      tpu.vector_store %arg16[%swap3A_225, %swap3A_226], %gather3A_223 {strides = array<i32>} : memref<8x2048xf32, #tpu.memory_space<vmem>>, vector<16xf32>,
      %scan3A_228 = arith.constant 0 : i32
      scf.yield %scan3A_228 : i32
    }
    %scan3A_142 = arith.constant 16 : i32
    %run_scoped3A = arith.constant 0 : i32
    "tpu.region"() ({
      %run_scoped3A_150 = tpu.sem_alloc : memref<!tpu.dma_semaphore, #tpu.memory_space<semaphore_mem>>
      %dma_start3A_151 = arith.constant 0 : i32
      %dma_start3A_152 = tpu.memref_slice %arg16[%run_scoped3A, %dma_start3A_151] : memref<8x2048xf32, #tpu.memory_space<vmem>> -> memref<1x2048xf32, #tpu.memory_space<vmem>>
      %dma_start3A_153 = tpu.memref_squeeze %dma_start3A_152 : memref<1x2048xf32, #tpu.memory_space<vmem>> -> memref<2048xf32, #tpu.memory_space<vmem>>
      %dma_start3A_154 = tpu.memref_slice %arg4[%mul3A_2] : memref<65536xf32, #tpu.memory_space<hbm>> -> memref<2048xf32, #tpu.memory_space<hbm>>
      %dma_start3A_155 = tpu.memref_slice %arg4[%mul3A_2] : memref<65536xf32, #tpu.memory_space<hbm>> -> memref<2048xf32, #tpu.memory_space<hbm>>
      %dma_start3A_156 = arith.constant 0 : i32
      %dma_start3A_157 = tpu.memref_slice %arg16[%run_scoped3A, %dma_start3A_156] : memref<8x2048xf32, #tpu.memory_space<vmem>> -> memref<1x2048xf32, #tpu.memory_space<vmem>>
      %dma_start3A_158 = tpu.memref_squeeze %dma_start3A_157 : memref<1x2048xf32, #tpu.memory_space<vmem>> -> memref<2048xf32, #tpu.memory_space<vmem>>
      tpu.enqueue_dma source(%dma_start3A_158 : memref<2048xf32, #tpu.memory_space<vmem>>) target(%dma_start3A_155 : memref<2048xf32, #tpu.memory_space<hbm>>) target_semaphore(%run_scoped3A_150 : memref<!tpu.dma_semaphore, #tpu.memory_space<semaphore_mem>>)
      %dma_wait3A_159 = arith.constant 0 : i32
      %dma_wait3A_160 = tpu.memref_slice %arg16[%run_scoped3A, %dma_wait3A_159] : memref<8x2048xf32, #tpu.memory_space<vmem>> -> memref<1x2048xf32, #tpu.memory_space<vmem>>
      %dma_wait3A_161 = tpu.memref_squeeze %dma_wait3A_160 : memref<1x2048xf32, #tpu.memory_space<vmem>> -> memref<2048xf32, #tpu.memory_space<vmem>>
      %dma_wait3A_162 = tpu.memref_slice %arg4[%mul3A_2] : memref<65536xf32, #tpu.memory_space<hbm>> -> memref<2048xf32, #tpu.memory_space<hbm>>
      %dma_wait3A_163 = tpu.memref_slice %arg4[%mul3A_2] : memref<65536xf32, #tpu.memory_space<hbm>> -> memref<2048xf32, #tpu.memory_space<hbm>>
      %dma_wait3A_164 = arith.constant 0 : i32
      %dma_wait3A_165 = tpu.memref_slice %arg16[%run_scoped3A, %dma_wait3A_164] : memref<8x2048xf32, #tpu.memory_space<vmem>> -> memref<1x2048xf32, #tpu.memory_space<vmem>>
      %dma_wait3A_166 = tpu.memref_squeeze %dma_wait3A_165 : memref<1x2048xf32, #tpu.memory_space<vmem>> -> memref<2048xf32, #tpu.memory_space<vmem>>
      tpu.wait_dma2 semaphore(%run_scoped3A_150 : memref<!tpu.dma_semaphore, #tpu.memory_space<semaphore_mem>>) src(%dma_wait3A_166 : memref<2048xf32, #tpu.memory_space<vmem>>) dst(%dma_wait3A_163 : memref<2048xf32, #tpu.memory_space<hbm>>)
      tpu.yield
    }) : () -> ()
    %run_scoped3A_143 = arith.constant 1 : i32
    "tpu.region"() ({
      %run_scoped3A_150 = tpu.sem_alloc : memref<!tpu.dma_semaphore, #tpu.memory_space<semaphore_mem>>
      %dma_start3A_151 = arith.constant 0 : i32
      %dma_start3A_152 = tpu.memref_slice %arg16[%run_scoped3A_143, %dma_start3A_151] : memref<8x2048xf32, #tpu.memory_space<vmem>> -> memref<1x2048xf32, #tpu.memory_space<vmem>>
      %dma_start3A_153 = tpu.memref_squeeze %dma_start3A_152 : memref<1x2048xf32, #tpu.memory_space<vmem>> -> memref<2048xf32, #tpu.memory_space<vmem>>
      %dma_start3A_154 = tpu.memref_slice %arg5[%mul3A_2] : memref<65536xf32, #tpu.memory_space<hbm>> -> memref<2048xf32, #tpu.memory_space<hbm>>
      %dma_start3A_155 = tpu.memref_slice %arg5[%mul3A_2] : memref<65536xf32, #tpu.memory_space<hbm>> -> memref<2048xf32, #tpu.memory_space<hbm>>
      %dma_start3A_156 = arith.constant 0 : i32
      %dma_start3A_157 = tpu.memref_slice %arg16[%run_scoped3A_143, %dma_start3A_156] : memref<8x2048xf32, #tpu.memory_space<vmem>> -> memref<1x2048xf32, #tpu.memory_space<vmem>>
      %dma_start3A_158 = tpu.memref_squeeze %dma_start3A_157 : memref<1x2048xf32, #tpu.memory_space<vmem>> -> memref<2048xf32, #tpu.memory_space<vmem>>
      tpu.enqueue_dma source(%dma_start3A_158 : memref<2048xf32, #tpu.memory_space<vmem>>) target(%dma_start3A_155 : memref<2048xf32, #tpu.memory_space<hbm>>) target_semaphore(%run_scoped3A_150 : memref<!tpu.dma_semaphore, #tpu.memory_space<semaphore_mem>>)
      %dma_wait3A_159 = arith.constant 0 : i32
      %dma_wait3A_160 = tpu.memref_slice %arg16[%run_scoped3A_143, %dma_wait3A_159] : memref<8x2048xf32, #tpu.memory_space<vmem>> -> memref<1x2048xf32, #tpu.memory_space<vmem>>
      %dma_wait3A_161 = tpu.memref_squeeze %dma_wait3A_160 : memref<1x2048xf32, #tpu.memory_space<vmem>> -> memref<2048xf32, #tpu.memory_space<vmem>>
      %dma_wait3A_162 = tpu.memref_slice %arg5[%mul3A_2] : memref<65536xf32, #tpu.memory_space<hbm>> -> memref<2048xf32, #tpu.memory_space<hbm>>
      %dma_wait3A_163 = tpu.memref_slice %arg5[%mul3A_2] : memref<65536xf32, #tpu.memory_space<hbm>> -> memref<2048xf32, #tpu.memory_space<hbm>>
      %dma_wait3A_164 = arith.constant 0 : i32
      %dma_wait3A_165 = tpu.memref_slice %arg16[%run_scoped3A_143, %dma_wait3A_164] : memref<8x2048xf32, #tpu.memory_space<vmem>> -> memref<1x2048xf32, #tpu.memory_space<vmem>>
      %dma_wait3A_166 = tpu.memref_squeeze %dma_wait3A_165 : memref<1x2048xf32, #tpu.memory_space<vmem>> -> memref<2048xf32, #tpu.memory_space<vmem>>
      tpu.wait_dma2 semaphore(%run_scoped3A_150 : memref<!tpu.dma_semaphore, #tpu.memory_space<semaphore_mem>>) src(%dma_wait3A_166 : memref<2048xf32, #tpu.memory_space<vmem>>) dst(%dma_wait3A_163 : memref<2048xf32, #tpu.memory_space<hbm>>)
      tpu.yield
    }) : () -> ()
    %run_scoped3A_144 = arith.constant 2 : i32
    "tpu.region"() ({
      %run_scoped3A_150 = tpu.sem_alloc : memref<!tpu.dma_semaphore, #tpu.memory_space<semaphore_mem>>
      %dma_start3A_151 = arith.constant 0 : i32
      %dma_start3A_152 = tpu.memref_slice %arg16[%run_scoped3A_144, %dma_start3A_151] : memref<8x2048xf32, #tpu.memory_space<vmem>> -> memref<1x2048xf32, #tpu.memory_space<vmem>>
      %dma_start3A_153 = tpu.memref_squeeze %dma_start3A_152 : memref<1x2048xf32, #tpu.memory_space<vmem>> -> memref<2048xf32, #tpu.memory_space<vmem>>
      %dma_start3A_154 = tpu.memref_slice %arg6[%mul3A_2] : memref<65536xf32, #tpu.memory_space<hbm>> -> memref<2048xf32, #tpu.memory_space<hbm>>
      %dma_start3A_155 = tpu.memref_slice %arg6[%mul3A_2] : memref<65536xf32, #tpu.memory_space<hbm>> -> memref<2048xf32, #tpu.memory_space<hbm>>
      %dma_start3A_156 = arith.constant 0 : i32
      %dma_start3A_157 = tpu.memref_slice %arg16[%run_scoped3A_144, %dma_start3A_156] : memref<8x2048xf32, #tpu.memory_space<vmem>> -> memref<1x2048xf32, #tpu.memory_space<vmem>>
      %dma_start3A_158 = tpu.memref_squeeze %dma_start3A_157 : memref<1x2048xf32, #tpu.memory_space<vmem>> -> memref<2048xf32, #tpu.memory_space<vmem>>
      tpu.enqueue_dma source(%dma_start3A_158 : memref<2048xf32, #tpu.memory_space<vmem>>) target(%dma_start3A_155 : memref<2048xf32, #tpu.memory_space<hbm>>) target_semaphore(%run_scoped3A_150 : memref<!tpu.dma_semaphore, #tpu.memory_space<semaphore_mem>>)
      %dma_wait3A_159 = arith.constant 0 : i32
      %dma_wait3A_160 = tpu.memref_slice %arg16[%run_scoped3A_144, %dma_wait3A_159] : memref<8x2048xf32, #tpu.memory_space<vmem>> -> memref<1x2048xf32, #tpu.memory_space<vmem>>
      %dma_wait3A_161 = tpu.memref_squeeze %dma_wait3A_160 : memref<1x2048xf32, #tpu.memory_space<vmem>> -> memref<2048xf32, #tpu.memory_space<vmem>>
      %dma_wait3A_162 = tpu.memref_slice %arg6[%mul3A_2] : memref<65536xf32, #tpu.memory_space<hbm>> -> memref<2048xf32, #tpu.memory_space<hbm>>
      %dma_wait3A_163 = tpu.memref_slice %arg6[%mul3A_2] : memref<65536xf32, #tpu.memory_space<hbm>> -> memref<2048xf32, #tpu.memory_space<hbm>>
      %dma_wait3A_164 = arith.constant 0 : i32
      %dma_wait3A_165 = tpu.memref_slice %arg16[%run_scoped3A_144, %dma_wait3A_164] : memref<8x2048xf32, #tpu.memory_space<vmem>> -> memref<1x2048xf32, #tpu.memory_space<vmem>>
      %dma_wait3A_166 = tpu.memref_squeeze %dma_wait3A_165 : memref<1x2048xf32, #tpu.memory_space<vmem>> -> memref<2048xf32, #tpu.memory_space<vmem>>
      tpu.wait_dma2 semaphore(%run_scoped3A_150 : memref<!tpu.dma_semaphore, #tpu.memory_space<semaphore_mem>>) src(%dma_wait3A_166 : memref<2048xf32, #tpu.memory_space<vmem>>) dst(%dma_wait3A_163 : memref<2048xf32, #tpu.memory_space<hbm>>)
      tpu.yield
    }) : () -> ()
    %run_scoped3A_145 = arith.constant 3 : i32
    "tpu.region"() ({
      %run_scoped3A_150 = tpu.sem_alloc : memref<!tpu.dma_semaphore, #tpu.memory_space<semaphore_mem>>
      %dma_start3A_151 = arith.constant 0 : i32
      %dma_start3A_152 = tpu.memref_slice %arg16[%run_scoped3A_145, %dma_start3A_151] : memref<8x2048xf32, #tpu.memory_space<vmem>> -> memref<1x2048xf32, #tpu.memory_space<vmem>>
      %dma_start3A_153 = tpu.memref_squeeze %dma_start3A_152 : memref<1x2048xf32, #tpu.memory_space<vmem>> -> memref<2048xf32, #tpu.memory_space<vmem>>
      %dma_start3A_154 = tpu.memref_slice %arg7[%mul3A_2] : memref<65536xf32, #tpu.memory_space<hbm>> -> memref<2048xf32, #tpu.memory_space<hbm>>
      %dma_start3A_155 = tpu.memref_slice %arg7[%mul3A_2] : memref<65536xf32, #tpu.memory_space<hbm>> -> memref<2048xf32, #tpu.memory_space<hbm>>
      %dma_start3A_156 = arith.constant 0 : i32
      %dma_start3A_157 = tpu.memref_slice %arg16[%run_scoped3A_145, %dma_start3A_156] : memref<8x2048xf32, #tpu.memory_space<vmem>> -> memref<1x2048xf32, #tpu.memory_space<vmem>>
      %dma_start3A_158 = tpu.memref_squeeze %dma_start3A_157 : memref<1x2048xf32, #tpu.memory_space<vmem>> -> memref<2048xf32, #tpu.memory_space<vmem>>
      tpu.enqueue_dma source(%dma_start3A_158 : memref<2048xf32, #tpu.memory_space<vmem>>) target(%dma_start3A_155 : memref<2048xf32, #tpu.memory_space<hbm>>) target_semaphore(%run_scoped3A_150 : memref<!tpu.dma_semaphore, #tpu.memory_space<semaphore_mem>>)
      %dma_wait3A_159 = arith.constant 0 : i32
      %dma_wait3A_160 = tpu.memref_slice %arg16[%run_scoped3A_145, %dma_wait3A_159] : memref<8x2048xf32, #tpu.memory_space<vmem>> -> memref<1x2048xf32, #tpu.memory_space<vmem>>
      %dma_wait3A_161 = tpu.memref_squeeze %dma_wait3A_160 : memref<1x2048xf32, #tpu.memory_space<vmem>> -> memref<2048xf32, #tpu.memory_space<vmem>>
      %dma_wait3A_162 = tpu.memref_slice %arg7[%mul3A_2] : memref<65536xf32, #tpu.memory_space<hbm>> -> memref<2048xf32, #tpu.memory_space<hbm>>
      %dma_wait3A_163 = tpu.memref_slice %arg7[%mul3A_2] : memref<65536xf32, #tpu.memory_space<hbm>> -> memref<2048xf32, #tpu.memory_space<hbm>>
      %dma_wait3A_164 = arith.constant 0 : i32
      %dma_wait3A_165 = tpu.memref_slice %arg16[%run_scoped3A_145, %dma_wait3A_164] : memref<8x2048xf32, #tpu.memory_space<vmem>> -> memref<1x2048xf32, #tpu.memory_space<vmem>>
      %dma_wait3A_166 = tpu.memref_squeeze %dma_wait3A_165 : memref<1x2048xf32, #tpu.memory_space<vmem>> -> memref<2048xf32, #tpu.memory_space<vmem>>
      tpu.wait_dma2 semaphore(%run_scoped3A_150 : memref<!tpu.dma_semaphore, #tpu.memory_space<semaphore_mem>>) src(%dma_wait3A_166 : memref<2048xf32, #tpu.memory_space<vmem>>) dst(%dma_wait3A_163 : memref<2048xf32, #tpu.memory_space<hbm>>)
      tpu.yield
    }) : () -> ()
    %run_scoped3A_146 = arith.constant 4 : i32
    "tpu.region"() ({
      %run_scoped3A_150 = tpu.sem_alloc : memref<!tpu.dma_semaphore, #tpu.memory_space<semaphore_mem>>
      %dma_start3A_151 = arith.constant 0 : i32
      %dma_start3A_152 = tpu.memref_slice %arg16[%run_scoped3A_146, %dma_start3A_151] : memref<8x2048xf32, #tpu.memory_space<vmem>> -> memref<1x2048xf32, #tpu.memory_space<vmem>>
      %dma_start3A_153 = tpu.memref_squeeze %dma_start3A_152 : memref<1x2048xf32, #tpu.memory_space<vmem>> -> memref<2048xf32, #tpu.memory_space<vmem>>
      %dma_start3A_154 = tpu.memref_slice %arg8[%mul3A_2] : memref<65536xf32, #tpu.memory_space<hbm>> -> memref<2048xf32, #tpu.memory_space<hbm>>
      %dma_start3A_155 = tpu.memref_slice %arg8[%mul3A_2] : memref<65536xf32, #tpu.memory_space<hbm>> -> memref<2048xf32, #tpu.memory_space<hbm>>
      %dma_start3A_156 = arith.constant 0 : i32
      %dma_start3A_157 = tpu.memref_slice %arg16[%run_scoped3A_146, %dma_start3A_156] : memref<8x2048xf32, #tpu.memory_space<vmem>> -> memref<1x2048xf32, #tpu.memory_space<vmem>>
      %dma_start3A_158 = tpu.memref_squeeze %dma_start3A_157 : memref<1x2048xf32, #tpu.memory_space<vmem>> -> memref<2048xf32, #tpu.memory_space<vmem>>
      tpu.enqueue_dma source(%dma_start3A_158 : memref<2048xf32, #tpu.memory_space<vmem>>) target(%dma_start3A_155 : memref<2048xf32, #tpu.memory_space<hbm>>) target_semaphore(%run_scoped3A_150 : memref<!tpu.dma_semaphore, #tpu.memory_space<semaphore_mem>>)
      %dma_wait3A_159 = arith.constant 0 : i32
      %dma_wait3A_160 = tpu.memref_slice %arg16[%run_scoped3A_146, %dma_wait3A_159] : memref<8x2048xf32, #tpu.memory_space<vmem>> -> memref<1x2048xf32, #tpu.memory_space<vmem>>
      %dma_wait3A_161 = tpu.memref_squeeze %dma_wait3A_160 : memref<1x2048xf32, #tpu.memory_space<vmem>> -> memref<2048xf32, #tpu.memory_space<vmem>>
      %dma_wait3A_162 = tpu.memref_slice %arg8[%mul3A_2] : memref<65536xf32, #tpu.memory_space<hbm>> -> memref<2048xf32, #tpu.memory_space<hbm>>
      %dma_wait3A_163 = tpu.memref_slice %arg8[%mul3A_2] : memref<65536xf32, #tpu.memory_space<hbm>> -> memref<2048xf32, #tpu.memory_space<hbm>>
      %dma_wait3A_164 = arith.constant 0 : i32
      %dma_wait3A_165 = tpu.memref_slice %arg16[%run_scoped3A_146, %dma_wait3A_164] : memref<8x2048xf32, #tpu.memory_space<vmem>> -> memref<1x2048xf32, #tpu.memory_space<vmem>>
      %dma_wait3A_166 = tpu.memref_squeeze %dma_wait3A_165 : memref<1x2048xf32, #tpu.memory_space<vmem>> -> memref<2048xf32, #tpu.memory_space<vmem>>
      tpu.wait_dma2 semaphore(%run_scoped3A_150 : memref<!tpu.dma_semaphore, #tpu.memory_space<semaphore_mem>>) src(%dma_wait3A_166 : memref<2048xf32, #tpu.memory_space<vmem>>) dst(%dma_wait3A_163 : memref<2048xf32, #tpu.memory_space<hbm>>)
      tpu.yield
    }) : () -> ()
    %run_scoped3A_147 = arith.constant 5 : i32
    "tpu.region"() ({
      %run_scoped3A_150 = tpu.sem_alloc : memref<!tpu.dma_semaphore, #tpu.memory_space<semaphore_mem>>
      %dma_start3A_151 = arith.constant 0 : i32
      %dma_start3A_152 = tpu.memref_slice %arg16[%run_scoped3A_147, %dma_start3A_151] : memref<8x2048xf32, #tpu.memory_space<vmem>> -> memref<1x2048xf32, #tpu.memory_space<vmem>>
      %dma_start3A_153 = tpu.memref_squeeze %dma_start3A_152 : memref<1x2048xf32, #tpu.memory_space<vmem>> -> memref<2048xf32, #tpu.memory_space<vmem>>
      %dma_start3A_154 = tpu.memref_slice %arg9[%mul3A_2] : memref<65536xf32, #tpu.memory_space<hbm>> -> memref<2048xf32, #tpu.memory_space<hbm>>
      %dma_start3A_155 = tpu.memref_slice %arg9[%mul3A_2] : memref<65536xf32, #tpu.memory_space<hbm>> -> memref<2048xf32, #tpu.memory_space<hbm>>
      %dma_start3A_156 = arith.constant 0 : i32
      %dma_start3A_157 = tpu.memref_slice %arg16[%run_scoped3A_147, %dma_start3A_156] : memref<8x2048xf32, #tpu.memory_space<vmem>> -> memref<1x2048xf32, #tpu.memory_space<vmem>>
      %dma_start3A_158 = tpu.memref_squeeze %dma_start3A_157 : memref<1x2048xf32, #tpu.memory_space<vmem>> -> memref<2048xf32, #tpu.memory_space<vmem>>
      tpu.enqueue_dma source(%dma_start3A_158 : memref<2048xf32, #tpu.memory_space<vmem>>) target(%dma_start3A_155 : memref<2048xf32, #tpu.memory_space<hbm>>) target_semaphore(%run_scoped3A_150 : memref<!tpu.dma_semaphore, #tpu.memory_space<semaphore_mem>>)
      %dma_wait3A_159 = arith.constant 0 : i32
      %dma_wait3A_160 = tpu.memref_slice %arg16[%run_scoped3A_147, %dma_wait3A_159] : memref<8x2048xf32, #tpu.memory_space<vmem>> -> memref<1x2048xf32, #tpu.memory_space<vmem>>
      %dma_wait3A_161 = tpu.memref_squeeze %dma_wait3A_160 : memref<1x2048xf32, #tpu.memory_space<vmem>> -> memref<2048xf32, #tpu.memory_space<vmem>>
      %dma_wait3A_162 = tpu.memref_slice %arg9[%mul3A_2] : memref<65536xf32, #tpu.memory_space<hbm>> -> memref<2048xf32, #tpu.memory_space<hbm>>
      %dma_wait3A_163 = tpu.memref_slice %arg9[%mul3A_2] : memref<65536xf32, #tpu.memory_space<hbm>> -> memref<2048xf32, #tpu.memory_space<hbm>>
      %dma_wait3A_164 = arith.constant 0 : i32
      %dma_wait3A_165 = tpu.memref_slice %arg16[%run_scoped3A_147, %dma_wait3A_164] : memref<8x2048xf32, #tpu.memory_space<vmem>> -> memref<1x2048xf32, #tpu.memory_space<vmem>>
      %dma_wait3A_166 = tpu.memref_squeeze %dma_wait3A_165 : memref<1x2048xf32, #tpu.memory_space<vmem>> -> memref<2048xf32, #tpu.memory_space<vmem>>
      tpu.wait_dma2 semaphore(%run_scoped3A_150 : memref<!tpu.dma_semaphore, #tpu.memory_space<semaphore_mem>>) src(%dma_wait3A_166 : memref<2048xf32, #tpu.memory_space<vmem>>) dst(%dma_wait3A_163 : memref<2048xf32, #tpu.memory_space<hbm>>)
      tpu.yield
    }) : () -> ()
    %run_scoped3A_148 = arith.constant 6 : i32
    "tpu.region"() ({
      %run_scoped3A_150 = tpu.sem_alloc : memref<!tpu.dma_semaphore, #tpu.memory_space<semaphore_mem>>
      %dma_start3A_151 = arith.constant 0 : i32
      %dma_start3A_152 = tpu.memref_slice %arg16[%run_scoped3A_148, %dma_start3A_151] : memref<8x2048xf32, #tpu.memory_space<vmem>> -> memref<1x2048xf32, #tpu.memory_space<vmem>>
      %dma_start3A_153 = tpu.memref_squeeze %dma_start3A_152 : memref<1x2048xf32, #tpu.memory_space<vmem>> -> memref<2048xf32, #tpu.memory_space<vmem>>
      %dma_start3A_154 = tpu.memref_slice %arg10[%mul3A_2] : memref<65536xf32, #tpu.memory_space<hbm>> -> memref<2048xf32, #tpu.memory_space<hbm>>
      %dma_start3A_155 = tpu.memref_slice %arg10[%mul3A_2] : memref<65536xf32, #tpu.memory_space<hbm>> -> memref<2048xf32, #tpu.memory_space<hbm>>
      %dma_start3A_156 = arith.constant 0 : i32
      %dma_start3A_157 = tpu.memref_slice %arg16[%run_scoped3A_148, %dma_start3A_156] : memref<8x2048xf32, #tpu.memory_space<vmem>> -> memref<1x2048xf32, #tpu.memory_space<vmem>>
      %dma_start3A_158 = tpu.memref_squeeze %dma_start3A_157 : memref<1x2048xf32, #tpu.memory_space<vmem>> -> memref<2048xf32, #tpu.memory_space<vmem>>
      tpu.enqueue_dma source(%dma_start3A_158 : memref<2048xf32, #tpu.memory_space<vmem>>) target(%dma_start3A_155 : memref<2048xf32, #tpu.memory_space<hbm>>) target_semaphore(%run_scoped3A_150 : memref<!tpu.dma_semaphore, #tpu.memory_space<semaphore_mem>>)
      %dma_wait3A_159 = arith.constant 0 : i32
      %dma_wait3A_160 = tpu.memref_slice %arg16[%run_scoped3A_148, %dma_wait3A_159] : memref<8x2048xf32, #tpu.memory_space<vmem>> -> memref<1x2048xf32, #tpu.memory_space<vmem>>
      %dma_wait3A_161 = tpu.memref_squeeze %dma_wait3A_160 : memref<1x2048xf32, #tpu.memory_space<vmem>> -> memref<2048xf32, #tpu.memory_space<vmem>>
      %dma_wait3A_162 = tpu.memref_slice %arg10[%mul3A_2] : memref<65536xf32, #tpu.memory_space<hbm>> -> memref<2048xf32, #tpu.memory_space<hbm>>
      %dma_wait3A_163 = tpu.memref_slice %arg10[%mul3A_2] : memref<65536xf32, #tpu.memory_space<hbm>> -> memref<2048xf32, #tpu.memory_space<hbm>>
      %dma_wait3A_164 = arith.constant 0 : i32
      %dma_wait3A_165 = tpu.memref_slice %arg16[%run_scoped3A_148, %dma_wait3A_164] : memref<8x2048xf32, #tpu.memory_space<vmem>> -> memref<1x2048xf32, #tpu.memory_space<vmem>>
      %dma_wait3A_166 = tpu.memref_squeeze %dma_wait3A_165 : memref<1x2048xf32, #tpu.memory_space<vmem>> -> memref<2048xf32, #tpu.memory_space<vmem>>
      tpu.wait_dma2 semaphore(%run_scoped3A_150 : memref<!tpu.dma_semaphore, #tpu.memory_space<semaphore_mem>>) src(%dma_wait3A_166 : memref<2048xf32, #tpu.memory_space<vmem>>) dst(%dma_wait3A_163 : memref<2048xf32, #tpu.memory_space<hbm>>)
      tpu.yield
    }) : () -> ()
    %run_scoped3A_149 = arith.constant 7 : i32
    "tpu.region"() ({
      %run_scoped3A_150 = tpu.sem_alloc : memref<!tpu.dma_semaphore, #tpu.memory_space<semaphore_mem>>
      %dma_start3A_151 = arith.constant 0 : i32
      %dma_start3A_152 = tpu.memref_slice %arg16[%run_scoped3A_149, %dma_start3A_151] : memref<8x2048xf32, #tpu.memory_space<vmem>> -> memref<1x2048xf32, #tpu.memory_space<vmem>>
      %dma_start3A_153 = tpu.memref_squeeze %dma_start3A_152 : memref<1x2048xf32, #tpu.memory_space<vmem>> -> memref<2048xf32, #tpu.memory_space<vmem>>
      %dma_start3A_154 = tpu.memref_slice %arg11[%mul3A_2] : memref<65536xf32, #tpu.memory_space<hbm>> -> memref<2048xf32, #tpu.memory_space<hbm>>
      %dma_start3A_155 = tpu.memref_slice %arg11[%mul3A_2] : memref<65536xf32, #tpu.memory_space<hbm>> -> memref<2048xf32, #tpu.memory_space<hbm>>
      %dma_start3A_156 = arith.constant 0 : i32
      %dma_start3A_157 = tpu.memref_slice %arg16[%run_scoped3A_149, %dma_start3A_156] : memref<8x2048xf32, #tpu.memory_space<vmem>> -> memref<1x2048xf32, #tpu.memory_space<vmem>>
      %dma_start3A_158 = tpu.memref_squeeze %dma_start3A_157 : memref<1x2048xf32, #tpu.memory_space<vmem>> -> memref<2048xf32, #tpu.memory_space<vmem>>
      tpu.enqueue_dma source(%dma_start3A_158 : memref<2048xf32, #tpu.memory_space<vmem>>) target(%dma_start3A_155 : memref<2048xf32, #tpu.memory_space<hbm>>) target_semaphore(%run_scoped3A_150 : memref<!tpu.dma_semaphore, #tpu.memory_space<semaphore_mem>>)
      %dma_wait3A_159 = arith.constant 0 : i32
      %dma_wait3A_160 = tpu.memref_slice %arg16[%run_scoped3A_149, %dma_wait3A_159] : memref<8x2048xf32, #tpu.memory_space<vmem>> -> memref<1x2048xf32, #tpu.memory_space<vmem>>
      %dma_wait3A_161 = tpu.memref_squeeze %dma_wait3A_160 : memref<1x2048xf32, #tpu.memory_space<vmem>> -> memref<2048xf32, #tpu.memory_space<vmem>>
      %dma_wait3A_162 = tpu.memref_slice %arg11[%mul3A_2] : memref<65536xf32, #tpu.memory_space<hbm>> -> memref<2048xf32, #tpu.memory_space<hbm>>
      %dma_wait3A_163 = tpu.memref_slice %arg11[%mul3A_2] : memref<65536xf32, #tpu.memory_space<hbm>> -> memref<2048xf32, #tpu.memory_space<hbm>>
      %dma_wait3A_164 = arith.constant 0 : i32
      %dma_wait3A_165 = tpu.memref_slice %arg16[%run_scoped3A_149, %dma_wait3A_164] : memref<8x2048xf32, #tpu.memory_space<vmem>> -> memref<1x2048xf32, #tpu.memory_space<vmem>>
      %dma_wait3A_166 = tpu.memref_squeeze %dma_wait3A_165 : memref<1x2048xf32, #tpu.memory_space<vmem>> -> memref<2048xf32, #tpu.memory_space<vmem>>
      tpu.wait_dma2 semaphore(%run_scoped3A_150 : memref<!tpu.dma_semaphore, #tpu.memory_space<semaphore_mem>>) src(%dma_wait3A_166 : memref<2048xf32, #tpu.memory_space<vmem>>) dst(%dma_wait3A_163 : memref<2048xf32, #tpu.memory_space<hbm>>)
      tpu.yield
    }) : () -> ()
    return
  }
}

module attributes {stable_mosaic.version = 14 : i64} {
  func.func @body(%arg0: i32, %arg1: memref<1000x16x8xf32, #tpu.memory_space<vmem>>, %arg2: memref<1000x128xf32, #tpu.memory_space<vmem>>) attributes {dimension_semantics = [#tpu.dimension_semantics<arbitrary>], iteration_bounds = array<i64: 125>, scalar_prefetch = 0 : i64, scratch_operands = 0 : i64, tpu.core_type = #tpu.core_type<tc>, window_params = [{transform_indices = @transform_0, window_bounds = array<i64: 1000, 16, 8>}, {transform_indices = @transform_1, window_bounds = array<i64: 1000, 128>}]} {
    %get3A = arith.constant 0 : index
    %get3A_0 = arith.constant 0 : index
    %get3A_1 = arith.constant 0 : index
    %get3A_2 = vector.load %arg1[%get3A, %get3A_0, %get3A_1] : memref<1000x16x8xf32, #tpu.memory_space<vmem>>, vector<1000x1x8xf32>
    %get3A_3 = vector.shape_cast %get3A_2 : vector<1000x1x8xf32> to vector<1000x8xf32>
    %swap3A = arith.constant 0 : index
    %swap3A_4 = arith.constant 0 : index
    %swap3A_5 = vector.load %arg2[%swap3A, %swap3A_4] : memref<1000x128xf32, #tpu.memory_space<vmem>>, vector<1000x8xf32>
    tpu.vector_store %arg2[%swap3A, %swap3A_4], %get3A_3 {strides = array<i32>} : memref<1000x128xf32, #tpu.memory_space<vmem>>, vector<1000x8xf32>,
    %get3A_6 = arith.constant 0 : index
    %get3A_7 = arith.constant 1 : index
    %get3A_8 = arith.constant 0 : index
    %get3A_9 = vector.load %arg1[%get3A_6, %get3A_7, %get3A_8] : memref<1000x16x8xf32, #tpu.memory_space<vmem>>, vector<1000x1x8xf32>
    %get3A_10 = vector.shape_cast %get3A_9 : vector<1000x1x8xf32> to vector<1000x8xf32>
    %swap3A_11 = arith.constant 0 : index
    %swap3A_12 = arith.constant 8 : index
    %swap3A_13 = vector.load %arg2[%swap3A_11, %swap3A_12] : memref<1000x128xf32, #tpu.memory_space<vmem>>, vector<1000x8xf32>
    tpu.vector_store %arg2[%swap3A_11, %swap3A_12], %get3A_10 {strides = array<i32>} : memref<1000x128xf32, #tpu.memory_space<vmem>>, vector<1000x8xf32>,
    %get3A_14 = arith.constant 0 : index
    %get3A_15 = arith.constant 2 : index
    %get3A_16 = arith.constant 0 : index
    %get3A_17 = vector.load %arg1[%get3A_14, %get3A_15, %get3A_16] : memref<1000x16x8xf32, #tpu.memory_space<vmem>>, vector<1000x1x8xf32>
    %get3A_18 = vector.shape_cast %get3A_17 : vector<1000x1x8xf32> to vector<1000x8xf32>
    %swap3A_19 = arith.constant 0 : index
    %swap3A_20 = arith.constant 16 : index
    %swap3A_21 = vector.load %arg2[%swap3A_19, %swap3A_20] : memref<1000x128xf32, #tpu.memory_space<vmem>>, vector<1000x8xf32>
    tpu.vector_store %arg2[%swap3A_19, %swap3A_20], %get3A_18 {strides = array<i32>} : memref<1000x128xf32, #tpu.memory_space<vmem>>, vector<1000x8xf32>,
    %get3A_22 = arith.constant 0 : index
    %get3A_23 = arith.constant 3 : index
    %get3A_24 = arith.constant 0 : index
    %get3A_25 = vector.load %arg1[%get3A_22, %get3A_23, %get3A_24] : memref<1000x16x8xf32, #tpu.memory_space<vmem>>, vector<1000x1x8xf32>
    %get3A_26 = vector.shape_cast %get3A_25 : vector<1000x1x8xf32> to vector<1000x8xf32>
    %swap3A_27 = arith.constant 0 : index
    %swap3A_28 = arith.constant 24 : index
    %swap3A_29 = vector.load %arg2[%swap3A_27, %swap3A_28] : memref<1000x128xf32, #tpu.memory_space<vmem>>, vector<1000x8xf32>
    tpu.vector_store %arg2[%swap3A_27, %swap3A_28], %get3A_26 {strides = array<i32>} : memref<1000x128xf32, #tpu.memory_space<vmem>>, vector<1000x8xf32>,
    %get3A_30 = arith.constant 0 : index
    %get3A_31 = arith.constant 4 : index
    %get3A_32 = arith.constant 0 : index
    %get3A_33 = vector.load %arg1[%get3A_30, %get3A_31, %get3A_32] : memref<1000x16x8xf32, #tpu.memory_space<vmem>>, vector<1000x1x8xf32>
    %get3A_34 = vector.shape_cast %get3A_33 : vector<1000x1x8xf32> to vector<1000x8xf32>
    %swap3A_35 = arith.constant 0 : index
    %swap3A_36 = arith.constant 32 : index
    %swap3A_37 = vector.load %arg2[%swap3A_35, %swap3A_36] : memref<1000x128xf32, #tpu.memory_space<vmem>>, vector<1000x8xf32>
    tpu.vector_store %arg2[%swap3A_35, %swap3A_36], %get3A_34 {strides = array<i32>} : memref<1000x128xf32, #tpu.memory_space<vmem>>, vector<1000x8xf32>,
    %get3A_38 = arith.constant 0 : index
    %get3A_39 = arith.constant 5 : index
    %get3A_40 = arith.constant 0 : index
    %get3A_41 = vector.load %arg1[%get3A_38, %get3A_39, %get3A_40] : memref<1000x16x8xf32, #tpu.memory_space<vmem>>, vector<1000x1x8xf32>
    %get3A_42 = vector.shape_cast %get3A_41 : vector<1000x1x8xf32> to vector<1000x8xf32>
    %swap3A_43 = arith.constant 0 : index
    %swap3A_44 = arith.constant 40 : index
    %swap3A_45 = vector.load %arg2[%swap3A_43, %swap3A_44] : memref<1000x128xf32, #tpu.memory_space<vmem>>, vector<1000x8xf32>
    tpu.vector_store %arg2[%swap3A_43, %swap3A_44], %get3A_42 {strides = array<i32>} : memref<1000x128xf32, #tpu.memory_space<vmem>>, vector<1000x8xf32>,
    %get3A_46 = arith.constant 0 : index
    %get3A_47 = arith.constant 6 : index
    %get3A_48 = arith.constant 0 : index
    %get3A_49 = vector.load %arg1[%get3A_46, %get3A_47, %get3A_48] : memref<1000x16x8xf32, #tpu.memory_space<vmem>>, vector<1000x1x8xf32>
    %get3A_50 = vector.shape_cast %get3A_49 : vector<1000x1x8xf32> to vector<1000x8xf32>
    %swap3A_51 = arith.constant 0 : index
    %swap3A_52 = arith.constant 48 : index
    %swap3A_53 = vector.load %arg2[%swap3A_51, %swap3A_52] : memref<1000x128xf32, #tpu.memory_space<vmem>>, vector<1000x8xf32>
    tpu.vector_store %arg2[%swap3A_51, %swap3A_52], %get3A_50 {strides = array<i32>} : memref<1000x128xf32, #tpu.memory_space<vmem>>, vector<1000x8xf32>,
    %get3A_54 = arith.constant 0 : index
    %get3A_55 = arith.constant 7 : index
    %get3A_56 = arith.constant 0 : index
    %get3A_57 = vector.load %arg1[%get3A_54, %get3A_55, %get3A_56] : memref<1000x16x8xf32, #tpu.memory_space<vmem>>, vector<1000x1x8xf32>
    %get3A_58 = vector.shape_cast %get3A_57 : vector<1000x1x8xf32> to vector<1000x8xf32>
    %swap3A_59 = arith.constant 0 : index
    %swap3A_60 = arith.constant 56 : index
    %swap3A_61 = vector.load %arg2[%swap3A_59, %swap3A_60] : memref<1000x128xf32, #tpu.memory_space<vmem>>, vector<1000x8xf32>
    tpu.vector_store %arg2[%swap3A_59, %swap3A_60], %get3A_58 {strides = array<i32>} : memref<1000x128xf32, #tpu.memory_space<vmem>>, vector<1000x8xf32>,
    %get3A_62 = arith.constant 0 : index
    %get3A_63 = arith.constant 8 : index
    %get3A_64 = arith.constant 0 : index
    %get3A_65 = vector.load %arg1[%get3A_62, %get3A_63, %get3A_64] : memref<1000x16x8xf32, #tpu.memory_space<vmem>>, vector<1000x1x8xf32>
    %get3A_66 = vector.shape_cast %get3A_65 : vector<1000x1x8xf32> to vector<1000x8xf32>
    %swap3A_67 = arith.constant 0 : index
    %swap3A_68 = arith.constant 64 : index
    %swap3A_69 = vector.load %arg2[%swap3A_67, %swap3A_68] : memref<1000x128xf32, #tpu.memory_space<vmem>>, vector<1000x8xf32>
    tpu.vector_store %arg2[%swap3A_67, %swap3A_68], %get3A_66 {strides = array<i32>} : memref<1000x128xf32, #tpu.memory_space<vmem>>, vector<1000x8xf32>,
    %get3A_70 = arith.constant 0 : index
    %get3A_71 = arith.constant 9 : index
    %get3A_72 = arith.constant 0 : index
    %get3A_73 = vector.load %arg1[%get3A_70, %get3A_71, %get3A_72] : memref<1000x16x8xf32, #tpu.memory_space<vmem>>, vector<1000x1x8xf32>
    %get3A_74 = vector.shape_cast %get3A_73 : vector<1000x1x8xf32> to vector<1000x8xf32>
    %swap3A_75 = arith.constant 0 : index
    %swap3A_76 = arith.constant 72 : index
    %swap3A_77 = vector.load %arg2[%swap3A_75, %swap3A_76] : memref<1000x128xf32, #tpu.memory_space<vmem>>, vector<1000x8xf32>
    tpu.vector_store %arg2[%swap3A_75, %swap3A_76], %get3A_74 {strides = array<i32>} : memref<1000x128xf32, #tpu.memory_space<vmem>>, vector<1000x8xf32>,
    %get3A_78 = arith.constant 0 : index
    %get3A_79 = arith.constant 10 : index
    %get3A_80 = arith.constant 0 : index
    %get3A_81 = vector.load %arg1[%get3A_78, %get3A_79, %get3A_80] : memref<1000x16x8xf32, #tpu.memory_space<vmem>>, vector<1000x1x8xf32>
    %get3A_82 = vector.shape_cast %get3A_81 : vector<1000x1x8xf32> to vector<1000x8xf32>
    %swap3A_83 = arith.constant 0 : index
    %swap3A_84 = arith.constant 80 : index
    %swap3A_85 = vector.load %arg2[%swap3A_83, %swap3A_84] : memref<1000x128xf32, #tpu.memory_space<vmem>>, vector<1000x8xf32>
    tpu.vector_store %arg2[%swap3A_83, %swap3A_84], %get3A_82 {strides = array<i32>} : memref<1000x128xf32, #tpu.memory_space<vmem>>, vector<1000x8xf32>,
    %get3A_86 = arith.constant 0 : index
    %get3A_87 = arith.constant 11 : index
    %get3A_88 = arith.constant 0 : index
    %get3A_89 = vector.load %arg1[%get3A_86, %get3A_87, %get3A_88] : memref<1000x16x8xf32, #tpu.memory_space<vmem>>, vector<1000x1x8xf32>
    %get3A_90 = vector.shape_cast %get3A_89 : vector<1000x1x8xf32> to vector<1000x8xf32>
    %swap3A_91 = arith.constant 0 : index
    %swap3A_92 = arith.constant 88 : index
    %swap3A_93 = vector.load %arg2[%swap3A_91, %swap3A_92] : memref<1000x128xf32, #tpu.memory_space<vmem>>, vector<1000x8xf32>
    tpu.vector_store %arg2[%swap3A_91, %swap3A_92], %get3A_90 {strides = array<i32>} : memref<1000x128xf32, #tpu.memory_space<vmem>>, vector<1000x8xf32>,
    %get3A_94 = arith.constant 0 : index
    %get3A_95 = arith.constant 12 : index
    %get3A_96 = arith.constant 0 : index
    %get3A_97 = vector.load %arg1[%get3A_94, %get3A_95, %get3A_96] : memref<1000x16x8xf32, #tpu.memory_space<vmem>>, vector<1000x1x8xf32>
    %get3A_98 = vector.shape_cast %get3A_97 : vector<1000x1x8xf32> to vector<1000x8xf32>
    %swap3A_99 = arith.constant 0 : index
    %swap3A_100 = arith.constant 96 : index
    %swap3A_101 = vector.load %arg2[%swap3A_99, %swap3A_100] : memref<1000x128xf32, #tpu.memory_space<vmem>>, vector<1000x8xf32>
    tpu.vector_store %arg2[%swap3A_99, %swap3A_100], %get3A_98 {strides = array<i32>} : memref<1000x128xf32, #tpu.memory_space<vmem>>, vector<1000x8xf32>,
    %get3A_102 = arith.constant 0 : index
    %get3A_103 = arith.constant 13 : index
    %get3A_104 = arith.constant 0 : index
    %get3A_105 = vector.load %arg1[%get3A_102, %get3A_103, %get3A_104] : memref<1000x16x8xf32, #tpu.memory_space<vmem>>, vector<1000x1x8xf32>
    %get3A_106 = vector.shape_cast %get3A_105 : vector<1000x1x8xf32> to vector<1000x8xf32>
    %swap3A_107 = arith.constant 0 : index
    %swap3A_108 = arith.constant 104 : index
    %swap3A_109 = vector.load %arg2[%swap3A_107, %swap3A_108] : memref<1000x128xf32, #tpu.memory_space<vmem>>, vector<1000x8xf32>
    tpu.vector_store %arg2[%swap3A_107, %swap3A_108], %get3A_106 {strides = array<i32>} : memref<1000x128xf32, #tpu.memory_space<vmem>>, vector<1000x8xf32>,
    %get3A_110 = arith.constant 0 : index
    %get3A_111 = arith.constant 14 : index
    %get3A_112 = arith.constant 0 : index
    %get3A_113 = vector.load %arg1[%get3A_110, %get3A_111, %get3A_112] : memref<1000x16x8xf32, #tpu.memory_space<vmem>>, vector<1000x1x8xf32>
    %get3A_114 = vector.shape_cast %get3A_113 : vector<1000x1x8xf32> to vector<1000x8xf32>
    %swap3A_115 = arith.constant 0 : index
    %swap3A_116 = arith.constant 112 : index
    %swap3A_117 = vector.load %arg2[%swap3A_115, %swap3A_116] : memref<1000x128xf32, #tpu.memory_space<vmem>>, vector<1000x8xf32>
    tpu.vector_store %arg2[%swap3A_115, %swap3A_116], %get3A_114 {strides = array<i32>} : memref<1000x128xf32, #tpu.memory_space<vmem>>, vector<1000x8xf32>,
    %get3A_118 = arith.constant 0 : index
    %get3A_119 = arith.constant 15 : index
    %get3A_120 = arith.constant 0 : index
    %get3A_121 = vector.load %arg1[%get3A_118, %get3A_119, %get3A_120] : memref<1000x16x8xf32, #tpu.memory_space<vmem>>, vector<1000x1x8xf32>
    %get3A_122 = vector.shape_cast %get3A_121 : vector<1000x1x8xf32> to vector<1000x8xf32>
    %swap3A_123 = arith.constant 0 : index
    %swap3A_124 = arith.constant 120 : index
    %swap3A_125 = vector.load %arg2[%swap3A_123, %swap3A_124] : memref<1000x128xf32, #tpu.memory_space<vmem>>, vector<1000x8xf32>
    tpu.vector_store %arg2[%swap3A_123, %swap3A_124], %get3A_122 {strides = array<i32>} : memref<1000x128xf32, #tpu.memory_space<vmem>>, vector<1000x8xf32>,
    return
  }
  func.func @transform_0(%arg0: i32) -> (i32, i32, i32) {
    %c0_i32 = arith.constant 0 : i32
    %c0_i32_0 = arith.constant 0 : i32
    %c0_i32_1 = arith.constant 0 : i32
    return %arg0, %c0_i32, %c0_i32_0 : i32, i32, i32
  }
  func.func @transform_1(%arg0: i32) -> (i32, i32) {
    %c0_i32 = arith.constant 0 : i32
    %c0_i32_0 = arith.constant 0 : i32
    return %arg0, %c0_i32 : i32, i32
  }
}

</mosaic_0001>

<sc_bundles>
// kernel: kernel.12.cloned.1.call-start
scs
__scs_entry_jumppad:
0x0: {  	(pc) =	sbr.rel $0x88, $3  }
0x1: {  	(tag) =	ssettag $0x0;
	lr =	simm.s32 $0x1  }
0x2: {  	[smem:$0x3F9D] =	sst lr;
	_ =	strace $0xD0000000  }
0x3: {  	_ = 	snop  }
0x4: {  	_ = 	snop  }
0x5: {  	_ = 	snop  }
0x6: {  	_ = 	snop  }
0x7: {  	_ = 	snop  }
__scs_overlays_trampoline_lowered:
0x8: {  	[smem:$0x3FAC] =	sst s0  }
0x9: {  	[smem:$0x3FAD] =	sst s1  }
0xa: {  	[smem:$0x3FAE] =	sst s2  }
0xb: {  	[smem:$0x3FAF] =	sst s3  }
0xc: {  	[smem:$0x3FB0] =	sst s4  }
0xd: {  	[smem:$0x3FB1] =	sst s5  }
0xe: {  	[smem:$0x3FB2] =	sst s6  }
0xf: {  	[smem:$0x3FB3] =	sst s7  }
0x10: {  	[smem:$0x3FB4] =	sst s8  }
0x11: {  	[smem:$0x3FB5] =	sst s9;
	s0 =	simm.s32 @!p0 $0x0  }
0x12: {  	s1 =	sld [smem:$0x3F9B];
	s0 =	simm.s32 @p0 $0x1  }
0x13: {  	[smem:$0x3FB6] =	sst s0;
	s0 =	simm.s32 @!p1 $0x0  }
0x14: {  	s2 =	sld [smem:$0x3F9A];
	s0 =	simm.s32 @p1 $0x1  }
0x15: {  	[smem:$0x3FB7] =	sst s0;
	s0 =	simm.s32 @!p2 $0x0  }
0x16: {  	s3 =	sld [smem:$0x3FDB];
	s0 =	simm.s32 @p2 $0x1  }
0x17: {  	s4 =	simm.s32 $0x1BF5;
	[smem:$0x3FB9] =	sst s0  }
0x18: {  	s0 =	sld [smem:$0x3F9C];
	_ =	swait.ge [sflag:s4], $0x0  }
0x19: {  	s7 =	sld [smem:$0x3F9D]  }
0x1a: {  	s8 =	sadd.s32 $0xFFFFE003, lr  }
0x1b: {  	s9 =	sadd.s32 $0xFFFFFEF7, lr;
	s5 =	simm.s32 $0xFFFFFFFF;
	p2 =	slt.u32 s8, $0xFFFFF086  }
0x1c: {  	p1 =	slt.u32 s9, $0xF7A;
	s5 =	simm.s32 @!p2 $0x0  }
0x1d: {  	s5 =	simm.s32 @p1 $0x1;
	p0 =	seq.s32 s7, s2  }
0x1e: {  	s7 =	smul.u32 @!p0 $0xF7A, s2;
	p2 =	seq.s32 @!p0 s5, $0x0  }
0x1f: {  	s9 =	smul.u32 $0xF7A, s1;
	s8 =	simm.s32 @!p0 $0x1BF5;
	p2 =	por !p2, p0  }
0x20: {  	[sflag:s8] =	ssyncset.s32 @!p0 $0xFFFFF086;
	s6 =	sadd.s32 @!p0 s3, s7;
	s7 =	simm.s32 @!p0 $0x108  }
0x21: {  	s3 =	sadd.s32 s3, s9;
	s6 =	sadd.s32 @!p0 $0x88, s6;
	s7 =	simm.s32 @p2 $0x1082  }
0x22: {  	[simem:s7], [sflag:s8] =	dma.local @!p0 [hbm:s6], $0xF7A  }
0x23: {  	s9 =	sor.u32 $0xD0000000, s2;
	s6 =	simm.s32 $0x108;
	_ =	swait.ge @!p0 [sflag:s8], $0x0  }
0x24: {  	s3 =	sadd.s32 $0x88, s3;
	s6 =	simm.s32 @!p1 $0x1082;
	[sflag:s4] =	ssyncset.s32 $0xFFFFF086  }
0x25: {  	[simem:s6], [sflag:s4] =	dma.local [hbm:s3], $0xF7A  }
0x26: {  	[smem:$0x3F9D] =	sst s1;
	(tag) =	ssettag s2;
	_ =	strace s9  }
0x27: {  	s1 =	sld [smem:$0x3FAD]  }
0x28: {  	s2 =	sld [smem:$0x3FAE]  }
0x29: {  	s4 =	sld [smem:$0x3FB0]  }
0x2a: {  	p0 =	seq.s32 s5, $0x0;
	s5 =	sld [smem:$0x3FB1]  }
0x2b: {  	s6 =	sld [smem:$0x3FB2]  }
0x2c: {  	s7 =	sld [smem:$0x3FB3]  }
0x2d: {  	s3 =	simm.s32 $0x108;
	s8 =	sld [smem:$0x3FB4]  }
0x2e: {  	s3 =	simm.s32 @!p0 $0x1082;
	s9 =	sld [smem:$0x3FB5]  }
0x2f: {  	lr =	sadd.s32 s0, s3;
	s0 =	sld [smem:$0x3FAC]  }
0x30: {  	s3 =	sld [smem:$0x3FAF]  }
0x31: {  	[smem:$0x3FB8] =	sst s10  }
0x32: {  	s10 =	sld [smem:$0x3FB6];
	_ =	sdelay $0x3  }
0x33: {  	p0 =	seq.s32 s10, $0x1;
	s10 =	sld [smem:$0x3FB8];
	_ =	sdelay $0x3  }
0x34: {  	[smem:$0x3FB8] =	sst s10  }
0x35: {  	s10 =	sld [smem:$0x3FB7];
	_ =	sdelay $0x3  }
0x36: {  	p1 =	seq.s32 s10, $0x1;
	s10 =	sld [smem:$0x3FB8];
	_ =	sdelay $0x3  }
0x37: {  	[smem:$0x3FB8] =	sst s10  }
0x38: {  	s10 =	sld [smem:$0x3FB9]  }
0x39: {  	_ = 	snop;
	(pc) =	sbr.ind lr, $3  }
0x3a: {  	_ = 	snop  }
0x3b: {  	_ = 	snop  }
0x3c: {  	p2 =	seq.s32 s10, $0x1;
	s10 =	sld [smem:$0x3FB8]  }
0x3d: {  	_ =	shalt  }
0x3e: {  	_ =	shalt  }
0x3f: {  	_ =	shalt  }
0x40: {  	_ =	shalt  }
0x41: {  	_ =	shalt  }
0x42: {  	_ =	shalt  }
0x43: {  	_ =	shalt  }
0x44: {  	_ =	shalt  }
0x45: {  	_ =	shalt  }
0x46: {  	_ =	shalt  }
0x47: {  	_ =	shalt  }
0x48: {  	_ =	shalt  }
0x49: {  	_ =	shalt  }
0x4a: {  	_ =	shalt  }
0x4b: {  	_ =	shalt  }
0x4c: {  	_ =	shalt  }
0x4d: {  	_ =	shalt  }
0x4e: {  	_ =	shalt  }
0x4f: {  	_ =	shalt  }
0x50: {  	_ =	shalt  }
0x51: {  	_ =	shalt  }
0x52: {  	_ =	shalt  }
0x53: {  	_ =	shalt  }
0x54: {  	_ =	shalt  }
0x55: {  	_ =	shalt  }
0x56: {  	_ =	shalt  }
0x57: {  	_ =	shalt  }
0x58: {  	_ =	shalt  }
0x59: {  	_ =	shalt  }
0x5a: {  	_ =	shalt  }
0x5b: {  	_ =	shalt  }
0x5c: {  	_ =	shalt  }
0x5d: {  	_ =	shalt  }
0x5e: {  	_ =	shalt  }
0x5f: {  	_ =	shalt  }
0x60: {  	_ =	shalt  }
0x61: {  	_ =	shalt  }
0x62: {  	_ =	shalt  }
0x63: {  	_ =	shalt  }
0x64: {  	_ =	shalt  }
0x65: {  	_ =	shalt  }
0x66: {  	_ =	shalt  }
0x67: {  	_ =	shalt  }
0x68: {  	_ =	shalt  }
0x69: {  	_ =	shalt  }
0x6a: {  	_ =	shalt  }
0x6b: {  	_ =	shalt  }
0x6c: {  	_ =	shalt  }
0x6d: {  	_ =	shalt  }
0x6e: {  	_ =	shalt  }
0x6f: {  	_ =	shalt  }
0x70: {  	_ =	shalt  }
0x71: {  	_ =	shalt  }
0x72: {  	_ =	shalt  }
0x73: {  	_ =	shalt  }
0x74: {  	_ =	shalt  }
0x75: {  	_ =	shalt  }
0x76: {  	_ =	shalt  }
0x77: {  	_ =	shalt  }
0x78: {  	_ =	shalt  }
0x79: {  	_ =	shalt  }
0x7a: {  	_ =	shalt  }
0x7b: {  	_ =	shalt  }
0x7c: {  	_ =	shalt  }
0x7d: {  	_ =	shalt  }
0x7e: {  	_ =	shalt  }
0x7f: {  	_ =	shalt  }
0x80: {  	_ =	shalt  }
0x81: {  	_ =	shalt  }
0x82: {  	_ =	shalt  }
0x83: {  	_ =	shalt  }
0x84: {  	_ =	shalt  }
0x85: {  	_ =	shalt  }
0x86: {  	_ =	shalt  }
0x87: {  	_ =	shalt  }
.Lfunc_end0:
.L_simem_size_0:
called_computation.2_lowered:
.L_overlay_start_0:
0x88: {  	s2 =	sld [smem:$0x3FD9]  }
0x89: {  	s3 =	sld [smem:$0x3FFE];
	_ =	sdelay $0x1  }
0x8a: {  	s1 =	srdreg.scid  }
0x8b: {  	s0 =	sand.u32 $0x1, s1  }
0x8c: {  	s14 =	sshll.u32 s0, $0xA;
	s2 =	sadd.s32 s3, s2  }
0x8d: {  	s2 =	sadd.s32 s2, s14  }
0x8e: {  	[smem:$0x3FC4] =	sst s2  }
0x8f: {  	_ = 	snop  }
0x90: {  	s2 =	sld [smem:$0x3FD0];
	_ =	sdelay $0x2  }
0x91: {  	s4 =	simm.s32 $0xB;
	s5 =	simm.s32 $0x10;
	s15 =	sld [smem:$0x3FC6]  }
0x92: {  	[smem:s5], [sflag:s4] =	dma.local [hbm:s2], $0x1  }
0x93: {  	_ =	swait.eq [sflag:s4], $0x1  }
0x94: {  	s16 =	sld [smem:$0x10]  }
0x95: {  	s17 =	sld [smem:$0x11];
	[sflag:s4] =	ssyncset.done $0x0  }
0x96: {  	s6 =	sld [smem:$0x12];
	[sflag:s4] =	ssyncadd.s32 $0xFFFFFFFF  }
0x97: {  	s18 =	sld [smem:$0x13];
	(tm) =	ssettm $0x1  }
0x98: {  	s7 =	sld [smem:$0x3FFB];
	_ =	sdelay $0x3  }
0x99: {  	_ =	strace s7  }
0x9a: {  	s7 =	sld [smem:$0x3FFC];
	_ =	sdelay $0x3  }
0x9b: {  	_ =	strace s7  }
0x9c: {  	s7 =	sld [smem:$0x3FFD];
	_ =	sdelay $0x3  }
0x9d: {  	_ =	strace s7  }
0x9e: {  	_ =	strace $0x8FFFFFFF  }
0x9f: {  	s19 =	sld [smem:$0x3FDB];
	_ =	sdelay $0x1  }
0xa0: {  	s8 =	simm.s32 $_scs_section_size  }
0xa1: {  	s9 =	simm.s32 $_size__tile_overlayer_lowered;
	s10 =	simm.s32 $_tile_overlayer_lowered  }
0xa2: {  	s22 =	simm.s32 $0x1BFF;
	s21 =	sshll.u32 s10, $0x1;
	s7 =	sadd.s32 s8, s19  }
0xa3: {  	s11 =	simm.s32 $0x0;
	s20 =	sshll.u32 s9, $0x1;
	s9 =	sadd.s32 s21, s7  }
0xa4: {  	[timem:s11], [sflag:s22] =	dma.local [hbm:s9], s20  }
0xa5: {  	_ =	swait.ge [sflag:s22], s20  }
0xa6: {  	s8 =	ssub.s32 $0x0, s20;
	[sflag:s22] =	ssyncset.done $0x0  }
0xa7: {  	[sflag:s22] =	ssyncadd.s32 s8;
	_ =	sdelay $0x1  }
0xa8: {  	s23 =	simm.s32 $0x1B8B  }
0xa9: {  	_ =	swait.ge [sflag:s23], $0x1  }
0xaa: {  	[sflag:s23] =	ssyncset.done $0x0  }
0xab: {  	s25 =	simm.s32 $0x1B8E;
	s24 =	sld [smem:$0x3FFE];
	[sflag:s23] =	ssyncadd.s32 $0xFFFFFFFF  }
0xac: {  	s26 =	simm.s32 $execute0_lowered;
	[smem:$0x3FD2] =	sst s25  }
0xad: {  	s9 =	sshll.u32 s26, $0x1;
	_ =	strace $0x8000004C;
	[dreg:$0x1] =	wrdreg $0xFFFFFFFF  }
0xae: {  	s28 =	simm.s32 $_size_execute0_lowered;
	s7 =	sadd.s32 s7, s9;
	[dreg:$0x0] =	wrdreg $0x0  }
0xaf: {  	s9 =	sshll.u32 s28, $0x1;
	[dreg:$0x2] =	wrdreg s7  }
0xb0: {  	[dreg:$0x3] =	wrdreg s9  }
0xb1: {  	[dreg:$0x4] =	wrdreg $0xC0  }
0xb2: {  	_ =	task [dreg:s11], $0x5FFFF  }
0xb3: {  	[dreg:$0x1] =	wrdreg $0xFFFFFFFF  }
0xb4: {  	[dreg:$0x0] =	wrdreg $0x60  }
0xb5: {  	[dreg:$0x2] =	wrdreg s18  }
0xb6: {  	[dreg:$0x3] =	wrdreg s16  }
0xb7: {  	[dreg:$0x4] =	wrdreg s24  }
0xb8: {  	[dreg:$0x5] =	wrdreg s15  }
0xb9: {  	[dreg:$0x6] =	wrdreg s17  }
0xba: {  	[dreg:$0x7] =	wrdreg s6  }
0xbb: {  	[dreg:$0x8] =	wrdreg $0x9  }
0xbc: {  	_ =	task.clear_ibuf [dreg:s11], $0x9FFFF;
	_ =	strace $0x9000004C  }
0xbd: {  	s29 =	simm.s32 $0x9;
	_ =	strace $0x8000004E  }
0xbe: {  	_ =	swait.ge [sflag:s29], $0x1  }
0xbf: {  	[sflag:s29] =	ssyncadd.s32 $0xFFFFFFFF  }
0xc0: {  	_ =	strace $0x9000004E  }
0xc1: {  	_ =	sfence  }
0xc2: {  	s30 =	sld [smem:$0x0];
	_ =	sdelay $0x2  }
0xc3: {  	s31 =	sshll.u32 s1, $0xD;
	s1 =	sshrl.u32 s1, $0x2  }
0xc4: {  	s3 =	sand.u32 $0x4000, s31;
	s1 =	sadd.s32 s1, s30  }
0xc5: {  	s0 =	sor.u32 s3, s0;
	s1 =	sshll.u32 s1, $0x11  }
0xc6: {  	s0 =	sor.u32 s1, s0  }
0xc7: {  	s0 =	sadd.s32 $0x8F2B, s0  }
0xc8: {  	[sflag:s0] =	ssyncadd.remote.s32 $0x1  }
0xc9: {  	_ =	sfence.sel $0xFFFF  }
0xca: {  	[dreg:$0x0] =	wrdreg $0xFFFFFFFF;
	(pc) =	sbr.abs _section_cstart, $3  }
0xcb: {  	[dreg:$0x1] =	wrdreg $0xFFFFFFFF  }
0xcc: {  	_ =	task.clear_ibuf [dreg:s11], $0x2FFFF;
	_ =	strace $0x9FFFFFFF  }
0xcd: {  	(tm) =	ssettm $0x7FFFFFFF  }
tec
execute0_lowered:
.L_overlay_start_1:
0x0: {  	(tag) =	ssettag $0x1  }
0x1: {  	s0 =	rddreg [dreg:$0x0]  }
0x2: {  	s1 =	rddreg [dreg:$0x1]  }
0x3: {  	s3 =	rddreg [dreg:$0x2]  }
0x4: {  	s4 =	rddreg [dreg:$0x3]  }
0x5: {  	s5 =	rddreg [dreg:$0x4]  }
0x6: {  	s18 =	rddreg [dreg:$0x5];
	s6 =	srdreg.scid  }
0x7: {  	s2 =	simm.s32 $0x0;
	s7 =	stileid.u32;
	s23 =	simm.s32 $0x2  }
0x8: {  	s24 =	simm.s32 $0x1000;
	s25 =	simm.s32 $0x1;
	s28 =	simm.s32 $0xA000  }
0x9: {  	s6 =	sand.u32 $0x1, s6;
	[smem:$0x7FF] =	sst s2;
	s7 =	sshll.u32 s7, $0xC  }
0xa: {  	s29 =	sadd.s32 $0x14D800, s3;
	s30 =	sadd.s32 $0xD800, s3;
	s8 =	sshll.u32 s6, $0xB  }
0xb: {  	_ =	strace $0x8000004D;
	s6 =	ssub.s32 $0x2, s6;
	s26 =	sor.u32 s8, s7  }
0xc: {  	[dreg:$0x7] =	wrdreg s29;
	s31 =	sshrl.u32 s6, $0x1;
	s19 =	sshrl.u32 s26, $0x3  }
0xd: {  	[dreg:$0x8] =	wrdreg s30;
	s22 =	ssub.s32 s6, s31;
	s3 =	sadd.s32 s19, s3  }
0xe: {  	s4 =	sadd.s32 s4, s19;
	s6 =	sadd.s32 s0, s19;
	s7 =	sadd.s32 s1, s19  }
0xf: {  	s17 =	sadd.s32 s5, s19;
	s18 =	sadd.s32 s18, s19;
	s22 =	smax.u32 s22, $0x1  }
0x10: {  	s1 =	simm.s32 $0x800;
	s0 =	simm.s32 $0x0;
	[dreg:$0x9] =	wrdreg s4  }
0x11: {  	s8 =	sadd.s32 $0x1800, s3;
	s9 =	sadd.s32 $0x3800, s3;
	s10 =	sadd.s32 $0x5800, s3  }
0x12: {  	s11 =	sadd.s32 $0x7800, s3;
	s12 =	sadd.s32 $0x9800, s3;
	s13 =	sadd.s32 $0xB800, s3  }
0x13: {  	v1 =	vlaneseq.u32;
	s14 =	sadd.s32 $0x4D800, s3;
	s15 =	sadd.s32 $0x4F800, s3;
	s16 =	sadd.s32 $0x51800, s3  }
0x14: {  	v0 =	vor.u32 s26, v1;
	v1 =	vmul.u32 $0x8, v1;
	s19 =	sadd.s32 $0x53800, s3;
	s20 =	sadd.s32 $0x55800, s3;
	s21 =	sadd.s32 $0x57800, s3  }
.LBB2_1:
0x15: {  	s3 =	rddreg [dreg:$0x9]  }
0x16: {  	[tilespmem:s2], [sflag:$0x2] =	stream.linear.gather [hbm4b:s3+s2], $0x800, $0x38;
	[tilespmem:$0x12000] =	vst v63  }
0x17: {  	_ =	swait.ge [sflag:s23], $0x800  }
0x18: {  	[sflag:s23] =	ssyncset.done $0x0  }
0x19: {  	s30 =	simm.s32 $0x6000;
	[sflag:s23] =	ssyncadd.s32 $0xFFFFF800  }
0x1a: {  	[tilespmem:s30], [sflag:$0x2] =	stream.linear.gather [hbm4b:s6+s2], $0x800, $0x38;
	[tilespmem:$0x12000] =	vst v63  }
0x1b: {  	_ =	swait.ge [sflag:s23], $0x800  }
0x1c: {  	[sflag:s23] =	ssyncset.done $0x0  }
0x1d: {  	s31 =	simm.s32 $0x6800;
	[sflag:s23] =	ssyncadd.s32 $0xFFFFF800  }
0x1e: {  	[tilespmem:s31], [sflag:$0x2] =	stream.linear.gather [hbm4b:s7+s2], $0x800, $0x38;
	[tilespmem:$0x12000] =	vst v63  }
0x1f: {  	_ =	swait.ge [sflag:s23], $0x800  }
0x20: {  	[sflag:s23] =	ssyncset.done $0x0  }
0x21: {  	s4 =	simm.s32 $0x7000;
	[sflag:s23] =	ssyncadd.s32 $0xFFFFF800  }
0x22: {  	[tilespmem:s4], [sflag:$0x2] =	stream.linear.gather [hbm4b:s8+s2], $0x800, $0x38;
	[tilespmem:$0x12000] =	vst v63  }
0x23: {  	_ =	swait.ge [sflag:s23], $0x800  }
0x24: {  	[sflag:s23] =	ssyncset.done $0x0  }
0x25: {  	s5 =	simm.s32 $0x7800;
	[sflag:s23] =	ssyncadd.s32 $0xFFFFF800  }
0x26: {  	[tilespmem:s5], [sflag:$0x2] =	stream.linear.gather [hbm4b:s9+s2], $0x800, $0x38;
	[tilespmem:$0x12000] =	vst v63  }
0x27: {  	_ =	swait.ge [sflag:s23], $0x800  }
0x28: {  	[sflag:s23] =	ssyncset.done $0x0  }
0x29: {  	s26 =	simm.s32 $0x8000;
	[sflag:s23] =	ssyncadd.s32 $0xFFFFF800  }
0x2a: {  	[tilespmem:s26], [sflag:$0x2] =	stream.linear.gather [hbm4b:s10+s2], $0x800, $0x38;
	[tilespmem:$0x12000] =	vst v63  }
0x2b: {  	_ =	swait.ge [sflag:s23], $0x800  }
0x2c: {  	[sflag:s23] =	ssyncset.done $0x0  }
0x2d: {  	s29 =	simm.s32 $0x8800;
	[sflag:s23] =	ssyncadd.s32 $0xFFFFF800  }
0x2e: {  	[tilespmem:s29], [sflag:$0x2] =	stream.linear.gather [hbm4b:s11+s2], $0x800, $0x38;
	[tilespmem:$0x12000] =	vst v63  }
0x2f: {  	_ =	swait.ge [sflag:s23], $0x800  }
0x30: {  	[sflag:s23] =	ssyncset.done $0x0  }
0x31: {  	s30 =	simm.s32 $0x9000;
	[sflag:s23] =	ssyncadd.s32 $0xFFFFF800  }
0x32: {  	[tilespmem:s30], [sflag:$0x2] =	stream.linear.gather [hbm4b:s12+s2], $0x800, $0x38;
	[tilespmem:$0x12000] =	vst v63  }
0x33: {  	_ =	swait.ge [sflag:s23], $0x800  }
0x34: {  	[sflag:s23] =	ssyncset.done $0x0  }
0x35: {  	s31 =	simm.s32 $0x9800;
	[sflag:s23] =	ssyncadd.s32 $0xFFFFF800  }
0x36: {  	[tilespmem:s31], [sflag:$0x2] =	stream.linear.gather [hbm4b:s13+s2], $0x800, $0x38;
	[tilespmem:$0x12000] =	vst v63  }
0x37: {  	_ =	swait.ge [sflag:s23], $0x800  }
0x38: {  	[sflag:s23] =	ssyncset.done $0x0  }
0x39: {  	s3 =	simm.s32 $0x0;
	[sflag:s23] =	ssyncadd.s32 $0xFFFFF800  }
0x3a: {  	s4 =	simm.s32 $0x40;
	v2 =	vld [tilespmem:s3+$0x0]  }
.LBB2_2:
0x3b: {  	p0 =	sne.s32 s4, $0x1FC0  }
.Ltmp0:
0x3c: {  	_ = 	snop;
	(pc) =	sbr.rel @p0 .LBB2_2-.Ltmp0, $3  }
0x3d: {  	_ =	sdelay $0x1  }
0x3e: {  	s5 =	sshra.s32 s4, $0x2;
	s4 =	sadd.s32 $0x40, s4;
	v3 =	vshra.s32 v2, $0x3  }
0x3f: {  	v2 =	vld [tilespmem:s5+$0x0];
	[tilespmem:s3+$0x800] =	vst v3;
	s3 =	smov.u32 s5  }
0x40: {  	_ =	sdelay $0x3  }
0x41: {  	v2 =	vshra.s32 v2, $0x3  }
0x42: {  	s26 =	rddreg [dreg:$0x8];
	[tilespmem:s3+$0x800] =	vst v2  }
0x43: {  	[tilespmem:s24], [sflag:$0x1] =	stream.indirect.gather [hbm4b:s26+s1], $0x8, s1, s1, $0xb8;
	[tilespmem:$0x12000] =	vst v63  }
0x44: {  	_ =	swait.ge [sflag:s25], $0x4000  }
0x45: {  	[sflag:s25] =	ssyncset.done $0x0  }
0x46: {  	s31 =	simm.s32 $0x0;
	[sflag:s25] =	ssyncadd.s32 $0xFFFFC000  }
0x47: {  	v2 =	vld [tilespmem:s31+$0x0];
	_ =	sdelay $0x2  }
0x48: {  	v3 =	vmov s31  }
0x49: {  	v3 =	vshll.u32 v3, $0x3  }
0x4a: {  	v3 =	vor.u32 v1, v3;
	v2 =	vand.u32 $0x7, v2  }
0x4b: {  	v2 =	vor.u32 v3, v2;
	_ =	sdelay $0x4  }
0x4c: {  	v2 =	vld.idx.msk [tilespmem:v2+s24+$0x0], $0xffff;
	_ =	sdelay $0x4  }
0x4d: {  	s4 =	simm.s32 $0x5000;
	v4 =	vor.u32 s31, v0;
	vm0 =	vgt.s32 v2, $0x0;
	v3 =	vadd.s32 $0xFFFFFFFF, v2  }
0x4e: {  	s3 =	simm.s32 $0x5800;
	[tilespmem:s4+$0x0] =	vst v2;
	v2 =	vsel vm0, v3, v4  }
0x4f: {  	s26 =	simm.s32 $0x10;
	[tilespmem:s3+$0x0] =	vst v2  }
0x50: {  	s29 =	simm.s32 $0x20;
	s30 =	simm.s32 $0x10;
	v2 =	vld [tilespmem:s26+$0x0]  }
.LBB2_4:
0x51: {  	p0 =	sne.s32 s29, $0x7F0;
	_ =	sdelay $0x1  }
0x52: {  	v3 =	vmov s26  }
0x53: {  	v3 =	vshll.u32 v3, $0x3  }
0x54: {  	v3 =	vor.u32 v1, v3;
	v2 =	vand.u32 $0x7, v2  }
0x55: {  	v2 =	vor.u32 v3, v2;
	_ =	sdelay $0x4  }
0x56: {  	v2 =	vld.idx.msk [tilespmem:v2+s24+$0x0], $0xffff;
	_ =	sdelay $0x4  }
.Ltmp1:
0x57: {  	s4 =	sadd.s32 $0x10, s4;
	(pc) =	sbr.rel @p0 .LBB2_4-.Ltmp1, $4  }
0x58: {  	v3 =	vor.u32 s26, v0;
	s26 =	smov.u32 s29;
	vm0 =	vgt.s32 v2, $0x0;
	[tilespmem:s4+$0x0] =	vst v2;
	v2 =	vadd.s32 $0xFFFFFFFF, v2  }
0x59: {  	s3 =	sadd.s32 $0x10, s3;
	v2 =	vsel vm0, v2, v3  }
0x5a: {  	s30 =	sadd.s32 $0x10, s30;
	[tilespmem:s3+$0x0] =	vst v2  }
0x5b: {  	s29 =	sadd.s32 $0x10, s29;
	v2 =	vld [tilespmem:s30+$0x0]  }
0x5c: {  	_ =	sdelay $0x1  }
0x5d: {  	v3 =	vmov s26  }
0x5e: {  	v3 =	vshll.u32 v3, $0x3  }
0x5f: {  	v3 =	vor.u32 v1, v3;
	v2 =	vand.u32 $0x7, v2  }
0x60: {  	v2 =	vor.u32 v3, v2;
	_ =	sdelay $0x4  }
0x61: {  	v2 =	vld.idx.msk [tilespmem:v2+s24+$0x0], $0xffff;
	_ =	sdelay $0x4  }
0x62: {  	s4 =	sadd.s32 $0x10, s4;
	v4 =	vor.u32 s26, v0;
	vm0 =	vgt.s32 v2, $0x0;
	v3 =	vadd.s32 $0xFFFFFFFF, v2  }
0x63: {  	s5 =	simm.s32 $0x0;
	s3 =	sadd.s32 $0x10, s3;
	[tilespmem:s4+$0x0] =	vst v2;
	v2 =	vsel vm0, v3, v4  }
0x64: {  	s26 =	simm.s32 $0x5800;
	v3 =	vmov s5;
	s5 =	rddreg [dreg:$0x7];
	[tilespmem:s3+$0x0] =	vst v2  }
0x65: {  	v2 =	vshll.u32 v3, $0x3;
	[tilespmem:s28], [sflag:$0x1] =	stream.indirect.gather [hbm4b:s5+s1], $0x8, s26, s1, $0xb8;
	[tilespmem:$0x12000] =	vst v63  }
0x66: {  	v2 =	vor.u32 v1, v2;
	_ =	swait.ge [sflag:s25], $0x4000  }
0x67: {  	[sflag:s25] =	ssyncset.done $0x0  }
0x68: {  	s26 =	simm.s32 $0x5000;
	[sflag:s25] =	ssyncadd.s32 $0xFFFFC000  }
0x69: {  	s29 =	simm.s32 $0x8000;
	v3 =	vld [tilespmem:s26+$0x0]  }
0x6a: {  	v5 =	vld [tilespmem:s29+$0xFFFFE000]  }
0x6b: {  	v4 =	vld.idx.msk [tilespmem:v2+s28+$0x0], $0xffff;
	_ =	sdelay $0x1  }
0x6c: {  	v6 =	vor.u32 $0x1, v2;
	_ =	sdelay $0x1  }
0x6d: {  	vm15 =	vgt.s32 v3, $0x0  }
0x6e: {  	s31 =	simm.s32 $0x10000;
	v3 =	vsel vm15, v4, v5  }
0x6f: {  	[tilespmem:s31+$0xFFFFE000] =	vst v3  }
0x70: {  	v3 =	vld.idx.msk [tilespmem:v6+s28+$0x0], $0xffff  }
0x71: {  	v4 =	vld [tilespmem:s29+$0xFFFFE800];
	_ =	sdelay $0x1  }
0x72: {  	v5 =	vor.u32 $0x2, v2;
	_ =	sdelay $0x2  }
0x73: {  	v3 =	vsel vm15, v3, v4  }
0x74: {  	[tilespmem:s31+$0xFFFFE800] =	vst v3  }
0x75: {  	v3 =	vld.idx.msk [tilespmem:v5+s28+$0x0], $0xffff  }
0x76: {  	v4 =	vld [tilespmem:s29+$0xFFFFF000];
	_ =	sdelay $0x1  }
0x77: {  	v5 =	vor.u32 $0x3, v2;
	_ =	sdelay $0x2  }
0x78: {  	v3 =	vsel vm15, v3, v4  }
0x79: {  	[tilespmem:s31+$0xFFFFF000] =	vst v3  }
0x7a: {  	v3 =	vld.idx.msk [tilespmem:v5+s28+$0x0], $0xffff  }
0x7b: {  	v4 =	vld [tilespmem:s29+$0xFFFFF800];
	_ =	sdelay $0x1  }
0x7c: {  	v5 =	vor.u32 $0x4, v2;
	_ =	sdelay $0x2  }
0x7d: {  	v3 =	vsel vm15, v3, v4  }
0x7e: {  	[tilespmem:s31+$0xFFFFF800] =	vst v3  }
0x7f: {  	v3 =	vld.idx.msk [tilespmem:v5+s28+$0x0], $0xffff  }
0x80: {  	v4 =	vld [tilespmem:s29+$0x0];
	_ =	sdelay $0x1  }
0x81: {  	v5 =	vor.u32 $0x5, v2;
	_ =	sdelay $0x2  }
0x82: {  	v3 =	vsel vm15, v3, v4  }
0x83: {  	[tilespmem:s31+$0x0] =	vst v3  }
0x84: {  	v3 =	vld.idx.msk [tilespmem:v5+s28+$0x0], $0xffff  }
0x85: {  	v4 =	vld [tilespmem:s29+$0x800];
	_ =	sdelay $0x1  }
0x86: {  	v5 =	vor.u32 $0x6, v2;
	_ =	sdelay $0x2  }
0x87: {  	v3 =	vsel vm15, v3, v4  }
0x88: {  	[tilespmem:s31+$0x800] =	vst v3  }
0x89: {  	v3 =	vld.idx.msk [tilespmem:v5+s28+$0x0], $0xffff  }
0x8a: {  	v4 =	vld [tilespmem:s29+$0x1000];
	_ =	sdelay $0x1  }
0x8b: {  	v2 =	vor.u32 $0x7, v2;
	_ =	sdelay $0x2  }
0x8c: {  	v3 =	vsel vm15, v3, v4  }
0x8d: {  	[tilespmem:s31+$0x1000] =	vst v3  }
0x8e: {  	v3 =	vld.idx.msk [tilespmem:v2+s28+$0x0], $0xffff  }
0x8f: {  	v4 =	vld [tilespmem:s29+$0x1800]  }
0x90: {  	s5 =	simm.s32 $0x10  }
0x91: {  	v2 =	vmov s5  }
0x92: {  	v2 =	vshll.u32 v2, $0x3  }
0x93: {  	v2 =	vor.u32 v1, v2  }
0x94: {  	s30 =	simm.s32 $0x10010;
	s3 =	simm.s32 $0x20;
	v3 =	vsel vm15, v3, v4  }
.LBB2_6:
0x95: {  	s26 =	sadd.s32 $0x10, s26;
	s29 =	sadd.s32 $0x10, s29  }
0x96: {  	[tilespmem:s31+$0x1800] =	vst v3;
	s4 =	smov.u32 s3;
	s5 =	sadd.s32 $0x10, s3;
	s31 =	smov.u32 s30  }
0x97: {  	p0 =	sne.s32 s3, $0x7F0;
	v3 =	vld [tilespmem:s26+$0x0]  }
0x98: {  	v4 =	vld.idx.msk [tilespmem:v2+s28+$0x0], $0xffff  }
0x99: {  	v5 =	vld [tilespmem:s29+$0xFFFFE000];
	_ =	sdelay $0x1  }
0x9a: {  	v6 =	vor.u32 $0x1, v2;
	_ =	sdelay $0x1  }
0x9b: {  	vm0 =	vgt.s32 v3, $0x0  }
0x9c: {  	v3 =	vsel vm0, v4, v5  }
0x9d: {  	[tilespmem:s30+$0xFFFFE000] =	vst v3  }
0x9e: {  	v3 =	vld.idx.msk [tilespmem:v6+s28+$0x0], $0xffff  }
0x9f: {  	v4 =	vld [tilespmem:s29+$0xFFFFE800];
	_ =	sdelay $0x1  }
0xa0: {  	v5 =	vor.u32 $0x2, v2;
	_ =	sdelay $0x2  }
0xa1: {  	v3 =	vsel vm0, v3, v4  }
0xa2: {  	[tilespmem:s30+$0xFFFFE800] =	vst v3  }
0xa3: {  	v3 =	vld.idx.msk [tilespmem:v5+s28+$0x0], $0xffff  }
0xa4: {  	v4 =	vld [tilespmem:s29+$0xFFFFF000];
	_ =	sdelay $0x1  }
0xa5: {  	v5 =	vor.u32 $0x3, v2;
	_ =	sdelay $0x2  }
0xa6: {  	v3 =	vsel vm0, v3, v4  }
0xa7: {  	[tilespmem:s30+$0xFFFFF000] =	vst v3  }
0xa8: {  	v3 =	vld.idx.msk [tilespmem:v5+s28+$0x0], $0xffff  }
0xa9: {  	v4 =	vld [tilespmem:s29+$0xFFFFF800];
	_ =	sdelay $0x1  }
0xaa: {  	v5 =	vor.u32 $0x4, v2;
	_ =	sdelay $0x2  }
0xab: {  	v3 =	vsel vm0, v3, v4  }
0xac: {  	[tilespmem:s30+$0xFFFFF800] =	vst v3  }
0xad: {  	v3 =	vld.idx.msk [tilespmem:v5+s28+$0x0], $0xffff  }
0xae: {  	v4 =	vld [tilespmem:s29+$0x0];
	_ =	sdelay $0x1  }
0xaf: {  	v5 =	vor.u32 $0x5, v2;
	_ =	sdelay $0x2  }
0xb0: {  	v3 =	vsel vm0, v3, v4  }
0xb1: {  	[tilespmem:s30+$0x0] =	vst v3  }
0xb2: {  	v3 =	vld.idx.msk [tilespmem:v5+s28+$0x0], $0xffff  }
0xb3: {  	v4 =	vld [tilespmem:s29+$0x800];
	_ =	sdelay $0x1  }
0xb4: {  	v5 =	vor.u32 $0x6, v2;
	_ =	sdelay $0x2  }
0xb5: {  	v3 =	vsel vm0, v3, v4  }
0xb6: {  	[tilespmem:s30+$0x800] =	vst v3  }
0xb7: {  	v3 =	vld.idx.msk [tilespmem:v5+s28+$0x0], $0xffff  }
0xb8: {  	v4 =	vld [tilespmem:s29+$0x1000];
	_ =	sdelay $0x1  }
0xb9: {  	v2 =	vor.u32 $0x7, v2;
	_ =	sdelay $0x2  }
0xba: {  	v3 =	vsel vm0, v3, v4  }
0xbb: {  	[tilespmem:s30+$0x1000] =	vst v3  }
0xbc: {  	v3 =	vld.idx.msk [tilespmem:v2+s28+$0x0], $0xffff  }
0xbd: {  	v4 =	vld [tilespmem:s29+$0x1800]  }
.Ltmp2:
0xbe: {  	v2 =	vmov s4;
	(pc) =	sbr.rel @p0 .LBB2_6-.Ltmp2, $3  }
0xbf: {  	v2 =	vshll.u32 v2, $0x3  }
0xc0: {  	v2 =	vor.u32 v1, v2;
	_ =	sdelay $0x1  }
0xc1: {  	s3 =	smov.u32 s5;
	s30 =	sadd.s32 $0x10, s30;
	v3 =	vsel vm0, v3, v4  }
0xc2: {  	_ =	sdelay $0x1  }
0xc3: {  	[tilespmem:s31+$0x1800] =	vst v3;
	s3 =	sadd.s32 $0x10, s26  }
0xc4: {  	v3 =	vld [tilespmem:s3+$0x0]  }
0xc5: {  	s29 =	sadd.s32 $0x10, s29;
	v4 =	vld.idx.msk [tilespmem:v2+s28+$0x0], $0xffff  }
0xc6: {  	v5 =	vld [tilespmem:s29+$0xFFFFE000];
	_ =	sdelay $0x1  }
0xc7: {  	v6 =	vor.u32 $0x1, v2;
	_ =	sdelay $0x1  }
0xc8: {  	vm0 =	vgt.s32 v3, $0x0  }
0xc9: {  	v3 =	vsel vm0, v4, v5  }
0xca: {  	[tilespmem:s30+$0xFFFFE000] =	vst v3  }
0xcb: {  	v3 =	vld.idx.msk [tilespmem:v6+s28+$0x0], $0xffff  }
0xcc: {  	v53 =	vld [tilespmem:s29+$0xFFFFE800];
	_ =	sdelay $0x1  }
0xcd: {  	v54 =	vor.u32 $0x2, v2;
	_ =	sdelay $0x2  }
0xce: {  	v3 =	vsel vm0, v3, v53  }
0xcf: {  	[tilespmem:s30+$0xFFFFE800] =	vst v3  }
0xd0: {  	v3 =	vld.idx.msk [tilespmem:v54+s28+$0x0], $0xffff  }
0xd1: {  	v55 =	vld [tilespmem:s29+$0xFFFFF000];
	_ =	sdelay $0x1  }
0xd2: {  	v56 =	vor.u32 $0x3, v2;
	_ =	sdelay $0x2  }
0xd3: {  	v3 =	vsel vm0, v3, v55  }
0xd4: {  	[tilespmem:s30+$0xFFFFF000] =	vst v3  }
0xd5: {  	v3 =	vld.idx.msk [tilespmem:v56+s28+$0x0], $0xffff  }
0xd6: {  	v57 =	vld [tilespmem:s29+$0xFFFFF800];
	_ =	sdelay $0x1  }
0xd7: {  	v58 =	vor.u32 $0x4, v2;
	_ =	sdelay $0x2  }
0xd8: {  	v3 =	vsel vm0, v3, v57  }
0xd9: {  	[tilespmem:s30+$0xFFFFF800] =	vst v3  }
0xda: {  	v3 =	vld.idx.msk [tilespmem:v58+s28+$0x0], $0xffff  }
0xdb: {  	v59 =	vld [tilespmem:s29+$0x0];
	_ =	sdelay $0x1  }
0xdc: {  	v60 =	vor.u32 $0x5, v2;
	_ =	sdelay $0x2  }
0xdd: {  	v3 =	vsel vm0, v3, v59  }
0xde: {  	[tilespmem:s30+$0x0] =	vst v3  }
0xdf: {  	v3 =	vld.idx.msk [tilespmem:v60+s28+$0x0], $0xffff  }
0xe0: {  	v61 =	vld [tilespmem:s29+$0x800];
	_ =	sdelay $0x1  }
0xe1: {  	v62 =	vor.u32 $0x6, v2;
	_ =	sdelay $0x2  }
0xe2: {  	v3 =	vsel vm0, v3, v61  }
0xe3: {  	[tilespmem:s30+$0x800] =	vst v3  }
0xe4: {  	v3 =	vld.idx.msk [tilespmem:v62+s28+$0x0], $0xffff  }
0xe5: {  	v63 =	vld [tilespmem:s29+$0x1000];
	_ =	sdelay $0x1  }
0xe6: {  	v2 =	vor.u32 $0x7, v2;
	_ =	sdelay $0x2  }
0xe7: {  	v3 =	vsel vm0, v3, v63  }
0xe8: {  	[tilespmem:s30+$0x1000] =	vst v3  }
0xe9: {  	v2 =	vld.idx.msk [tilespmem:v2+s28+$0x0], $0xffff  }
0xea: {  	v3 =	vld [tilespmem:s29+$0x1800];
	_ =	sdelay $0x4  }
0xeb: {  	v2 =	vsel vm0, v2, v3  }
0xec: {  	[tilespmem:s30+$0x1800] =	vst v2;
	s30 =	simm.s32 $0xE000  }
0xed: {  	[hbm4b:s14+s2] =	stream.linear.scatter [tilespmem:s30], [sflag:$0x2], $0x800, $0x38;
	[tilespmem:$0x12000] =	vst v63  }
0xee: {  	_ =	swait.ge [sflag:s23], $0x800  }
0xef: {  	[sflag:s23] =	ssyncset.done $0x0  }
0xf0: {  	s31 =	simm.s32 $0xE800;
	[sflag:s23] =	ssyncadd.s32 $0xFFFFF800  }
0xf1: {  	[hbm4b:s15+s2] =	stream.linear.scatter [tilespmem:s31], [sflag:$0x2], $0x800, $0x38;
	[tilespmem:$0x12000] =	vst v63  }
0xf2: {  	_ =	swait.ge [sflag:s23], $0x800  }
0xf3: {  	[sflag:s23] =	ssyncset.done $0x0  }
0xf4: {  	s4 =	simm.s32 $0xF000;
	[sflag:s23] =	ssyncadd.s32 $0xFFFFF800  }
0xf5: {  	[hbm4b:s16+s2] =	stream.linear.scatter [tilespmem:s4], [sflag:$0x2], $0x800, $0x38;
	[tilespmem:$0x12000] =	vst v63  }
0xf6: {  	_ =	swait.ge [sflag:s23], $0x800  }
0xf7: {  	[sflag:s23] =	ssyncset.done $0x0  }
0xf8: {  	s5 =	simm.s32 $0xF800;
	[sflag:s23] =	ssyncadd.s32 $0xFFFFF800  }
0xf9: {  	[hbm4b:s17+s2] =	stream.linear.scatter [tilespmem:s5], [sflag:$0x2], $0x800, $0x38;
	[tilespmem:$0x12000] =	vst v63  }
0xfa: {  	_ =	swait.ge [sflag:s23], $0x800  }
0xfb: {  	[sflag:s23] =	ssyncset.done $0x0  }
0xfc: {  	s26 =	simm.s32 $0x10000;
	[sflag:s23] =	ssyncadd.s32 $0xFFFFF800  }
0xfd: {  	[hbm4b:s18+s2] =	stream.linear.scatter [tilespmem:s26], [sflag:$0x2], $0x800, $0x38;
	[tilespmem:$0x12000] =	vst v63  }
0xfe: {  	_ =	swait.ge [sflag:s23], $0x800  }
0xff: {  	[sflag:s23] =	ssyncset.done $0x0  }
0x100: {  	s29 =	simm.s32 $0x10800;
	[sflag:s23] =	ssyncadd.s32 $0xFFFFF800  }
0x101: {  	[hbm4b:s19+s2] =	stream.linear.scatter [tilespmem:s29], [sflag:$0x2], $0x800, $0x38;
	[tilespmem:$0x12000] =	vst v63  }
0x102: {  	_ =	swait.ge [sflag:s23], $0x800  }
0x103: {  	[sflag:s23] =	ssyncset.done $0x0  }
0x104: {  	s30 =	simm.s32 $0x11000;
	[sflag:s23] =	ssyncadd.s32 $0xFFFFF800  }
0x105: {  	[hbm4b:s20+s2] =	stream.linear.scatter [tilespmem:s30], [sflag:$0x2], $0x800, $0x38;
	[tilespmem:$0x12000] =	vst v63  }
0x106: {  	s0 =	sadd.s32 $0x1, s0;
	_ =	swait.ge [sflag:s23], $0x800  }
0x107: {  	p0 =	sne.s32 s0, s22;
	[sflag:s23] =	ssyncset.done $0x0  }
.Ltmp3:
0x108: {  	s31 =	simm.s32 $0x11800;
	[sflag:s23] =	ssyncadd.s32 $0xFFFFF800;
	(pc) =	sbr.rel @p0 .LBB2_1-.Ltmp3, $4  }
0x109: {  	[hbm4b:s21+s2] =	stream.linear.scatter [tilespmem:s31], [sflag:$0x2], $0x800, $0x38;
	[tilespmem:$0x12000] =	vst v63  }
0x10a: {  	_ =	swait.ge [sflag:s23], $0x800  }
0x10b: {  	[sflag:s23] =	ssyncset.done $0x0  }
0x10c: {  	[sflag:s23] =	ssyncadd.s32 $0xFFFFF800  }
0x10d: {  	_ =	sfence.sel $0x180000  }
0x10e: {  	[bflag:$0x0] =	sbarrier.arrive $0xFFFF  }
0x10f: {  	_ =	strace $0x9000004D  }
0x110: {  	s0 =	stileid.u32;
	[bflag:$0x2] =	sbarrier.arrive $0xFFFF  }
0x111: {  	p0 =	sne.s32 s0, $0x0;
	s0 =	rddreg [dreg:$0x6]  }
0x112: {  	s0 =	sadd.s32 @!p0 $0x100000, s0  }
0x113: {  	[sflag:s0] =	ssyncadd.tile.s32 @!p0 $0x1;
	_ =	shalt  }
.Lfunc_end2:
_tile_overlayer_lowered:
.L_overlay_start_2:
0x114: {  	(tag) =	ssettag $0x2  }
0x115: {  	s0 =	rddreg [dreg:$0x0];
	s2 =	stileid.u32  }
0x116: {  	s1 =	rddreg [dreg:$0x1];
	p0 =	sne.s32 s2, $0x0  }
0x117: {  	s3 =	rddreg [dreg:$0x2];
	[bflag:$0x3] =	sbarrier.arrive $0xFFFF;
	s2 =	simm.s32 @!p0 $0x1C02  }
0x118: {  	[timem:s3], [sflag:s2] =	dma.local @!p0 [hbm:s0], s1  }
0x119: {  	s0 =	simm.s32 @!p0 $0x2  }
0x11a: {  	_ =	swait.ge @!p0 [sflag:s0], s1  }
0x11b: {  	s1 =	ssub.s32 @!p0 $0x0, s1;
	[sflag:s0] =	ssyncset.done @!p0 $0x0  }
0x11c: {  	[sflag:s0] =	ssyncadd.s32 @!p0 s1  }
0x11d: {  	[bflag:$0x3] =	sbarrier.arrive $0xFFFF  }
0x11e: {  	_ =	shalt  }

// kernel: kernel.6.cloned.1.call-start
scs
__scs_entry_jumppad:
0x0: {  	(pc) =	sbr.rel $0x88, $3  }
0x1: {  	(tag) =	ssettag $0x0;
	lr =	simm.s32 $0x1  }
0x2: {  	[smem:$0x3F9D] =	sst lr;
	_ =	strace $0xD0000000  }
0x3: {  	_ = 	snop  }
0x4: {  	_ = 	snop  }
0x5: {  	_ = 	snop  }
0x6: {  	_ = 	snop  }
0x7: {  	_ = 	snop  }
__scs_overlays_trampoline_lowered:
0x8: {  	[smem:$0x3FAC] =	sst s0  }
0x9: {  	[smem:$0x3FAD] =	sst s1  }
0xa: {  	[smem:$0x3FAE] =	sst s2  }
0xb: {  	[smem:$0x3FAF] =	sst s3  }
0xc: {  	[smem:$0x3FB0] =	sst s4  }
0xd: {  	[smem:$0x3FB1] =	sst s5  }
0xe: {  	[smem:$0x3FB2] =	sst s6  }
0xf: {  	[smem:$0x3FB3] =	sst s7  }
0x10: {  	[smem:$0x3FB4] =	sst s8  }
0x11: {  	[smem:$0x3FB5] =	sst s9;
	s0 =	simm.s32 @!p0 $0x0  }
0x12: {  	s1 =	sld [smem:$0x3F9B];
	s0 =	simm.s32 @p0 $0x1  }
0x13: {  	[smem:$0x3FB6] =	sst s0;
	s0 =	simm.s32 @!p1 $0x0  }
0x14: {  	s2 =	sld [smem:$0x3F9A];
	s0 =	simm.s32 @p1 $0x1  }
0x15: {  	[smem:$0x3FB7] =	sst s0;
	s0 =	simm.s32 @!p2 $0x0  }
0x16: {  	s3 =	sld [smem:$0x3FDB];
	s0 =	simm.s32 @p2 $0x1  }
0x17: {  	s4 =	simm.s32 $0x1BF5;
	[smem:$0x3FB9] =	sst s0  }
0x18: {  	s0 =	sld [smem:$0x3F9C];
	_ =	swait.ge [sflag:s4], $0x0  }
0x19: {  	s7 =	sld [smem:$0x3F9D]  }
0x1a: {  	s8 =	sadd.s32 $0xFFFFE003, lr  }
0x1b: {  	s9 =	sadd.s32 $0xFFFFFEF7, lr;
	s5 =	simm.s32 $0xFFFFFFFF;
	p2 =	slt.u32 s8, $0xFFFFF086  }
0x1c: {  	p1 =	slt.u32 s9, $0xF7A;
	s5 =	simm.s32 @!p2 $0x0  }
0x1d: {  	s5 =	simm.s32 @p1 $0x1;
	p0 =	seq.s32 s7, s2  }
0x1e: {  	s7 =	smul.u32 @!p0 $0xF7A, s2;
	p2 =	seq.s32 @!p0 s5, $0x0  }
0x1f: {  	s9 =	smul.u32 $0xF7A, s1;
	s8 =	simm.s32 @!p0 $0x1BF5;
	p2 =	por !p2, p0  }
0x20: {  	[sflag:s8] =	ssyncset.s32 @!p0 $0xFFFFF086;
	s6 =	sadd.s32 @!p0 s3, s7;
	s7 =	simm.s32 @!p0 $0x108  }
0x21: {  	s3 =	sadd.s32 s3, s9;
	s6 =	sadd.s32 @!p0 $0x88, s6;
	s7 =	simm.s32 @p2 $0x1082  }
0x22: {  	[simem:s7], [sflag:s8] =	dma.local @!p0 [hbm:s6], $0xF7A  }
0x23: {  	s9 =	sor.u32 $0xD0000000, s2;
	s6 =	simm.s32 $0x108;
	_ =	swait.ge @!p0 [sflag:s8], $0x0  }
0x24: {  	s3 =	sadd.s32 $0x88, s3;
	s6 =	simm.s32 @!p1 $0x1082;
	[sflag:s4] =	ssyncset.s32 $0xFFFFF086  }
0x25: {  	[simem:s6], [sflag:s4] =	dma.local [hbm:s3], $0xF7A  }
0x26: {  	[smem:$0x3F9D] =	sst s1;
	(tag) =	ssettag s2;
	_ =	strace s9  }
0x27: {  	s1 =	sld [smem:$0x3FAD]  }
0x28: {  	s2 =	sld [smem:$0x3FAE]  }
0x29: {  	s4 =	sld [smem:$0x3FB0]  }
0x2a: {  	p0 =	seq.s32 s5, $0x0;
	s5 =	sld [smem:$0x3FB1]  }
0x2b: {  	s6 =	sld [smem:$0x3FB2]  }
0x2c: {  	s7 =	sld [smem:$0x3FB3]  }
0x2d: {  	s3 =	simm.s32 $0x108;
	s8 =	sld [smem:$0x3FB4]  }
0x2e: {  	s3 =	simm.s32 @!p0 $0x1082;
	s9 =	sld [smem:$0x3FB5]  }
0x2f: {  	lr =	sadd.s32 s0, s3;
	s0 =	sld [smem:$0x3FAC]  }
0x30: {  	s3 =	sld [smem:$0x3FAF]  }
0x31: {  	[smem:$0x3FB8] =	sst s10  }
0x32: {  	s10 =	sld [smem:$0x3FB6];
	_ =	sdelay $0x3  }
0x33: {  	p0 =	seq.s32 s10, $0x1;
	s10 =	sld [smem:$0x3FB8];
	_ =	sdelay $0x3  }
0x34: {  	[smem:$0x3FB8] =	sst s10  }
0x35: {  	s10 =	sld [smem:$0x3FB7];
	_ =	sdelay $0x3  }
0x36: {  	p1 =	seq.s32 s10, $0x1;
	s10 =	sld [smem:$0x3FB8];
	_ =	sdelay $0x3  }
0x37: {  	[smem:$0x3FB8] =	sst s10  }
0x38: {  	s10 =	sld [smem:$0x3FB9]  }
0x39: {  	_ = 	snop;
	(pc) =	sbr.ind lr, $3  }
0x3a: {  	_ = 	snop  }
0x3b: {  	_ = 	snop  }
0x3c: {  	p2 =	seq.s32 s10, $0x1;
	s10 =	sld [smem:$0x3FB8]  }
0x3d: {  	_ =	shalt  }
0x3e: {  	_ =	shalt  }
0x3f: {  	_ =	shalt  }
0x40: {  	_ =	shalt  }
0x41: {  	_ =	shalt  }
0x42: {  	_ =	shalt  }
0x43: {  	_ =	shalt  }
0x44: {  	_ =	shalt  }
0x45: {  	_ =	shalt  }
0x46: {  	_ =	shalt  }
0x47: {  	_ =	shalt  }
0x48: {  	_ =	shalt  }
0x49: {  	_ =	shalt  }
0x4a: {  	_ =	shalt  }
0x4b: {  	_ =	shalt  }
0x4c: {  	_ =	shalt  }
0x4d: {  	_ =	shalt  }
0x4e: {  	_ =	shalt  }
0x4f: {  	_ =	shalt  }
0x50: {  	_ =	shalt  }
0x51: {  	_ =	shalt  }
0x52: {  	_ =	shalt  }
0x53: {  	_ =	shalt  }
0x54: {  	_ =	shalt  }
0x55: {  	_ =	shalt  }
0x56: {  	_ =	shalt  }
0x57: {  	_ =	shalt  }
0x58: {  	_ =	shalt  }
0x59: {  	_ =	shalt  }
0x5a: {  	_ =	shalt  }
0x5b: {  	_ =	shalt  }
0x5c: {  	_ =	shalt  }
0x5d: {  	_ =	shalt  }
0x5e: {  	_ =	shalt  }
0x5f: {  	_ =	shalt  }
0x60: {  	_ =	shalt  }
0x61: {  	_ =	shalt  }
0x62: {  	_ =	shalt  }
0x63: {  	_ =	shalt  }
0x64: {  	_ =	shalt  }
0x65: {  	_ =	shalt  }
0x66: {  	_ =	shalt  }
0x67: {  	_ =	shalt  }
0x68: {  	_ =	shalt  }
0x69: {  	_ =	shalt  }
0x6a: {  	_ =	shalt  }
0x6b: {  	_ =	shalt  }
0x6c: {  	_ =	shalt  }
0x6d: {  	_ =	shalt  }
0x6e: {  	_ =	shalt  }
0x6f: {  	_ =	shalt  }
0x70: {  	_ =	shalt  }
0x71: {  	_ =	shalt  }
0x72: {  	_ =	shalt  }
0x73: {  	_ =	shalt  }
0x74: {  	_ =	shalt  }
0x75: {  	_ =	shalt  }
0x76: {  	_ =	shalt  }
0x77: {  	_ =	shalt  }
0x78: {  	_ =	shalt  }
0x79: {  	_ =	shalt  }
0x7a: {  	_ =	shalt  }
0x7b: {  	_ =	shalt  }
0x7c: {  	_ =	shalt  }
0x7d: {  	_ =	shalt  }
0x7e: {  	_ =	shalt  }
0x7f: {  	_ =	shalt  }
0x80: {  	_ =	shalt  }
0x81: {  	_ =	shalt  }
0x82: {  	_ =	shalt  }
0x83: {  	_ =	shalt  }
0x84: {  	_ =	shalt  }
0x85: {  	_ =	shalt  }
0x86: {  	_ =	shalt  }
0x87: {  	_ =	shalt  }
.Lfunc_end0:
.L_simem_size_0:
called_computation_lowered:
.L_overlay_start_0:
0x88: {  	s2 =	sld [smem:$0x3FD9]  }
0x89: {  	s3 =	sld [smem:$0x3FFE];
	_ =	sdelay $0x1  }
0x8a: {  	s1 =	srdreg.scid  }
0x8b: {  	s0 =	sand.u32 $0x1, s1  }
0x8c: {  	s17 =	sshll.u32 s0, $0xA;
	s2 =	sadd.s32 s3, s2  }
0x8d: {  	s2 =	sadd.s32 s2, s17  }
0x8e: {  	[smem:$0x3FC4] =	sst s2  }
0x8f: {  	_ = 	snop  }
0x90: {  	s18 =	sld [smem:$0x3FC8];
	(tm) =	ssettm $0x1  }
0x91: {  	s19 =	sld [smem:$0x3FFB];
	_ =	sdelay $0x3  }
0x92: {  	_ =	strace s19  }
0x93: {  	s2 =	sld [smem:$0x3FFC];
	_ =	sdelay $0x3  }
0x94: {  	_ =	strace s2  }
0x95: {  	s2 =	sld [smem:$0x3FFD];
	_ =	sdelay $0x3  }
0x96: {  	_ =	strace s2  }
0x97: {  	_ =	strace $0x8FFFFFFF  }
0x98: {  	s20 =	sld [smem:$0x3FDB];
	_ =	sdelay $0x1  }
0x99: {  	s4 =	simm.s32 $_scs_section_size  }
0x9a: {  	s5 =	simm.s32 $_size__tile_overlayer_lowered;
	s6 =	simm.s32 $_tile_overlayer_lowered  }
0x9b: {  	s7 =	simm.s32 $0x1BFF;
	s21 =	sshll.u32 s6, $0x1;
	s4 =	sadd.s32 s4, s20  }
0x9c: {  	s22 =	simm.s32 $0x0;
	s5 =	sshll.u32 s5, $0x1;
	s6 =	sadd.s32 s21, s4  }
0x9d: {  	[timem:s22], [sflag:s7] =	dma.local [hbm:s6], s5  }
0x9e: {  	_ =	swait.ge [sflag:s7], s5  }
0x9f: {  	s5 =	ssub.s32 $0x0, s5;
	[sflag:s7] =	ssyncset.done $0x0  }
0xa0: {  	[sflag:s7] =	ssyncadd.s32 s5;
	_ =	sdelay $0x1  }
0xa1: {  	s23 =	simm.s32 $0x1B8B  }
0xa2: {  	_ =	swait.ge [sflag:s23], $0x1  }
0xa3: {  	[sflag:s23] =	ssyncset.done $0x0  }
0xa4: {  	[sflag:s23] =	ssyncadd.s32 $0xFFFFFFFF  }
0xa5: {  	s5 =	sld [smem:$0x0]  }
0xa6: {  	s6 =	sand.u32 $0xFFFFFFFE, s1  }
0xa7: {  	p0 =	sne.s32 s1, s6  }
0xa8: {  	s6 =	sshll.u32 @p0 s6, $0xE  }
0xa9: {  	s6 =	sadd.s32 @p0 $0x11B8D, s6;
	s7 =	sshll.u32 @p0 s5, $0x11  }
0xaa: {  	s6 =	sor.u32 @p0 s7, s6  }
0xab: {  	[sflag:s6] =	ssyncadd.remote.s32 @p0 $0x1;
	_ =	sdelay $0x1  }
0xac: {  	s6 =	simm.s32 @p0 $0x1B8D  }
0xad: {  	_ =	swait.eq @p0 [sflag:s6], $0x1  }
0xae: {  	[sflag:s6] =	ssyncadd.s32 @p0 $0xFFFFFFFF  }
0xaf: {  	s7 =	sshll.u32 @!p0 s1, $0xE  }
0xb0: {  	s7 =	sor.u32 @!p0 $0x4000, s7;
	s6 =	simm.s32 @!p0 $0x1B8D  }
0xb1: {  	s5 =	sshll.u32 @!p0 s5, $0x11;
	s7 =	sadd.s32 @!p0 $0x11B8D, s7;
	_ =	swait.eq @!p0 [sflag:s6], $0x1  }
0xb2: {  	s5 =	sor.u32 @!p0 s5, s7;
	[sflag:s6] =	ssyncadd.s32 @!p0 $0xFFFFFFFF  }
0xb3: {  	s25 =	simm.s32 $0x1B8E;
	s24 =	sld [smem:$0x3FFE];
	[sflag:s5] =	ssyncadd.remote.s32 @!p0 $0x1  }
0xb4: {  	s26 =	simm.s32 $execute0_lowered;
	[smem:$0x3FD2] =	sst s25  }
0xb5: {  	s6 =	sshll.u32 s26, $0x1;
	_ =	strace $0x80000049;
	[dreg:$0x1] =	wrdreg $0xFFFFFFFF  }
0xb6: {  	s28 =	simm.s32 $_size_execute0_lowered;
	s4 =	sadd.s32 s4, s6;
	[dreg:$0x0] =	wrdreg $0x0  }
0xb7: {  	s6 =	sshll.u32 s28, $0x1;
	[dreg:$0x2] =	wrdreg s4  }
0xb8: {  	[dreg:$0x3] =	wrdreg s6  }
0xb9: {  	[dreg:$0x4] =	wrdreg $0xC0  }
0xba: {  	_ =	task [dreg:s22], $0x5FFFF  }
0xbb: {  	[dreg:$0x1] =	wrdreg $0xFFFFFFFF  }
0xbc: {  	[dreg:$0x0] =	wrdreg $0x60  }
0xbd: {  	[dreg:$0x2] =	wrdreg s18  }
0xbe: {  	[dreg:$0x3] =	wrdreg s24  }
0xbf: {  	[dreg:$0x4] =	wrdreg $0x9  }
0xc0: {  	_ =	task.clear_ibuf [dreg:s22], $0x5FFFF;
	_ =	strace $0x90000049  }
0xc1: {  	s29 =	simm.s32 $0x9;
	_ =	strace $0x8000004B  }
0xc2: {  	_ =	swait.ge [sflag:s29], $0x1  }
0xc3: {  	[sflag:s29] =	ssyncadd.s32 $0xFFFFFFFF  }
0xc4: {  	_ =	strace $0x9000004B  }
0xc5: {  	_ =	sfence  }
0xc6: {  	s30 =	sld [smem:$0x0];
	_ =	sdelay $0x2  }
0xc7: {  	s31 =	sshll.u32 s1, $0xD;
	s1 =	sshrl.u32 s1, $0x2  }
0xc8: {  	s4 =	sand.u32 $0x4000, s31;
	s1 =	sadd.s32 s1, s30  }
0xc9: {  	s0 =	sor.u32 s4, s0;
	s1 =	sshll.u32 s1, $0x11  }
0xca: {  	s0 =	sor.u32 s1, s0  }
0xcb: {  	s0 =	sadd.s32 $0x8F2B, s0  }
0xcc: {  	[sflag:s0] =	ssyncadd.remote.s32 $0x1  }
0xcd: {  	_ =	sfence.sel $0xFFFF  }
0xce: {  	[dreg:$0x0] =	wrdreg $0xFFFFFFFF;
	(pc) =	sbr.abs _section_cstart, $3  }
0xcf: {  	[dreg:$0x1] =	wrdreg $0xFFFFFFFF  }
0xd0: {  	_ =	task.clear_ibuf [dreg:s22], $0x2FFFF;
	_ =	strace $0x9FFFFFFF  }
0xd1: {  	(tm) =	ssettm $0x7FFFFFFF  }
tec
execute0_lowered:
.L_overlay_start_1:
0x0: {  	(tag) =	ssettag $0x1  }
0x1: {  	s1 =	srdreg.scid;
	s2 =	rddreg [dreg:$0x0]  }
0x2: {  	s0 =	stileid.u32;
	s5 =	rddreg [dreg:$0x1]  }
0x3: {  	s3 =	simm.s32 $0x0;
	s9 =	simm.s32 $0x4000;
	s10 =	simm.s32 $0x1  }
0x4: {  	s11 =	simm.s32 $0x8000;
	s13 =	simm.s32 $0x3;
	s14 =	simm.s32 $0x0  }
0x5: {  	s4 =	sand.u32 $0x1, s1;
	s6 =	sshll.u32 s0, $0x11;
	s1 =	rddreg [dreg:$0x2]  }
0x6: {  	[smem:$0x7FF] =	sst s3;
	s7 =	sshll.u32 s4, $0x10;
	s4 =	ssub.s32 $0x2, s4  }
0x7: {  	_ =	strace $0x8000004A;
	s12 =	sor.u32 s7, s6;
	s31 =	sshrl.u32 s4, $0x1  }
0x8: {  	s6 =	sshrl.u32 s12, $0x3;
	s8 =	ssub.s32 s4, s31;
	s4 =	sadd.s32 $0x800, s2  }
0x9: {  	v2 =	vlaneseq.u32;
	v0 =	vmov s12;
	s12 =	simm.s32 $0x2;
	s30 =	sadd.s32 s6, s5;
	s5 =	sadd.s32 $0x1000, s2  }
0xa: {  	v1 =	vimm.s32 $0x0;
	v2 =	vadd.s32 $0x1, v2;
	s6 =	sadd.s32 $0x1800, s2;
	s8 =	smax.u32 s8, $0x1;
	s7 =	sadd.s32 $0xD800, s30  }
.LBB2_1:
0xb: {  	[tilespmem:s3], [sflag:$0x1] =	stream.linear.gather [hbm4b:s2+s3], $0x4000, $0x38;
	[tilespmem:$0x18000] =	vst v63  }
0xc: {  	s15 =	simm.s32 $0x0;
	s16 =	simm.s32 $0x200  }
.LBB2_2:
0xd: {  	p0 =	sne.s32 s16, $0x3FE00;
	[tilespmem:s15+$0x8070] =	vst v1  }
0xe: {  	[tilespmem:s15+$0x8000] =	vst v1  }
0xf: {  	[tilespmem:s15+$0x8010] =	vst v1  }
.Ltmp0:
0x10: {  	[tilespmem:s15+$0x8020] =	vst v1;
	(pc) =	sbr.rel @p0 .LBB2_2-.Ltmp0, $4  }
0x11: {  	[tilespmem:s15+$0x8030] =	vst v1  }
0x12: {  	[tilespmem:s15+$0x8040] =	vst v1  }
0x13: {  	[tilespmem:s15+$0x8050] =	vst v1  }
0x14: {  	[tilespmem:s15+$0x8060] =	vst v1;
	s15 =	sshra.s32 s16, $0x2;
	s16 =	sadd.s32 $0x200, s16  }
0x15: {  	[tilespmem:s15+$0x8070] =	vst v1  }
0x16: {  	[tilespmem:s15+$0x8000] =	vst v1  }
0x17: {  	[tilespmem:s15+$0x8010] =	vst v1  }
0x18: {  	[tilespmem:s15+$0x8020] =	vst v1  }
0x19: {  	[tilespmem:s15+$0x8030] =	vst v1  }
0x1a: {  	[tilespmem:s15+$0x8040] =	vst v1  }
0x1b: {  	[tilespmem:s15+$0x8050] =	vst v1  }
0x1c: {  	[tilespmem:s15+$0x8060] =	vst v1;
	s15 =	simm.s32 $0x0  }
0x1d: {  	[tilespmem:s9], [sflag:$0x2] =	stream.linear.gather [hbm4b:s4+s15], $0x4000, $0x38;
	[tilespmem:$0x18000] =	vst v63  }
0x1e: {  	_ =	swait.ge [sflag:s10], $0x4000  }
0x1f: {  	[sflag:s10] =	ssyncset.done $0x0  }
0x20: {  	s16 =	simm.s32 $0x20;
	[sflag:s10] =	ssyncadd.s32 $0xFFFFC000  }
.LBB2_4:
0x21: {  	v3 =	vld [tilespmem:s16+$0xFFFFFFE0];
	_ =	sdelay $0x4  }
0x22: {  	v4 =	vsub.s32 v3, v0  }
0x23: {  	vm0 =	vlt.u32 v4, $0x10000  }
0x24: {  	v3 =	vand.u32 $0xFFFF, v3;
	_ =	sdelay $0x3  }
0x25: {  	v57 =	vor.u32 s15, v2  }
0x26: {  	[tilespmem:v3+s11+$0x0] =	vst.idx.msk vm0, v57  }
0x27: {  	v3 =	vld [tilespmem:s16+$0xFFFFFFF0];
	_ =	sdelay $0x4  }
0x28: {  	v58 =	vsub.s32 v3, v0  }
0x29: {  	vm13 =	vlt.u32 v58, $0x10000  }
0x2a: {  	v3 =	vand.u32 $0xFFFF, v3;
	_ =	sdelay $0x2  }
0x2b: {  	s17 =	sadd.s32 $0x10, s15  }
0x2c: {  	v59 =	vadd.s32 s17, v2  }
0x2d: {  	[tilespmem:v3+s11+$0x0] =	vst.idx.msk vm13, v59  }
0x2e: {  	v3 =	vld [tilespmem:s16+$0x0];
	_ =	sdelay $0x4  }
0x2f: {  	v60 =	vsub.s32 v3, v0  }
0x30: {  	vm14 =	vlt.u32 v60, $0x10000  }
0x31: {  	v3 =	vand.u32 $0xFFFF, v3;
	_ =	sdelay $0x2  }
0x32: {  	s30 =	sadd.s32 $0x20, s15  }
0x33: {  	v61 =	vor.u32 s30, v2  }
0x34: {  	[tilespmem:v3+s11+$0x0] =	vst.idx.msk vm14, v61  }
0x35: {  	v3 =	vld [tilespmem:s16+$0x10];
	_ =	sdelay $0x4  }
0x36: {  	v62 =	vsub.s32 v3, v0  }
0x37: {  	vm15 =	vlt.u32 v62, $0x10000  }
0x38: {  	p0 =	sne.s32 s15, $0x3FC0;
	v3 =	vand.u32 $0xFFFF, v3  }
.Ltmp1:
0x39: {  	_ = 	snop;
	(pc) =	sbr.rel @p0 .LBB2_4-.Ltmp1, $4  }
0x3a: {  	_ = 	snop  }
0x3b: {  	s31 =	sadd.s32 $0x30, s15  }
0x3c: {  	v63 =	vadd.s32 s31, v2  }
0x3d: {  	s15 =	sadd.s32 $0x40, s15;
	s16 =	sadd.s32 $0x40, s16;
	[tilespmem:v3+s11+$0x0] =	vst.idx.msk vm15, v63  }
0x3e: {  	[tilespmem:s3], [sflag:$0x1] =	stream.linear.gather [hbm4b:s5+s3], $0x4000, $0x38;
	[tilespmem:$0x18000] =	vst v63  }
0x3f: {  	_ =	swait.ge [sflag:s12], $0x4000  }
0x40: {  	[sflag:s12] =	ssyncset.done $0x0  }
0x41: {  	s15 =	simm.s32 $0x4000;
	s16 =	simm.s32 $0x4020;
	[sflag:s12] =	ssyncadd.s32 $0xFFFFC000  }
.LBB2_6:
0x42: {  	v3 =	vld [tilespmem:s16+$0xFFFFFFE0];
	_ =	sdelay $0x4  }
0x43: {  	v4 =	vsub.s32 v3, v0  }
0x44: {  	vm0 =	vlt.u32 v4, $0x10000  }
0x45: {  	v3 =	vand.u32 $0xFFFF, v3;
	_ =	sdelay $0x3  }
0x46: {  	v57 =	vor.u32 s15, v2  }
0x47: {  	[tilespmem:v3+s11+$0x0] =	vst.idx.msk vm0, v57  }
0x48: {  	v3 =	vld [tilespmem:s16+$0xFFFFFFF0];
	_ =	sdelay $0x4  }
0x49: {  	v58 =	vsub.s32 v3, v0  }
0x4a: {  	vm13 =	vlt.u32 v58, $0x10000  }
0x4b: {  	v3 =	vand.u32 $0xFFFF, v3;
	_ =	sdelay $0x2  }
0x4c: {  	s17 =	sadd.s32 $0x10, s15  }
0x4d: {  	v59 =	vadd.s32 s17, v2  }
0x4e: {  	[tilespmem:v3+s11+$0x0] =	vst.idx.msk vm13, v59  }
0x4f: {  	v3 =	vld [tilespmem:s16+$0x0];
	_ =	sdelay $0x4  }
0x50: {  	v60 =	vsub.s32 v3, v0  }
0x51: {  	vm14 =	vlt.u32 v60, $0x10000  }
0x52: {  	v3 =	vand.u32 $0xFFFF, v3;
	_ =	sdelay $0x2  }
0x53: {  	s30 =	sadd.s32 $0x20, s15  }
0x54: {  	v61 =	vor.u32 s30, v2  }
0x55: {  	[tilespmem:v3+s11+$0x0] =	vst.idx.msk vm14, v61  }
0x56: {  	v3 =	vld [tilespmem:s16+$0x10];
	_ =	sdelay $0x4  }
0x57: {  	v62 =	vsub.s32 v3, v0  }
0x58: {  	vm15 =	vlt.u32 v62, $0x10000  }
0x59: {  	p0 =	sne.s32 s15, $0x7FC0;
	v3 =	vand.u32 $0xFFFF, v3  }
.Ltmp2:
0x5a: {  	_ = 	snop;
	(pc) =	sbr.rel @p0 .LBB2_6-.Ltmp2, $4  }
0x5b: {  	_ = 	snop  }
0x5c: {  	s31 =	sadd.s32 $0x30, s15  }
0x5d: {  	v63 =	vadd.s32 s31, v2  }
0x5e: {  	s15 =	sadd.s32 $0x40, s15;
	s16 =	sadd.s32 $0x40, s16;
	[tilespmem:v3+s11+$0x0] =	vst.idx.msk vm15, v63  }
0x5f: {  	[tilespmem:s9], [sflag:$0x2] =	stream.linear.gather [hbm4b:s6+s3], $0x4000, $0x38;
	[tilespmem:$0x18000] =	vst v63  }
0x60: {  	_ =	swait.ge [sflag:s10], $0x4000  }
0x61: {  	[sflag:s10] =	ssyncset.done $0x0  }
0x62: {  	s15 =	simm.s32 $0x8000;
	s16 =	simm.s32 $0x20;
	[sflag:s10] =	ssyncadd.s32 $0xFFFFC000  }
.LBB2_8:
0x63: {  	v3 =	vld [tilespmem:s16+$0xFFFFFFE0];
	_ =	sdelay $0x4  }
0x64: {  	v4 =	vsub.s32 v3, v0  }
0x65: {  	vm0 =	vlt.u32 v4, $0x10000  }
0x66: {  	v3 =	vand.u32 $0xFFFF, v3;
	_ =	sdelay $0x3  }
0x67: {  	v57 =	vor.u32 s15, v2  }
0x68: {  	[tilespmem:v3+s11+$0x0] =	vst.idx.msk vm0, v57  }
0x69: {  	v3 =	vld [tilespmem:s16+$0xFFFFFFF0];
	_ =	sdelay $0x4  }
0x6a: {  	v58 =	vsub.s32 v3, v0  }
0x6b: {  	vm13 =	vlt.u32 v58, $0x10000  }
0x6c: {  	v3 =	vand.u32 $0xFFFF, v3;
	_ =	sdelay $0x2  }
0x6d: {  	s17 =	sadd.s32 $0x10, s15  }
0x6e: {  	v59 =	vadd.s32 s17, v2  }
0x6f: {  	[tilespmem:v3+s11+$0x0] =	vst.idx.msk vm13, v59  }
0x70: {  	v3 =	vld [tilespmem:s16+$0x0];
	_ =	sdelay $0x4  }
0x71: {  	v60 =	vsub.s32 v3, v0  }
0x72: {  	vm14 =	vlt.u32 v60, $0x10000  }
0x73: {  	v3 =	vand.u32 $0xFFFF, v3;
	_ =	sdelay $0x2  }
0x74: {  	s30 =	sadd.s32 $0x20, s15  }
0x75: {  	v61 =	vor.u32 s30, v2  }
0x76: {  	[tilespmem:v3+s11+$0x0] =	vst.idx.msk vm14, v61  }
0x77: {  	v3 =	vld [tilespmem:s16+$0x10];
	_ =	sdelay $0x4  }
0x78: {  	v62 =	vsub.s32 v3, v0  }
0x79: {  	vm15 =	vlt.u32 v62, $0x10000  }
0x7a: {  	p0 =	sne.s32 s15, $0xBFC0;
	v3 =	vand.u32 $0xFFFF, v3  }
.Ltmp3:
0x7b: {  	_ = 	snop;
	(pc) =	sbr.rel @p0 .LBB2_8-.Ltmp3, $4  }
0x7c: {  	_ = 	snop  }
0x7d: {  	s31 =	sadd.s32 $0x30, s15  }
0x7e: {  	v63 =	vadd.s32 s31, v2  }
0x7f: {  	s15 =	sadd.s32 $0x40, s15;
	s16 =	sadd.s32 $0x40, s16;
	[tilespmem:v3+s11+$0x0] =	vst.idx.msk vm15, v63  }
0x80: {  	_ =	swait.ge [sflag:s12], $0x4000  }
0x81: {  	[sflag:s12] =	ssyncset.done $0x0  }
0x82: {  	s15 =	simm.s32 $0xC000;
	s16 =	simm.s32 $0x4020;
	[sflag:s12] =	ssyncadd.s32 $0xFFFFC000  }
.LBB2_10:
0x83: {  	v3 =	vld [tilespmem:s16+$0xFFFFFFE0];
	_ =	sdelay $0x4  }
0x84: {  	v4 =	vsub.s32 v3, v0  }
0x85: {  	vm0 =	vlt.u32 v4, $0x10000  }
0x86: {  	v3 =	vand.u32 $0xFFFF, v3;
	_ =	sdelay $0x3  }
0x87: {  	v57 =	vor.u32 s15, v2  }
0x88: {  	[tilespmem:v3+s11+$0x0] =	vst.idx.msk vm0, v57  }
0x89: {  	v3 =	vld [tilespmem:s16+$0xFFFFFFF0];
	_ =	sdelay $0x4  }
0x8a: {  	v58 =	vsub.s32 v3, v0  }
0x8b: {  	vm13 =	vlt.u32 v58, $0x10000  }
0x8c: {  	v3 =	vand.u32 $0xFFFF, v3;
	_ =	sdelay $0x2  }
0x8d: {  	s17 =	sadd.s32 $0x10, s15  }
0x8e: {  	v59 =	vadd.s32 s17, v2  }
0x8f: {  	[tilespmem:v3+s11+$0x0] =	vst.idx.msk vm13, v59  }
0x90: {  	v3 =	vld [tilespmem:s16+$0x0];
	_ =	sdelay $0x4  }
0x91: {  	v60 =	vsub.s32 v3, v0  }
0x92: {  	vm14 =	vlt.u32 v60, $0x10000  }
0x93: {  	v3 =	vand.u32 $0xFFFF, v3;
	_ =	sdelay $0x2  }
0x94: {  	s30 =	sadd.s32 $0x20, s15  }
0x95: {  	v61 =	vor.u32 s30, v2  }
0x96: {  	[tilespmem:v3+s11+$0x0] =	vst.idx.msk vm14, v61  }
0x97: {  	v3 =	vld [tilespmem:s16+$0x10];
	_ =	sdelay $0x4  }
0x98: {  	v62 =	vsub.s32 v3, v0  }
0x99: {  	vm15 =	vlt.u32 v62, $0x10000  }
0x9a: {  	p0 =	sne.s32 s15, $0xFFC0;
	v3 =	vand.u32 $0xFFFF, v3  }
.Ltmp4:
0x9b: {  	_ = 	snop;
	(pc) =	sbr.rel @p0 .LBB2_10-.Ltmp4, $4  }
0x9c: {  	_ = 	snop  }
0x9d: {  	s31 =	sadd.s32 $0x30, s15  }
0x9e: {  	v63 =	vadd.s32 s31, v2  }
0x9f: {  	s15 =	sadd.s32 $0x40, s15;
	s16 =	sadd.s32 $0x40, s16;
	[tilespmem:v3+s11+$0x0] =	vst.idx.msk vm15, v63  }
0xa0: {  	s14 =	sadd.s32 $0x1, s14  }
0xa1: {  	p0 =	sne.s32 s14, s8  }
.Ltmp5:
0xa2: {  	_ = 	snop;
	(pc) =	sbr.rel @p0 .LBB2_1-.Ltmp5, $4  }
0xa3: {  	[hbm4b:s7+s3] =	stream.linear.scatter [tilespmem:s11], [sflag:$0x3], $0x10000, $0x38;
	[tilespmem:$0x18000] =	vst v63  }
0xa4: {  	_ =	swait.ge [sflag:s13], $0x10000  }
0xa5: {  	[sflag:s13] =	ssyncset.done $0x0  }
0xa6: {  	[sflag:s13] =	ssyncadd.s32 $0xFFFF0000  }
0xa7: {  	_ =	sfence.sel $0x180000  }
0xa8: {  	[bflag:$0x0] =	sbarrier.arrive $0xFFFF  }
0xa9: {  	p0 =	sne.s32 s0, $0x0;
	_ =	strace $0x9000004A  }
0xaa: {  	s0 =	sadd.s32 @!p0 $0x100000, s1;
	[bflag:$0x2] =	sbarrier.arrive $0xFFFF  }
0xab: {  	[sflag:s0] =	ssyncadd.tile.s32 @!p0 $0x1;
	_ =	shalt  }
.Lfunc_end2:
_tile_overlayer_lowered:
.L_overlay_start_2:
0xac: {  	(tag) =	ssettag $0x2  }
0xad: {  	s0 =	rddreg [dreg:$0x0];
	s2 =	stileid.u32  }
0xae: {  	s1 =	rddreg [dreg:$0x1];
	p0 =	sne.s32 s2, $0x0  }
0xaf: {  	s3 =	rddreg [dreg:$0x2];
	[bflag:$0x3] =	sbarrier.arrive $0xFFFF;
	s2 =	simm.s32 @!p0 $0x1C03  }
0xb0: {  	[timem:s3], [sflag:s2] =	dma.local @!p0 [hbm:s0], s1  }
0xb1: {  	s0 =	simm.s32 @!p0 $0x3  }
0xb2: {  	_ =	swait.ge @!p0 [sflag:s0], s1  }
0xb3: {  	s1 =	ssub.s32 @!p0 $0x0, s1;
	[sflag:s0] =	ssyncset.done @!p0 $0x0  }
0xb4: {  	[sflag:s0] =	ssyncadd.s32 @!p0 s1  }
0xb5: {  	[bflag:$0x3] =	sbarrier.arrive $0xFFFF  }
0xb6: {  	_ =	shalt  }

// kernel: kernel.9.cloned.1.call-start
scs
__scs_entry_jumppad:
0x0: {  	(pc) =	sbr.rel $0x88, $3  }
0x1: {  	(tag) =	ssettag $0x0;
	lr =	simm.s32 $0x1  }
0x2: {  	[smem:$0x3F9D] =	sst lr;
	_ =	strace $0xD0000000  }
0x3: {  	_ = 	snop  }
0x4: {  	_ = 	snop  }
0x5: {  	_ = 	snop  }
0x6: {  	_ = 	snop  }
0x7: {  	_ = 	snop  }
__scs_overlays_trampoline_lowered:
0x8: {  	[smem:$0x3FAC] =	sst s0  }
0x9: {  	[smem:$0x3FAD] =	sst s1  }
0xa: {  	[smem:$0x3FAE] =	sst s2  }
0xb: {  	[smem:$0x3FAF] =	sst s3  }
0xc: {  	[smem:$0x3FB0] =	sst s4  }
0xd: {  	[smem:$0x3FB1] =	sst s5  }
0xe: {  	[smem:$0x3FB2] =	sst s6  }
0xf: {  	[smem:$0x3FB3] =	sst s7  }
0x10: {  	[smem:$0x3FB4] =	sst s8  }
0x11: {  	[smem:$0x3FB5] =	sst s9;
	s0 =	simm.s32 @!p0 $0x0  }
0x12: {  	s1 =	sld [smem:$0x3F9B];
	s0 =	simm.s32 @p0 $0x1  }
0x13: {  	[smem:$0x3FB6] =	sst s0;
	s0 =	simm.s32 @!p1 $0x0  }
0x14: {  	s2 =	sld [smem:$0x3F9A];
	s0 =	simm.s32 @p1 $0x1  }
0x15: {  	[smem:$0x3FB7] =	sst s0;
	s0 =	simm.s32 @!p2 $0x0  }
0x16: {  	s3 =	sld [smem:$0x3FDB];
	s0 =	simm.s32 @p2 $0x1  }
0x17: {  	s4 =	simm.s32 $0x1BF5;
	[smem:$0x3FB9] =	sst s0  }
0x18: {  	s0 =	sld [smem:$0x3F9C];
	_ =	swait.ge [sflag:s4], $0x0  }
0x19: {  	s7 =	sld [smem:$0x3F9D]  }
0x1a: {  	s8 =	sadd.s32 $0xFFFFE003, lr  }
0x1b: {  	s9 =	sadd.s32 $0xFFFFFEF7, lr;
	s5 =	simm.s32 $0xFFFFFFFF;
	p2 =	slt.u32 s8, $0xFFFFF086  }
0x1c: {  	p1 =	slt.u32 s9, $0xF7A;
	s5 =	simm.s32 @!p2 $0x0  }
0x1d: {  	s5 =	simm.s32 @p1 $0x1;
	p0 =	seq.s32 s7, s2  }
0x1e: {  	s7 =	smul.u32 @!p0 $0xF7A, s2;
	p2 =	seq.s32 @!p0 s5, $0x0  }
0x1f: {  	s9 =	smul.u32 $0xF7A, s1;
	s8 =	simm.s32 @!p0 $0x1BF5;
	p2 =	por !p2, p0  }
0x20: {  	[sflag:s8] =	ssyncset.s32 @!p0 $0xFFFFF086;
	s6 =	sadd.s32 @!p0 s3, s7;
	s7 =	simm.s32 @!p0 $0x108  }
0x21: {  	s3 =	sadd.s32 s3, s9;
	s6 =	sadd.s32 @!p0 $0x88, s6;
	s7 =	simm.s32 @p2 $0x1082  }
0x22: {  	[simem:s7], [sflag:s8] =	dma.local @!p0 [hbm:s6], $0xF7A  }
0x23: {  	s9 =	sor.u32 $0xD0000000, s2;
	s6 =	simm.s32 $0x108;
	_ =	swait.ge @!p0 [sflag:s8], $0x0  }
0x24: {  	s3 =	sadd.s32 $0x88, s3;
	s6 =	simm.s32 @!p1 $0x1082;
	[sflag:s4] =	ssyncset.s32 $0xFFFFF086  }
0x25: {  	[simem:s6], [sflag:s4] =	dma.local [hbm:s3], $0xF7A  }
0x26: {  	[smem:$0x3F9D] =	sst s1;
	(tag) =	ssettag s2;
	_ =	strace s9  }
0x27: {  	s1 =	sld [smem:$0x3FAD]  }
0x28: {  	s2 =	sld [smem:$0x3FAE]  }
0x29: {  	s4 =	sld [smem:$0x3FB0]  }
0x2a: {  	p0 =	seq.s32 s5, $0x0;
	s5 =	sld [smem:$0x3FB1]  }
0x2b: {  	s6 =	sld [smem:$0x3FB2]  }
0x2c: {  	s7 =	sld [smem:$0x3FB3]  }
0x2d: {  	s3 =	simm.s32 $0x108;
	s8 =	sld [smem:$0x3FB4]  }
0x2e: {  	s3 =	simm.s32 @!p0 $0x1082;
	s9 =	sld [smem:$0x3FB5]  }
0x2f: {  	lr =	sadd.s32 s0, s3;
	s0 =	sld [smem:$0x3FAC]  }
0x30: {  	s3 =	sld [smem:$0x3FAF]  }
0x31: {  	[smem:$0x3FB8] =	sst s10  }
0x32: {  	s10 =	sld [smem:$0x3FB6];
	_ =	sdelay $0x3  }
0x33: {  	p0 =	seq.s32 s10, $0x1;
	s10 =	sld [smem:$0x3FB8];
	_ =	sdelay $0x3  }
0x34: {  	[smem:$0x3FB8] =	sst s10  }
0x35: {  	s10 =	sld [smem:$0x3FB7];
	_ =	sdelay $0x3  }
0x36: {  	p1 =	seq.s32 s10, $0x1;
	s10 =	sld [smem:$0x3FB8];
	_ =	sdelay $0x3  }
0x37: {  	[smem:$0x3FB8] =	sst s10  }
0x38: {  	s10 =	sld [smem:$0x3FB9]  }
0x39: {  	_ = 	snop;
	(pc) =	sbr.ind lr, $3  }
0x3a: {  	_ = 	snop  }
0x3b: {  	_ = 	snop  }
0x3c: {  	p2 =	seq.s32 s10, $0x1;
	s10 =	sld [smem:$0x3FB8]  }
0x3d: {  	_ =	shalt  }
0x3e: {  	_ =	shalt  }
0x3f: {  	_ =	shalt  }
0x40: {  	_ =	shalt  }
0x41: {  	_ =	shalt  }
0x42: {  	_ =	shalt  }
0x43: {  	_ =	shalt  }
0x44: {  	_ =	shalt  }
0x45: {  	_ =	shalt  }
0x46: {  	_ =	shalt  }
0x47: {  	_ =	shalt  }
0x48: {  	_ =	shalt  }
0x49: {  	_ =	shalt  }
0x4a: {  	_ =	shalt  }
0x4b: {  	_ =	shalt  }
0x4c: {  	_ =	shalt  }
0x4d: {  	_ =	shalt  }
0x4e: {  	_ =	shalt  }
0x4f: {  	_ =	shalt  }
0x50: {  	_ =	shalt  }
0x51: {  	_ =	shalt  }
0x52: {  	_ =	shalt  }
0x53: {  	_ =	shalt  }
0x54: {  	_ =	shalt  }
0x55: {  	_ =	shalt  }
0x56: {  	_ =	shalt  }
0x57: {  	_ =	shalt  }
0x58: {  	_ =	shalt  }
0x59: {  	_ =	shalt  }
0x5a: {  	_ =	shalt  }
0x5b: {  	_ =	shalt  }
0x5c: {  	_ =	shalt  }
0x5d: {  	_ =	shalt  }
0x5e: {  	_ =	shalt  }
0x5f: {  	_ =	shalt  }
0x60: {  	_ =	shalt  }
0x61: {  	_ =	shalt  }
0x62: {  	_ =	shalt  }
0x63: {  	_ =	shalt  }
0x64: {  	_ =	shalt  }
0x65: {  	_ =	shalt  }
0x66: {  	_ =	shalt  }
0x67: {  	_ =	shalt  }
0x68: {  	_ =	shalt  }
0x69: {  	_ =	shalt  }
0x6a: {  	_ =	shalt  }
0x6b: {  	_ =	shalt  }
0x6c: {  	_ =	shalt  }
0x6d: {  	_ =	shalt  }
0x6e: {  	_ =	shalt  }
0x6f: {  	_ =	shalt  }
0x70: {  	_ =	shalt  }
0x71: {  	_ =	shalt  }
0x72: {  	_ =	shalt  }
0x73: {  	_ =	shalt  }
0x74: {  	_ =	shalt  }
0x75: {  	_ =	shalt  }
0x76: {  	_ =	shalt  }
0x77: {  	_ =	shalt  }
0x78: {  	_ =	shalt  }
0x79: {  	_ =	shalt  }
0x7a: {  	_ =	shalt  }
0x7b: {  	_ =	shalt  }
0x7c: {  	_ =	shalt  }
0x7d: {  	_ =	shalt  }
0x7e: {  	_ =	shalt  }
0x7f: {  	_ =	shalt  }
0x80: {  	_ =	shalt  }
0x81: {  	_ =	shalt  }
0x82: {  	_ =	shalt  }
0x83: {  	_ =	shalt  }
0x84: {  	_ =	shalt  }
0x85: {  	_ =	shalt  }
0x86: {  	_ =	shalt  }
0x87: {  	_ =	shalt  }
.Lfunc_end0:
.L_simem_size_0:
called_computation.1_lowered:
.L_overlay_start_0:
0x88: {  	s2 =	sld [smem:$0x3FD9]  }
0x89: {  	s3 =	sld [smem:$0x3FFE];
	_ =	sdelay $0x1  }
0x8a: {  	s1 =	srdreg.scid  }
0x8b: {  	s0 =	sand.u32 $0x1, s1  }
0x8c: {  	s14 =	sshll.u32 s0, $0xA;
	s2 =	sadd.s32 s3, s2  }
0x8d: {  	s2 =	sadd.s32 s2, s14  }
0x8e: {  	[smem:$0x3FC4] =	sst s2  }
0x8f: {  	_ = 	snop  }
0x90: {  	s2 =	sld [smem:$0x3FD0];
	_ =	sdelay $0x2  }
0x91: {  	s4 =	simm.s32 $0xB;
	s5 =	simm.s32 $0x10;
	s15 =	sld [smem:$0x3FC6]  }
0x92: {  	[smem:s5], [sflag:s4] =	dma.local [hbm:s2], $0x1  }
0x93: {  	_ =	swait.eq [sflag:s4], $0x1  }
0x94: {  	[sflag:s4] =	ssyncset.done $0x0  }
0x95: {  	s16 =	sld [smem:$0x10];
	[sflag:s4] =	ssyncadd.s32 $0xFFFFFFFF  }
0x96: {  	s17 =	sld [smem:$0x13];
	(tm) =	ssettm $0x1  }
0x97: {  	s18 =	sld [smem:$0x3FFB];
	_ =	sdelay $0x3  }
0x98: {  	_ =	strace s18  }
0x99: {  	s5 =	sld [smem:$0x3FFC];
	_ =	sdelay $0x3  }
0x9a: {  	_ =	strace s5  }
0x9b: {  	s5 =	sld [smem:$0x3FFD];
	_ =	sdelay $0x3  }
0x9c: {  	_ =	strace s5  }
0x9d: {  	_ =	strace $0x8FFFFFFF  }
0x9e: {  	s19 =	sld [smem:$0x3FDB];
	_ =	sdelay $0x1  }
0x9f: {  	s6 =	simm.s32 $_scs_section_size  }
0xa0: {  	s7 =	simm.s32 $_size__tile_overlayer_lowered;
	s8 =	simm.s32 $_tile_overlayer_lowered  }
0xa1: {  	s22 =	simm.s32 $0x1BFF;
	s21 =	sshll.u32 s8, $0x1;
	s5 =	sadd.s32 s6, s19  }
0xa2: {  	s9 =	simm.s32 $0x0;
	s20 =	sshll.u32 s7, $0x1;
	s7 =	sadd.s32 s21, s5  }
0xa3: {  	[timem:s9], [sflag:s22] =	dma.local [hbm:s7], s20  }
0xa4: {  	_ =	swait.ge [sflag:s22], s20  }
0xa5: {  	s6 =	ssub.s32 $0x0, s20;
	[sflag:s22] =	ssyncset.done $0x0  }
0xa6: {  	[sflag:s22] =	ssyncadd.s32 s6;
	_ =	sdelay $0x1  }
0xa7: {  	s23 =	simm.s32 $0x1B8B  }
0xa8: {  	_ =	swait.ge [sflag:s23], $0x1  }
0xa9: {  	[sflag:s23] =	ssyncset.done $0x0  }
0xaa: {  	s25 =	simm.s32 $0x1B8E;
	s24 =	sld [smem:$0x3FFE];
	[sflag:s23] =	ssyncadd.s32 $0xFFFFFFFF  }
0xab: {  	s26 =	simm.s32 $execute0_lowered;
	[smem:$0x3FD2] =	sst s25  }
0xac: {  	s7 =	sshll.u32 s26, $0x1;
	_ =	strace $0x80000046;
	[dreg:$0x1] =	wrdreg $0xFFFFFFFF  }
0xad: {  	s28 =	simm.s32 $_size_execute0_lowered;
	s5 =	sadd.s32 s5, s7;
	[dreg:$0x0] =	wrdreg $0x0  }
0xae: {  	s7 =	sshll.u32 s28, $0x1;
	[dreg:$0x2] =	wrdreg s5  }
0xaf: {  	[dreg:$0x3] =	wrdreg s7  }
0xb0: {  	[dreg:$0x4] =	wrdreg $0xC0  }
0xb1: {  	_ =	task [dreg:s9], $0x5FFFF  }
0xb2: {  	[dreg:$0x1] =	wrdreg $0xFFFFFFFF  }
0xb3: {  	[dreg:$0x0] =	wrdreg $0x60  }
0xb4: {  	[dreg:$0x2] =	wrdreg s24  }
0xb5: {  	[dreg:$0x3] =	wrdreg s15  }
0xb6: {  	[dreg:$0x4] =	wrdreg s17  }
0xb7: {  	[dreg:$0x5] =	wrdreg s16  }
0xb8: {  	[dreg:$0x6] =	wrdreg $0xA  }
0xb9: {  	_ =	task.clear_ibuf [dreg:s9], $0x7FFFF;
	_ =	strace $0x90000046  }
0xba: {  	s29 =	simm.s32 $0xA;
	_ =	strace $0x80000048  }
0xbb: {  	_ =	swait.ge [sflag:s29], $0x1  }
0xbc: {  	[sflag:s29] =	ssyncadd.s32 $0xFFFFFFFF  }
0xbd: {  	_ =	strace $0x90000048  }
0xbe: {  	_ =	sfence  }
0xbf: {  	s30 =	sld [smem:$0x0];
	_ =	sdelay $0x2  }
0xc0: {  	s31 =	sshll.u32 s1, $0xD;
	s1 =	sshrl.u32 s1, $0x2  }
0xc1: {  	s3 =	sand.u32 $0x4000, s31;
	s1 =	sadd.s32 s1, s30  }
0xc2: {  	s0 =	sor.u32 s3, s0;
	s1 =	sshll.u32 s1, $0x11  }
0xc3: {  	s0 =	sor.u32 s1, s0  }
0xc4: {  	s0 =	sadd.s32 $0x8F2B, s0  }
0xc5: {  	[sflag:s0] =	ssyncadd.remote.s32 $0x1  }
0xc6: {  	_ =	sfence.sel $0xFFFF  }
0xc7: {  	[dreg:$0x0] =	wrdreg $0xFFFFFFFF;
	(pc) =	sbr.abs _section_cstart, $3  }
0xc8: {  	[dreg:$0x1] =	wrdreg $0xFFFFFFFF  }
0xc9: {  	_ =	task.clear_ibuf [dreg:s9], $0x2FFFF;
	_ =	strace $0x9FFFFFFF  }
0xca: {  	(tm) =	ssettm $0x7FFFFFFF  }
0xcb: {  	_ =	shalt  }
tec
execute0_lowered:
.L_overlay_start_1:
0x0: {  	(tag) =	ssettag $0x1  }
0x1: {  	s0 =	rddreg [dreg:$0x0]  }
0x2: {  	s1 =	rddreg [dreg:$0x1]  }
0x3: {  	s5 =	rddreg [dreg:$0x2]  }
0x4: {  	s6 =	rddreg [dreg:$0x3];
	s2 =	simm.s32 $0x0;
	s3 =	srdreg.scid  }
0x5: {  	s4 =	stileid.u32;
	s14 =	simm.s32 $0x3;
	s15 =	simm.s32 $0x100  }
0x6: {  	s17 =	simm.s32 $0x1000;
	s19 =	simm.s32 $0x9000;
	s20 =	simm.s32 $0x1  }
0x7: {  	s22 =	simm.s32 $0x2;
	s21 =	simm.s32 $0x14380;
	s23 =	simm.s32 $0x14780  }
0x8: {  	s24 =	simm.s32 $0x14B80;
	s25 =	simm.s32 $0x14F80;
	s26 =	simm.s32 $0x0  }
0x9: {  	[smem:$0x7FF] =	sst s2;
	s3 =	sand.u32 $0x1, s3;
	s4 =	sshll.u32 s4, $0x9  }
0xa: {  	s7 =	sshll.u32 s3, $0x8;
	s8 =	ssub.s32 $0x2, s3;
	_ =	strace $0x80000047  }
0xb: {  	s3 =	sadd.s32 $0x1E86000, s0;
	s7 =	sor.u32 s7, s4;
	s31 =	sshrl.u32 s8, $0x1  }
0xc: {  	s0 =	sadd.s32 s7, s0;
	s13 =	ssub.s32 s8, s31;
	s4 =	sadd.s32 s1, s7  }
0xd: {  	s5 =	sadd.s32 s5, s7;
	s6 =	sadd.s32 s6, s7;
	s7 =	sadd.s32 $0x1800, s0  }
0xe: {  	v0 =	vlaneseq.u32;
	s8 =	sadd.s32 $0x3800, s0;
	s9 =	sadd.s32 $0x5800, s0;
	s10 =	sadd.s32 $0x7800, s0  }
0xf: {  	v0 =	vmul.u32 $0x80, v0;
	s11 =	sadd.s32 $0x9800, s0;
	s12 =	sadd.s32 $0xB800, s0;
	s13 =	smax.u32 s13, $0x1  }
.LBB2_1:
0x10: {  	[tilespmem:s2], [sflag:$0x3] =	stream.linear.gather [hbm4b:s4+s2], $0x800, $0x38;
	[tilespmem:$0x15000] =	vst v63  }
0x11: {  	_ =	swait.ge [sflag:s14], $0x800  }
0x12: {  	[sflag:s14] =	ssyncset.done $0x0  }
0x13: {  	s0 =	simm.s32 $0x0;
	[sflag:s14] =	ssyncadd.s32 $0xFFFFF800  }
0x14: {  	s1 =	simm.s32 $0x40;
	v1 =	vld [tilespmem:s0+$0x0]  }
.LBB2_2:
0x15: {  	p0 =	sne.s32 s1, $0x1FC0  }
.Ltmp0:
0x16: {  	_ = 	snop;
	(pc) =	sbr.rel @p0 .LBB2_2-.Ltmp0, $3  }
0x17: {  	_ =	sdelay $0x1  }
0x18: {  	s16 =	sshra.s32 s1, $0x2;
	s1 =	sadd.s32 $0x40, s1;
	v2 =	vshra.s32 v1, $0x4  }
0x19: {  	v1 =	vld [tilespmem:s16+$0x0];
	[tilespmem:s0+$0x800] =	vst v2;
	s0 =	smov.u32 s16  }
0x1a: {  	_ =	sdelay $0x3  }
0x1b: {  	v1 =	vshra.s32 v1, $0x4  }
0x1c: {  	s1 =	simm.s32 $0x800;
	[tilespmem:s0+$0x800] =	vst v1  }
0x1d: {  	[tilespmem:s17], [sflag:$0x1] =	stream.indirect.gather [hbm4b:s3+s15], $0x80, s1, s15, $0xb8;
	[tilespmem:$0x15000] =	vst v63  }
0x1e: {  	s16 =	simm.s32 $0x900  }
0x1f: {  	[tilespmem:s19], [sflag:$0x2] =	stream.indirect.gather [hbm4b:s3+s15], $0x80, s16, s15, $0xb8;
	[tilespmem:$0x15000] =	vst v63  }
0x20: {  	_ =	swait.ge [sflag:s20], $0x8000  }
0x21: {  	[sflag:s20] =	ssyncset.done $0x0  }
0x22: {  	s28 =	simm.s32 $0x0;
	[sflag:s20] =	ssyncadd.s32 $0xFFFF8000  }
0x23: {  	v1 =	vld [tilespmem:s28+$0x0];
	_ =	sdelay $0x3  }
0x24: {  	v2 =	vmov s28  }
0x25: {  	v2 =	vshll.u32 v2, $0x7;
	v1 =	vshll.u32 v1, $0x3  }
0x26: {  	v2 =	vor.u32 v0, v2;
	v1 =	vand.u32 $0x78, v1  }
0x27: {  	v1 =	vor.u32 v2, v1;
	_ =	sdelay $0x4  }
0x28: {  	v2 =	vld.idx.msk [tilespmem:v1+s17+$0x0], $0xffff  }
0x29: {  	v3 =	vor.u32 $0x1, v1;
	_ =	sdelay $0x1  }
0x2a: {  	s18 =	sand.u32 $0x70, s28;
	s1 =	sand.u32 $0x400, s28  }
0x2b: {  	s0 =	sor.u32 s18, s1  }
0x2c: {  	[tilespmem:s0+$0x11000] =	vst v2  }
0x2d: {  	v2 =	vld.idx.msk [tilespmem:v3+s17+$0x0], $0xffff  }
0x2e: {  	v3 =	vor.u32 $0x2, v1;
	_ =	sdelay $0x3  }
0x2f: {  	[tilespmem:s0+$0x11080] =	vst v2  }
0x30: {  	v2 =	vld.idx.msk [tilespmem:v3+s17+$0x0], $0xffff  }
0x31: {  	v3 =	vor.u32 $0x3, v1;
	_ =	sdelay $0x3  }
0x32: {  	[tilespmem:s0+$0x11100] =	vst v2  }
0x33: {  	v2 =	vld.idx.msk [tilespmem:v3+s17+$0x0], $0xffff  }
0x34: {  	v3 =	vor.u32 $0x4, v1;
	_ =	sdelay $0x3  }
0x35: {  	[tilespmem:s0+$0x11180] =	vst v2  }
0x36: {  	v2 =	vld.idx.msk [tilespmem:v3+s17+$0x0], $0xffff  }
0x37: {  	v3 =	vor.u32 $0x5, v1;
	_ =	sdelay $0x3  }
0x38: {  	[tilespmem:s0+$0x11200] =	vst v2  }
0x39: {  	v2 =	vld.idx.msk [tilespmem:v3+s17+$0x0], $0xffff  }
0x3a: {  	v3 =	vor.u32 $0x6, v1;
	_ =	sdelay $0x3  }
0x3b: {  	[tilespmem:s0+$0x11280] =	vst v2  }
0x3c: {  	v2 =	vld.idx.msk [tilespmem:v3+s17+$0x0], $0xffff  }
0x3d: {  	v1 =	vor.u32 $0x7, v1;
	_ =	sdelay $0x3  }
0x3e: {  	[tilespmem:s0+$0x11300] =	vst v2  }
0x3f: {  	v1 =	vld.idx.msk [tilespmem:v1+s17+$0x0], $0xffff;
	_ =	sdelay $0x2  }
0x40: {  	s31 =	sor.u32 s28, s28  }
0x41: {  	s29 =	simm.s32 $0x10;
	s30 =	simm.s32 $0x0;
	s0 =	sor.u32 $0x380, s31  }
.LBB2_4:
0x42: {  	p0 =	sne.s32 s29, $0xF0;
	[tilespmem:s0+$0x11000] =	vst v1;
	s28 =	sadd.s32 $0x80, s28;
	s30 =	sadd.s32 $0x10, s30  }
0x43: {  	s31 =	smov.u32 s29;
	s29 =	sadd.s32 $0x10, s29;
	v1 =	vld [tilespmem:s30+$0x0];
	_ =	sdelay $0x3  }
0x44: {  	v2 =	vmov s31  }
0x45: {  	v2 =	vshll.u32 v2, $0x7;
	v1 =	vshll.u32 v1, $0x3  }
0x46: {  	v2 =	vor.u32 v0, v2;
	v1 =	vand.u32 $0x78, v1  }
0x47: {  	v1 =	vor.u32 v2, v1;
	_ =	sdelay $0x4  }
0x48: {  	v2 =	vld.idx.msk [tilespmem:v1+s17+$0x0], $0xffff;
	_ =	sdelay $0x1  }
0x49: {  	v3 =	vor.u32 $0x1, v1;
	_ =	sdelay $0x1  }
0x4a: {  	s0 =	sand.u32 $0x70, s31;
	s1 =	sand.u32 $0x400, s28  }
0x4b: {  	s0 =	sor.u32 s0, s1  }
0x4c: {  	[tilespmem:s0+$0x11000] =	vst v2  }
0x4d: {  	v2 =	vld.idx.msk [tilespmem:v3+s17+$0x0], $0xffff;
	_ =	sdelay $0x1  }
0x4e: {  	v3 =	vor.u32 $0x2, v1;
	_ =	sdelay $0x3  }
0x4f: {  	[tilespmem:s0+$0x11080] =	vst v2  }
0x50: {  	v2 =	vld.idx.msk [tilespmem:v3+s17+$0x0], $0xffff;
	_ =	sdelay $0x1  }
0x51: {  	v3 =	vor.u32 $0x3, v1;
	_ =	sdelay $0x3  }
0x52: {  	[tilespmem:s0+$0x11100] =	vst v2  }
0x53: {  	v2 =	vld.idx.msk [tilespmem:v3+s17+$0x0], $0xffff;
	_ =	sdelay $0x1  }
0x54: {  	v3 =	vor.u32 $0x4, v1;
	_ =	sdelay $0x3  }
0x55: {  	[tilespmem:s0+$0x11180] =	vst v2  }
0x56: {  	v2 =	vld.idx.msk [tilespmem:v3+s17+$0x0], $0xffff;
	_ =	sdelay $0x1  }
0x57: {  	v3 =	vor.u32 $0x5, v1;
	_ =	sdelay $0x3  }
0x58: {  	[tilespmem:s0+$0x11200] =	vst v2  }
0x59: {  	v2 =	vld.idx.msk [tilespmem:v3+s17+$0x0], $0xffff;
	_ =	sdelay $0x1  }
0x5a: {  	v3 =	vor.u32 $0x6, v1;
	_ =	sdelay $0x3  }
0x5b: {  	[tilespmem:s0+$0x11280] =	vst v2  }
0x5c: {  	v2 =	vld.idx.msk [tilespmem:v3+s17+$0x0], $0xffff;
	_ =	sdelay $0x1  }
0x5d: {  	v1 =	vor.u32 $0x7, v1;
	_ =	sdelay $0x3  }
0x5e: {  	[tilespmem:s0+$0x11300] =	vst v2  }
0x5f: {  	v1 =	vld.idx.msk [tilespmem:v1+s17+$0x0], $0xffff  }
.Ltmp1:
0x60: {  	(pc) =	sbr.rel @p0 .LBB2_4-.Ltmp1, $3  }
0x61: {  	_ =	sdelay $0x1  }
0x62: {  	s0 =	sor.u32 s28, s31  }
0x63: {  	s0 =	sor.u32 $0x380, s0  }
0x64: {  	[tilespmem:s0+$0x11000] =	vst v1;
	s16 =	simm.s32 $0xA00  }
0x65: {  	[tilespmem:s17], [sflag:$0x1] =	stream.indirect.gather [hbm4b:s3+s15], $0x80, s16, s15, $0xb8;
	[tilespmem:$0x15000] =	vst v63  }
0x66: {  	s0 =	simm.s32 $0x0;
	s1 =	simm.s32 $0x100;
	_ =	swait.ge [sflag:s22], $0x8000  }
0x67: {  	s16 =	sand.u32 $0x70, s0;
	s1 =	sand.u32 $0x180, s1;
	[sflag:s22] =	ssyncset.done $0x0  }
0x68: {  	s1 =	sor.u32 s16, s1;
	[sflag:s22] =	ssyncadd.s32 $0xFFFF8000  }
0x69: {  	v1 =	vld [tilespmem:s1+$0x0];
	_ =	sdelay $0x3  }
0x6a: {  	v2 =	vmov s0  }
0x6b: {  	v2 =	vshll.u32 v2, $0x7;
	v1 =	vshll.u32 v1, $0x3  }
0x6c: {  	v2 =	vor.u32 v0, v2;
	v1 =	vand.u32 $0x78, v1  }
0x6d: {  	v1 =	vor.u32 v2, v1;
	_ =	sdelay $0x4  }
0x6e: {  	v2 =	vld.idx.msk [tilespmem:v1+s19+$0x0], $0xffff  }
0x6f: {  	v3 =	vor.u32 $0x1, v1  }
0x70: {  	s18 =	simm.s32 $0x800  }
0x71: {  	s28 =	sand.u32 $0xC00, s18  }
0x72: {  	s16 =	sor.u32 s16, s28  }
0x73: {  	[tilespmem:s16+$0x11000] =	vst v2  }
0x74: {  	v2 =	vld.idx.msk [tilespmem:v3+s19+$0x0], $0xffff  }
0x75: {  	v3 =	vor.u32 $0x2, v1;
	_ =	sdelay $0x3  }
0x76: {  	[tilespmem:s16+$0x11080] =	vst v2  }
0x77: {  	v2 =	vld.idx.msk [tilespmem:v3+s19+$0x0], $0xffff  }
0x78: {  	v3 =	vor.u32 $0x3, v1;
	_ =	sdelay $0x3  }
0x79: {  	[tilespmem:s16+$0x11100] =	vst v2  }
0x7a: {  	v2 =	vld.idx.msk [tilespmem:v3+s19+$0x0], $0xffff  }
0x7b: {  	v3 =	vor.u32 $0x4, v1;
	_ =	sdelay $0x3  }
0x7c: {  	[tilespmem:s16+$0x11180] =	vst v2  }
0x7d: {  	v2 =	vld.idx.msk [tilespmem:v3+s19+$0x0], $0xffff  }
0x7e: {  	v3 =	vor.u32 $0x5, v1;
	_ =	sdelay $0x3  }
0x7f: {  	[tilespmem:s16+$0x11200] =	vst v2  }
0x80: {  	v2 =	vld.idx.msk [tilespmem:v3+s19+$0x0], $0xffff  }
0x81: {  	v3 =	vor.u32 $0x6, v1;
	_ =	sdelay $0x3  }
0x82: {  	[tilespmem:s16+$0x11280] =	vst v2  }
0x83: {  	v2 =	vld.idx.msk [tilespmem:v3+s19+$0x0], $0xffff  }
0x84: {  	v1 =	vor.u32 $0x7, v1;
	_ =	sdelay $0x3  }
0x85: {  	[tilespmem:s16+$0x11300] =	vst v2  }
0x86: {  	v1 =	vld.idx.msk [tilespmem:v1+s19+$0x0], $0xffff  }
0x87: {  	s29 =	simm.s32 $0x10;
	s30 =	simm.s32 $0x900;
	s31 =	sor.u32 s18, s0  }
0x88: {  	s18 =	simm.s32 $0x110;
	s0 =	sand.u32 $0x70, s29;
	s28 =	simm.s32 $0x880  }
0x89: {  	s31 =	sor.u32 $0x380, s31;
	s1 =	sor.u32 s28, s29;
	s16 =	sand.u32 $0x180, s18  }
.LBB2_6:
0x8a: {  	p0 =	sne.s32 s30, $0xF80;
	s16 =	sor.u32 s0, s16  }
0x8b: {  	[tilespmem:s31+$0x11000] =	vst v1;
	s18 =	smov.u32 s30;
	s30 =	sadd.s32 $0x80, s30;
	s31 =	smov.u32 s1  }
0x8c: {  	v1 =	vld [tilespmem:s16+$0x0];
	_ =	sdelay $0x3  }
0x8d: {  	v2 =	vmov s29  }
0x8e: {  	v2 =	vshll.u32 v2, $0x7;
	v1 =	vshll.u32 v1, $0x3  }
0x8f: {  	v2 =	vor.u32 v0, v2;
	v1 =	vand.u32 $0x78, v1  }
0x90: {  	v1 =	vor.u32 v2, v1;
	_ =	sdelay $0x4  }
0x91: {  	v2 =	vld.idx.msk [tilespmem:v1+s19+$0x0], $0xffff;
	_ =	sdelay $0x1  }
0x92: {  	v3 =	vor.u32 $0x1, v1;
	_ =	sdelay $0x1  }
0x93: {  	s1 =	sand.u32 $0xC00, s28;
	s28 =	smov.u32 s18  }
0x94: {  	s0 =	sor.u32 s0, s1  }
0x95: {  	[tilespmem:s0+$0x11000] =	vst v2  }
0x96: {  	v2 =	vld.idx.msk [tilespmem:v3+s19+$0x0], $0xffff;
	_ =	sdelay $0x1  }
0x97: {  	v3 =	vor.u32 $0x2, v1;
	_ =	sdelay $0x3  }
0x98: {  	[tilespmem:s0+$0x11080] =	vst v2  }
0x99: {  	v2 =	vld.idx.msk [tilespmem:v3+s19+$0x0], $0xffff;
	_ =	sdelay $0x1  }
0x9a: {  	v3 =	vor.u32 $0x3, v1;
	_ =	sdelay $0x3  }
0x9b: {  	[tilespmem:s0+$0x11100] =	vst v2  }
0x9c: {  	v2 =	vld.idx.msk [tilespmem:v3+s19+$0x0], $0xffff;
	_ =	sdelay $0x1  }
0x9d: {  	v3 =	vor.u32 $0x4, v1;
	_ =	sdelay $0x3  }
0x9e: {  	[tilespmem:s0+$0x11180] =	vst v2  }
0x9f: {  	v2 =	vld.idx.msk [tilespmem:v3+s19+$0x0], $0xffff;
	_ =	sdelay $0x1  }
0xa0: {  	v3 =	vor.u32 $0x5, v1;
	_ =	sdelay $0x3  }
0xa1: {  	[tilespmem:s0+$0x11200] =	vst v2  }
0xa2: {  	v2 =	vld.idx.msk [tilespmem:v3+s19+$0x0], $0xffff;
	_ =	sdelay $0x1  }
0xa3: {  	v3 =	vor.u32 $0x6, v1;
	_ =	sdelay $0x3  }
0xa4: {  	[tilespmem:s0+$0x11280] =	vst v2  }
0xa5: {  	v2 =	vld.idx.msk [tilespmem:v3+s19+$0x0], $0xffff;
	_ =	sdelay $0x1  }
0xa6: {  	v1 =	vor.u32 $0x7, v1;
	_ =	sdelay $0x3  }
0xa7: {  	[tilespmem:s0+$0x11300] =	vst v2  }
0xa8: {  	v1 =	vld.idx.msk [tilespmem:v1+s19+$0x0], $0xffff  }
.Ltmp2:
0xa9: {  	(pc) =	sbr.rel @p0 .LBB2_6-.Ltmp2, $4  }
0xaa: {  	_ = 	snop  }
0xab: {  	s29 =	sadd.s32 $0x10, s29  }
0xac: {  	s16 =	sadd.s32 $0x100, s29;
	s1 =	sor.u32 s28, s29  }
0xad: {  	s31 =	sor.u32 $0x380, s31;
	s16 =	sand.u32 $0x180, s16;
	s0 =	sand.u32 $0x70, s29  }
0xae: {  	s16 =	sor.u32 s0, s16;
	[tilespmem:s31+$0x11000] =	vst v1  }
0xaf: {  	v1 =	vld [tilespmem:s16+$0x0];
	_ =	sdelay $0x3  }
0xb0: {  	v2 =	vmov s29  }
0xb1: {  	v2 =	vshll.u32 v2, $0x7;
	v1 =	vshll.u32 v1, $0x3  }
0xb2: {  	v2 =	vor.u32 v0, v2;
	v1 =	vand.u32 $0x78, v1  }
0xb3: {  	v1 =	vor.u32 v2, v1;
	_ =	sdelay $0x4  }
0xb4: {  	v2 =	vld.idx.msk [tilespmem:v1+s19+$0x0], $0xffff  }
0xb5: {  	v3 =	vor.u32 $0x1, v1;
	_ =	sdelay $0x1  }
0xb6: {  	s18 =	sand.u32 $0xC00, s28  }
0xb7: {  	s18 =	sor.u32 s0, s18  }
0xb8: {  	[tilespmem:s18+$0x11000] =	vst v2  }
0xb9: {  	v2 =	vld.idx.msk [tilespmem:v3+s19+$0x0], $0xffff  }
0xba: {  	v3 =	vor.u32 $0x2, v1;
	_ =	sdelay $0x3  }
0xbb: {  	[tilespmem:s18+$0x11080] =	vst v2  }
0xbc: {  	v2 =	vld.idx.msk [tilespmem:v3+s19+$0x0], $0xffff  }
0xbd: {  	v3 =	vor.u32 $0x3, v1;
	_ =	sdelay $0x3  }
0xbe: {  	[tilespmem:s18+$0x11100] =	vst v2  }
0xbf: {  	v2 =	vld.idx.msk [tilespmem:v3+s19+$0x0], $0xffff  }
0xc0: {  	v3 =	vor.u32 $0x4, v1;
	_ =	sdelay $0x3  }
0xc1: {  	[tilespmem:s18+$0x11180] =	vst v2  }
0xc2: {  	v2 =	vld.idx.msk [tilespmem:v3+s19+$0x0], $0xffff  }
0xc3: {  	v3 =	vor.u32 $0x5, v1;
	_ =	sdelay $0x3  }
0xc4: {  	[tilespmem:s18+$0x11200] =	vst v2  }
0xc5: {  	v2 =	vld.idx.msk [tilespmem:v3+s19+$0x0], $0xffff  }
0xc6: {  	v3 =	vor.u32 $0x6, v1;
	_ =	sdelay $0x3  }
0xc7: {  	[tilespmem:s18+$0x11280] =	vst v2  }
0xc8: {  	v2 =	vld.idx.msk [tilespmem:v3+s19+$0x0], $0xffff  }
0xc9: {  	v1 =	vor.u32 $0x7, v1;
	_ =	sdelay $0x3  }
0xca: {  	[tilespmem:s18+$0x11300] =	vst v2  }
0xcb: {  	v1 =	vld.idx.msk [tilespmem:v1+s19+$0x0], $0xffff;
	_ =	sdelay $0x3  }
0xcc: {  	s1 =	sor.u32 $0x380, s1  }
0xcd: {  	s16 =	simm.s32 $0xB00;
	[tilespmem:s1+$0x11000] =	vst v1  }
0xce: {  	[tilespmem:s19], [sflag:$0x2] =	stream.indirect.gather [hbm4b:s3+s15], $0x80, s16, s15, $0xb8;
	[tilespmem:$0x15000] =	vst v63  }
0xcf: {  	s0 =	simm.s32 $0x0;
	s18 =	simm.s32 $0x200;
	_ =	swait.ge [sflag:s20], $0x8000  }
0xd0: {  	s1 =	sand.u32 $0x280, s18;
	s16 =	sand.u32 $0x70, s0;
	[sflag:s20] =	ssyncset.done $0x0  }
0xd1: {  	s1 =	sor.u32 s16, s1;
	[sflag:s20] =	ssyncadd.s32 $0xFFFF8000  }
0xd2: {  	v1 =	vld [tilespmem:s1+$0x0];
	_ =	sdelay $0x3  }
0xd3: {  	v2 =	vmov s0  }
0xd4: {  	v2 =	vshll.u32 v2, $0x7;
	v1 =	vshll.u32 v1, $0x3  }
0xd5: {  	v2 =	vor.u32 v0, v2;
	v1 =	vand.u32 $0x78, v1  }
0xd6: {  	v1 =	vor.u32 v2, v1;
	_ =	sdelay $0x4  }
0xd7: {  	v2 =	vld.idx.msk [tilespmem:v1+s17+$0x0], $0xffff  }
0xd8: {  	v3 =	vor.u32 $0x1, v1  }
0xd9: {  	s1 =	simm.s32 $0x1000  }
0xda: {  	s18 =	sand.u32 $0x1400, s1  }
0xdb: {  	s16 =	sor.u32 s16, s18  }
0xdc: {  	[tilespmem:s16+$0x11000] =	vst v2  }
0xdd: {  	v2 =	vld.idx.msk [tilespmem:v3+s17+$0x0], $0xffff  }
0xde: {  	v3 =	vor.u32 $0x2, v1;
	_ =	sdelay $0x2  }
0xdf: {  	s16 =	sadd.s32 $0x11000, s16  }
0xe0: {  	[tilespmem:s16+$0x80] =	vst v2  }
0xe1: {  	v2 =	vld.idx.msk [tilespmem:v3+s17+$0x0], $0xffff  }
0xe2: {  	v3 =	vor.u32 $0x3, v1;
	_ =	sdelay $0x3  }
0xe3: {  	[tilespmem:s16+$0x100] =	vst v2  }
0xe4: {  	v2 =	vld.idx.msk [tilespmem:v3+s17+$0x0], $0xffff  }
0xe5: {  	v3 =	vor.u32 $0x4, v1;
	_ =	sdelay $0x3  }
0xe6: {  	[tilespmem:s16+$0x180] =	vst v2  }
0xe7: {  	v2 =	vld.idx.msk [tilespmem:v3+s17+$0x0], $0xffff  }
0xe8: {  	v3 =	vor.u32 $0x5, v1;
	_ =	sdelay $0x3  }
0xe9: {  	[tilespmem:s16+$0x200] =	vst v2  }
0xea: {  	v2 =	vld.idx.msk [tilespmem:v3+s17+$0x0], $0xffff  }
0xeb: {  	v3 =	vor.u32 $0x6, v1;
	_ =	sdelay $0x3  }
0xec: {  	[tilespmem:s16+$0x280] =	vst v2  }
0xed: {  	v2 =	vld.idx.msk [tilespmem:v3+s17+$0x0], $0xffff  }
0xee: {  	v1 =	vor.u32 $0x7, v1;
	_ =	sdelay $0x3  }
0xef: {  	[tilespmem:s16+$0x300] =	vst v2  }
0xf0: {  	v1 =	vld.idx.msk [tilespmem:v1+s17+$0x0], $0xffff  }
0xf1: {  	s28 =	simm.s32 $0x1080;
	s29 =	simm.s32 $0x10;
	s30 =	simm.s32 $0x1100  }
0xf2: {  	s18 =	sor.u32 s1, s0;
	s1 =	sor.u32 s28, s29;
	s16 =	simm.s32 $0x210  }
0xf3: {  	s0 =	sand.u32 $0x70, s29;
	s31 =	sor.u32 $0x380, s18;
	s16 =	sand.u32 $0x280, s16  }
.LBB2_8:
0xf4: {  	p0 =	sne.s32 s30, $0x1780;
	s16 =	sor.u32 s0, s16  }
0xf5: {  	[tilespmem:s31+$0x11000] =	vst v1;
	s18 =	smov.u32 s30;
	s30 =	sadd.s32 $0x80, s30;
	s31 =	smov.u32 s1  }
0xf6: {  	v1 =	vld [tilespmem:s16+$0x0];
	_ =	sdelay $0x3  }
0xf7: {  	v2 =	vmov s29  }
0xf8: {  	v2 =	vshll.u32 v2, $0x7;
	v1 =	vshll.u32 v1, $0x3  }
0xf9: {  	v2 =	vor.u32 v0, v2;
	v1 =	vand.u32 $0x78, v1  }
0xfa: {  	v1 =	vor.u32 v2, v1;
	_ =	sdelay $0x4  }
0xfb: {  	v2 =	vld.idx.msk [tilespmem:v1+s17+$0x0], $0xffff;
	_ =	sdelay $0x1  }
0xfc: {  	v3 =	vor.u32 $0x1, v1;
	_ =	sdelay $0x1  }
0xfd: {  	s1 =	sand.u32 $0x1400, s28;
	s28 =	smov.u32 s18  }
0xfe: {  	s0 =	sor.u32 s0, s1  }
0xff: {  	[tilespmem:s0+$0x11000] =	vst v2  }
0x100: {  	v2 =	vld.idx.msk [tilespmem:v3+s17+$0x0], $0xffff;
	_ =	sdelay $0x1  }
0x101: {  	v3 =	vor.u32 $0x2, v1;
	_ =	sdelay $0x2  }
0x102: {  	s0 =	sadd.s32 $0x11000, s0  }
0x103: {  	[tilespmem:s0+$0x80] =	vst v2  }
0x104: {  	v2 =	vld.idx.msk [tilespmem:v3+s17+$0x0], $0xffff;
	_ =	sdelay $0x1  }
0x105: {  	v3 =	vor.u32 $0x3, v1;
	_ =	sdelay $0x3  }
0x106: {  	[tilespmem:s0+$0x100] =	vst v2  }
0x107: {  	v2 =	vld.idx.msk [tilespmem:v3+s17+$0x0], $0xffff;
	_ =	sdelay $0x1  }
0x108: {  	v3 =	vor.u32 $0x4, v1;
	_ =	sdelay $0x3  }
0x109: {  	[tilespmem:s0+$0x180] =	vst v2  }
0x10a: {  	v2 =	vld.idx.msk [tilespmem:v3+s17+$0x0], $0xffff;
	_ =	sdelay $0x1  }
0x10b: {  	v3 =	vor.u32 $0x5, v1;
	_ =	sdelay $0x3  }
0x10c: {  	[tilespmem:s0+$0x200] =	vst v2  }
0x10d: {  	v2 =	vld.idx.msk [tilespmem:v3+s17+$0x0], $0xffff;
	_ =	sdelay $0x1  }
0x10e: {  	v3 =	vor.u32 $0x6, v1;
	_ =	sdelay $0x3  }
0x10f: {  	[tilespmem:s0+$0x280] =	vst v2  }
0x110: {  	v2 =	vld.idx.msk [tilespmem:v3+s17+$0x0], $0xffff;
	_ =	sdelay $0x1  }
0x111: {  	v1 =	vor.u32 $0x7, v1;
	_ =	sdelay $0x3  }
0x112: {  	[tilespmem:s0+$0x300] =	vst v2  }
0x113: {  	v1 =	vld.idx.msk [tilespmem:v1+s17+$0x0], $0xffff  }
.Ltmp3:
0x114: {  	(pc) =	sbr.rel @p0 .LBB2_8-.Ltmp3, $4  }
0x115: {  	_ = 	snop  }
0x116: {  	s29 =	sadd.s32 $0x10, s29  }
0x117: {  	s16 =	sadd.s32 $0x200, s29;
	s1 =	sor.u32 s28, s29  }
0x118: {  	s31 =	sor.u32 $0x380, s31;
	s16 =	sand.u32 $0x280, s16;
	s0 =	sand.u32 $0x70, s29  }
0x119: {  	s16 =	sor.u32 s0, s16;
	[tilespmem:s31+$0x11000] =	vst v1  }
0x11a: {  	v1 =	vld [tilespmem:s16+$0x0];
	_ =	sdelay $0x3  }
0x11b: {  	v2 =	vmov s29  }
0x11c: {  	v2 =	vshll.u32 v2, $0x7;
	v1 =	vshll.u32 v1, $0x3  }
0x11d: {  	v2 =	vor.u32 v0, v2;
	v1 =	vand.u32 $0x78, v1  }
0x11e: {  	v1 =	vor.u32 v2, v1;
	_ =	sdelay $0x4  }
0x11f: {  	v2 =	vld.idx.msk [tilespmem:v1+s17+$0x0], $0xffff  }
0x120: {  	v3 =	vor.u32 $0x1, v1;
	_ =	sdelay $0x1  }
0x121: {  	s18 =	sand.u32 $0x1400, s28  }
0x122: {  	s18 =	sor.u32 s0, s18  }
0x123: {  	[tilespmem:s18+$0x11000] =	vst v2  }
0x124: {  	v2 =	vld.idx.msk [tilespmem:v3+s17+$0x0], $0xffff  }
0x125: {  	v3 =	vor.u32 $0x2, v1;
	_ =	sdelay $0x2  }
0x126: {  	s0 =	sadd.s32 $0x11000, s18  }
0x127: {  	[tilespmem:s0+$0x80] =	vst v2  }
0x128: {  	v2 =	vld.idx.msk [tilespmem:v3+s17+$0x0], $0xffff  }
0x129: {  	v3 =	vor.u32 $0x3, v1;
	_ =	sdelay $0x3  }
0x12a: {  	[tilespmem:s0+$0x100] =	vst v2  }
0x12b: {  	v2 =	vld.idx.msk [tilespmem:v3+s17+$0x0], $0xffff  }
0x12c: {  	v3 =	vor.u32 $0x4, v1;
	_ =	sdelay $0x3  }
0x12d: {  	[tilespmem:s0+$0x180] =	vst v2  }
0x12e: {  	v2 =	vld.idx.msk [tilespmem:v3+s17+$0x0], $0xffff  }
0x12f: {  	v3 =	vor.u32 $0x5, v1;
	_ =	sdelay $0x3  }
0x130: {  	[tilespmem:s0+$0x200] =	vst v2  }
0x131: {  	v2 =	vld.idx.msk [tilespmem:v3+s17+$0x0], $0xffff  }
0x132: {  	v3 =	vor.u32 $0x6, v1;
	_ =	sdelay $0x3  }
0x133: {  	[tilespmem:s0+$0x280] =	vst v2  }
0x134: {  	v2 =	vld.idx.msk [tilespmem:v3+s17+$0x0], $0xffff  }
0x135: {  	v1 =	vor.u32 $0x7, v1;
	_ =	sdelay $0x3  }
0x136: {  	[tilespmem:s0+$0x300] =	vst v2  }
0x137: {  	v1 =	vld.idx.msk [tilespmem:v1+s17+$0x0], $0xffff;
	_ =	sdelay $0x3  }
0x138: {  	s1 =	sor.u32 $0x380, s1  }
0x139: {  	s16 =	simm.s32 $0xC00;
	[tilespmem:s1+$0x11000] =	vst v1  }
0x13a: {  	[tilespmem:s17], [sflag:$0x1] =	stream.indirect.gather [hbm4b:s3+s15], $0x80, s16, s15, $0xb8;
	[tilespmem:$0x15000] =	vst v63  }
0x13b: {  	s18 =	simm.s32 $0x300;
	s0 =	simm.s32 $0x0;
	_ =	swait.ge [sflag:s22], $0x8000  }
0x13c: {  	s1 =	sand.u32 $0x380, s18;
	s16 =	sand.u32 $0x70, s0;
	[sflag:s22] =	ssyncset.done $0x0  }
0x13d: {  	s1 =	sor.u32 s16, s1;
	[sflag:s22] =	ssyncadd.s32 $0xFFFF8000  }
0x13e: {  	v1 =	vld [tilespmem:s1+$0x0];
	_ =	sdelay $0x3  }
0x13f: {  	v2 =	vmov s0  }
0x140: {  	v2 =	vshll.u32 v2, $0x7;
	v1 =	vshll.u32 v1, $0x3  }
0x141: {  	v2 =	vor.u32 v0, v2;
	v1 =	vand.u32 $0x78, v1  }
0x142: {  	v1 =	vor.u32 v2, v1;
	_ =	sdelay $0x4  }
0x143: {  	v2 =	vld.idx.msk [tilespmem:v1+s19+$0x0], $0xffff  }
0x144: {  	v3 =	vor.u32 $0x1, v1  }
0x145: {  	s1 =	simm.s32 $0x1800  }
0x146: {  	s18 =	sand.u32 $0x1C00, s1  }
0x147: {  	s16 =	sor.u32 s16, s18  }
0x148: {  	[tilespmem:s16+$0x11000] =	vst v2  }
0x149: {  	v2 =	vld.idx.msk [tilespmem:v3+s19+$0x0], $0xffff  }
0x14a: {  	v3 =	vor.u32 $0x2, v1;
	_ =	sdelay $0x2  }
0x14b: {  	s16 =	sadd.s32 $0x11000, s16  }
0x14c: {  	[tilespmem:s16+$0x80] =	vst v2  }
0x14d: {  	v2 =	vld.idx.msk [tilespmem:v3+s19+$0x0], $0xffff  }
0x14e: {  	v3 =	vor.u32 $0x3, v1;
	_ =	sdelay $0x3  }
0x14f: {  	[tilespmem:s16+$0x100] =	vst v2  }
0x150: {  	v2 =	vld.idx.msk [tilespmem:v3+s19+$0x0], $0xffff  }
0x151: {  	v3 =	vor.u32 $0x4, v1;
	_ =	sdelay $0x3  }
0x152: {  	[tilespmem:s16+$0x180] =	vst v2  }
0x153: {  	v2 =	vld.idx.msk [tilespmem:v3+s19+$0x0], $0xffff  }
0x154: {  	v3 =	vor.u32 $0x5, v1;
	_ =	sdelay $0x3  }
0x155: {  	[tilespmem:s16+$0x200] =	vst v2  }
0x156: {  	v2 =	vld.idx.msk [tilespmem:v3+s19+$0x0], $0xffff  }
0x157: {  	v3 =	vor.u32 $0x6, v1;
	_ =	sdelay $0x3  }
0x158: {  	[tilespmem:s16+$0x280] =	vst v2  }
0x159: {  	v2 =	vld.idx.msk [tilespmem:v3+s19+$0x0], $0xffff  }
0x15a: {  	v1 =	vor.u32 $0x7, v1;
	_ =	sdelay $0x3  }
0x15b: {  	[tilespmem:s16+$0x300] =	vst v2  }
0x15c: {  	v1 =	vld.idx.msk [tilespmem:v1+s19+$0x0], $0xffff  }
0x15d: {  	s28 =	simm.s32 $0x1880;
	s29 =	simm.s32 $0x10;
	s30 =	simm.s32 $0x1900  }
0x15e: {  	s18 =	sor.u32 s1, s0;
	s1 =	sor.u32 s28, s29;
	s16 =	simm.s32 $0x310  }
0x15f: {  	s0 =	sand.u32 $0x70, s29;
	s31 =	sor.u32 $0x380, s18;
	s16 =	sand.u32 $0x380, s16  }
.LBB2_10:
0x160: {  	p0 =	sne.s32 s30, $0x1F80;
	s16 =	sor.u32 s0, s16  }
0x161: {  	[tilespmem:s31+$0x11000] =	vst v1;
	s18 =	smov.u32 s30;
	s30 =	sadd.s32 $0x80, s30;
	s31 =	smov.u32 s1  }
0x162: {  	v1 =	vld [tilespmem:s16+$0x0];
	_ =	sdelay $0x3  }
0x163: {  	v2 =	vmov s29  }
0x164: {  	v2 =	vshll.u32 v2, $0x7;
	v1 =	vshll.u32 v1, $0x3  }
0x165: {  	v2 =	vor.u32 v0, v2;
	v1 =	vand.u32 $0x78, v1  }
0x166: {  	v1 =	vor.u32 v2, v1;
	_ =	sdelay $0x4  }
0x167: {  	v2 =	vld.idx.msk [tilespmem:v1+s19+$0x0], $0xffff;
	_ =	sdelay $0x1  }
0x168: {  	v3 =	vor.u32 $0x1, v1;
	_ =	sdelay $0x1  }
0x169: {  	s1 =	sand.u32 $0x1C00, s28;
	s28 =	smov.u32 s18  }
0x16a: {  	s0 =	sor.u32 s0, s1  }
0x16b: {  	[tilespmem:s0+$0x11000] =	vst v2  }
0x16c: {  	v2 =	vld.idx.msk [tilespmem:v3+s19+$0x0], $0xffff;
	_ =	sdelay $0x1  }
0x16d: {  	v3 =	vor.u32 $0x2, v1;
	_ =	sdelay $0x2  }
0x16e: {  	s0 =	sadd.s32 $0x11000, s0  }
0x16f: {  	[tilespmem:s0+$0x80] =	vst v2  }
0x170: {  	v2 =	vld.idx.msk [tilespmem:v3+s19+$0x0], $0xffff;
	_ =	sdelay $0x1  }
0x171: {  	v3 =	vor.u32 $0x3, v1;
	_ =	sdelay $0x3  }
0x172: {  	[tilespmem:s0+$0x100] =	vst v2  }
0x173: {  	v2 =	vld.idx.msk [tilespmem:v3+s19+$0x0], $0xffff;
	_ =	sdelay $0x1  }
0x174: {  	v3 =	vor.u32 $0x4, v1;
	_ =	sdelay $0x3  }
0x175: {  	[tilespmem:s0+$0x180] =	vst v2  }
0x176: {  	v2 =	vld.idx.msk [tilespmem:v3+s19+$0x0], $0xffff;
	_ =	sdelay $0x1  }
0x177: {  	v3 =	vor.u32 $0x5, v1;
	_ =	sdelay $0x3  }
0x178: {  	[tilespmem:s0+$0x200] =	vst v2  }
0x179: {  	v2 =	vld.idx.msk [tilespmem:v3+s19+$0x0], $0xffff;
	_ =	sdelay $0x1  }
0x17a: {  	v3 =	vor.u32 $0x6, v1;
	_ =	sdelay $0x3  }
0x17b: {  	[tilespmem:s0+$0x280] =	vst v2  }
0x17c: {  	v2 =	vld.idx.msk [tilespmem:v3+s19+$0x0], $0xffff;
	_ =	sdelay $0x1  }
0x17d: {  	v1 =	vor.u32 $0x7, v1;
	_ =	sdelay $0x3  }
0x17e: {  	[tilespmem:s0+$0x300] =	vst v2  }
0x17f: {  	v1 =	vld.idx.msk [tilespmem:v1+s19+$0x0], $0xffff  }
.Ltmp4:
0x180: {  	(pc) =	sbr.rel @p0 .LBB2_10-.Ltmp4, $4  }
0x181: {  	_ = 	snop  }
0x182: {  	s29 =	sadd.s32 $0x10, s29  }
0x183: {  	s16 =	sadd.s32 $0x300, s29;
	s1 =	sor.u32 s28, s29  }
0x184: {  	s31 =	sor.u32 $0x380, s31;
	s16 =	sand.u32 $0x380, s16;
	s0 =	sand.u32 $0x70, s29  }
0x185: {  	s16 =	sor.u32 s0, s16;
	[tilespmem:s31+$0x11000] =	vst v1  }
0x186: {  	v1 =	vld [tilespmem:s16+$0x0];
	_ =	sdelay $0x3  }
0x187: {  	v2 =	vmov s29  }
0x188: {  	v2 =	vshll.u32 v2, $0x7;
	v1 =	vshll.u32 v1, $0x3  }
0x189: {  	v2 =	vor.u32 v0, v2;
	v1 =	vand.u32 $0x78, v1  }
0x18a: {  	v1 =	vor.u32 v2, v1;
	_ =	sdelay $0x4  }
0x18b: {  	v2 =	vld.idx.msk [tilespmem:v1+s19+$0x0], $0xffff  }
0x18c: {  	v3 =	vor.u32 $0x1, v1;
	_ =	sdelay $0x1  }
0x18d: {  	s18 =	sand.u32 $0x1C00, s28  }
0x18e: {  	s18 =	sor.u32 s0, s18  }
0x18f: {  	[tilespmem:s18+$0x11000] =	vst v2  }
0x190: {  	v2 =	vld.idx.msk [tilespmem:v3+s19+$0x0], $0xffff  }
0x191: {  	v3 =	vor.u32 $0x2, v1;
	_ =	sdelay $0x2  }
0x192: {  	s0 =	sadd.s32 $0x11000, s18  }
0x193: {  	[tilespmem:s0+$0x80] =	vst v2  }
0x194: {  	v2 =	vld.idx.msk [tilespmem:v3+s19+$0x0], $0xffff  }
0x195: {  	v3 =	vor.u32 $0x3, v1;
	_ =	sdelay $0x3  }
0x196: {  	[tilespmem:s0+$0x100] =	vst v2  }
0x197: {  	v2 =	vld.idx.msk [tilespmem:v3+s19+$0x0], $0xffff  }
0x198: {  	v3 =	vor.u32 $0x4, v1;
	_ =	sdelay $0x3  }
0x199: {  	[tilespmem:s0+$0x180] =	vst v2  }
0x19a: {  	v2 =	vld.idx.msk [tilespmem:v3+s19+$0x0], $0xffff  }
0x19b: {  	v3 =	vor.u32 $0x5, v1;
	_ =	sdelay $0x3  }
0x19c: {  	[tilespmem:s0+$0x200] =	vst v2  }
0x19d: {  	v2 =	vld.idx.msk [tilespmem:v3+s19+$0x0], $0xffff  }
0x19e: {  	v3 =	vor.u32 $0x6, v1;
	_ =	sdelay $0x3  }
0x19f: {  	[tilespmem:s0+$0x280] =	vst v2  }
0x1a0: {  	v2 =	vld.idx.msk [tilespmem:v3+s19+$0x0], $0xffff  }
0x1a1: {  	v1 =	vor.u32 $0x7, v1;
	_ =	sdelay $0x3  }
0x1a2: {  	[tilespmem:s0+$0x300] =	vst v2  }
0x1a3: {  	v1 =	vld.idx.msk [tilespmem:v1+s19+$0x0], $0xffff;
	_ =	sdelay $0x3  }
0x1a4: {  	s1 =	sor.u32 $0x380, s1  }
0x1a5: {  	s16 =	simm.s32 $0xD00;
	[tilespmem:s1+$0x11000] =	vst v1  }
0x1a6: {  	[tilespmem:s19], [sflag:$0x2] =	stream.indirect.gather [hbm4b:s3+s15], $0x80, s16, s15, $0xb8;
	[tilespmem:$0x15000] =	vst v63  }
0x1a7: {  	s18 =	simm.s32 $0x400;
	s0 =	simm.s32 $0x0;
	_ =	swait.ge [sflag:s20], $0x8000  }
0x1a8: {  	s1 =	sand.u32 $0x480, s18;
	s16 =	sand.u32 $0x70, s0;
	[sflag:s20] =	ssyncset.done $0x0  }
0x1a9: {  	s1 =	sor.u32 s16, s1;
	[sflag:s20] =	ssyncadd.s32 $0xFFFF8000  }
0x1aa: {  	v1 =	vld [tilespmem:s1+$0x0];
	_ =	sdelay $0x3  }
0x1ab: {  	v2 =	vmov s0  }
0x1ac: {  	v2 =	vshll.u32 v2, $0x7;
	v1 =	vshll.u32 v1, $0x3  }
0x1ad: {  	v2 =	vor.u32 v0, v2;
	v1 =	vand.u32 $0x78, v1  }
0x1ae: {  	v1 =	vor.u32 v2, v1;
	_ =	sdelay $0x4  }
0x1af: {  	v2 =	vld.idx.msk [tilespmem:v1+s17+$0x0], $0xffff  }
0x1b0: {  	v3 =	vor.u32 $0x1, v1  }
0x1b1: {  	s1 =	simm.s32 $0x2000  }
0x1b2: {  	s18 =	sand.u32 $0x2400, s1  }
0x1b3: {  	s16 =	sor.u32 s16, s18  }
0x1b4: {  	[tilespmem:s16+$0x11000] =	vst v2  }
0x1b5: {  	v2 =	vld.idx.msk [tilespmem:v3+s17+$0x0], $0xffff  }
0x1b6: {  	v3 =	vor.u32 $0x2, v1;
	_ =	sdelay $0x3  }
0x1b7: {  	[tilespmem:s16+$0x11080] =	vst v2  }
0x1b8: {  	v2 =	vld.idx.msk [tilespmem:v3+s17+$0x0], $0xffff  }
0x1b9: {  	v3 =	vor.u32 $0x3, v1;
	_ =	sdelay $0x3  }
0x1ba: {  	[tilespmem:s16+$0x11100] =	vst v2  }
0x1bb: {  	v2 =	vld.idx.msk [tilespmem:v3+s17+$0x0], $0xffff  }
0x1bc: {  	v3 =	vor.u32 $0x4, v1;
	_ =	sdelay $0x3  }
0x1bd: {  	[tilespmem:s16+$0x11180] =	vst v2  }
0x1be: {  	v2 =	vld.idx.msk [tilespmem:v3+s17+$0x0], $0xffff  }
0x1bf: {  	v3 =	vor.u32 $0x5, v1;
	_ =	sdelay $0x3  }
0x1c0: {  	[tilespmem:s16+$0x11200] =	vst v2  }
0x1c1: {  	v2 =	vld.idx.msk [tilespmem:v3+s17+$0x0], $0xffff  }
0x1c2: {  	v3 =	vor.u32 $0x6, v1;
	_ =	sdelay $0x3  }
0x1c3: {  	[tilespmem:s16+$0x11280] =	vst v2  }
0x1c4: {  	v2 =	vld.idx.msk [tilespmem:v3+s17+$0x0], $0xffff  }
0x1c5: {  	v1 =	vor.u32 $0x7, v1;
	_ =	sdelay $0x3  }
0x1c6: {  	[tilespmem:s16+$0x11300] =	vst v2  }
0x1c7: {  	v1 =	vld.idx.msk [tilespmem:v1+s17+$0x0], $0xffff  }
0x1c8: {  	s28 =	simm.s32 $0x2080;
	s29 =	simm.s32 $0x10;
	s30 =	simm.s32 $0x2100  }
0x1c9: {  	s18 =	sor.u32 s1, s0;
	s1 =	sor.u32 s28, s29;
	s16 =	simm.s32 $0x410  }
0x1ca: {  	s0 =	sand.u32 $0x70, s29;
	s31 =	sor.u32 $0x380, s18;
	s16 =	sand.u32 $0x480, s16  }
.LBB2_12:
0x1cb: {  	p0 =	sne.s32 s30, $0x2780;
	s16 =	sor.u32 s0, s16  }
0x1cc: {  	[tilespmem:s31+$0x11000] =	vst v1;
	s18 =	smov.u32 s30;
	s30 =	sadd.s32 $0x80, s30;
	s31 =	smov.u32 s1  }
0x1cd: {  	v1 =	vld [tilespmem:s16+$0x0];
	_ =	sdelay $0x3  }
0x1ce: {  	v2 =	vmov s29  }
0x1cf: {  	v2 =	vshll.u32 v2, $0x7;
	v1 =	vshll.u32 v1, $0x3  }
0x1d0: {  	v2 =	vor.u32 v0, v2;
	v1 =	vand.u32 $0x78, v1  }
0x1d1: {  	v1 =	vor.u32 v2, v1;
	_ =	sdelay $0x4  }
0x1d2: {  	v2 =	vld.idx.msk [tilespmem:v1+s17+$0x0], $0xffff;
	_ =	sdelay $0x1  }
0x1d3: {  	v3 =	vor.u32 $0x1, v1;
	_ =	sdelay $0x1  }
0x1d4: {  	s1 =	sand.u32 $0x2400, s28;
	s28 =	smov.u32 s18  }
0x1d5: {  	s0 =	sor.u32 s0, s1  }
0x1d6: {  	[tilespmem:s0+$0x11000] =	vst v2  }
0x1d7: {  	v2 =	vld.idx.msk [tilespmem:v3+s17+$0x0], $0xffff;
	_ =	sdelay $0x1  }
0x1d8: {  	v3 =	vor.u32 $0x2, v1;
	_ =	sdelay $0x3  }
0x1d9: {  	[tilespmem:s0+$0x11080] =	vst v2  }
0x1da: {  	v2 =	vld.idx.msk [tilespmem:v3+s17+$0x0], $0xffff;
	_ =	sdelay $0x1  }
0x1db: {  	v3 =	vor.u32 $0x3, v1;
	_ =	sdelay $0x3  }
0x1dc: {  	[tilespmem:s0+$0x11100] =	vst v2  }
0x1dd: {  	v2 =	vld.idx.msk [tilespmem:v3+s17+$0x0], $0xffff;
	_ =	sdelay $0x1  }
0x1de: {  	v3 =	vor.u32 $0x4, v1;
	_ =	sdelay $0x3  }
0x1df: {  	[tilespmem:s0+$0x11180] =	vst v2  }
0x1e0: {  	v2 =	vld.idx.msk [tilespmem:v3+s17+$0x0], $0xffff;
	_ =	sdelay $0x1  }
0x1e1: {  	v3 =	vor.u32 $0x5, v1;
	_ =	sdelay $0x3  }
0x1e2: {  	[tilespmem:s0+$0x11200] =	vst v2  }
0x1e3: {  	v2 =	vld.idx.msk [tilespmem:v3+s17+$0x0], $0xffff;
	_ =	sdelay $0x1  }
0x1e4: {  	v3 =	vor.u32 $0x6, v1;
	_ =	sdelay $0x3  }
0x1e5: {  	[tilespmem:s0+$0x11280] =	vst v2  }
0x1e6: {  	v2 =	vld.idx.msk [tilespmem:v3+s17+$0x0], $0xffff;
	_ =	sdelay $0x1  }
0x1e7: {  	v1 =	vor.u32 $0x7, v1;
	_ =	sdelay $0x3  }
0x1e8: {  	[tilespmem:s0+$0x11300] =	vst v2  }
0x1e9: {  	v1 =	vld.idx.msk [tilespmem:v1+s17+$0x0], $0xffff  }
.Ltmp5:
0x1ea: {  	(pc) =	sbr.rel @p0 .LBB2_12-.Ltmp5, $4  }
0x1eb: {  	_ = 	snop  }
0x1ec: {  	s29 =	sadd.s32 $0x10, s29  }
0x1ed: {  	s16 =	sadd.s32 $0x400, s29;
	s1 =	sor.u32 s28, s29  }
0x1ee: {  	s31 =	sor.u32 $0x380, s31;
	s16 =	sand.u32 $0x480, s16;
	s0 =	sand.u32 $0x70, s29  }
0x1ef: {  	s16 =	sor.u32 s0, s16;
	[tilespmem:s31+$0x11000] =	vst v1  }
0x1f0: {  	v1 =	vld [tilespmem:s16+$0x0];
	_ =	sdelay $0x3  }
0x1f1: {  	v2 =	vmov s29  }
0x1f2: {  	v2 =	vshll.u32 v2, $0x7;
	v1 =	vshll.u32 v1, $0x3  }
0x1f3: {  	v2 =	vor.u32 v0, v2;
	v1 =	vand.u32 $0x78, v1  }
0x1f4: {  	v1 =	vor.u32 v2, v1;
	_ =	sdelay $0x4  }
0x1f5: {  	v2 =	vld.idx.msk [tilespmem:v1+s17+$0x0], $0xffff  }
0x1f6: {  	v3 =	vor.u32 $0x1, v1;
	_ =	sdelay $0x1  }
0x1f7: {  	s18 =	sand.u32 $0x2400, s28  }
0x1f8: {  	s18 =	sor.u32 s0, s18  }
0x1f9: {  	[tilespmem:s18+$0x11000] =	vst v2  }
0x1fa: {  	v2 =	vld.idx.msk [tilespmem:v3+s17+$0x0], $0xffff  }
0x1fb: {  	v3 =	vor.u32 $0x2, v1;
	_ =	sdelay $0x3  }
0x1fc: {  	[tilespmem:s18+$0x11080] =	vst v2  }
0x1fd: {  	v2 =	vld.idx.msk [tilespmem:v3+s17+$0x0], $0xffff  }
0x1fe: {  	v3 =	vor.u32 $0x3, v1;
	_ =	sdelay $0x3  }
0x1ff: {  	[tilespmem:s18+$0x11100] =	vst v2  }
0x200: {  	v2 =	vld.idx.msk [tilespmem:v3+s17+$0x0], $0xffff  }
0x201: {  	v3 =	vor.u32 $0x4, v1;
	_ =	sdelay $0x3  }
0x202: {  	[tilespmem:s18+$0x11180] =	vst v2  }
0x203: {  	v2 =	vld.idx.msk [tilespmem:v3+s17+$0x0], $0xffff  }
0x204: {  	v3 =	vor.u32 $0x5, v1;
	_ =	sdelay $0x3  }
0x205: {  	[tilespmem:s18+$0x11200] =	vst v2  }
0x206: {  	v2 =	vld.idx.msk [tilespmem:v3+s17+$0x0], $0xffff  }
0x207: {  	v3 =	vor.u32 $0x6, v1;
	_ =	sdelay $0x3  }
0x208: {  	[tilespmem:s18+$0x11280] =	vst v2  }
0x209: {  	v2 =	vld.idx.msk [tilespmem:v3+s17+$0x0], $0xffff  }
0x20a: {  	v1 =	vor.u32 $0x7, v1;
	_ =	sdelay $0x3  }
0x20b: {  	[tilespmem:s18+$0x11300] =	vst v2  }
0x20c: {  	v1 =	vld.idx.msk [tilespmem:v1+s17+$0x0], $0xffff;
	_ =	sdelay $0x3  }
0x20d: {  	s1 =	sor.u32 $0x380, s1  }
0x20e: {  	s16 =	simm.s32 $0xE00;
	[tilespmem:s1+$0x11000] =	vst v1  }
0x20f: {  	[tilespmem:s17], [sflag:$0x1] =	stream.indirect.gather [hbm4b:s3+s15], $0x80, s16, s15, $0xb8;
	[tilespmem:$0x15000] =	vst v63  }
0x210: {  	s0 =	simm.s32 $0x0;
	s18 =	simm.s32 $0x500;
	_ =	swait.ge [sflag:s22], $0x8000  }
0x211: {  	s1 =	sand.u32 $0x580, s18;
	s16 =	sand.u32 $0x70, s0;
	[sflag:s22] =	ssyncset.done $0x0  }
0x212: {  	s1 =	sor.u32 s16, s1;
	[sflag:s22] =	ssyncadd.s32 $0xFFFF8000  }
0x213: {  	v1 =	vld [tilespmem:s1+$0x0];
	_ =	sdelay $0x3  }
0x214: {  	v2 =	vmov s0  }
0x215: {  	v2 =	vshll.u32 v2, $0x7;
	v1 =	vshll.u32 v1, $0x3  }
0x216: {  	v2 =	vor.u32 v0, v2;
	v1 =	vand.u32 $0x78, v1  }
0x217: {  	v1 =	vor.u32 v2, v1;
	_ =	sdelay $0x4  }
0x218: {  	v2 =	vld.idx.msk [tilespmem:v1+s19+$0x0], $0xffff  }
0x219: {  	v3 =	vor.u32 $0x1, v1  }
0x21a: {  	s1 =	simm.s32 $0x2800  }
0x21b: {  	s18 =	sand.u32 $0x2C00, s1  }
0x21c: {  	s16 =	sor.u32 s16, s18  }
0x21d: {  	[tilespmem:s16+$0x11000] =	vst v2  }
0x21e: {  	v2 =	vld.idx.msk [tilespmem:v3+s19+$0x0], $0xffff  }
0x21f: {  	v3 =	vor.u32 $0x2, v1;
	_ =	sdelay $0x3  }
0x220: {  	[tilespmem:s16+$0x11080] =	vst v2  }
0x221: {  	v2 =	vld.idx.msk [tilespmem:v3+s19+$0x0], $0xffff  }
0x222: {  	v3 =	vor.u32 $0x3, v1;
	_ =	sdelay $0x3  }
0x223: {  	[tilespmem:s16+$0x11100] =	vst v2  }
0x224: {  	v2 =	vld.idx.msk [tilespmem:v3+s19+$0x0], $0xffff  }
0x225: {  	v3 =	vor.u32 $0x4, v1;
	_ =	sdelay $0x3  }
0x226: {  	[tilespmem:s16+$0x11180] =	vst v2  }
0x227: {  	v2 =	vld.idx.msk [tilespmem:v3+s19+$0x0], $0xffff  }
0x228: {  	v3 =	vor.u32 $0x5, v1;
	_ =	sdelay $0x3  }
0x229: {  	[tilespmem:s16+$0x11200] =	vst v2  }
0x22a: {  	v2 =	vld.idx.msk [tilespmem:v3+s19+$0x0], $0xffff  }
0x22b: {  	v3 =	vor.u32 $0x6, v1;
	_ =	sdelay $0x3  }
0x22c: {  	[tilespmem:s16+$0x11280] =	vst v2  }
0x22d: {  	v2 =	vld.idx.msk [tilespmem:v3+s19+$0x0], $0xffff  }
0x22e: {  	v1 =	vor.u32 $0x7, v1;
	_ =	sdelay $0x3  }
0x22f: {  	[tilespmem:s16+$0x11300] =	vst v2  }
0x230: {  	v1 =	vld.idx.msk [tilespmem:v1+s19+$0x0], $0xffff  }
0x231: {  	s28 =	simm.s32 $0x2880;
	s29 =	simm.s32 $0x10;
	s30 =	simm.s32 $0x2900  }
0x232: {  	s18 =	sor.u32 s1, s0;
	s1 =	sor.u32 s28, s29;
	s16 =	simm.s32 $0x510  }
0x233: {  	s0 =	sand.u32 $0x70, s29;
	s31 =	sor.u32 $0x380, s18;
	s16 =	sand.u32 $0x580, s16  }
.LBB2_14:
0x234: {  	p0 =	sne.s32 s30, $0x2F80;
	s16 =	sor.u32 s0, s16  }
0x235: {  	[tilespmem:s31+$0x11000] =	vst v1;
	s18 =	smov.u32 s30;
	s30 =	sadd.s32 $0x80, s30;
	s31 =	smov.u32 s1  }
0x236: {  	v1 =	vld [tilespmem:s16+$0x0];
	_ =	sdelay $0x3  }
0x237: {  	v2 =	vmov s29  }
0x238: {  	v2 =	vshll.u32 v2, $0x7;
	v1 =	vshll.u32 v1, $0x3  }
0x239: {  	v2 =	vor.u32 v0, v2;
	v1 =	vand.u32 $0x78, v1  }
0x23a: {  	v1 =	vor.u32 v2, v1;
	_ =	sdelay $0x4  }
0x23b: {  	v2 =	vld.idx.msk [tilespmem:v1+s19+$0x0], $0xffff;
	_ =	sdelay $0x1  }
0x23c: {  	v3 =	vor.u32 $0x1, v1;
	_ =	sdelay $0x1  }
0x23d: {  	s1 =	sand.u32 $0x2C00, s28;
	s28 =	smov.u32 s18  }
0x23e: {  	s0 =	sor.u32 s0, s1  }
0x23f: {  	[tilespmem:s0+$0x11000] =	vst v2  }
0x240: {  	v2 =	vld.idx.msk [tilespmem:v3+s19+$0x0], $0xffff;
	_ =	sdelay $0x1  }
0x241: {  	v3 =	vor.u32 $0x2, v1;
	_ =	sdelay $0x3  }
0x242: {  	[tilespmem:s0+$0x11080] =	vst v2  }
0x243: {  	v2 =	vld.idx.msk [tilespmem:v3+s19+$0x0], $0xffff;
	_ =	sdelay $0x1  }
0x244: {  	v3 =	vor.u32 $0x3, v1;
	_ =	sdelay $0x3  }
0x245: {  	[tilespmem:s0+$0x11100] =	vst v2  }
0x246: {  	v2 =	vld.idx.msk [tilespmem:v3+s19+$0x0], $0xffff;
	_ =	sdelay $0x1  }
0x247: {  	v3 =	vor.u32 $0x4, v1;
	_ =	sdelay $0x3  }
0x248: {  	[tilespmem:s0+$0x11180] =	vst v2  }
0x249: {  	v2 =	vld.idx.msk [tilespmem:v3+s19+$0x0], $0xffff;
	_ =	sdelay $0x1  }
0x24a: {  	v3 =	vor.u32 $0x5, v1;
	_ =	sdelay $0x3  }
0x24b: {  	[tilespmem:s0+$0x11200] =	vst v2  }
0x24c: {  	v2 =	vld.idx.msk [tilespmem:v3+s19+$0x0], $0xffff;
	_ =	sdelay $0x1  }
0x24d: {  	v3 =	vor.u32 $0x6, v1;
	_ =	sdelay $0x3  }
0x24e: {  	[tilespmem:s0+$0x11280] =	vst v2  }
0x24f: {  	v2 =	vld.idx.msk [tilespmem:v3+s19+$0x0], $0xffff;
	_ =	sdelay $0x1  }
0x250: {  	v1 =	vor.u32 $0x7, v1;
	_ =	sdelay $0x3  }
0x251: {  	[tilespmem:s0+$0x11300] =	vst v2  }
0x252: {  	v1 =	vld.idx.msk [tilespmem:v1+s19+$0x0], $0xffff  }
.Ltmp6:
0x253: {  	(pc) =	sbr.rel @p0 .LBB2_14-.Ltmp6, $4  }
0x254: {  	_ = 	snop  }
0x255: {  	s29 =	sadd.s32 $0x10, s29  }
0x256: {  	s16 =	sadd.s32 $0x500, s29;
	s1 =	sor.u32 s28, s29  }
0x257: {  	s31 =	sor.u32 $0x380, s31;
	s16 =	sand.u32 $0x580, s16;
	s0 =	sand.u32 $0x70, s29  }
0x258: {  	s16 =	sor.u32 s0, s16;
	[tilespmem:s31+$0x11000] =	vst v1  }
0x259: {  	v1 =	vld [tilespmem:s16+$0x0];
	_ =	sdelay $0x3  }
0x25a: {  	v2 =	vmov s29  }
0x25b: {  	v2 =	vshll.u32 v2, $0x7;
	v1 =	vshll.u32 v1, $0x3  }
0x25c: {  	v2 =	vor.u32 v0, v2;
	v1 =	vand.u32 $0x78, v1  }
0x25d: {  	v1 =	vor.u32 v2, v1;
	_ =	sdelay $0x4  }
0x25e: {  	v2 =	vld.idx.msk [tilespmem:v1+s19+$0x0], $0xffff  }
0x25f: {  	v3 =	vor.u32 $0x1, v1;
	_ =	sdelay $0x1  }
0x260: {  	s18 =	sand.u32 $0x2C00, s28  }
0x261: {  	s18 =	sor.u32 s0, s18  }
0x262: {  	[tilespmem:s18+$0x11000] =	vst v2  }
0x263: {  	v2 =	vld.idx.msk [tilespmem:v3+s19+$0x0], $0xffff  }
0x264: {  	v3 =	vor.u32 $0x2, v1;
	_ =	sdelay $0x3  }
0x265: {  	[tilespmem:s18+$0x11080] =	vst v2  }
0x266: {  	v2 =	vld.idx.msk [tilespmem:v3+s19+$0x0], $0xffff  }
0x267: {  	v3 =	vor.u32 $0x3, v1;
	_ =	sdelay $0x3  }
0x268: {  	[tilespmem:s18+$0x11100] =	vst v2  }
0x269: {  	v2 =	vld.idx.msk [tilespmem:v3+s19+$0x0], $0xffff  }
0x26a: {  	v3 =	vor.u32 $0x4, v1;
	_ =	sdelay $0x3  }
0x26b: {  	[tilespmem:s18+$0x11180] =	vst v2  }
0x26c: {  	v2 =	vld.idx.msk [tilespmem:v3+s19+$0x0], $0xffff  }
0x26d: {  	v3 =	vor.u32 $0x5, v1;
	_ =	sdelay $0x3  }
0x26e: {  	[tilespmem:s18+$0x11200] =	vst v2  }
0x26f: {  	v2 =	vld.idx.msk [tilespmem:v3+s19+$0x0], $0xffff  }
0x270: {  	v3 =	vor.u32 $0x6, v1;
	_ =	sdelay $0x3  }
0x271: {  	[tilespmem:s18+$0x11280] =	vst v2  }
0x272: {  	v2 =	vld.idx.msk [tilespmem:v3+s19+$0x0], $0xffff  }
0x273: {  	v1 =	vor.u32 $0x7, v1;
	_ =	sdelay $0x3  }
0x274: {  	[tilespmem:s18+$0x11300] =	vst v2  }
0x275: {  	v1 =	vld.idx.msk [tilespmem:v1+s19+$0x0], $0xffff;
	_ =	sdelay $0x3  }
0x276: {  	s1 =	sor.u32 $0x380, s1  }
0x277: {  	s16 =	simm.s32 $0xF00;
	[tilespmem:s1+$0x11000] =	vst v1  }
0x278: {  	[tilespmem:s19], [sflag:$0x2] =	stream.indirect.gather [hbm4b:s3+s15], $0x80, s16, s15, $0xb8;
	[tilespmem:$0x15000] =	vst v63  }
0x279: {  	s0 =	simm.s32 $0x0;
	s18 =	simm.s32 $0x600;
	_ =	swait.ge [sflag:s20], $0x8000  }
0x27a: {  	s1 =	sand.u32 $0x680, s18;
	s16 =	sand.u32 $0x70, s0;
	[sflag:s20] =	ssyncset.done $0x0  }
0x27b: {  	s1 =	sor.u32 s16, s1;
	[sflag:s20] =	ssyncadd.s32 $0xFFFF8000  }
0x27c: {  	v1 =	vld [tilespmem:s1+$0x0];
	_ =	sdelay $0x3  }
0x27d: {  	v2 =	vmov s0  }
0x27e: {  	v2 =	vshll.u32 v2, $0x7;
	v1 =	vshll.u32 v1, $0x3  }
0x27f: {  	v2 =	vor.u32 v0, v2;
	v1 =	vand.u32 $0x78, v1  }
0x280: {  	v1 =	vor.u32 v2, v1;
	_ =	sdelay $0x4  }
0x281: {  	v2 =	vld.idx.msk [tilespmem:v1+s17+$0x0], $0xffff  }
0x282: {  	v3 =	vor.u32 $0x1, v1  }
0x283: {  	s1 =	simm.s32 $0x3000  }
0x284: {  	s18 =	sand.u32 $0x3400, s1  }
0x285: {  	s16 =	sor.u32 s16, s18  }
0x286: {  	[tilespmem:s16+$0x11000] =	vst v2  }
0x287: {  	v2 =	vld.idx.msk [tilespmem:v3+s17+$0x0], $0xffff  }
0x288: {  	v3 =	vor.u32 $0x2, v1;
	_ =	sdelay $0x2  }
0x289: {  	s16 =	sadd.s32 $0x11000, s16  }
0x28a: {  	[tilespmem:s16+$0x80] =	vst v2  }
0x28b: {  	v2 =	vld.idx.msk [tilespmem:v3+s17+$0x0], $0xffff  }
0x28c: {  	v3 =	vor.u32 $0x3, v1;
	_ =	sdelay $0x3  }
0x28d: {  	[tilespmem:s16+$0x100] =	vst v2  }
0x28e: {  	v2 =	vld.idx.msk [tilespmem:v3+s17+$0x0], $0xffff  }
0x28f: {  	v3 =	vor.u32 $0x4, v1;
	_ =	sdelay $0x3  }
0x290: {  	[tilespmem:s16+$0x180] =	vst v2  }
0x291: {  	v2 =	vld.idx.msk [tilespmem:v3+s17+$0x0], $0xffff  }
0x292: {  	v3 =	vor.u32 $0x5, v1;
	_ =	sdelay $0x3  }
0x293: {  	[tilespmem:s16+$0x200] =	vst v2  }
0x294: {  	v2 =	vld.idx.msk [tilespmem:v3+s17+$0x0], $0xffff  }
0x295: {  	v3 =	vor.u32 $0x6, v1;
	_ =	sdelay $0x3  }
0x296: {  	[tilespmem:s16+$0x280] =	vst v2  }
0x297: {  	v2 =	vld.idx.msk [tilespmem:v3+s17+$0x0], $0xffff  }
0x298: {  	v1 =	vor.u32 $0x7, v1;
	_ =	sdelay $0x3  }
0x299: {  	[tilespmem:s16+$0x300] =	vst v2  }
0x29a: {  	v1 =	vld.idx.msk [tilespmem:v1+s17+$0x0], $0xffff  }
0x29b: {  	s28 =	simm.s32 $0x3080;
	s29 =	simm.s32 $0x10;
	s30 =	simm.s32 $0x3100  }
0x29c: {  	s18 =	sor.u32 s1, s0;
	s1 =	sor.u32 s28, s29;
	s16 =	simm.s32 $0x610  }
0x29d: {  	s0 =	sand.u32 $0x70, s29;
	s31 =	sor.u32 $0x380, s18;
	s16 =	sand.u32 $0x680, s16  }
.LBB2_16:
0x29e: {  	p0 =	sne.s32 s30, $0x3780;
	s16 =	sor.u32 s0, s16  }
0x29f: {  	[tilespmem:s31+$0x11000] =	vst v1;
	s18 =	smov.u32 s30;
	s30 =	sadd.s32 $0x80, s30;
	s31 =	smov.u32 s1  }
0x2a0: {  	v1 =	vld [tilespmem:s16+$0x0];
	_ =	sdelay $0x3  }
0x2a1: {  	v2 =	vmov s29  }
0x2a2: {  	v2 =	vshll.u32 v2, $0x7;
	v1 =	vshll.u32 v1, $0x3  }
0x2a3: {  	v2 =	vor.u32 v0, v2;
	v1 =	vand.u32 $0x78, v1  }
0x2a4: {  	v1 =	vor.u32 v2, v1;
	_ =	sdelay $0x4  }
0x2a5: {  	v2 =	vld.idx.msk [tilespmem:v1+s17+$0x0], $0xffff;
	_ =	sdelay $0x1  }
0x2a6: {  	v3 =	vor.u32 $0x1, v1;
	_ =	sdelay $0x1  }
0x2a7: {  	s1 =	sand.u32 $0x3400, s28;
	s28 =	smov.u32 s18  }
0x2a8: {  	s0 =	sor.u32 s0, s1  }
0x2a9: {  	[tilespmem:s0+$0x11000] =	vst v2  }
0x2aa: {  	v2 =	vld.idx.msk [tilespmem:v3+s17+$0x0], $0xffff;
	_ =	sdelay $0x1  }
0x2ab: {  	v3 =	vor.u32 $0x2, v1;
	_ =	sdelay $0x2  }
0x2ac: {  	s0 =	sadd.s32 $0x11000, s0  }
0x2ad: {  	[tilespmem:s0+$0x80] =	vst v2  }
0x2ae: {  	v2 =	vld.idx.msk [tilespmem:v3+s17+$0x0], $0xffff;
	_ =	sdelay $0x1  }
0x2af: {  	v3 =	vor.u32 $0x3, v1;
	_ =	sdelay $0x3  }
0x2b0: {  	[tilespmem:s0+$0x100] =	vst v2  }
0x2b1: {  	v2 =	vld.idx.msk [tilespmem:v3+s17+$0x0], $0xffff;
	_ =	sdelay $0x1  }
0x2b2: {  	v3 =	vor.u32 $0x4, v1;
	_ =	sdelay $0x3  }
0x2b3: {  	[tilespmem:s0+$0x180] =	vst v2  }
0x2b4: {  	v2 =	vld.idx.msk [tilespmem:v3+s17+$0x0], $0xffff;
	_ =	sdelay $0x1  }
0x2b5: {  	v3 =	vor.u32 $0x5, v1;
	_ =	sdelay $0x3  }
0x2b6: {  	[tilespmem:s0+$0x200] =	vst v2  }
0x2b7: {  	v2 =	vld.idx.msk [tilespmem:v3+s17+$0x0], $0xffff;
	_ =	sdelay $0x1  }
0x2b8: {  	v3 =	vor.u32 $0x6, v1;
	_ =	sdelay $0x3  }
0x2b9: {  	[tilespmem:s0+$0x280] =	vst v2  }
0x2ba: {  	v2 =	vld.idx.msk [tilespmem:v3+s17+$0x0], $0xffff;
	_ =	sdelay $0x1  }
0x2bb: {  	v1 =	vor.u32 $0x7, v1;
	_ =	sdelay $0x3  }
0x2bc: {  	[tilespmem:s0+$0x300] =	vst v2  }
0x2bd: {  	v1 =	vld.idx.msk [tilespmem:v1+s17+$0x0], $0xffff  }
.Ltmp7:
0x2be: {  	(pc) =	sbr.rel @p0 .LBB2_16-.Ltmp7, $4  }
0x2bf: {  	_ = 	snop  }
0x2c0: {  	s29 =	sadd.s32 $0x10, s29  }
0x2c1: {  	s16 =	sadd.s32 $0x600, s29;
	s1 =	sor.u32 s28, s29  }
0x2c2: {  	s31 =	sor.u32 $0x380, s31;
	s16 =	sand.u32 $0x680, s16;
	s0 =	sand.u32 $0x70, s29  }
0x2c3: {  	s16 =	sor.u32 s0, s16;
	[tilespmem:s31+$0x11000] =	vst v1  }
0x2c4: {  	v1 =	vld [tilespmem:s16+$0x0];
	_ =	sdelay $0x3  }
0x2c5: {  	v2 =	vmov s29  }
0x2c6: {  	v2 =	vshll.u32 v2, $0x7;
	v1 =	vshll.u32 v1, $0x3  }
0x2c7: {  	v2 =	vor.u32 v0, v2;
	v1 =	vand.u32 $0x78, v1  }
0x2c8: {  	v1 =	vor.u32 v2, v1;
	_ =	sdelay $0x4  }
0x2c9: {  	v2 =	vld.idx.msk [tilespmem:v1+s17+$0x0], $0xffff  }
0x2ca: {  	v3 =	vor.u32 $0x1, v1;
	_ =	sdelay $0x1  }
0x2cb: {  	s18 =	sand.u32 $0x3400, s28  }
0x2cc: {  	s18 =	sor.u32 s0, s18  }
0x2cd: {  	[tilespmem:s18+$0x11000] =	vst v2  }
0x2ce: {  	v2 =	vld.idx.msk [tilespmem:v3+s17+$0x0], $0xffff  }
0x2cf: {  	v3 =	vor.u32 $0x2, v1;
	_ =	sdelay $0x2  }
0x2d0: {  	s0 =	sadd.s32 $0x11000, s18  }
0x2d1: {  	[tilespmem:s0+$0x80] =	vst v2  }
0x2d2: {  	v2 =	vld.idx.msk [tilespmem:v3+s17+$0x0], $0xffff  }
0x2d3: {  	v3 =	vor.u32 $0x3, v1;
	_ =	sdelay $0x3  }
0x2d4: {  	[tilespmem:s0+$0x100] =	vst v2  }
0x2d5: {  	v2 =	vld.idx.msk [tilespmem:v3+s17+$0x0], $0xffff  }
0x2d6: {  	v3 =	vor.u32 $0x4, v1;
	_ =	sdelay $0x3  }
0x2d7: {  	[tilespmem:s0+$0x180] =	vst v2  }
0x2d8: {  	v2 =	vld.idx.msk [tilespmem:v3+s17+$0x0], $0xffff  }
0x2d9: {  	v3 =	vor.u32 $0x5, v1;
	_ =	sdelay $0x3  }
0x2da: {  	[tilespmem:s0+$0x200] =	vst v2  }
0x2db: {  	v2 =	vld.idx.msk [tilespmem:v3+s17+$0x0], $0xffff  }
0x2dc: {  	v3 =	vor.u32 $0x6, v1;
	_ =	sdelay $0x3  }
0x2dd: {  	[tilespmem:s0+$0x280] =	vst v2  }
0x2de: {  	v2 =	vld.idx.msk [tilespmem:v3+s17+$0x0], $0xffff  }
0x2df: {  	v1 =	vor.u32 $0x7, v1;
	_ =	sdelay $0x3  }
0x2e0: {  	[tilespmem:s0+$0x300] =	vst v2  }
0x2e1: {  	v1 =	vld.idx.msk [tilespmem:v1+s17+$0x0], $0xffff;
	_ =	sdelay $0x3  }
0x2e2: {  	s16 =	sor.u32 $0x380, s1  }
0x2e3: {  	[tilespmem:s16+$0x11000] =	vst v1  }
0x2e4: {  	s18 =	simm.s32 $0x700;
	s0 =	simm.s32 $0x0;
	_ =	swait.ge [sflag:s22], $0x8000  }
0x2e5: {  	s1 =	sand.u32 $0x780, s18;
	s16 =	sand.u32 $0x70, s0;
	[sflag:s22] =	ssyncset.done $0x0  }
0x2e6: {  	s1 =	sor.u32 s16, s1;
	[sflag:s22] =	ssyncadd.s32 $0xFFFF8000  }
0x2e7: {  	v1 =	vld [tilespmem:s1+$0x0];
	_ =	sdelay $0x3  }
0x2e8: {  	v2 =	vmov s0  }
0x2e9: {  	v2 =	vshll.u32 v2, $0x7;
	v1 =	vshll.u32 v1, $0x3  }
0x2ea: {  	v2 =	vor.u32 v0, v2;
	v1 =	vand.u32 $0x78, v1  }
0x2eb: {  	v1 =	vor.u32 v2, v1;
	_ =	sdelay $0x4  }
0x2ec: {  	v2 =	vld.idx.msk [tilespmem:v1+s19+$0x0], $0xffff  }
0x2ed: {  	v3 =	vor.u32 $0x1, v1  }
0x2ee: {  	s1 =	simm.s32 $0x3800  }
0x2ef: {  	s18 =	sand.u32 $0x3C00, s1  }
0x2f0: {  	s16 =	sor.u32 s16, s18  }
0x2f1: {  	[tilespmem:s16+$0x11000] =	vst v2  }
0x2f2: {  	v2 =	vld.idx.msk [tilespmem:v3+s19+$0x0], $0xffff  }
0x2f3: {  	v3 =	vor.u32 $0x2, v1;
	_ =	sdelay $0x2  }
0x2f4: {  	s16 =	sadd.s32 $0x11000, s16  }
0x2f5: {  	[tilespmem:s16+$0x80] =	vst v2  }
0x2f6: {  	v2 =	vld.idx.msk [tilespmem:v3+s19+$0x0], $0xffff  }
0x2f7: {  	v3 =	vor.u32 $0x3, v1;
	_ =	sdelay $0x3  }
0x2f8: {  	[tilespmem:s16+$0x100] =	vst v2  }
0x2f9: {  	v2 =	vld.idx.msk [tilespmem:v3+s19+$0x0], $0xffff  }
0x2fa: {  	v3 =	vor.u32 $0x4, v1;
	_ =	sdelay $0x3  }
0x2fb: {  	[tilespmem:s16+$0x180] =	vst v2  }
0x2fc: {  	v2 =	vld.idx.msk [tilespmem:v3+s19+$0x0], $0xffff  }
0x2fd: {  	v3 =	vor.u32 $0x5, v1;
	_ =	sdelay $0x3  }
0x2fe: {  	[tilespmem:s16+$0x200] =	vst v2  }
0x2ff: {  	v2 =	vld.idx.msk [tilespmem:v3+s19+$0x0], $0xffff  }
0x300: {  	v3 =	vor.u32 $0x6, v1;
	_ =	sdelay $0x3  }
0x301: {  	[tilespmem:s16+$0x280] =	vst v2  }
0x302: {  	v2 =	vld.idx.msk [tilespmem:v3+s19+$0x0], $0xffff  }
0x303: {  	v1 =	vor.u32 $0x7, v1;
	_ =	sdelay $0x3  }
0x304: {  	[tilespmem:s16+$0x300] =	vst v2  }
0x305: {  	v1 =	vld.idx.msk [tilespmem:v1+s19+$0x0], $0xffff  }
0x306: {  	s28 =	simm.s32 $0x3880;
	s29 =	simm.s32 $0x10;
	s30 =	simm.s32 $0x3900  }
0x307: {  	s18 =	sor.u32 s1, s0;
	s1 =	sor.u32 s28, s29;
	s16 =	simm.s32 $0x710  }
0x308: {  	s0 =	sand.u32 $0x70, s29;
	s31 =	sor.u32 $0x380, s18;
	s16 =	sand.u32 $0x780, s16  }
.LBB2_18:
0x309: {  	p0 =	sne.s32 s30, $0x3F80;
	s16 =	sor.u32 s0, s16  }
0x30a: {  	[tilespmem:s31+$0x11000] =	vst v1;
	s18 =	smov.u32 s30;
	s30 =	sadd.s32 $0x80, s30;
	s31 =	smov.u32 s1  }
0x30b: {  	v1 =	vld [tilespmem:s16+$0x0];
	_ =	sdelay $0x3  }
0x30c: {  	v2 =	vmov s29  }
0x30d: {  	v2 =	vshll.u32 v2, $0x7;
	v1 =	vshll.u32 v1, $0x3  }
0x30e: {  	v2 =	vor.u32 v0, v2;
	v1 =	vand.u32 $0x78, v1  }
0x30f: {  	v1 =	vor.u32 v2, v1;
	_ =	sdelay $0x4  }
0x310: {  	v2 =	vld.idx.msk [tilespmem:v1+s19+$0x0], $0xffff;
	_ =	sdelay $0x1  }
0x311: {  	v3 =	vor.u32 $0x1, v1;
	_ =	sdelay $0x1  }
0x312: {  	s1 =	sand.u32 $0x3C00, s28;
	s28 =	smov.u32 s18  }
0x313: {  	s0 =	sor.u32 s0, s1  }
0x314: {  	[tilespmem:s0+$0x11000] =	vst v2  }
0x315: {  	v2 =	vld.idx.msk [tilespmem:v3+s19+$0x0], $0xffff;
	_ =	sdelay $0x1  }
0x316: {  	v3 =	vor.u32 $0x2, v1;
	_ =	sdelay $0x2  }
0x317: {  	s0 =	sadd.s32 $0x11000, s0  }
0x318: {  	[tilespmem:s0+$0x80] =	vst v2  }
0x319: {  	v2 =	vld.idx.msk [tilespmem:v3+s19+$0x0], $0xffff;
	_ =	sdelay $0x1  }
0x31a: {  	v3 =	vor.u32 $0x3, v1;
	_ =	sdelay $0x3  }
0x31b: {  	[tilespmem:s0+$0x100] =	vst v2  }
0x31c: {  	v2 =	vld.idx.msk [tilespmem:v3+s19+$0x0], $0xffff;
	_ =	sdelay $0x1  }
0x31d: {  	v3 =	vor.u32 $0x4, v1;
	_ =	sdelay $0x3  }
0x31e: {  	[tilespmem:s0+$0x180] =	vst v2  }
0x31f: {  	v2 =	vld.idx.msk [tilespmem:v3+s19+$0x0], $0xffff;
	_ =	sdelay $0x1  }
0x320: {  	v3 =	vor.u32 $0x5, v1;
	_ =	sdelay $0x3  }
0x321: {  	[tilespmem:s0+$0x200] =	vst v2  }
0x322: {  	v2 =	vld.idx.msk [tilespmem:v3+s19+$0x0], $0xffff;
	_ =	sdelay $0x1  }
0x323: {  	v3 =	vor.u32 $0x6, v1;
	_ =	sdelay $0x3  }
0x324: {  	[tilespmem:s0+$0x280] =	vst v2  }
0x325: {  	v2 =	vld.idx.msk [tilespmem:v3+s19+$0x0], $0xffff;
	_ =	sdelay $0x1  }
0x326: {  	v1 =	vor.u32 $0x7, v1;
	_ =	sdelay $0x3  }
0x327: {  	[tilespmem:s0+$0x300] =	vst v2  }
0x328: {  	v1 =	vld.idx.msk [tilespmem:v1+s19+$0x0], $0xffff  }
.Ltmp8:
0x329: {  	(pc) =	sbr.rel @p0 .LBB2_18-.Ltmp8, $4  }
0x32a: {  	_ = 	snop  }
0x32b: {  	s29 =	sadd.s32 $0x10, s29  }
0x32c: {  	s16 =	sadd.s32 $0x700, s29;
	s1 =	sor.u32 s28, s29  }
0x32d: {  	s31 =	sor.u32 $0x380, s31;
	s16 =	sand.u32 $0x780, s16;
	s0 =	sand.u32 $0x70, s29  }
0x32e: {  	[tilespmem:s31+$0x11000] =	vst v1;
	s16 =	sor.u32 s0, s16  }
0x32f: {  	v1 =	vld [tilespmem:s16+$0x0];
	_ =	sdelay $0x3  }
0x330: {  	v2 =	vmov s29  }
0x331: {  	v2 =	vshll.u32 v2, $0x7;
	v1 =	vshll.u32 v1, $0x3  }
0x332: {  	v2 =	vor.u32 v0, v2;
	v1 =	vand.u32 $0x78, v1  }
0x333: {  	v1 =	vor.u32 v2, v1;
	_ =	sdelay $0x4  }
0x334: {  	v2 =	vld.idx.msk [tilespmem:v1+s19+$0x0], $0xffff  }
0x335: {  	v3 =	vor.u32 $0x1, v1;
	_ =	sdelay $0x1  }
0x336: {  	s31 =	sand.u32 $0x3C00, s28  }
0x337: {  	s18 =	sor.u32 s0, s31  }
0x338: {  	[tilespmem:s18+$0x11000] =	vst v2  }
0x339: {  	v2 =	vld.idx.msk [tilespmem:v3+s19+$0x0], $0xffff  }
0x33a: {  	v3 =	vor.u32 $0x2, v1;
	_ =	sdelay $0x2  }
0x33b: {  	s0 =	sadd.s32 $0x11000, s18  }
0x33c: {  	[tilespmem:s0+$0x80] =	vst v2  }
0x33d: {  	v2 =	vld.idx.msk [tilespmem:v3+s19+$0x0], $0xffff  }
0x33e: {  	v3 =	vor.u32 $0x3, v1;
	_ =	sdelay $0x3  }
0x33f: {  	[tilespmem:s0+$0x100] =	vst v2  }
0x340: {  	v2 =	vld.idx.msk [tilespmem:v3+s19+$0x0], $0xffff  }
0x341: {  	v3 =	vor.u32 $0x4, v1;
	_ =	sdelay $0x3  }
0x342: {  	[tilespmem:s0+$0x180] =	vst v2  }
0x343: {  	v2 =	vld.idx.msk [tilespmem:v3+s19+$0x0], $0xffff  }
0x344: {  	v3 =	vor.u32 $0x5, v1;
	_ =	sdelay $0x3  }
0x345: {  	[tilespmem:s0+$0x200] =	vst v2  }
0x346: {  	v2 =	vld.idx.msk [tilespmem:v3+s19+$0x0], $0xffff  }
0x347: {  	v3 =	vor.u32 $0x6, v1;
	_ =	sdelay $0x3  }
0x348: {  	[tilespmem:s0+$0x280] =	vst v2  }
0x349: {  	v2 =	vld.idx.msk [tilespmem:v3+s19+$0x0], $0xffff  }
0x34a: {  	v1 =	vor.u32 $0x7, v1;
	_ =	sdelay $0x3  }
0x34b: {  	[tilespmem:s0+$0x300] =	vst v2  }
0x34c: {  	v1 =	vld.idx.msk [tilespmem:v1+s19+$0x0], $0xffff;
	_ =	sdelay $0x3  }
0x34d: {  	s28 =	sor.u32 $0x380, s1  }
0x34e: {  	s29 =	simm.s32 $0x11000;
	[tilespmem:s28+$0x11000] =	vst v1  }
0x34f: {  	[hbm4b:s5+s2] =	stream.linear.scatter [tilespmem:s29], [sflag:$0x3], $0x80, $0x38;
	[tilespmem:$0x15000] =	vst v63  }
0x350: {  	s30 =	sadd.s32 $0x10, s5;
	s31 =	simm.s32 $0x11400  }
0x351: {  	[hbm4b:s30+s2] =	stream.linear.scatter [tilespmem:s31], [sflag:$0x3], $0x80, $0x38;
	[tilespmem:$0x15000] =	vst v63  }
0x352: {  	s16 =	sadd.s32 $0x20, s5;
	s18 =	simm.s32 $0x11800  }
0x353: {  	[hbm4b:s16+s2] =	stream.linear.scatter [tilespmem:s18], [sflag:$0x3], $0x80, $0x38;
	[tilespmem:$0x15000] =	vst v63  }
0x354: {  	s28 =	sadd.s32 $0x30, s5;
	s29 =	simm.s32 $0x11C00  }
0x355: {  	[hbm4b:s28+s2] =	stream.linear.scatter [tilespmem:s29], [sflag:$0x3], $0x80, $0x38;
	[tilespmem:$0x15000] =	vst v63  }
0x356: {  	s30 =	sadd.s32 $0x40, s5;
	s31 =	simm.s32 $0x12000  }
0x357: {  	[hbm4b:s30+s2] =	stream.linear.scatter [tilespmem:s31], [sflag:$0x3], $0x80, $0x38;
	[tilespmem:$0x15000] =	vst v63  }
0x358: {  	s16 =	sadd.s32 $0x50, s5;
	s18 =	simm.s32 $0x12400  }
0x359: {  	[hbm4b:s16+s2] =	stream.linear.scatter [tilespmem:s18], [sflag:$0x3], $0x80, $0x38;
	[tilespmem:$0x15000] =	vst v63  }
0x35a: {  	s28 =	sadd.s32 $0x60, s5;
	s29 =	simm.s32 $0x12800  }
0x35b: {  	[hbm4b:s28+s2] =	stream.linear.scatter [tilespmem:s29], [sflag:$0x3], $0x80, $0x38;
	[tilespmem:$0x15000] =	vst v63  }
0x35c: {  	s30 =	sadd.s32 $0x70, s5;
	s31 =	simm.s32 $0x12C00  }
0x35d: {  	[hbm4b:s30+s2] =	stream.linear.scatter [tilespmem:s31], [sflag:$0x3], $0x80, $0x38;
	[tilespmem:$0x15000] =	vst v63  }
0x35e: {  	s16 =	sadd.s32 $0x80, s5;
	s18 =	simm.s32 $0x13000  }
0x35f: {  	[hbm4b:s16+s2] =	stream.linear.scatter [tilespmem:s18], [sflag:$0x3], $0x80, $0x38;
	[tilespmem:$0x15000] =	vst v63  }
0x360: {  	s28 =	sadd.s32 $0x90, s5;
	s29 =	simm.s32 $0x13400  }
0x361: {  	[hbm4b:s28+s2] =	stream.linear.scatter [tilespmem:s29], [sflag:$0x3], $0x80, $0x38;
	[tilespmem:$0x15000] =	vst v63  }
0x362: {  	s30 =	sadd.s32 $0xA0, s5;
	s31 =	simm.s32 $0x13800  }
0x363: {  	[hbm4b:s30+s2] =	stream.linear.scatter [tilespmem:s31], [sflag:$0x3], $0x80, $0x38;
	[tilespmem:$0x15000] =	vst v63  }
0x364: {  	s16 =	sadd.s32 $0xB0, s5;
	s18 =	simm.s32 $0x13C00  }
0x365: {  	[hbm4b:s16+s2] =	stream.linear.scatter [tilespmem:s18], [sflag:$0x3], $0x80, $0x38;
	[tilespmem:$0x15000] =	vst v63  }
0x366: {  	s28 =	sadd.s32 $0xC0, s5;
	s29 =	simm.s32 $0x14000  }
0x367: {  	[hbm4b:s28+s2] =	stream.linear.scatter [tilespmem:s29], [sflag:$0x3], $0x80, $0x38;
	[tilespmem:$0x15000] =	vst v63  }
0x368: {  	s30 =	sadd.s32 $0xD0, s5;
	s31 =	simm.s32 $0x14400  }
0x369: {  	[hbm4b:s30+s2] =	stream.linear.scatter [tilespmem:s31], [sflag:$0x3], $0x80, $0x38;
	[tilespmem:$0x15000] =	vst v63  }
0x36a: {  	s1 =	sadd.s32 $0xE0, s5;
	s16 =	simm.s32 $0x14800  }
0x36b: {  	[hbm4b:s1+s2] =	stream.linear.scatter [tilespmem:s16], [sflag:$0x3], $0x80, $0x38;
	[tilespmem:$0x15000] =	vst v63  }
0x36c: {  	s18 =	sadd.s32 $0xF0, s5;
	s28 =	simm.s32 $0x14C00  }
0x36d: {  	[hbm4b:s18+s2] =	stream.linear.scatter [tilespmem:s28], [sflag:$0x3], $0x80, $0x38;
	[tilespmem:$0x15000] =	vst v63  }
0x36e: {  	_ =	swait.ge [sflag:s14], $0x800  }
0x36f: {  	[sflag:s14] =	ssyncset.done $0x0  }
0x370: {  	s29 =	simm.s32 $0x11080;
	[sflag:s14] =	ssyncadd.s32 $0xFFFFF800  }
0x371: {  	[hbm4b:s6+s2] =	stream.linear.scatter [tilespmem:s29], [sflag:$0x3], $0x80, $0x38;
	[tilespmem:$0x15000] =	vst v63  }
0x372: {  	s30 =	sadd.s32 $0x10, s6;
	s31 =	simm.s32 $0x11480  }
0x373: {  	[hbm4b:s30+s2] =	stream.linear.scatter [tilespmem:s31], [sflag:$0x3], $0x80, $0x38;
	[tilespmem:$0x15000] =	vst v63  }
0x374: {  	s16 =	sadd.s32 $0x20, s6;
	s18 =	simm.s32 $0x11880  }
0x375: {  	[hbm4b:s16+s2] =	stream.linear.scatter [tilespmem:s18], [sflag:$0x3], $0x80, $0x38;
	[tilespmem:$0x15000] =	vst v63  }
0x376: {  	s28 =	sadd.s32 $0x30, s6;
	s29 =	simm.s32 $0x11C80  }
0x377: {  	[hbm4b:s28+s2] =	stream.linear.scatter [tilespmem:s29], [sflag:$0x3], $0x80, $0x38;
	[tilespmem:$0x15000] =	vst v63  }
0x378: {  	s30 =	sadd.s32 $0x40, s6;
	s31 =	simm.s32 $0x12080  }
0x379: {  	[hbm4b:s30+s2] =	stream.linear.scatter [tilespmem:s31], [sflag:$0x3], $0x80, $0x38;
	[tilespmem:$0x15000] =	vst v63  }
0x37a: {  	s16 =	sadd.s32 $0x50, s6;
	s18 =	simm.s32 $0x12480  }
0x37b: {  	[hbm4b:s16+s2] =	stream.linear.scatter [tilespmem:s18], [sflag:$0x3], $0x80, $0x38;
	[tilespmem:$0x15000] =	vst v63  }
0x37c: {  	s28 =	sadd.s32 $0x60, s6;
	s29 =	simm.s32 $0x12880  }
0x37d: {  	[hbm4b:s28+s2] =	stream.linear.scatter [tilespmem:s29], [sflag:$0x3], $0x80, $0x38;
	[tilespmem:$0x15000] =	vst v63  }
0x37e: {  	s30 =	sadd.s32 $0x70, s6;
	s31 =	simm.s32 $0x12C80  }
0x37f: {  	[hbm4b:s30+s2] =	stream.linear.scatter [tilespmem:s31], [sflag:$0x3], $0x80, $0x38;
	[tilespmem:$0x15000] =	vst v63  }
0x380: {  	s16 =	sadd.s32 $0x80, s6;
	s18 =	simm.s32 $0x13080  }
0x381: {  	[hbm4b:s16+s2] =	stream.linear.scatter [tilespmem:s18], [sflag:$0x3], $0x80, $0x38;
	[tilespmem:$0x15000] =	vst v63  }
0x382: {  	s28 =	sadd.s32 $0x90, s6;
	s29 =	simm.s32 $0x13480  }
0x383: {  	[hbm4b:s28+s2] =	stream.linear.scatter [tilespmem:s29], [sflag:$0x3], $0x80, $0x38;
	[tilespmem:$0x15000] =	vst v63  }
0x384: {  	s30 =	sadd.s32 $0xA0, s6;
	s31 =	simm.s32 $0x13880  }
0x385: {  	[hbm4b:s30+s2] =	stream.linear.scatter [tilespmem:s31], [sflag:$0x3], $0x80, $0x38;
	[tilespmem:$0x15000] =	vst v63  }
0x386: {  	s16 =	sadd.s32 $0xB0, s6;
	s18 =	simm.s32 $0x13C80  }
0x387: {  	[hbm4b:s16+s2] =	stream.linear.scatter [tilespmem:s18], [sflag:$0x3], $0x80, $0x38;
	[tilespmem:$0x15000] =	vst v63  }
0x388: {  	s28 =	sadd.s32 $0xC0, s6;
	s29 =	simm.s32 $0x14080  }
0x389: {  	[hbm4b:s28+s2] =	stream.linear.scatter [tilespmem:s29], [sflag:$0x3], $0x80, $0x38;
	[tilespmem:$0x15000] =	vst v63  }
0x38a: {  	s30 =	sadd.s32 $0xD0, s6;
	s31 =	simm.s32 $0x14480  }
0x38b: {  	[hbm4b:s30+s2] =	stream.linear.scatter [tilespmem:s31], [sflag:$0x3], $0x80, $0x38;
	[tilespmem:$0x15000] =	vst v63  }
0x38c: {  	s1 =	sadd.s32 $0xE0, s6;
	s16 =	simm.s32 $0x14880  }
0x38d: {  	[hbm4b:s1+s2] =	stream.linear.scatter [tilespmem:s16], [sflag:$0x3], $0x80, $0x38;
	[tilespmem:$0x15000] =	vst v63  }
0x38e: {  	s18 =	sadd.s32 $0xF0, s6;
	s28 =	simm.s32 $0x14C80  }
0x38f: {  	[hbm4b:s18+s2] =	stream.linear.scatter [tilespmem:s28], [sflag:$0x3], $0x80, $0x38;
	[tilespmem:$0x15000] =	vst v63  }
0x390: {  	_ =	swait.ge [sflag:s14], $0x800  }
0x391: {  	[sflag:s14] =	ssyncset.done $0x0  }
0x392: {  	s29 =	simm.s32 $0x11100;
	[sflag:s14] =	ssyncadd.s32 $0xFFFFF800  }
0x393: {  	[hbm4b:s7+s2] =	stream.linear.scatter [tilespmem:s29], [sflag:$0x3], $0x80, $0x38;
	[tilespmem:$0x15000] =	vst v63  }
0x394: {  	s30 =	sadd.s32 $0x10, s7;
	s31 =	simm.s32 $0x11500  }
0x395: {  	[hbm4b:s30+s2] =	stream.linear.scatter [tilespmem:s31], [sflag:$0x3], $0x80, $0x38;
	[tilespmem:$0x15000] =	vst v63  }
0x396: {  	s16 =	sadd.s32 $0x20, s7;
	s18 =	simm.s32 $0x11900  }
0x397: {  	[hbm4b:s16+s2] =	stream.linear.scatter [tilespmem:s18], [sflag:$0x3], $0x80, $0x38;
	[tilespmem:$0x15000] =	vst v63  }
0x398: {  	s28 =	sadd.s32 $0x30, s7;
	s29 =	simm.s32 $0x11D00  }
0x399: {  	[hbm4b:s28+s2] =	stream.linear.scatter [tilespmem:s29], [sflag:$0x3], $0x80, $0x38;
	[tilespmem:$0x15000] =	vst v63  }
0x39a: {  	s30 =	sadd.s32 $0x40, s7;
	s31 =	simm.s32 $0x12100  }
0x39b: {  	[hbm4b:s30+s2] =	stream.linear.scatter [tilespmem:s31], [sflag:$0x3], $0x80, $0x38;
	[tilespmem:$0x15000] =	vst v63  }
0x39c: {  	s16 =	sadd.s32 $0x50, s7;
	s18 =	simm.s32 $0x12500  }
0x39d: {  	[hbm4b:s16+s2] =	stream.linear.scatter [tilespmem:s18], [sflag:$0x3], $0x80, $0x38;
	[tilespmem:$0x15000] =	vst v63  }
0x39e: {  	s28 =	sadd.s32 $0x60, s7;
	s29 =	simm.s32 $0x12900  }
0x39f: {  	[hbm4b:s28+s2] =	stream.linear.scatter [tilespmem:s29], [sflag:$0x3], $0x80, $0x38;
	[tilespmem:$0x15000] =	vst v63  }
0x3a0: {  	s30 =	sadd.s32 $0x70, s7;
	s31 =	simm.s32 $0x12D00  }
0x3a1: {  	[hbm4b:s30+s2] =	stream.linear.scatter [tilespmem:s31], [sflag:$0x3], $0x80, $0x38;
	[tilespmem:$0x15000] =	vst v63  }
0x3a2: {  	s16 =	sadd.s32 $0x80, s7;
	s18 =	simm.s32 $0x13100  }
0x3a3: {  	[hbm4b:s16+s2] =	stream.linear.scatter [tilespmem:s18], [sflag:$0x3], $0x80, $0x38;
	[tilespmem:$0x15000] =	vst v63  }
0x3a4: {  	s28 =	sadd.s32 $0x90, s7;
	s29 =	simm.s32 $0x13500  }
0x3a5: {  	[hbm4b:s28+s2] =	stream.linear.scatter [tilespmem:s29], [sflag:$0x3], $0x80, $0x38;
	[tilespmem:$0x15000] =	vst v63  }
0x3a6: {  	s30 =	sadd.s32 $0xA0, s7;
	s31 =	simm.s32 $0x13900  }
0x3a7: {  	[hbm4b:s30+s2] =	stream.linear.scatter [tilespmem:s31], [sflag:$0x3], $0x80, $0x38;
	[tilespmem:$0x15000] =	vst v63  }
0x3a8: {  	s16 =	sadd.s32 $0xB0, s7;
	s18 =	simm.s32 $0x13D00  }
0x3a9: {  	[hbm4b:s16+s2] =	stream.linear.scatter [tilespmem:s18], [sflag:$0x3], $0x80, $0x38;
	[tilespmem:$0x15000] =	vst v63  }
0x3aa: {  	s28 =	sadd.s32 $0xC0, s7;
	s29 =	simm.s32 $0x14100  }
0x3ab: {  	[hbm4b:s28+s2] =	stream.linear.scatter [tilespmem:s29], [sflag:$0x3], $0x80, $0x38;
	[tilespmem:$0x15000] =	vst v63  }
0x3ac: {  	s30 =	sadd.s32 $0xD0, s7;
	s31 =	simm.s32 $0x14500  }
0x3ad: {  	[hbm4b:s30+s2] =	stream.linear.scatter [tilespmem:s31], [sflag:$0x3], $0x80, $0x38;
	[tilespmem:$0x15000] =	vst v63  }
0x3ae: {  	s1 =	sadd.s32 $0xE0, s7;
	s16 =	simm.s32 $0x14900  }
0x3af: {  	[hbm4b:s1+s2] =	stream.linear.scatter [tilespmem:s16], [sflag:$0x3], $0x80, $0x38;
	[tilespmem:$0x15000] =	vst v63  }
0x3b0: {  	s18 =	sadd.s32 $0xF0, s7;
	s28 =	simm.s32 $0x14D00  }
0x3b1: {  	[hbm4b:s18+s2] =	stream.linear.scatter [tilespmem:s28], [sflag:$0x3], $0x80, $0x38;
	[tilespmem:$0x15000] =	vst v63  }
0x3b2: {  	_ =	swait.ge [sflag:s14], $0x800  }
0x3b3: {  	[sflag:s14] =	ssyncset.done $0x0  }
0x3b4: {  	s29 =	simm.s32 $0x11180;
	[sflag:s14] =	ssyncadd.s32 $0xFFFFF800  }
0x3b5: {  	[hbm4b:s8+s2] =	stream.linear.scatter [tilespmem:s29], [sflag:$0x3], $0x80, $0x38;
	[tilespmem:$0x15000] =	vst v63  }
0x3b6: {  	s30 =	sadd.s32 $0x10, s8;
	s31 =	simm.s32 $0x11580  }
0x3b7: {  	[hbm4b:s30+s2] =	stream.linear.scatter [tilespmem:s31], [sflag:$0x3], $0x80, $0x38;
	[tilespmem:$0x15000] =	vst v63  }
0x3b8: {  	s16 =	sadd.s32 $0x20, s8;
	s18 =	simm.s32 $0x11980  }
0x3b9: {  	[hbm4b:s16+s2] =	stream.linear.scatter [tilespmem:s18], [sflag:$0x3], $0x80, $0x38;
	[tilespmem:$0x15000] =	vst v63  }
0x3ba: {  	s28 =	sadd.s32 $0x30, s8;
	s29 =	simm.s32 $0x11D80  }
0x3bb: {  	[hbm4b:s28+s2] =	stream.linear.scatter [tilespmem:s29], [sflag:$0x3], $0x80, $0x38;
	[tilespmem:$0x15000] =	vst v63  }
0x3bc: {  	s30 =	sadd.s32 $0x40, s8;
	s31 =	simm.s32 $0x12180  }
0x3bd: {  	[hbm4b:s30+s2] =	stream.linear.scatter [tilespmem:s31], [sflag:$0x3], $0x80, $0x38;
	[tilespmem:$0x15000] =	vst v63  }
0x3be: {  	s16 =	sadd.s32 $0x50, s8;
	s18 =	simm.s32 $0x12580  }
0x3bf: {  	[hbm4b:s16+s2] =	stream.linear.scatter [tilespmem:s18], [sflag:$0x3], $0x80, $0x38;
	[tilespmem:$0x15000] =	vst v63  }
0x3c0: {  	s28 =	sadd.s32 $0x60, s8;
	s29 =	simm.s32 $0x12980  }
0x3c1: {  	[hbm4b:s28+s2] =	stream.linear.scatter [tilespmem:s29], [sflag:$0x3], $0x80, $0x38;
	[tilespmem:$0x15000] =	vst v63  }
0x3c2: {  	s30 =	sadd.s32 $0x70, s8;
	s31 =	simm.s32 $0x12D80  }
0x3c3: {  	[hbm4b:s30+s2] =	stream.linear.scatter [tilespmem:s31], [sflag:$0x3], $0x80, $0x38;
	[tilespmem:$0x15000] =	vst v63  }
0x3c4: {  	s16 =	sadd.s32 $0x80, s8;
	s18 =	simm.s32 $0x13180  }
0x3c5: {  	[hbm4b:s16+s2] =	stream.linear.scatter [tilespmem:s18], [sflag:$0x3], $0x80, $0x38;
	[tilespmem:$0x15000] =	vst v63  }
0x3c6: {  	s28 =	sadd.s32 $0x90, s8;
	s29 =	simm.s32 $0x13580  }
0x3c7: {  	[hbm4b:s28+s2] =	stream.linear.scatter [tilespmem:s29], [sflag:$0x3], $0x80, $0x38;
	[tilespmem:$0x15000] =	vst v63  }
0x3c8: {  	s30 =	sadd.s32 $0xA0, s8;
	s31 =	simm.s32 $0x13980  }
0x3c9: {  	[hbm4b:s30+s2] =	stream.linear.scatter [tilespmem:s31], [sflag:$0x3], $0x80, $0x38;
	[tilespmem:$0x15000] =	vst v63  }
0x3ca: {  	s16 =	sadd.s32 $0xB0, s8;
	s18 =	simm.s32 $0x13D80  }
0x3cb: {  	[hbm4b:s16+s2] =	stream.linear.scatter [tilespmem:s18], [sflag:$0x3], $0x80, $0x38;
	[tilespmem:$0x15000] =	vst v63  }
0x3cc: {  	s28 =	sadd.s32 $0xC0, s8;
	s29 =	simm.s32 $0x14180  }
0x3cd: {  	[hbm4b:s28+s2] =	stream.linear.scatter [tilespmem:s29], [sflag:$0x3], $0x80, $0x38;
	[tilespmem:$0x15000] =	vst v63  }
0x3ce: {  	s30 =	sadd.s32 $0xD0, s8;
	s31 =	simm.s32 $0x14580  }
0x3cf: {  	[hbm4b:s30+s2] =	stream.linear.scatter [tilespmem:s31], [sflag:$0x3], $0x80, $0x38;
	[tilespmem:$0x15000] =	vst v63  }
0x3d0: {  	s1 =	sadd.s32 $0xE0, s8;
	s16 =	simm.s32 $0x14980  }
0x3d1: {  	[hbm4b:s1+s2] =	stream.linear.scatter [tilespmem:s16], [sflag:$0x3], $0x80, $0x38;
	[tilespmem:$0x15000] =	vst v63  }
0x3d2: {  	s18 =	sadd.s32 $0xF0, s8;
	s28 =	simm.s32 $0x14D80  }
0x3d3: {  	[hbm4b:s18+s2] =	stream.linear.scatter [tilespmem:s28], [sflag:$0x3], $0x80, $0x38;
	[tilespmem:$0x15000] =	vst v63  }
0x3d4: {  	_ =	swait.ge [sflag:s14], $0x800  }
0x3d5: {  	[sflag:s14] =	ssyncset.done $0x0  }
0x3d6: {  	s29 =	simm.s32 $0x11200;
	[sflag:s14] =	ssyncadd.s32 $0xFFFFF800  }
0x3d7: {  	[hbm4b:s9+s2] =	stream.linear.scatter [tilespmem:s29], [sflag:$0x3], $0x80, $0x38;
	[tilespmem:$0x15000] =	vst v63  }
0x3d8: {  	s30 =	sadd.s32 $0x10, s9;
	s31 =	simm.s32 $0x11600  }
0x3d9: {  	[hbm4b:s30+s2] =	stream.linear.scatter [tilespmem:s31], [sflag:$0x3], $0x80, $0x38;
	[tilespmem:$0x15000] =	vst v63  }
0x3da: {  	s16 =	sadd.s32 $0x20, s9;
	s18 =	simm.s32 $0x11A00  }
0x3db: {  	[hbm4b:s16+s2] =	stream.linear.scatter [tilespmem:s18], [sflag:$0x3], $0x80, $0x38;
	[tilespmem:$0x15000] =	vst v63  }
0x3dc: {  	s28 =	sadd.s32 $0x30, s9;
	s29 =	simm.s32 $0x11E00  }
0x3dd: {  	[hbm4b:s28+s2] =	stream.linear.scatter [tilespmem:s29], [sflag:$0x3], $0x80, $0x38;
	[tilespmem:$0x15000] =	vst v63  }
0x3de: {  	s30 =	sadd.s32 $0x40, s9;
	s31 =	simm.s32 $0x12200  }
0x3df: {  	[hbm4b:s30+s2] =	stream.linear.scatter [tilespmem:s31], [sflag:$0x3], $0x80, $0x38;
	[tilespmem:$0x15000] =	vst v63  }
0x3e0: {  	s16 =	sadd.s32 $0x50, s9;
	s18 =	simm.s32 $0x12600  }
0x3e1: {  	[hbm4b:s16+s2] =	stream.linear.scatter [tilespmem:s18], [sflag:$0x3], $0x80, $0x38;
	[tilespmem:$0x15000] =	vst v63  }
0x3e2: {  	s28 =	sadd.s32 $0x60, s9;
	s29 =	simm.s32 $0x12A00  }
0x3e3: {  	[hbm4b:s28+s2] =	stream.linear.scatter [tilespmem:s29], [sflag:$0x3], $0x80, $0x38;
	[tilespmem:$0x15000] =	vst v63  }
0x3e4: {  	s30 =	sadd.s32 $0x70, s9;
	s31 =	simm.s32 $0x12E00  }
0x3e5: {  	[hbm4b:s30+s2] =	stream.linear.scatter [tilespmem:s31], [sflag:$0x3], $0x80, $0x38;
	[tilespmem:$0x15000] =	vst v63  }
0x3e6: {  	s16 =	sadd.s32 $0x80, s9;
	s18 =	simm.s32 $0x13200  }
0x3e7: {  	[hbm4b:s16+s2] =	stream.linear.scatter [tilespmem:s18], [sflag:$0x3], $0x80, $0x38;
	[tilespmem:$0x15000] =	vst v63  }
0x3e8: {  	s28 =	sadd.s32 $0x90, s9;
	s29 =	simm.s32 $0x13600  }
0x3e9: {  	[hbm4b:s28+s2] =	stream.linear.scatter [tilespmem:s29], [sflag:$0x3], $0x80, $0x38;
	[tilespmem:$0x15000] =	vst v63  }
0x3ea: {  	s30 =	sadd.s32 $0xA0, s9;
	s31 =	simm.s32 $0x13A00  }
0x3eb: {  	[hbm4b:s30+s2] =	stream.linear.scatter [tilespmem:s31], [sflag:$0x3], $0x80, $0x38;
	[tilespmem:$0x15000] =	vst v63  }
0x3ec: {  	s16 =	sadd.s32 $0xB0, s9;
	s18 =	simm.s32 $0x13E00  }
0x3ed: {  	[hbm4b:s16+s2] =	stream.linear.scatter [tilespmem:s18], [sflag:$0x3], $0x80, $0x38;
	[tilespmem:$0x15000] =	vst v63  }
0x3ee: {  	s28 =	sadd.s32 $0xC0, s9;
	s29 =	simm.s32 $0x14200  }
0x3ef: {  	[hbm4b:s28+s2] =	stream.linear.scatter [tilespmem:s29], [sflag:$0x3], $0x80, $0x38;
	[tilespmem:$0x15000] =	vst v63  }
0x3f0: {  	s30 =	sadd.s32 $0xD0, s9;
	s31 =	simm.s32 $0x14600  }
0x3f1: {  	[hbm4b:s30+s2] =	stream.linear.scatter [tilespmem:s31], [sflag:$0x3], $0x80, $0x38;
	[tilespmem:$0x15000] =	vst v63  }
0x3f2: {  	s1 =	sadd.s32 $0xE0, s9;
	s16 =	simm.s32 $0x14A00  }
0x3f3: {  	[hbm4b:s1+s2] =	stream.linear.scatter [tilespmem:s16], [sflag:$0x3], $0x80, $0x38;
	[tilespmem:$0x15000] =	vst v63  }
0x3f4: {  	s18 =	sadd.s32 $0xF0, s9;
	s28 =	simm.s32 $0x14E00  }
0x3f5: {  	[hbm4b:s18+s2] =	stream.linear.scatter [tilespmem:s28], [sflag:$0x3], $0x80, $0x38;
	[tilespmem:$0x15000] =	vst v63  }
0x3f6: {  	_ =	swait.ge [sflag:s14], $0x800  }
0x3f7: {  	[sflag:s14] =	ssyncset.done $0x0  }
0x3f8: {  	s29 =	simm.s32 $0x11280;
	[sflag:s14] =	ssyncadd.s32 $0xFFFFF800  }
0x3f9: {  	[hbm4b:s10+s2] =	stream.linear.scatter [tilespmem:s29], [sflag:$0x3], $0x80, $0x38;
	[tilespmem:$0x15000] =	vst v63  }
0x3fa: {  	s30 =	sadd.s32 $0x10, s10;
	s31 =	simm.s32 $0x11680  }
0x3fb: {  	[hbm4b:s30+s2] =	stream.linear.scatter [tilespmem:s31], [sflag:$0x3], $0x80, $0x38;
	[tilespmem:$0x15000] =	vst v63  }
0x3fc: {  	s16 =	sadd.s32 $0x20, s10;
	s18 =	simm.s32 $0x11A80  }
0x3fd: {  	[hbm4b:s16+s2] =	stream.linear.scatter [tilespmem:s18], [sflag:$0x3], $0x80, $0x38;
	[tilespmem:$0x15000] =	vst v63  }
0x3fe: {  	s28 =	sadd.s32 $0x30, s10;
	s29 =	simm.s32 $0x11E80  }
0x3ff: {  	[hbm4b:s28+s2] =	stream.linear.scatter [tilespmem:s29], [sflag:$0x3], $0x80, $0x38;
	[tilespmem:$0x15000] =	vst v63  }
0x400: {  	s30 =	sadd.s32 $0x40, s10;
	s31 =	simm.s32 $0x12280  }
0x401: {  	[hbm4b:s30+s2] =	stream.linear.scatter [tilespmem:s31], [sflag:$0x3], $0x80, $0x38;
	[tilespmem:$0x15000] =	vst v63  }
0x402: {  	s16 =	sadd.s32 $0x50, s10;
	s18 =	simm.s32 $0x12680  }
0x403: {  	[hbm4b:s16+s2] =	stream.linear.scatter [tilespmem:s18], [sflag:$0x3], $0x80, $0x38;
	[tilespmem:$0x15000] =	vst v63  }
0x404: {  	s28 =	sadd.s32 $0x60, s10;
	s29 =	simm.s32 $0x12A80  }
0x405: {  	[hbm4b:s28+s2] =	stream.linear.scatter [tilespmem:s29], [sflag:$0x3], $0x80, $0x38;
	[tilespmem:$0x15000] =	vst v63  }
0x406: {  	s30 =	sadd.s32 $0x70, s10;
	s31 =	simm.s32 $0x12E80  }
0x407: {  	[hbm4b:s30+s2] =	stream.linear.scatter [tilespmem:s31], [sflag:$0x3], $0x80, $0x38;
	[tilespmem:$0x15000] =	vst v63  }
0x408: {  	s16 =	sadd.s32 $0x80, s10;
	s18 =	simm.s32 $0x13280  }
0x409: {  	[hbm4b:s16+s2] =	stream.linear.scatter [tilespmem:s18], [sflag:$0x3], $0x80, $0x38;
	[tilespmem:$0x15000] =	vst v63  }
0x40a: {  	s28 =	sadd.s32 $0x90, s10;
	s29 =	simm.s32 $0x13680  }
0x40b: {  	[hbm4b:s28+s2] =	stream.linear.scatter [tilespmem:s29], [sflag:$0x3], $0x80, $0x38;
	[tilespmem:$0x15000] =	vst v63  }
0x40c: {  	s30 =	sadd.s32 $0xA0, s10;
	s31 =	simm.s32 $0x13A80  }
0x40d: {  	[hbm4b:s30+s2] =	stream.linear.scatter [tilespmem:s31], [sflag:$0x3], $0x80, $0x38;
	[tilespmem:$0x15000] =	vst v63  }
0x40e: {  	s16 =	sadd.s32 $0xB0, s10;
	s18 =	simm.s32 $0x13E80  }
0x40f: {  	[hbm4b:s16+s2] =	stream.linear.scatter [tilespmem:s18], [sflag:$0x3], $0x80, $0x38;
	[tilespmem:$0x15000] =	vst v63  }
0x410: {  	s28 =	sadd.s32 $0xC0, s10;
	s29 =	simm.s32 $0x14280  }
0x411: {  	[hbm4b:s28+s2] =	stream.linear.scatter [tilespmem:s29], [sflag:$0x3], $0x80, $0x38;
	[tilespmem:$0x15000] =	vst v63  }
0x412: {  	s30 =	sadd.s32 $0xD0, s10;
	s31 =	simm.s32 $0x14680  }
0x413: {  	[hbm4b:s30+s2] =	stream.linear.scatter [tilespmem:s31], [sflag:$0x3], $0x80, $0x38;
	[tilespmem:$0x15000] =	vst v63  }
0x414: {  	s1 =	sadd.s32 $0xE0, s10;
	s16 =	simm.s32 $0x14A80  }
0x415: {  	[hbm4b:s1+s2] =	stream.linear.scatter [tilespmem:s16], [sflag:$0x3], $0x80, $0x38;
	[tilespmem:$0x15000] =	vst v63  }
0x416: {  	s18 =	sadd.s32 $0xF0, s10;
	s28 =	simm.s32 $0x14E80  }
0x417: {  	[hbm4b:s18+s2] =	stream.linear.scatter [tilespmem:s28], [sflag:$0x3], $0x80, $0x38;
	[tilespmem:$0x15000] =	vst v63  }
0x418: {  	_ =	swait.ge [sflag:s14], $0x800  }
0x419: {  	[sflag:s14] =	ssyncset.done $0x0  }
0x41a: {  	s29 =	simm.s32 $0x11300;
	[sflag:s14] =	ssyncadd.s32 $0xFFFFF800  }
0x41b: {  	[hbm4b:s11+s2] =	stream.linear.scatter [tilespmem:s29], [sflag:$0x3], $0x80, $0x38;
	[tilespmem:$0x15000] =	vst v63  }
0x41c: {  	s30 =	sadd.s32 $0x10, s11;
	s31 =	simm.s32 $0x11700  }
0x41d: {  	[hbm4b:s30+s2] =	stream.linear.scatter [tilespmem:s31], [sflag:$0x3], $0x80, $0x38;
	[tilespmem:$0x15000] =	vst v63  }
0x41e: {  	s16 =	sadd.s32 $0x20, s11;
	s18 =	simm.s32 $0x11B00  }
0x41f: {  	[hbm4b:s16+s2] =	stream.linear.scatter [tilespmem:s18], [sflag:$0x3], $0x80, $0x38;
	[tilespmem:$0x15000] =	vst v63  }
0x420: {  	s28 =	sadd.s32 $0x30, s11;
	s29 =	simm.s32 $0x11F00  }
0x421: {  	[hbm4b:s28+s2] =	stream.linear.scatter [tilespmem:s29], [sflag:$0x3], $0x80, $0x38;
	[tilespmem:$0x15000] =	vst v63  }
0x422: {  	s30 =	sadd.s32 $0x40, s11;
	s31 =	simm.s32 $0x12300  }
0x423: {  	[hbm4b:s30+s2] =	stream.linear.scatter [tilespmem:s31], [sflag:$0x3], $0x80, $0x38;
	[tilespmem:$0x15000] =	vst v63  }
0x424: {  	s16 =	sadd.s32 $0x50, s11;
	s18 =	simm.s32 $0x12700  }
0x425: {  	[hbm4b:s16+s2] =	stream.linear.scatter [tilespmem:s18], [sflag:$0x3], $0x80, $0x38;
	[tilespmem:$0x15000] =	vst v63  }
0x426: {  	s28 =	sadd.s32 $0x60, s11;
	s29 =	simm.s32 $0x12B00  }
0x427: {  	[hbm4b:s28+s2] =	stream.linear.scatter [tilespmem:s29], [sflag:$0x3], $0x80, $0x38;
	[tilespmem:$0x15000] =	vst v63  }
0x428: {  	s30 =	sadd.s32 $0x70, s11;
	s31 =	simm.s32 $0x12F00  }
0x429: {  	[hbm4b:s30+s2] =	stream.linear.scatter [tilespmem:s31], [sflag:$0x3], $0x80, $0x38;
	[tilespmem:$0x15000] =	vst v63  }
0x42a: {  	s16 =	sadd.s32 $0x80, s11;
	s18 =	simm.s32 $0x13300  }
0x42b: {  	[hbm4b:s16+s2] =	stream.linear.scatter [tilespmem:s18], [sflag:$0x3], $0x80, $0x38;
	[tilespmem:$0x15000] =	vst v63  }
0x42c: {  	s28 =	sadd.s32 $0x90, s11;
	s29 =	simm.s32 $0x13700  }
0x42d: {  	[hbm4b:s28+s2] =	stream.linear.scatter [tilespmem:s29], [sflag:$0x3], $0x80, $0x38;
	[tilespmem:$0x15000] =	vst v63  }
0x42e: {  	s30 =	sadd.s32 $0xA0, s11;
	s31 =	simm.s32 $0x13B00  }
0x42f: {  	[hbm4b:s30+s2] =	stream.linear.scatter [tilespmem:s31], [sflag:$0x3], $0x80, $0x38;
	[tilespmem:$0x15000] =	vst v63  }
0x430: {  	s16 =	sadd.s32 $0xB0, s11;
	s18 =	simm.s32 $0x13F00  }
0x431: {  	[hbm4b:s16+s2] =	stream.linear.scatter [tilespmem:s18], [sflag:$0x3], $0x80, $0x38;
	[tilespmem:$0x15000] =	vst v63  }
0x432: {  	s28 =	sadd.s32 $0xC0, s11;
	s29 =	simm.s32 $0x14300  }
0x433: {  	[hbm4b:s28+s2] =	stream.linear.scatter [tilespmem:s29], [sflag:$0x3], $0x80, $0x38;
	[tilespmem:$0x15000] =	vst v63  }
0x434: {  	s30 =	sadd.s32 $0xD0, s11;
	s31 =	simm.s32 $0x14700  }
0x435: {  	[hbm4b:s30+s2] =	stream.linear.scatter [tilespmem:s31], [sflag:$0x3], $0x80, $0x38;
	[tilespmem:$0x15000] =	vst v63  }
0x436: {  	s1 =	sadd.s32 $0xE0, s11;
	s16 =	simm.s32 $0x14B00  }
0x437: {  	[hbm4b:s1+s2] =	stream.linear.scatter [tilespmem:s16], [sflag:$0x3], $0x80, $0x38;
	[tilespmem:$0x15000] =	vst v63  }
0x438: {  	s18 =	sadd.s32 $0xF0, s11;
	s28 =	simm.s32 $0x14F00  }
0x439: {  	[hbm4b:s18+s2] =	stream.linear.scatter [tilespmem:s28], [sflag:$0x3], $0x80, $0x38;
	[tilespmem:$0x15000] =	vst v63  }
0x43a: {  	_ =	swait.ge [sflag:s14], $0x800  }
0x43b: {  	[sflag:s14] =	ssyncset.done $0x0  }
0x43c: {  	s29 =	simm.s32 $0x11380;
	[sflag:s14] =	ssyncadd.s32 $0xFFFFF800  }
0x43d: {  	[hbm4b:s12+s2] =	stream.linear.scatter [tilespmem:s29], [sflag:$0x3], $0x80, $0x38;
	[tilespmem:$0x15000] =	vst v63  }
0x43e: {  	s30 =	sadd.s32 $0x10, s12;
	s31 =	simm.s32 $0x11780  }
0x43f: {  	[hbm4b:s30+s2] =	stream.linear.scatter [tilespmem:s31], [sflag:$0x3], $0x80, $0x38;
	[tilespmem:$0x15000] =	vst v63  }
0x440: {  	s16 =	sadd.s32 $0x20, s12;
	s18 =	simm.s32 $0x11B80  }
0x441: {  	[hbm4b:s16+s2] =	stream.linear.scatter [tilespmem:s18], [sflag:$0x3], $0x80, $0x38;
	[tilespmem:$0x15000] =	vst v63  }
0x442: {  	s28 =	sadd.s32 $0x30, s12;
	s29 =	simm.s32 $0x11F80  }
0x443: {  	[hbm4b:s28+s2] =	stream.linear.scatter [tilespmem:s29], [sflag:$0x3], $0x80, $0x38;
	[tilespmem:$0x15000] =	vst v63  }
0x444: {  	s30 =	sadd.s32 $0x40, s12;
	s31 =	simm.s32 $0x12380  }
0x445: {  	[hbm4b:s30+s2] =	stream.linear.scatter [tilespmem:s31], [sflag:$0x3], $0x80, $0x38;
	[tilespmem:$0x15000] =	vst v63  }
0x446: {  	s16 =	sadd.s32 $0x50, s12;
	s18 =	simm.s32 $0x12780  }
0x447: {  	[hbm4b:s16+s2] =	stream.linear.scatter [tilespmem:s18], [sflag:$0x3], $0x80, $0x38;
	[tilespmem:$0x15000] =	vst v63  }
0x448: {  	s28 =	sadd.s32 $0x60, s12;
	s29 =	simm.s32 $0x12B80  }
0x449: {  	[hbm4b:s28+s2] =	stream.linear.scatter [tilespmem:s29], [sflag:$0x3], $0x80, $0x38;
	[tilespmem:$0x15000] =	vst v63  }
0x44a: {  	s30 =	sadd.s32 $0x70, s12;
	s31 =	simm.s32 $0x12F80  }
0x44b: {  	[hbm4b:s30+s2] =	stream.linear.scatter [tilespmem:s31], [sflag:$0x3], $0x80, $0x38;
	[tilespmem:$0x15000] =	vst v63  }
0x44c: {  	s16 =	sadd.s32 $0x80, s12;
	s18 =	simm.s32 $0x13380  }
0x44d: {  	[hbm4b:s16+s2] =	stream.linear.scatter [tilespmem:s18], [sflag:$0x3], $0x80, $0x38;
	[tilespmem:$0x15000] =	vst v63  }
0x44e: {  	s28 =	sadd.s32 $0x90, s12;
	s29 =	simm.s32 $0x13780  }
0x44f: {  	[hbm4b:s28+s2] =	stream.linear.scatter [tilespmem:s29], [sflag:$0x3], $0x80, $0x38;
	[tilespmem:$0x15000] =	vst v63  }
0x450: {  	s30 =	sadd.s32 $0xA0, s12;
	s31 =	simm.s32 $0x13B80  }
0x451: {  	[hbm4b:s30+s2] =	stream.linear.scatter [tilespmem:s31], [sflag:$0x3], $0x80, $0x38;
	[tilespmem:$0x15000] =	vst v63  }
0x452: {  	s16 =	sadd.s32 $0xB0, s12;
	s18 =	simm.s32 $0x13F80  }
0x453: {  	[hbm4b:s16+s2] =	stream.linear.scatter [tilespmem:s18], [sflag:$0x3], $0x80, $0x38;
	[tilespmem:$0x15000] =	vst v63  }
0x454: {  	s28 =	sadd.s32 $0xC0, s12  }
0x455: {  	[hbm4b:s28+s2] =	stream.linear.scatter [tilespmem:s21], [sflag:$0x3], $0x80, $0x38;
	[tilespmem:$0x15000] =	vst v63  }
0x456: {  	s26 =	sadd.s32 $0x1, s26;
	s29 =	sadd.s32 $0xD0, s12  }
0x457: {  	[hbm4b:s29+s2] =	stream.linear.scatter [tilespmem:s23], [sflag:$0x3], $0x80, $0x38;
	[tilespmem:$0x15000] =	vst v63  }
0x458: {  	p0 =	sne.s32 s26, s13;
	s30 =	sadd.s32 $0xE0, s12  }
0x459: {  	[hbm4b:s30+s2] =	stream.linear.scatter [tilespmem:s24], [sflag:$0x3], $0x80, $0x38;
	[tilespmem:$0x15000] =	vst v63  }
.Ltmp9:
0x45a: {  	s31 =	sadd.s32 $0xF0, s12;
	(pc) =	sbr.rel @p0 .LBB2_1-.Ltmp9, $4  }
0x45b: {  	[hbm4b:s31+s2] =	stream.linear.scatter [tilespmem:s25], [sflag:$0x3], $0x80, $0x38;
	[tilespmem:$0x15000] =	vst v63  }
0x45c: {  	_ =	swait.ge [sflag:s14], $0x800  }
0x45d: {  	[sflag:s14] =	ssyncset.done $0x0  }
0x45e: {  	[sflag:s14] =	ssyncadd.s32 $0xFFFFF800  }
0x45f: {  	_ =	sfence.sel $0x180000  }
0x460: {  	[bflag:$0x0] =	sbarrier.arrive $0xFFFF  }
0x461: {  	_ =	strace $0x90000047  }
0x462: {  	s0 =	stileid.u32;
	[bflag:$0x2] =	sbarrier.arrive $0xFFFF  }
0x463: {  	p0 =	sne.s32 s0, $0x0;
	s0 =	rddreg [dreg:$0x4]  }
0x464: {  	s0 =	sadd.s32 @!p0 $0x100000, s0  }
0x465: {  	[sflag:s0] =	ssyncadd.tile.s32 @!p0 $0x1;
	_ =	shalt  }
.Lfunc_end2:
_tile_overlayer_lowered:
.L_overlay_start_2:
0x466: {  	(tag) =	ssettag $0x2  }
0x467: {  	s0 =	rddreg [dreg:$0x0];
	s2 =	stileid.u32  }
0x468: {  	s1 =	rddreg [dreg:$0x1];
	p0 =	sne.s32 s2, $0x0  }
0x469: {  	s3 =	rddreg [dreg:$0x2];
	[bflag:$0x3] =	sbarrier.arrive $0xFFFF;
	s2 =	simm.s32 @!p0 $0x1C03  }
0x46a: {  	[timem:s3], [sflag:s2] =	dma.local @!p0 [hbm:s0], s1  }
0x46b: {  	s0 =	simm.s32 @!p0 $0x3  }
0x46c: {  	_ =	swait.ge @!p0 [sflag:s0], s1  }
0x46d: {  	s1 =	ssub.s32 @!p0 $0x0, s1;
	[sflag:s0] =	ssyncset.done @!p0 $0x0  }
0x46e: {  	[sflag:s0] =	ssyncadd.s32 @!p0 s1  }
0x46f: {  	[bflag:$0x3] =	sbarrier.arrive $0xFFFF  }
0x470: {  	_ =	shalt  }

</sc_bundles>
